<compile_context>
chip_gen: v7x
topology: tpu7x:2x2x1
jax: 0.10.2.dev20260603
libtpu: 0.0.44.dev20260713+nightly
codegen_flags: <defaults>
</compile_context>

<pallas_src>
import functools

import jax
import jax.numpy as jnp
from jax.experimental import pallas as pl
from jax.experimental.pallas import tpu as pltpu
from jax.experimental.pallas import tpu_sc as plsc

K = 8
P = 16


def _gelu_exact(x):
    return 0.5 * x * (1.0 + jax.lax.erf(x * 0.7071067811865476))



def _fold_body(Wq_r, Wk_r, Wv_r, Wg_r, Wp2_r, bq_r, bk_r, bv_r, bg_r, bp2_r,
               Wcat_r, bcat_r, Wp2c_r, bp2c_r):
    Wg = Wg_r[...]
    f32 = jnp.float32
    Wqg = jnp.dot(Wq_r[...], Wg, preferred_element_type=f32)
    Wkg = jnp.dot(Wk_r[...], Wg, preferred_element_type=f32)
    Wp2g = jnp.dot(Wp2_r[...], Wg, preferred_element_type=f32)
    Wcat_r[...] = jnp.concatenate([Wqg, Wkg, Wv_r[...]], axis=1)
    bqg = jnp.sum(bq_r[...].T * Wg, axis=0, keepdims=True) + bg_r[...]
    bkg = jnp.sum(bk_r[...].T * Wg, axis=0, keepdims=True)
    bp2g = jnp.sum(bp2_r[...].T * Wg, axis=0, keepdims=True)
    bcat_r[...] = jnp.concatenate([bqg, bkg, bv_r[...]], axis=1)
    Wp2c_r[...] = jnp.concatenate([Wp2_r[...], Wp2g], axis=1)
    bp2c_r[...] = jnp.concatenate([bp2_r[...], bp2g], axis=1)


def _fold(Wq, Wk, Wv, Wg, Wp2, bq, bk, bv, bg, bp2):
    D = Wq.shape[0]
    f32 = jnp.float32
    return pl.pallas_call(
        _fold_body,
        out_shape=(
            jax.ShapeDtypeStruct((D, 3 * D), f32),
            jax.ShapeDtypeStruct((1, 3 * D), f32),
            jax.ShapeDtypeStruct((D, 2 * D), f32),
            jax.ShapeDtypeStruct((1, 2 * D), f32),
        ),
    )(Wq, Wk, Wv, Wg, Wp2, bq.reshape(1, D), bk.reshape(1, D),
      bv.reshape(1, D), bg.reshape(1, D), bp2.reshape(1, D))



def _rowmin(x):
    W = x.shape[1]
    parts = [jax.lax.slice_in_dim(x, c * 128, (c + 1) * 128, axis=1)
             for c in range(W // 128)]
    while len(parts) > 1:
        parts = [jnp.minimum(parts[i], parts[i + 1])
                 for i in range(0, len(parts), 2)]
    return jnp.min(parts[0], axis=1, keepdims=True)


def _knn_body(posm_r, posT_r, idx_r, *, M, RK, base):
    a = posm_r[0]
    tn = posT_r[0]
    sqm = a[:, 0:1] * a[:, 0:1] + a[:, 1:2] * a[:, 1:2] + a[:, 2:3] * a[:, 2:3]
    sqn = (tn[0:1, :] * tn[0:1, :] + tn[1:2, :] * tn[1:2, :]
           + tn[2:3, :] * tn[2:3, :])
    ab = jnp.dot(a.astype(jnp.bfloat16), tn.astype(jnp.bfloat16),
                 preferred_element_type=jnp.float32)
    d2 = (sqm + sqn) - 2.0 * ab
    iota = jax.lax.broadcasted_iota(jnp.int32, (RK, M), 1).astype(jnp.float32)
    big = jnp.float32(2.0 * M)
    cols = []
    for _ in range(K):
        mn = _rowmin(d2)
        cand = jnp.where(d2 <= mn, iota, big)
        j = _rowmin(cand)
        cols.append(j)
        d2 = jnp.where(iota == j, jnp.float32(jnp.inf), d2)
    idx_r[0] = jnp.concatenate(cols, axis=1).astype(jnp.int32) + base


def _knn(posp, pospT, base, RK=256):
    _, Mc, _ = posp.shape
    M = pospT.shape[2]
    grid = (Mc // RK,)
    return pl.pallas_call(
        functools.partial(_knn_body, M=M, RK=RK, base=base),
        grid=grid,
        in_specs=[
            pl.BlockSpec((1, RK, P), lambda i: (0, i, 0)),
            pl.BlockSpec((1, P, M), lambda i: (0, 0, 0)),
        ],
        out_specs=pl.BlockSpec((1, RK, K), lambda i: (0, i, 0)),
        out_shape=jax.ShapeDtypeStruct((1, Mc, K), jnp.int32),
    )(posp, pospT)



def _proj_body(qT_r, pp_r, Wcat_r, bcat_r, qg_r, tbl_r, *, D):
    acc = jnp.dot(qT_r[0].astype(jnp.bfloat16),
                  Wcat_r[...].astype(jnp.bfloat16),
                  preferred_element_type=jnp.float32) + bcat_r[...]
    qg_r[0] = acc[:, :D]
    tbl_r[0, :, :2 * D] = acc[:, D:]
    tbl_r[0, :, 2 * D:] = pp_r[0]


def _proj(qT, posp128, Wcat, bcat, RA=512):
    B, M, D = qT.shape
    PW = posp128.shape[2]
    W2 = 2 * D + PW
    grid = (B, M // RA)
    return pl.pallas_call(
        functools.partial(_proj_body, D=D),
        grid=grid,
        in_specs=[
            pl.BlockSpec((1, RA, D), lambda b, i: (b, i, 0)),
            pl.BlockSpec((1, RA, PW), lambda b, i: (b, i, 0)),
            pl.BlockSpec((D, 3 * D), lambda b, i: (0, 0)),
            pl.BlockSpec((1, 3 * D), lambda b, i: (0, 0)),
        ],
        out_specs=[
            pl.BlockSpec((1, RA, D), lambda b, i: (b, i, 0)),
            pl.BlockSpec((1, RA, W2), lambda b, i: (b, i, 0)),
        ],
        out_shape=[
            jax.ShapeDtypeStruct((B, M, D), jnp.float32),
            jax.ShapeDtypeStruct((B, M, W2), jnp.float32),
        ],
    )(qT, posp128, Wcat, bcat)



def _gather(tbl, idx, CH=64):
    NI = idx.shape[0]
    W2 = tbl.shape[1]
    mesh = plsc.VectorSubcoreMesh(core_axis_name="c", subcore_axis_name="s")
    NC, NS = mesh.num_cores, mesh.num_subcores
    NW = NC * NS
    per_w = NI // NW
    n_ch = per_w // CH
    f32 = jnp.float32

    dt = tbl.dtype

    @functools.partial(
        pl.kernel, mesh=mesh,
        out_type=jax.ShapeDtypeStruct((NI, W2), dt),
        scratch_types=[pltpu.VMEM((CH,), jnp.int32),
                       pltpu.VMEM((CH,), jnp.int32),
                       pltpu.VMEM((CH, W2), dt),
                       pltpu.VMEM((CH, W2), dt),
                       pltpu.SemaphoreType.DMA,
                       pltpu.SemaphoreType.DMA],
    )
    def k(tbl_hbm, idx_hbm, out_hbm, idx0, idx1, buf0, buf1, sem0, sem1):
        wid = jax.lax.axis_index("s") * NC + jax.lax.axis_index("c")
        base = wid * per_w

        def issue(c, idx_v, buf, sem):
            pltpu.sync_copy(idx_hbm.at[pl.ds(base + c * CH, CH)], idx_v)
            return pltpu.async_copy(tbl_hbm.at[idx_v], buf, sem)

        issue(0, idx0, buf0, sem0)

        @pl.loop(0, n_ch, step=2)
        def _(c):
            issue(c + 1, idx1, buf1, sem1)
            pltpu.make_async_copy(tbl_hbm.at[idx0], buf0, sem0).wait()
            pltpu.sync_copy(buf0, out_hbm.at[pl.ds(base + c * CH, CH)])

            @pl.when(c + 2 < n_ch)
            def _():
                issue(c + 2, idx0, buf0, sem0)

            pltpu.make_async_copy(tbl_hbm.at[idx1], buf1, sem1).wait()
            pltpu.sync_copy(buf1, out_hbm.at[pl.ds(base + (c + 1) * CH, CH)])

    return k(tbl, idx)



def _attend_body(g_r, qg_r, posm_r, qT_r, Wp1_r, bp1_r, Wp2c_r,
                 bp2c_r, Wo_r, bo_r, out_r, *, D, R, scale):
    f32 = jnp.float32
    g = g_r[...]
    kgk = g[:, :D]
    vk = g[:, D:2 * D]
    pk = g[:, 2 * D:2 * D + P]
    pm = posm_r[0]
    pm_rep = jnp.broadcast_to(pm[:, None, :], (R, K, P)).reshape(R * K, P)
    rel = pm_rep - pk
    h = jnp.dot(rel, Wp1_r[...], preferred_element_type=f32) + bp1_r[...]
    gl = _gelu_exact(h)
    pe2 = jnp.dot(gl.astype(jnp.bfloat16), Wp2c_r[...].astype(jnp.bfloat16),
                  preferred_element_type=f32) + bp2c_r[...]
    pe = pe2[:, :D]
    peg = pe2[:, D:]
    qgb = qg_r[0]
    qg_rep = jnp.broadcast_to(qgb[:, None, :], (R, K, D)).reshape(R * K, D)
    logits = (qg_rep - kgk + peg) * scale
    mx = jnp.max(logits, axis=1, keepdims=True)
    e = jnp.exp(logits - mx)
    attn = e / jnp.sum(e, axis=1, keepdims=True)
    w = attn * (vk + pe)
    res = jnp.sum(w.reshape(R, K, D), axis=1)
    out_r[0] = (jnp.dot(res.astype(jnp.bfloat16),
                        Wo_r[...].astype(jnp.bfloat16),
                        preferred_element_type=f32)
                + bo_r[...] + qT_r[0])


def _attend(gkgv, qg, posp, qT, Wp1p, bp1, Wp2c, bp2c, Wo, bo, R=256):
    B, M, D = qg.shape
    W2 = gkgv.shape[1]
    nblk = M // R
    grid = (B, nblk)
    return pl.pallas_call(
        functools.partial(_attend_body, D=D, R=R, scale=float(D) ** -0.5),
        grid=grid,
        in_specs=[
            pl.BlockSpec((R * K, W2), lambda b, i: (b * nblk + i, 0)),
            pl.BlockSpec((1, R, D), lambda b, i: (b, i, 0)),
            pl.BlockSpec((1, R, P), lambda b, i: (b, i, 0)),
            pl.BlockSpec((1, R, D), lambda b, i: (b, i, 0)),
            pl.BlockSpec((P, D), lambda b, i: (0, 0)),
            pl.BlockSpec((1, D), lambda b, i: (0, 0)),
            pl.BlockSpec((D, 2 * D), lambda b, i: (0, 0)),
            pl.BlockSpec((1, 2 * D), lambda b, i: (0, 0)),
            pl.BlockSpec((D, D), lambda b, i: (0, 0)),
            pl.BlockSpec((1, D), lambda b, i: (0, 0)),
        ],
        out_specs=pl.BlockSpec((1, R, D), lambda b, i: (b, i, 0)),
        out_shape=jax.ShapeDtypeStruct((B, M, D), jnp.float32),
    )(gkgv, qg, posp, qT, Wp1p, bp1, Wp2c, bp2c, Wo, bo)



def kernel(query, pos, Wq, bq, Wk, bk, Wv, bv, Wp1, bp1, Wp2, bp2, Wg, bg,
           Wo, bo):
    M, B, D = query.shape
    qT = jnp.swapaxes(query, 0, 1)
    posp = jnp.pad(pos, ((0, 0), (0, 0), (0, P - 3)))
    posp128 = jnp.pad(pos, ((0, 0), (0, 0), (0, 128 - 3)))
    pospT = jnp.swapaxes(posp, 1, 2)
    Wp1p = jnp.pad(Wp1, ((0, P - 3), (0, 0)))
    bp1r = bp1.reshape(1, D)
    bor = bo.reshape(1, D)

    Wcat, bcat, Wp2c, bp2c = _fold(Wq, Wk, Wv, Wg, Wp2, bq, bk, bv, bg, bp2)
    qg, tbl = _proj(qT, posp128, Wcat, bcat)
    tbl2 = tbl.reshape(B * M, tbl.shape[2])

    NCH = 2
    Mc = M // NCH
    outs = []
    for b in range(B):
        posp_b = jax.lax.slice_in_dim(posp, b, b + 1, axis=0)
        pospT_b = jax.lax.slice_in_dim(pospT, b, b + 1, axis=0)
        rows = []
        for h in range(NCH):
            lo = h * Mc
            posp_c = jax.lax.slice_in_dim(posp_b, lo, lo + Mc, axis=1)
            idx_c = _knn(posp_c, pospT_b, base=b * M)
            g_c = _gather(tbl2, idx_c.reshape(Mc * K))
            qg_c = jax.lax.dynamic_slice(qg, (b, lo, 0), (1, Mc, D))
            qT_c = jax.lax.dynamic_slice(qT, (b, lo, 0), (1, Mc, D))
            rows.append(_attend(g_c, qg_c, posp_c, qT_c, Wp1p, bp1r,
                                Wp2c, bp2c, Wo, bor))
        outs.append(jnp.concatenate(rows, axis=1))
    out_bmd = jnp.concatenate(outs, axis=0)
    return jnp.swapaxes(out_bmd, 0, 1)

# --- scband reference (transcript-rebuilt; emitter-appended) ---
"""Pipeline reference for scband-point-attention-42417097015910 (READ-ONLY COPY).

The authoritative reference and input builder live on the scoring server;
editing this copy changes nothing except your own understanding.
"""

import jax, jax.numpy as jnp
import numpy as np

D = 256
M = 4096
B = 2
K = 8


def setup_inputs(seed: int = 0) -> dict:
    key = jax.random.key(seed)
    ks = jax.random.split(key, 16)
    s = 1.0 / np.sqrt(D)
    s3 = 1.0 / np.sqrt(3.0)
    inp = {
        "query": jax.random.normal(ks[0], (M, B, D), dtype=jnp.float32),
        "pos": jax.random.uniform(ks[1], (B, M, 3), dtype=jnp.float32),
        "Wq": jax.random.normal(ks[2], (D, D), dtype=jnp.float32) * s,
        "bq": jnp.zeros((D,), dtype=jnp.float32),
        "Wk": jax.random.normal(ks[3], (D, D), dtype=jnp.float32) * s,
        "bk": jnp.zeros((D,), dtype=jnp.float32),
        "Wv": jax.random.normal(ks[4], (D, D), dtype=jnp.float32) * s,
        "bv": jnp.zeros((D,), dtype=jnp.float32),
        "Wp1": jax.random.normal(ks[5], (3, D), dtype=jnp.float32) * s3,
        "bp1": jnp.zeros((D,), dtype=jnp.float32),
        "Wp2": jax.random.normal(ks[6], (D, D), dtype=jnp.float32) * s,
        "bp2": jnp.zeros((D,), dtype=jnp.float32),
        "Wg": jax.random.normal(ks[7], (D, D), dtype=jnp.float32) * s,
        "bg": jnp.zeros((D,), dtype=jnp.float32),
        "Wo": jax.random.normal(ks[8], (D, D), dtype=jnp.float32) * s,
        "bo": jnp.zeros((D,), dtype=jnp.float32),
    }
    return inp


def reference(query, pos, Wq, bq, Wk, bk, Wv, bv, Wp1, bp1, Wp2, bp2, Wg, bg, Wo, bo):
    # projections; torch code transposes (M, B, D) -> (B, M, D)
    q = jnp.swapaxes(query @ Wq + bq, 0, 1)
    k = jnp.swapaxes(query @ Wk + bk, 0, 1)
    v = jnp.swapaxes(query @ Wv + bv, 0, 1)
    # knn_points(pos, pos, return_nn=True): brute-force squared L2 kNN (self included)
    sq = jnp.sum(pos * pos, axis=-1)  # (B, M)
    d2 = sq[:, :, None] + sq[:, None, :] - 2.0 * jnp.einsum('bmd,bnd->bmn', pos, pos)  # (B, M, M)
    _, idx = jax.lax.top_k(-d2, K)  # (B, M, K) nearest-neighbor indices
    gather = jax.vmap(lambda arr, i: arr[i])  # per-batch gather
    knn_pts = gather(pos, idx)   # (B, M, K, 3)
    k_knn = gather(k, idx)       # (B, M, K, D)
    v_knn = gather(v, idx)       # (B, M, K, D)
    # relative positional encoding MLP (torch nn.GELU = exact erf gelu)
    rel = pos[:, :, None, :] - knn_pts
    pe = jax.nn.gelu(rel @ Wp1 + bp1, approximate=False) @ Wp2 + bp2  # (B, M, K, D)
    attn = (q[:, :, None, :] - k_knn + pe) @ Wg + bg
    attn = jax.nn.softmax(attn / np.sqrt(float(D)), axis=-1)  # softmax over feature dim, as in torch code
    res = jnp.sum(attn * (v_knn + pe), axis=2)  # einsum 'bmnf,bmnf->bmf'
    out = jnp.swapaxes(res @ Wo + bo, 0, 1) + query  # (M, B, D)
    return out

if __name__ == "__main__":
    import jax
    _d = setup_inputs()
    print(jax.jit(kernel)(*tuple(_d.values())))

</pallas_src>

<mosaic_0001>
#map = affine_map<(d0, d1) -> (0, 0)>
#map1 = affine_map<(d0, d1) -> (0)>
module attributes {stable_mosaic.version = 14 : i64} {
  func.func @k(%arg0: i32, %arg1: i32, %arg2: memref<8192x640xf32, #tpu.memory_space<hbm>>, %arg3: memref<16384xi32, #tpu.memory_space<hbm>>, %arg4: memref<16384x640xf32, #tpu.memory_space<hbm>>, %arg5: memref<64xi32, #tpu.memory_space<vmem>>, %arg6: memref<64xi32, #tpu.memory_space<vmem>>, %arg7: memref<64x640xf32, #tpu.memory_space<vmem>>, %arg8: memref<64x640xf32, #tpu.memory_space<vmem>>, %arg9: memref<!tpu.dma_semaphore, #tpu.memory_space<semaphore_mem>>, %arg10: memref<!tpu.dma_semaphore, #tpu.memory_space<semaphore_mem>>) attributes {dimension_semantics = [#tpu.dimension_semantics<core_parallel>, #tpu.dimension_semantics<subcore_parallel>], iteration_bounds = array<i64: 2, 16>, scalar_prefetch = 0 : i64, scratch_operands = 6 : i64, tpu.core_type = #tpu.core_type<sc_vector_subcore>, window_params = [{transform_indices = #map}, {transform_indices = #map1}, {transform_indices = #map}]} {
    %mul3A = arith.constant 2 : i32
    %mul3A_0 = arith.muli %arg1, %mul3A : i32
    %add3A = arith.addi %mul3A_0, %arg0 : i32
    %mul3A_1 = arith.constant 512 : i32
    %mul3A_2 = arith.muli %add3A, %mul3A_1 : i32
    %add3A_3 = arith.constant 0 : i32
    %add3A_4 = arith.addi %mul3A_2, %add3A_3 : i32
    "tpu.region"() ({
      %run_scoped3A = tpu.sem_alloc : memref<!tpu.dma_semaphore, #tpu.memory_space<semaphore_mem>>
      %dma_start3A_11 = tpu.memref_slice %arg3[%add3A_4] : memref<16384xi32, #tpu.memory_space<hbm>> -> memref<64xi32, #tpu.memory_space<hbm>>
      %dma_start3A_12 = tpu.memref_slice %arg3[%add3A_4] : memref<16384xi32, #tpu.memory_space<hbm>> -> memref<64xi32, #tpu.memory_space<hbm>>
      tpu.enqueue_dma source(%dma_start3A_12 : memref<64xi32, #tpu.memory_space<hbm>>) target(%arg5 : memref<64xi32, #tpu.memory_space<vmem>>) target_semaphore(%run_scoped3A : memref<!tpu.dma_semaphore, #tpu.memory_space<semaphore_mem>>)
      %dma_wait3A = tpu.memref_slice %arg3[%add3A_4] : memref<16384xi32, #tpu.memory_space<hbm>> -> memref<64xi32, #tpu.memory_space<hbm>>
      %dma_wait3A_13 = tpu.memref_slice %arg3[%add3A_4] : memref<16384xi32, #tpu.memory_space<hbm>> -> memref<64xi32, #tpu.memory_space<hbm>>
      tpu.wait_dma2 semaphore(%run_scoped3A : memref<!tpu.dma_semaphore, #tpu.memory_space<semaphore_mem>>) src(%dma_wait3A_13 : memref<64xi32, #tpu.memory_space<hbm>>) dst(%arg5 : memref<64xi32, #tpu.memory_space<vmem>>)
      tpu.yield
    }) : () -> ()
    %dma_start3A = arith.constant 0 : i32
    %dma_start3A_5 = arith.constant 0 : i32
    %dma_start3A_6 = tpu.memref_slice %arg2[%dma_start3A, %dma_start3A_5] : memref<8192x640xf32, #tpu.memory_space<hbm>> -> memref<8192x640xf32, #tpu.memory_space<hbm>>
    tpu.enqueue_indirect_dma source(%dma_start3A_6 : memref<8192x640xf32, #tpu.memory_space<hbm>>) target(%arg7 : memref<64x640xf32, #tpu.memory_space<vmem>>) offsets(%arg5 : memref<64xi32, #tpu.memory_space<vmem>>) semaphore(%arg9 : memref<!tpu.dma_semaphore, #tpu.memory_space<semaphore_mem>>)
    %scan3A = arith.constant 0 : i32
    %scan3A_7 = arith.constant 4 : i32
    %scan3A_8 = arith.addi %scan3A, %scan3A_7 : i32
    %scan3A_9 = arith.constant 1 : i32
    scf.for %scan3A_11 = %scan3A to %scan3A_8 step %scan3A_9  : i32 {
      %mul3A_12 = arith.constant 2 : i32
      %mul3A_13 = arith.muli %scan3A_11, %mul3A_12 : i32
      %add3A_14 = arith.constant 0 : i32
      %add3A_15 = arith.addi %add3A_14, %mul3A_13 : i32
      %add3A_16 = arith.constant 1 : i32
      %add3A_17 = arith.addi %add3A_15, %add3A_16 : i32
      %mul3A_18 = arith.constant 64 : i32
      %mul3A_19 = arith.muli %add3A_17, %mul3A_18 : i32
      %add3A_20 = arith.addi %mul3A_2, %mul3A_19 : i32
      "tpu.region"() ({
        %run_scoped3A = tpu.sem_alloc : memref<!tpu.dma_semaphore, #tpu.memory_space<semaphore_mem>>
        %dma_start3A_41 = tpu.memref_slice %arg3[%add3A_20] : memref<16384xi32, #tpu.memory_space<hbm>> -> memref<64xi32, #tpu.memory_space<hbm>>
        %dma_start3A_42 = tpu.memref_slice %arg3[%add3A_20] : memref<16384xi32, #tpu.memory_space<hbm>> -> memref<64xi32, #tpu.memory_space<hbm>>
        tpu.enqueue_dma source(%dma_start3A_42 : memref<64xi32, #tpu.memory_space<hbm>>) target(%arg6 : memref<64xi32, #tpu.memory_space<vmem>>) target_semaphore(%run_scoped3A : memref<!tpu.dma_semaphore, #tpu.memory_space<semaphore_mem>>)
        %dma_wait3A_43 = tpu.memref_slice %arg3[%add3A_20] : memref<16384xi32, #tpu.memory_space<hbm>> -> memref<64xi32, #tpu.memory_space<hbm>>
        %dma_wait3A_44 = tpu.memref_slice %arg3[%add3A_20] : memref<16384xi32, #tpu.memory_space<hbm>> -> memref<64xi32, #tpu.memory_space<hbm>>
        tpu.wait_dma2 semaphore(%run_scoped3A : memref<!tpu.dma_semaphore, #tpu.memory_space<semaphore_mem>>) src(%dma_wait3A_44 : memref<64xi32, #tpu.memory_space<hbm>>) dst(%arg6 : memref<64xi32, #tpu.memory_space<vmem>>)
        tpu.yield
      }) : () -> ()
      %dma_start3A_21 = arith.constant 0 : i32
      %dma_start3A_22 = arith.constant 0 : i32
      %dma_start3A_23 = tpu.memref_slice %arg2[%dma_start3A_21, %dma_start3A_22] : memref<8192x640xf32, #tpu.memory_space<hbm>> -> memref<8192x640xf32, #tpu.memory_space<hbm>>
      tpu.enqueue_indirect_dma source(%dma_start3A_23 : memref<8192x640xf32, #tpu.memory_space<hbm>>) target(%arg8 : memref<64x640xf32, #tpu.memory_space<vmem>>) offsets(%arg6 : memref<64xi32, #tpu.memory_space<vmem>>) semaphore(%arg10 : memref<!tpu.dma_semaphore, #tpu.memory_space<semaphore_mem>>)
      %dma_wait3A = arith.constant 0 : i32
      %dma_wait3A_24 = arith.constant 0 : i32
      %dma_wait3A_25 = tpu.memref_slice %arg2[%dma_wait3A, %dma_wait3A_24] : memref<8192x640xf32, #tpu.memory_space<hbm>> -> memref<8192x640xf32, #tpu.memory_space<hbm>>
      tpu.wait_indirect_dma semaphore(%arg9 : memref<!tpu.dma_semaphore, #tpu.memory_space<semaphore_mem>>) src(%dma_wait3A_25 : memref<8192x640xf32, #tpu.memory_space<hbm>>) dst(%arg7 : memref<64x640xf32, #tpu.memory_space<vmem>>)
      %mul3A_26 = arith.constant 64 : i32
      %mul3A_27 = arith.muli %add3A_15, %mul3A_26 : i32
      %add3A_28 = arith.addi %mul3A_2, %mul3A_27 : i32
      "tpu.region"() ({
        %run_scoped3A = tpu.sem_alloc : memref<!tpu.dma_semaphore, #tpu.memory_space<semaphore_mem>>
        %dma_start3A_41 = arith.constant 0 : i32
        %dma_start3A_42 = tpu.memref_slice %arg4[%add3A_28, %dma_start3A_41] : memref<16384x640xf32, #tpu.memory_space<hbm>> -> memref<64x640xf32, #tpu.memory_space<hbm>>
        %dma_start3A_43 = arith.constant 0 : i32
        %dma_start3A_44 = tpu.memref_slice %arg4[%add3A_28, %dma_start3A_43] : memref<16384x640xf32, #tpu.memory_space<hbm>> -> memref<64x640xf32, #tpu.memory_space<hbm>>
        tpu.enqueue_dma source(%arg7 : memref<64x640xf32, #tpu.memory_space<vmem>>) target(%dma_start3A_44 : memref<64x640xf32, #tpu.memory_space<hbm>>) target_semaphore(%run_scoped3A : memref<!tpu.dma_semaphore, #tpu.memory_space<semaphore_mem>>)
        %dma_wait3A_45 = arith.constant 0 : i32
        %dma_wait3A_46 = tpu.memref_slice %arg4[%add3A_28, %dma_wait3A_45] : memref<16384x640xf32, #tpu.memory_space<hbm>> -> memref<64x640xf32, #tpu.memory_space<hbm>>
        %dma_wait3A_47 = arith.constant 0 : i32
        %dma_wait3A_48 = tpu.memref_slice %arg4[%add3A_28, %dma_wait3A_47] : memref<16384x640xf32, #tpu.memory_space<hbm>> -> memref<64x640xf32, #tpu.memory_space<hbm>>
        tpu.wait_dma2 semaphore(%run_scoped3A : memref<!tpu.dma_semaphore, #tpu.memory_space<semaphore_mem>>) src(%arg7 : memref<64x640xf32, #tpu.memory_space<vmem>>) dst(%dma_wait3A_48 : memref<64x640xf32, #tpu.memory_space<hbm>>)
        tpu.yield
      }) : () -> ()
      %add3A_29 = arith.constant 2 : i32
      %add3A_30 = arith.addi %add3A_15, %add3A_29 : i32
      %lt3A = arith.constant 8 : i32
      %lt3A_31 = arith.cmpi slt, %add3A_30, %lt3A : i32
      %convert_element_type3A = arith.extui %lt3A_31 : i1 to i32
      %cond3A = arith.constant 0 : i32
      %cond3A_32 = arith.cmpi ne, %convert_element_type3A, %cond3A : i32
      scf.if %cond3A_32 {
        %add3A_41 = arith.constant 2 : i32
        %add3A_42 = arith.addi %add3A_15, %add3A_41 : i32
        %mul3A_43 = arith.constant 64 : i32
        %mul3A_44 = arith.muli %add3A_42, %mul3A_43 : i32
        %add3A_45 = arith.addi %mul3A_2, %mul3A_44 : i32
        "tpu.region"() ({
          %run_scoped3A = tpu.sem_alloc : memref<!tpu.dma_semaphore, #tpu.memory_space<semaphore_mem>>
          %dma_start3A_49 = tpu.memref_slice %arg3[%add3A_45] : memref<16384xi32, #tpu.memory_space<hbm>> -> memref<64xi32, #tpu.memory_space<hbm>>
          %dma_start3A_50 = tpu.memref_slice %arg3[%add3A_45] : memref<16384xi32, #tpu.memory_space<hbm>> -> memref<64xi32, #tpu.memory_space<hbm>>
          tpu.enqueue_dma source(%dma_start3A_50 : memref<64xi32, #tpu.memory_space<hbm>>) target(%arg5 : memref<64xi32, #tpu.memory_space<vmem>>) target_semaphore(%run_scoped3A : memref<!tpu.dma_semaphore, #tpu.memory_space<semaphore_mem>>)
          %dma_wait3A_51 = tpu.memref_slice %arg3[%add3A_45] : memref<16384xi32, #tpu.memory_space<hbm>> -> memref<64xi32, #tpu.memory_space<hbm>>
          %dma_wait3A_52 = tpu.memref_slice %arg3[%add3A_45] : memref<16384xi32, #tpu.memory_space<hbm>> -> memref<64xi32, #tpu.memory_space<hbm>>
          tpu.wait_dma2 semaphore(%run_scoped3A : memref<!tpu.dma_semaphore, #tpu.memory_space<semaphore_mem>>) src(%dma_wait3A_52 : memref<64xi32, #tpu.memory_space<hbm>>) dst(%arg5 : memref<64xi32, #tpu.memory_space<vmem>>)
          tpu.yield
        }) : () -> ()
        %dma_start3A_46 = arith.constant 0 : i32
        %dma_start3A_47 = arith.constant 0 : i32
        %dma_start3A_48 = tpu.memref_slice %arg2[%dma_start3A_46, %dma_start3A_47] : memref<8192x640xf32, #tpu.memory_space<hbm>> -> memref<8192x640xf32, #tpu.memory_space<hbm>>
        tpu.enqueue_indirect_dma source(%dma_start3A_48 : memref<8192x640xf32, #tpu.memory_space<hbm>>) target(%arg7 : memref<64x640xf32, #tpu.memory_space<vmem>>) offsets(%arg5 : memref<64xi32, #tpu.memory_space<vmem>>) semaphore(%arg9 : memref<!tpu.dma_semaphore, #tpu.memory_space<semaphore_mem>>)
      } else {
      }
      %dma_wait3A_33 = arith.constant 0 : i32
      %dma_wait3A_34 = arith.constant 0 : i32
      %dma_wait3A_35 = tpu.memref_slice %arg2[%dma_wait3A_33, %dma_wait3A_34] : memref<8192x640xf32, #tpu.memory_space<hbm>> -> memref<8192x640xf32, #tpu.memory_space<hbm>>
      tpu.wait_indirect_dma semaphore(%arg10 : memref<!tpu.dma_semaphore, #tpu.memory_space<semaphore_mem>>) src(%dma_wait3A_35 : memref<8192x640xf32, #tpu.memory_space<hbm>>) dst(%arg8 : memref<64x640xf32, #tpu.memory_space<vmem>>)
      %add3A_36 = arith.constant 1 : i32
      %add3A_37 = arith.addi %add3A_15, %add3A_36 : i32
      %mul3A_38 = arith.constant 64 : i32
      %mul3A_39 = arith.muli %add3A_37, %mul3A_38 : i32
      %add3A_40 = arith.addi %mul3A_2, %mul3A_39 : i32
      "tpu.region"() ({
        %run_scoped3A = tpu.sem_alloc : memref<!tpu.dma_semaphore, #tpu.memory_space<semaphore_mem>>
        %dma_start3A_41 = arith.constant 0 : i32
        %dma_start3A_42 = tpu.memref_slice %arg4[%add3A_40, %dma_start3A_41] : memref<16384x640xf32, #tpu.memory_space<hbm>> -> memref<64x640xf32, #tpu.memory_space<hbm>>
        %dma_start3A_43 = arith.constant 0 : i32
        %dma_start3A_44 = tpu.memref_slice %arg4[%add3A_40, %dma_start3A_43] : memref<16384x640xf32, #tpu.memory_space<hbm>> -> memref<64x640xf32, #tpu.memory_space<hbm>>
        tpu.enqueue_dma source(%arg8 : memref<64x640xf32, #tpu.memory_space<vmem>>) target(%dma_start3A_44 : memref<64x640xf32, #tpu.memory_space<hbm>>) target_semaphore(%run_scoped3A : memref<!tpu.dma_semaphore, #tpu.memory_space<semaphore_mem>>)
        %dma_wait3A_45 = arith.constant 0 : i32
        %dma_wait3A_46 = tpu.memref_slice %arg4[%add3A_40, %dma_wait3A_45] : memref<16384x640xf32, #tpu.memory_space<hbm>> -> memref<64x640xf32, #tpu.memory_space<hbm>>
        %dma_wait3A_47 = arith.constant 0 : i32
        %dma_wait3A_48 = tpu.memref_slice %arg4[%add3A_40, %dma_wait3A_47] : memref<16384x640xf32, #tpu.memory_space<hbm>> -> memref<64x640xf32, #tpu.memory_space<hbm>>
        tpu.wait_dma2 semaphore(%run_scoped3A : memref<!tpu.dma_semaphore, #tpu.memory_space<semaphore_mem>>) src(%arg8 : memref<64x640xf32, #tpu.memory_space<vmem>>) dst(%dma_wait3A_48 : memref<64x640xf32, #tpu.memory_space<hbm>>)
        tpu.yield
      }) : () -> ()
    }
    %scan3A_10 = arith.constant 4 : i32
    return
  }
}

#map = affine_map<(d0, d1) -> (0, 0)>
#map1 = affine_map<(d0, d1) -> (0)>
module attributes {stable_mosaic.version = 14 : i64} {
  func.func @k(%arg0: i32, %arg1: i32, %arg2: memref<8192x640xf32, #tpu.memory_space<hbm>>, %arg3: memref<16384xi32, #tpu.memory_space<hbm>>, %arg4: memref<16384x640xf32, #tpu.memory_space<hbm>>, %arg5: memref<64xi32, #tpu.memory_space<vmem>>, %arg6: memref<64xi32, #tpu.memory_space<vmem>>, %arg7: memref<64x640xf32, #tpu.memory_space<vmem>>, %arg8: memref<64x640xf32, #tpu.memory_space<vmem>>, %arg9: memref<!tpu.dma_semaphore, #tpu.memory_space<semaphore_mem>>, %arg10: memref<!tpu.dma_semaphore, #tpu.memory_space<semaphore_mem>>) attributes {dimension_semantics = [#tpu.dimension_semantics<core_parallel>, #tpu.dimension_semantics<subcore_parallel>], iteration_bounds = array<i64: 2, 16>, scalar_prefetch = 0 : i64, scratch_operands = 6 : i64, tpu.core_type = #tpu.core_type<sc_vector_subcore>, window_params = [{transform_indices = #map}, {transform_indices = #map1}, {transform_indices = #map}]} {
    %mul3A = arith.constant 2 : i32
    %mul3A_0 = arith.muli %arg1, %mul3A : i32
    %add3A = arith.addi %mul3A_0, %arg0 : i32
    %mul3A_1 = arith.constant 512 : i32
    %mul3A_2 = arith.muli %add3A, %mul3A_1 : i32
    %add3A_3 = arith.constant 0 : i32
    %add3A_4 = arith.addi %mul3A_2, %add3A_3 : i32
    "tpu.region"() ({
      %run_scoped3A = tpu.sem_alloc : memref<!tpu.dma_semaphore, #tpu.memory_space<semaphore_mem>>
      %dma_start3A_11 = tpu.memref_slice %arg3[%add3A_4] : memref<16384xi32, #tpu.memory_space<hbm>> -> memref<64xi32, #tpu.memory_space<hbm>>
      %dma_start3A_12 = tpu.memref_slice %arg3[%add3A_4] : memref<16384xi32, #tpu.memory_space<hbm>> -> memref<64xi32, #tpu.memory_space<hbm>>
      tpu.enqueue_dma source(%dma_start3A_12 : memref<64xi32, #tpu.memory_space<hbm>>) target(%arg5 : memref<64xi32, #tpu.memory_space<vmem>>) target_semaphore(%run_scoped3A : memref<!tpu.dma_semaphore, #tpu.memory_space<semaphore_mem>>)
      %dma_wait3A = tpu.memref_slice %arg3[%add3A_4] : memref<16384xi32, #tpu.memory_space<hbm>> -> memref<64xi32, #tpu.memory_space<hbm>>
      %dma_wait3A_13 = tpu.memref_slice %arg3[%add3A_4] : memref<16384xi32, #tpu.memory_space<hbm>> -> memref<64xi32, #tpu.memory_space<hbm>>
      tpu.wait_dma2 semaphore(%run_scoped3A : memref<!tpu.dma_semaphore, #tpu.memory_space<semaphore_mem>>) src(%dma_wait3A_13 : memref<64xi32, #tpu.memory_space<hbm>>) dst(%arg5 : memref<64xi32, #tpu.memory_space<vmem>>)
      tpu.yield
    }) : () -> ()
    %dma_start3A = arith.constant 0 : i32
    %dma_start3A_5 = arith.constant 0 : i32
    %dma_start3A_6 = tpu.memref_slice %arg2[%dma_start3A, %dma_start3A_5] : memref<8192x640xf32, #tpu.memory_space<hbm>> -> memref<8192x640xf32, #tpu.memory_space<hbm>>
    tpu.enqueue_indirect_dma source(%dma_start3A_6 : memref<8192x640xf32, #tpu.memory_space<hbm>>) target(%arg7 : memref<64x640xf32, #tpu.memory_space<vmem>>) offsets(%arg5 : memref<64xi32, #tpu.memory_space<vmem>>) semaphore(%arg9 : memref<!tpu.dma_semaphore, #tpu.memory_space<semaphore_mem>>)
    %scan3A = arith.constant 0 : i32
    %scan3A_7 = arith.constant 4 : i32
    %scan3A_8 = arith.addi %scan3A, %scan3A_7 : i32
    %scan3A_9 = arith.constant 1 : i32
    scf.for %scan3A_11 = %scan3A to %scan3A_8 step %scan3A_9  : i32 {
      %mul3A_12 = arith.constant 2 : i32
      %mul3A_13 = arith.muli %scan3A_11, %mul3A_12 : i32
      %add3A_14 = arith.constant 0 : i32
      %add3A_15 = arith.addi %add3A_14, %mul3A_13 : i32
      %add3A_16 = arith.constant 1 : i32
      %add3A_17 = arith.addi %add3A_15, %add3A_16 : i32
      %mul3A_18 = arith.constant 64 : i32
      %mul3A_19 = arith.muli %add3A_17, %mul3A_18 : i32
      %add3A_20 = arith.addi %mul3A_2, %mul3A_19 : i32
      "tpu.region"() ({
        %run_scoped3A = tpu.sem_alloc : memref<!tpu.dma_semaphore, #tpu.memory_space<semaphore_mem>>
        %dma_start3A_41 = tpu.memref_slice %arg3[%add3A_20] : memref<16384xi32, #tpu.memory_space<hbm>> -> memref<64xi32, #tpu.memory_space<hbm>>
        %dma_start3A_42 = tpu.memref_slice %arg3[%add3A_20] : memref<16384xi32, #tpu.memory_space<hbm>> -> memref<64xi32, #tpu.memory_space<hbm>>
        tpu.enqueue_dma source(%dma_start3A_42 : memref<64xi32, #tpu.memory_space<hbm>>) target(%arg6 : memref<64xi32, #tpu.memory_space<vmem>>) target_semaphore(%run_scoped3A : memref<!tpu.dma_semaphore, #tpu.memory_space<semaphore_mem>>)
        %dma_wait3A_43 = tpu.memref_slice %arg3[%add3A_20] : memref<16384xi32, #tpu.memory_space<hbm>> -> memref<64xi32, #tpu.memory_space<hbm>>
        %dma_wait3A_44 = tpu.memref_slice %arg3[%add3A_20] : memref<16384xi32, #tpu.memory_space<hbm>> -> memref<64xi32, #tpu.memory_space<hbm>>
        tpu.wait_dma2 semaphore(%run_scoped3A : memref<!tpu.dma_semaphore, #tpu.memory_space<semaphore_mem>>) src(%dma_wait3A_44 : memref<64xi32, #tpu.memory_space<hbm>>) dst(%arg6 : memref<64xi32, #tpu.memory_space<vmem>>)
        tpu.yield
      }) : () -> ()
      %dma_start3A_21 = arith.constant 0 : i32
      %dma_start3A_22 = arith.constant 0 : i32
      %dma_start3A_23 = tpu.memref_slice %arg2[%dma_start3A_21, %dma_start3A_22] : memref<8192x640xf32, #tpu.memory_space<hbm>> -> memref<8192x640xf32, #tpu.memory_space<hbm>>
      tpu.enqueue_indirect_dma source(%dma_start3A_23 : memref<8192x640xf32, #tpu.memory_space<hbm>>) target(%arg8 : memref<64x640xf32, #tpu.memory_space<vmem>>) offsets(%arg6 : memref<64xi32, #tpu.memory_space<vmem>>) semaphore(%arg10 : memref<!tpu.dma_semaphore, #tpu.memory_space<semaphore_mem>>)
      %dma_wait3A = arith.constant 0 : i32
      %dma_wait3A_24 = arith.constant 0 : i32
      %dma_wait3A_25 = tpu.memref_slice %arg2[%dma_wait3A, %dma_wait3A_24] : memref<8192x640xf32, #tpu.memory_space<hbm>> -> memref<8192x640xf32, #tpu.memory_space<hbm>>
      tpu.wait_indirect_dma semaphore(%arg9 : memref<!tpu.dma_semaphore, #tpu.memory_space<semaphore_mem>>) src(%dma_wait3A_25 : memref<8192x640xf32, #tpu.memory_space<hbm>>) dst(%arg7 : memref<64x640xf32, #tpu.memory_space<vmem>>)
      %mul3A_26 = arith.constant 64 : i32
      %mul3A_27 = arith.muli %add3A_15, %mul3A_26 : i32
      %add3A_28 = arith.addi %mul3A_2, %mul3A_27 : i32
      "tpu.region"() ({
        %run_scoped3A = tpu.sem_alloc : memref<!tpu.dma_semaphore, #tpu.memory_space<semaphore_mem>>
        %dma_start3A_41 = arith.constant 0 : i32
        %dma_start3A_42 = tpu.memref_slice %arg4[%add3A_28, %dma_start3A_41] : memref<16384x640xf32, #tpu.memory_space<hbm>> -> memref<64x640xf32, #tpu.memory_space<hbm>>
        %dma_start3A_43 = arith.constant 0 : i32
        %dma_start3A_44 = tpu.memref_slice %arg4[%add3A_28, %dma_start3A_43] : memref<16384x640xf32, #tpu.memory_space<hbm>> -> memref<64x640xf32, #tpu.memory_space<hbm>>
        tpu.enqueue_dma source(%arg7 : memref<64x640xf32, #tpu.memory_space<vmem>>) target(%dma_start3A_44 : memref<64x640xf32, #tpu.memory_space<hbm>>) target_semaphore(%run_scoped3A : memref<!tpu.dma_semaphore, #tpu.memory_space<semaphore_mem>>)
        %dma_wait3A_45 = arith.constant 0 : i32
        %dma_wait3A_46 = tpu.memref_slice %arg4[%add3A_28, %dma_wait3A_45] : memref<16384x640xf32, #tpu.memory_space<hbm>> -> memref<64x640xf32, #tpu.memory_space<hbm>>
        %dma_wait3A_47 = arith.constant 0 : i32
        %dma_wait3A_48 = tpu.memref_slice %arg4[%add3A_28, %dma_wait3A_47] : memref<16384x640xf32, #tpu.memory_space<hbm>> -> memref<64x640xf32, #tpu.memory_space<hbm>>
        tpu.wait_dma2 semaphore(%run_scoped3A : memref<!tpu.dma_semaphore, #tpu.memory_space<semaphore_mem>>) src(%arg7 : memref<64x640xf32, #tpu.memory_space<vmem>>) dst(%dma_wait3A_48 : memref<64x640xf32, #tpu.memory_space<hbm>>)
        tpu.yield
      }) : () -> ()
      %add3A_29 = arith.constant 2 : i32
      %add3A_30 = arith.addi %add3A_15, %add3A_29 : i32
      %lt3A = arith.constant 8 : i32
      %lt3A_31 = arith.cmpi slt, %add3A_30, %lt3A : i32
      %convert_element_type3A = arith.extui %lt3A_31 : i1 to i32
      %cond3A = arith.constant 0 : i32
      %cond3A_32 = arith.cmpi ne, %convert_element_type3A, %cond3A : i32
      scf.if %cond3A_32 {
        %add3A_41 = arith.constant 2 : i32
        %add3A_42 = arith.addi %add3A_15, %add3A_41 : i32
        %mul3A_43 = arith.constant 64 : i32
        %mul3A_44 = arith.muli %add3A_42, %mul3A_43 : i32
        %add3A_45 = arith.addi %mul3A_2, %mul3A_44 : i32
        "tpu.region"() ({
          %run_scoped3A = tpu.sem_alloc : memref<!tpu.dma_semaphore, #tpu.memory_space<semaphore_mem>>
          %dma_start3A_49 = tpu.memref_slice %arg3[%add3A_45] : memref<16384xi32, #tpu.memory_space<hbm>> -> memref<64xi32, #tpu.memory_space<hbm>>
          %dma_start3A_50 = tpu.memref_slice %arg3[%add3A_45] : memref<16384xi32, #tpu.memory_space<hbm>> -> memref<64xi32, #tpu.memory_space<hbm>>
          tpu.enqueue_dma source(%dma_start3A_50 : memref<64xi32, #tpu.memory_space<hbm>>) target(%arg5 : memref<64xi32, #tpu.memory_space<vmem>>) target_semaphore(%run_scoped3A : memref<!tpu.dma_semaphore, #tpu.memory_space<semaphore_mem>>)
          %dma_wait3A_51 = tpu.memref_slice %arg3[%add3A_45] : memref<16384xi32, #tpu.memory_space<hbm>> -> memref<64xi32, #tpu.memory_space<hbm>>
          %dma_wait3A_52 = tpu.memref_slice %arg3[%add3A_45] : memref<16384xi32, #tpu.memory_space<hbm>> -> memref<64xi32, #tpu.memory_space<hbm>>
          tpu.wait_dma2 semaphore(%run_scoped3A : memref<!tpu.dma_semaphore, #tpu.memory_space<semaphore_mem>>) src(%dma_wait3A_52 : memref<64xi32, #tpu.memory_space<hbm>>) dst(%arg5 : memref<64xi32, #tpu.memory_space<vmem>>)
          tpu.yield
        }) : () -> ()
        %dma_start3A_46 = arith.constant 0 : i32
        %dma_start3A_47 = arith.constant 0 : i32
        %dma_start3A_48 = tpu.memref_slice %arg2[%dma_start3A_46, %dma_start3A_47] : memref<8192x640xf32, #tpu.memory_space<hbm>> -> memref<8192x640xf32, #tpu.memory_space<hbm>>
        tpu.enqueue_indirect_dma source(%dma_start3A_48 : memref<8192x640xf32, #tpu.memory_space<hbm>>) target(%arg7 : memref<64x640xf32, #tpu.memory_space<vmem>>) offsets(%arg5 : memref<64xi32, #tpu.memory_space<vmem>>) semaphore(%arg9 : memref<!tpu.dma_semaphore, #tpu.memory_space<semaphore_mem>>)
      } else {
      }
      %dma_wait3A_33 = arith.constant 0 : i32
      %dma_wait3A_34 = arith.constant 0 : i32
      %dma_wait3A_35 = tpu.memref_slice %arg2[%dma_wait3A_33, %dma_wait3A_34] : memref<8192x640xf32, #tpu.memory_space<hbm>> -> memref<8192x640xf32, #tpu.memory_space<hbm>>
      tpu.wait_indirect_dma semaphore(%arg10 : memref<!tpu.dma_semaphore, #tpu.memory_space<semaphore_mem>>) src(%dma_wait3A_35 : memref<8192x640xf32, #tpu.memory_space<hbm>>) dst(%arg8 : memref<64x640xf32, #tpu.memory_space<vmem>>)
      %add3A_36 = arith.constant 1 : i32
      %add3A_37 = arith.addi %add3A_15, %add3A_36 : i32
      %mul3A_38 = arith.constant 64 : i32
      %mul3A_39 = arith.muli %add3A_37, %mul3A_38 : i32
      %add3A_40 = arith.addi %mul3A_2, %mul3A_39 : i32
      "tpu.region"() ({
        %run_scoped3A = tpu.sem_alloc : memref<!tpu.dma_semaphore, #tpu.memory_space<semaphore_mem>>
        %dma_start3A_41 = arith.constant 0 : i32
        %dma_start3A_42 = tpu.memref_slice %arg4[%add3A_40, %dma_start3A_41] : memref<16384x640xf32, #tpu.memory_space<hbm>> -> memref<64x640xf32, #tpu.memory_space<hbm>>
        %dma_start3A_43 = arith.constant 0 : i32
        %dma_start3A_44 = tpu.memref_slice %arg4[%add3A_40, %dma_start3A_43] : memref<16384x640xf32, #tpu.memory_space<hbm>> -> memref<64x640xf32, #tpu.memory_space<hbm>>
        tpu.enqueue_dma source(%arg8 : memref<64x640xf32, #tpu.memory_space<vmem>>) target(%dma_start3A_44 : memref<64x640xf32, #tpu.memory_space<hbm>>) target_semaphore(%run_scoped3A : memref<!tpu.dma_semaphore, #tpu.memory_space<semaphore_mem>>)
        %dma_wait3A_45 = arith.constant 0 : i32
        %dma_wait3A_46 = tpu.memref_slice %arg4[%add3A_40, %dma_wait3A_45] : memref<16384x640xf32, #tpu.memory_space<hbm>> -> memref<64x640xf32, #tpu.memory_space<hbm>>
        %dma_wait3A_47 = arith.constant 0 : i32
        %dma_wait3A_48 = tpu.memref_slice %arg4[%add3A_40, %dma_wait3A_47] : memref<16384x640xf32, #tpu.memory_space<hbm>> -> memref<64x640xf32, #tpu.memory_space<hbm>>
        tpu.wait_dma2 semaphore(%run_scoped3A : memref<!tpu.dma_semaphore, #tpu.memory_space<semaphore_mem>>) src(%arg8 : memref<64x640xf32, #tpu.memory_space<vmem>>) dst(%dma_wait3A_48 : memref<64x640xf32, #tpu.memory_space<hbm>>)
        tpu.yield
      }) : () -> ()
    }
    %scan3A_10 = arith.constant 4 : i32
    return
  }
}

#map = affine_map<(d0, d1) -> (0, 0)>
#map1 = affine_map<(d0, d1) -> (0)>
module attributes {stable_mosaic.version = 14 : i64} {
  func.func @k(%arg0: i32, %arg1: i32, %arg2: memref<8192x640xf32, #tpu.memory_space<hbm>>, %arg3: memref<16384xi32, #tpu.memory_space<hbm>>, %arg4: memref<16384x640xf32, #tpu.memory_space<hbm>>, %arg5: memref<64xi32, #tpu.memory_space<vmem>>, %arg6: memref<64xi32, #tpu.memory_space<vmem>>, %arg7: memref<64x640xf32, #tpu.memory_space<vmem>>, %arg8: memref<64x640xf32, #tpu.memory_space<vmem>>, %arg9: memref<!tpu.dma_semaphore, #tpu.memory_space<semaphore_mem>>, %arg10: memref<!tpu.dma_semaphore, #tpu.memory_space<semaphore_mem>>) attributes {dimension_semantics = [#tpu.dimension_semantics<core_parallel>, #tpu.dimension_semantics<subcore_parallel>], iteration_bounds = array<i64: 2, 16>, scalar_prefetch = 0 : i64, scratch_operands = 6 : i64, tpu.core_type = #tpu.core_type<sc_vector_subcore>, window_params = [{transform_indices = #map}, {transform_indices = #map1}, {transform_indices = #map}]} {
    %mul3A = arith.constant 2 : i32
    %mul3A_0 = arith.muli %arg1, %mul3A : i32
    %add3A = arith.addi %mul3A_0, %arg0 : i32
    %mul3A_1 = arith.constant 512 : i32
    %mul3A_2 = arith.muli %add3A, %mul3A_1 : i32
    %add3A_3 = arith.constant 0 : i32
    %add3A_4 = arith.addi %mul3A_2, %add3A_3 : i32
    "tpu.region"() ({
      %run_scoped3A = tpu.sem_alloc : memref<!tpu.dma_semaphore, #tpu.memory_space<semaphore_mem>>
      %dma_start3A_11 = tpu.memref_slice %arg3[%add3A_4] : memref<16384xi32, #tpu.memory_space<hbm>> -> memref<64xi32, #tpu.memory_space<hbm>>
      %dma_start3A_12 = tpu.memref_slice %arg3[%add3A_4] : memref<16384xi32, #tpu.memory_space<hbm>> -> memref<64xi32, #tpu.memory_space<hbm>>
      tpu.enqueue_dma source(%dma_start3A_12 : memref<64xi32, #tpu.memory_space<hbm>>) target(%arg5 : memref<64xi32, #tpu.memory_space<vmem>>) target_semaphore(%run_scoped3A : memref<!tpu.dma_semaphore, #tpu.memory_space<semaphore_mem>>)
      %dma_wait3A = tpu.memref_slice %arg3[%add3A_4] : memref<16384xi32, #tpu.memory_space<hbm>> -> memref<64xi32, #tpu.memory_space<hbm>>
      %dma_wait3A_13 = tpu.memref_slice %arg3[%add3A_4] : memref<16384xi32, #tpu.memory_space<hbm>> -> memref<64xi32, #tpu.memory_space<hbm>>
      tpu.wait_dma2 semaphore(%run_scoped3A : memref<!tpu.dma_semaphore, #tpu.memory_space<semaphore_mem>>) src(%dma_wait3A_13 : memref<64xi32, #tpu.memory_space<hbm>>) dst(%arg5 : memref<64xi32, #tpu.memory_space<vmem>>)
      tpu.yield
    }) : () -> ()
    %dma_start3A = arith.constant 0 : i32
    %dma_start3A_5 = arith.constant 0 : i32
    %dma_start3A_6 = tpu.memref_slice %arg2[%dma_start3A, %dma_start3A_5] : memref<8192x640xf32, #tpu.memory_space<hbm>> -> memref<8192x640xf32, #tpu.memory_space<hbm>>
    tpu.enqueue_indirect_dma source(%dma_start3A_6 : memref<8192x640xf32, #tpu.memory_space<hbm>>) target(%arg7 : memref<64x640xf32, #tpu.memory_space<vmem>>) offsets(%arg5 : memref<64xi32, #tpu.memory_space<vmem>>) semaphore(%arg9 : memref<!tpu.dma_semaphore, #tpu.memory_space<semaphore_mem>>)
    %scan3A = arith.constant 0 : i32
    %scan3A_7 = arith.constant 4 : i32
    %scan3A_8 = arith.addi %scan3A, %scan3A_7 : i32
    %scan3A_9 = arith.constant 1 : i32
    scf.for %scan3A_11 = %scan3A to %scan3A_8 step %scan3A_9  : i32 {
      %mul3A_12 = arith.constant 2 : i32
      %mul3A_13 = arith.muli %scan3A_11, %mul3A_12 : i32
      %add3A_14 = arith.constant 0 : i32
      %add3A_15 = arith.addi %add3A_14, %mul3A_13 : i32
      %add3A_16 = arith.constant 1 : i32
      %add3A_17 = arith.addi %add3A_15, %add3A_16 : i32
      %mul3A_18 = arith.constant 64 : i32
      %mul3A_19 = arith.muli %add3A_17, %mul3A_18 : i32
      %add3A_20 = arith.addi %mul3A_2, %mul3A_19 : i32
      "tpu.region"() ({
        %run_scoped3A = tpu.sem_alloc : memref<!tpu.dma_semaphore, #tpu.memory_space<semaphore_mem>>
        %dma_start3A_41 = tpu.memref_slice %arg3[%add3A_20] : memref<16384xi32, #tpu.memory_space<hbm>> -> memref<64xi32, #tpu.memory_space<hbm>>
        %dma_start3A_42 = tpu.memref_slice %arg3[%add3A_20] : memref<16384xi32, #tpu.memory_space<hbm>> -> memref<64xi32, #tpu.memory_space<hbm>>
        tpu.enqueue_dma source(%dma_start3A_42 : memref<64xi32, #tpu.memory_space<hbm>>) target(%arg6 : memref<64xi32, #tpu.memory_space<vmem>>) target_semaphore(%run_scoped3A : memref<!tpu.dma_semaphore, #tpu.memory_space<semaphore_mem>>)
        %dma_wait3A_43 = tpu.memref_slice %arg3[%add3A_20] : memref<16384xi32, #tpu.memory_space<hbm>> -> memref<64xi32, #tpu.memory_space<hbm>>
        %dma_wait3A_44 = tpu.memref_slice %arg3[%add3A_20] : memref<16384xi32, #tpu.memory_space<hbm>> -> memref<64xi32, #tpu.memory_space<hbm>>
        tpu.wait_dma2 semaphore(%run_scoped3A : memref<!tpu.dma_semaphore, #tpu.memory_space<semaphore_mem>>) src(%dma_wait3A_44 : memref<64xi32, #tpu.memory_space<hbm>>) dst(%arg6 : memref<64xi32, #tpu.memory_space<vmem>>)
        tpu.yield
      }) : () -> ()
      %dma_start3A_21 = arith.constant 0 : i32
      %dma_start3A_22 = arith.constant 0 : i32
      %dma_start3A_23 = tpu.memref_slice %arg2[%dma_start3A_21, %dma_start3A_22] : memref<8192x640xf32, #tpu.memory_space<hbm>> -> memref<8192x640xf32, #tpu.memory_space<hbm>>
      tpu.enqueue_indirect_dma source(%dma_start3A_23 : memref<8192x640xf32, #tpu.memory_space<hbm>>) target(%arg8 : memref<64x640xf32, #tpu.memory_space<vmem>>) offsets(%arg6 : memref<64xi32, #tpu.memory_space<vmem>>) semaphore(%arg10 : memref<!tpu.dma_semaphore, #tpu.memory_space<semaphore_mem>>)
      %dma_wait3A = arith.constant 0 : i32
      %dma_wait3A_24 = arith.constant 0 : i32
      %dma_wait3A_25 = tpu.memref_slice %arg2[%dma_wait3A, %dma_wait3A_24] : memref<8192x640xf32, #tpu.memory_space<hbm>> -> memref<8192x640xf32, #tpu.memory_space<hbm>>
      tpu.wait_indirect_dma semaphore(%arg9 : memref<!tpu.dma_semaphore, #tpu.memory_space<semaphore_mem>>) src(%dma_wait3A_25 : memref<8192x640xf32, #tpu.memory_space<hbm>>) dst(%arg7 : memref<64x640xf32, #tpu.memory_space<vmem>>)
      %mul3A_26 = arith.constant 64 : i32
      %mul3A_27 = arith.muli %add3A_15, %mul3A_26 : i32
      %add3A_28 = arith.addi %mul3A_2, %mul3A_27 : i32
      "tpu.region"() ({
        %run_scoped3A = tpu.sem_alloc : memref<!tpu.dma_semaphore, #tpu.memory_space<semaphore_mem>>
        %dma_start3A_41 = arith.constant 0 : i32
        %dma_start3A_42 = tpu.memref_slice %arg4[%add3A_28, %dma_start3A_41] : memref<16384x640xf32, #tpu.memory_space<hbm>> -> memref<64x640xf32, #tpu.memory_space<hbm>>
        %dma_start3A_43 = arith.constant 0 : i32
        %dma_start3A_44 = tpu.memref_slice %arg4[%add3A_28, %dma_start3A_43] : memref<16384x640xf32, #tpu.memory_space<hbm>> -> memref<64x640xf32, #tpu.memory_space<hbm>>
        tpu.enqueue_dma source(%arg7 : memref<64x640xf32, #tpu.memory_space<vmem>>) target(%dma_start3A_44 : memref<64x640xf32, #tpu.memory_space<hbm>>) target_semaphore(%run_scoped3A : memref<!tpu.dma_semaphore, #tpu.memory_space<semaphore_mem>>)
        %dma_wait3A_45 = arith.constant 0 : i32
        %dma_wait3A_46 = tpu.memref_slice %arg4[%add3A_28, %dma_wait3A_45] : memref<16384x640xf32, #tpu.memory_space<hbm>> -> memref<64x640xf32, #tpu.memory_space<hbm>>
        %dma_wait3A_47 = arith.constant 0 : i32
        %dma_wait3A_48 = tpu.memref_slice %arg4[%add3A_28, %dma_wait3A_47] : memref<16384x640xf32, #tpu.memory_space<hbm>> -> memref<64x640xf32, #tpu.memory_space<hbm>>
        tpu.wait_dma2 semaphore(%run_scoped3A : memref<!tpu.dma_semaphore, #tpu.memory_space<semaphore_mem>>) src(%arg7 : memref<64x640xf32, #tpu.memory_space<vmem>>) dst(%dma_wait3A_48 : memref<64x640xf32, #tpu.memory_space<hbm>>)
        tpu.yield
      }) : () -> ()
      %add3A_29 = arith.constant 2 : i32
      %add3A_30 = arith.addi %add3A_15, %add3A_29 : i32
      %lt3A = arith.constant 8 : i32
      %lt3A_31 = arith.cmpi slt, %add3A_30, %lt3A : i32
      %convert_element_type3A = arith.extui %lt3A_31 : i1 to i32
      %cond3A = arith.constant 0 : i32
      %cond3A_32 = arith.cmpi ne, %convert_element_type3A, %cond3A : i32
      scf.if %cond3A_32 {
        %add3A_41 = arith.constant 2 : i32
        %add3A_42 = arith.addi %add3A_15, %add3A_41 : i32
        %mul3A_43 = arith.constant 64 : i32
        %mul3A_44 = arith.muli %add3A_42, %mul3A_43 : i32
        %add3A_45 = arith.addi %mul3A_2, %mul3A_44 : i32
        "tpu.region"() ({
          %run_scoped3A = tpu.sem_alloc : memref<!tpu.dma_semaphore, #tpu.memory_space<semaphore_mem>>
          %dma_start3A_49 = tpu.memref_slice %arg3[%add3A_45] : memref<16384xi32, #tpu.memory_space<hbm>> -> memref<64xi32, #tpu.memory_space<hbm>>
          %dma_start3A_50 = tpu.memref_slice %arg3[%add3A_45] : memref<16384xi32, #tpu.memory_space<hbm>> -> memref<64xi32, #tpu.memory_space<hbm>>
          tpu.enqueue_dma source(%dma_start3A_50 : memref<64xi32, #tpu.memory_space<hbm>>) target(%arg5 : memref<64xi32, #tpu.memory_space<vmem>>) target_semaphore(%run_scoped3A : memref<!tpu.dma_semaphore, #tpu.memory_space<semaphore_mem>>)
          %dma_wait3A_51 = tpu.memref_slice %arg3[%add3A_45] : memref<16384xi32, #tpu.memory_space<hbm>> -> memref<64xi32, #tpu.memory_space<hbm>>
          %dma_wait3A_52 = tpu.memref_slice %arg3[%add3A_45] : memref<16384xi32, #tpu.memory_space<hbm>> -> memref<64xi32, #tpu.memory_space<hbm>>
          tpu.wait_dma2 semaphore(%run_scoped3A : memref<!tpu.dma_semaphore, #tpu.memory_space<semaphore_mem>>) src(%dma_wait3A_52 : memref<64xi32, #tpu.memory_space<hbm>>) dst(%arg5 : memref<64xi32, #tpu.memory_space<vmem>>)
          tpu.yield
        }) : () -> ()
        %dma_start3A_46 = arith.constant 0 : i32
        %dma_start3A_47 = arith.constant 0 : i32
        %dma_start3A_48 = tpu.memref_slice %arg2[%dma_start3A_46, %dma_start3A_47] : memref<8192x640xf32, #tpu.memory_space<hbm>> -> memref<8192x640xf32, #tpu.memory_space<hbm>>
        tpu.enqueue_indirect_dma source(%dma_start3A_48 : memref<8192x640xf32, #tpu.memory_space<hbm>>) target(%arg7 : memref<64x640xf32, #tpu.memory_space<vmem>>) offsets(%arg5 : memref<64xi32, #tpu.memory_space<vmem>>) semaphore(%arg9 : memref<!tpu.dma_semaphore, #tpu.memory_space<semaphore_mem>>)
      } else {
      }
      %dma_wait3A_33 = arith.constant 0 : i32
      %dma_wait3A_34 = arith.constant 0 : i32
      %dma_wait3A_35 = tpu.memref_slice %arg2[%dma_wait3A_33, %dma_wait3A_34] : memref<8192x640xf32, #tpu.memory_space<hbm>> -> memref<8192x640xf32, #tpu.memory_space<hbm>>
      tpu.wait_indirect_dma semaphore(%arg10 : memref<!tpu.dma_semaphore, #tpu.memory_space<semaphore_mem>>) src(%dma_wait3A_35 : memref<8192x640xf32, #tpu.memory_space<hbm>>) dst(%arg8 : memref<64x640xf32, #tpu.memory_space<vmem>>)
      %add3A_36 = arith.constant 1 : i32
      %add3A_37 = arith.addi %add3A_15, %add3A_36 : i32
      %mul3A_38 = arith.constant 64 : i32
      %mul3A_39 = arith.muli %add3A_37, %mul3A_38 : i32
      %add3A_40 = arith.addi %mul3A_2, %mul3A_39 : i32
      "tpu.region"() ({
        %run_scoped3A = tpu.sem_alloc : memref<!tpu.dma_semaphore, #tpu.memory_space<semaphore_mem>>
        %dma_start3A_41 = arith.constant 0 : i32
        %dma_start3A_42 = tpu.memref_slice %arg4[%add3A_40, %dma_start3A_41] : memref<16384x640xf32, #tpu.memory_space<hbm>> -> memref<64x640xf32, #tpu.memory_space<hbm>>
        %dma_start3A_43 = arith.constant 0 : i32
        %dma_start3A_44 = tpu.memref_slice %arg4[%add3A_40, %dma_start3A_43] : memref<16384x640xf32, #tpu.memory_space<hbm>> -> memref<64x640xf32, #tpu.memory_space<hbm>>
        tpu.enqueue_dma source(%arg8 : memref<64x640xf32, #tpu.memory_space<vmem>>) target(%dma_start3A_44 : memref<64x640xf32, #tpu.memory_space<hbm>>) target_semaphore(%run_scoped3A : memref<!tpu.dma_semaphore, #tpu.memory_space<semaphore_mem>>)
        %dma_wait3A_45 = arith.constant 0 : i32
        %dma_wait3A_46 = tpu.memref_slice %arg4[%add3A_40, %dma_wait3A_45] : memref<16384x640xf32, #tpu.memory_space<hbm>> -> memref<64x640xf32, #tpu.memory_space<hbm>>
        %dma_wait3A_47 = arith.constant 0 : i32
        %dma_wait3A_48 = tpu.memref_slice %arg4[%add3A_40, %dma_wait3A_47] : memref<16384x640xf32, #tpu.memory_space<hbm>> -> memref<64x640xf32, #tpu.memory_space<hbm>>
        tpu.wait_dma2 semaphore(%run_scoped3A : memref<!tpu.dma_semaphore, #tpu.memory_space<semaphore_mem>>) src(%arg8 : memref<64x640xf32, #tpu.memory_space<vmem>>) dst(%dma_wait3A_48 : memref<64x640xf32, #tpu.memory_space<hbm>>)
        tpu.yield
      }) : () -> ()
    }
    %scan3A_10 = arith.constant 4 : i32
    return
  }
}

#map = affine_map<(d0, d1) -> (0, 0)>
#map1 = affine_map<(d0, d1) -> (0)>
module attributes {stable_mosaic.version = 14 : i64} {
  func.func @k(%arg0: i32, %arg1: i32, %arg2: memref<8192x640xf32, #tpu.memory_space<hbm>>, %arg3: memref<16384xi32, #tpu.memory_space<hbm>>, %arg4: memref<16384x640xf32, #tpu.memory_space<hbm>>, %arg5: memref<64xi32, #tpu.memory_space<vmem>>, %arg6: memref<64xi32, #tpu.memory_space<vmem>>, %arg7: memref<64x640xf32, #tpu.memory_space<vmem>>, %arg8: memref<64x640xf32, #tpu.memory_space<vmem>>, %arg9: memref<!tpu.dma_semaphore, #tpu.memory_space<semaphore_mem>>, %arg10: memref<!tpu.dma_semaphore, #tpu.memory_space<semaphore_mem>>) attributes {dimension_semantics = [#tpu.dimension_semantics<core_parallel>, #tpu.dimension_semantics<subcore_parallel>], iteration_bounds = array<i64: 2, 16>, scalar_prefetch = 0 : i64, scratch_operands = 6 : i64, tpu.core_type = #tpu.core_type<sc_vector_subcore>, window_params = [{transform_indices = #map}, {transform_indices = #map1}, {transform_indices = #map}]} {
    %mul3A = arith.constant 2 : i32
    %mul3A_0 = arith.muli %arg1, %mul3A : i32
    %add3A = arith.addi %mul3A_0, %arg0 : i32
    %mul3A_1 = arith.constant 512 : i32
    %mul3A_2 = arith.muli %add3A, %mul3A_1 : i32
    %add3A_3 = arith.constant 0 : i32
    %add3A_4 = arith.addi %mul3A_2, %add3A_3 : i32
    "tpu.region"() ({
      %run_scoped3A = tpu.sem_alloc : memref<!tpu.dma_semaphore, #tpu.memory_space<semaphore_mem>>
      %dma_start3A_11 = tpu.memref_slice %arg3[%add3A_4] : memref<16384xi32, #tpu.memory_space<hbm>> -> memref<64xi32, #tpu.memory_space<hbm>>
      %dma_start3A_12 = tpu.memref_slice %arg3[%add3A_4] : memref<16384xi32, #tpu.memory_space<hbm>> -> memref<64xi32, #tpu.memory_space<hbm>>
      tpu.enqueue_dma source(%dma_start3A_12 : memref<64xi32, #tpu.memory_space<hbm>>) target(%arg5 : memref<64xi32, #tpu.memory_space<vmem>>) target_semaphore(%run_scoped3A : memref<!tpu.dma_semaphore, #tpu.memory_space<semaphore_mem>>)
      %dma_wait3A = tpu.memref_slice %arg3[%add3A_4] : memref<16384xi32, #tpu.memory_space<hbm>> -> memref<64xi32, #tpu.memory_space<hbm>>
      %dma_wait3A_13 = tpu.memref_slice %arg3[%add3A_4] : memref<16384xi32, #tpu.memory_space<hbm>> -> memref<64xi32, #tpu.memory_space<hbm>>
      tpu.wait_dma2 semaphore(%run_scoped3A : memref<!tpu.dma_semaphore, #tpu.memory_space<semaphore_mem>>) src(%dma_wait3A_13 : memref<64xi32, #tpu.memory_space<hbm>>) dst(%arg5 : memref<64xi32, #tpu.memory_space<vmem>>)
      tpu.yield
    }) : () -> ()
    %dma_start3A = arith.constant 0 : i32
    %dma_start3A_5 = arith.constant 0 : i32
    %dma_start3A_6 = tpu.memref_slice %arg2[%dma_start3A, %dma_start3A_5] : memref<8192x640xf32, #tpu.memory_space<hbm>> -> memref<8192x640xf32, #tpu.memory_space<hbm>>
    tpu.enqueue_indirect_dma source(%dma_start3A_6 : memref<8192x640xf32, #tpu.memory_space<hbm>>) target(%arg7 : memref<64x640xf32, #tpu.memory_space<vmem>>) offsets(%arg5 : memref<64xi32, #tpu.memory_space<vmem>>) semaphore(%arg9 : memref<!tpu.dma_semaphore, #tpu.memory_space<semaphore_mem>>)
    %scan3A = arith.constant 0 : i32
    %scan3A_7 = arith.constant 4 : i32
    %scan3A_8 = arith.addi %scan3A, %scan3A_7 : i32
    %scan3A_9 = arith.constant 1 : i32
    scf.for %scan3A_11 = %scan3A to %scan3A_8 step %scan3A_9  : i32 {
      %mul3A_12 = arith.constant 2 : i32
      %mul3A_13 = arith.muli %scan3A_11, %mul3A_12 : i32
      %add3A_14 = arith.constant 0 : i32
      %add3A_15 = arith.addi %add3A_14, %mul3A_13 : i32
      %add3A_16 = arith.constant 1 : i32
      %add3A_17 = arith.addi %add3A_15, %add3A_16 : i32
      %mul3A_18 = arith.constant 64 : i32
      %mul3A_19 = arith.muli %add3A_17, %mul3A_18 : i32
      %add3A_20 = arith.addi %mul3A_2, %mul3A_19 : i32
      "tpu.region"() ({
        %run_scoped3A = tpu.sem_alloc : memref<!tpu.dma_semaphore, #tpu.memory_space<semaphore_mem>>
        %dma_start3A_41 = tpu.memref_slice %arg3[%add3A_20] : memref<16384xi32, #tpu.memory_space<hbm>> -> memref<64xi32, #tpu.memory_space<hbm>>
        %dma_start3A_42 = tpu.memref_slice %arg3[%add3A_20] : memref<16384xi32, #tpu.memory_space<hbm>> -> memref<64xi32, #tpu.memory_space<hbm>>
        tpu.enqueue_dma source(%dma_start3A_42 : memref<64xi32, #tpu.memory_space<hbm>>) target(%arg6 : memref<64xi32, #tpu.memory_space<vmem>>) target_semaphore(%run_scoped3A : memref<!tpu.dma_semaphore, #tpu.memory_space<semaphore_mem>>)
        %dma_wait3A_43 = tpu.memref_slice %arg3[%add3A_20] : memref<16384xi32, #tpu.memory_space<hbm>> -> memref<64xi32, #tpu.memory_space<hbm>>
        %dma_wait3A_44 = tpu.memref_slice %arg3[%add3A_20] : memref<16384xi32, #tpu.memory_space<hbm>> -> memref<64xi32, #tpu.memory_space<hbm>>
        tpu.wait_dma2 semaphore(%run_scoped3A : memref<!tpu.dma_semaphore, #tpu.memory_space<semaphore_mem>>) src(%dma_wait3A_44 : memref<64xi32, #tpu.memory_space<hbm>>) dst(%arg6 : memref<64xi32, #tpu.memory_space<vmem>>)
        tpu.yield
      }) : () -> ()
      %dma_start3A_21 = arith.constant 0 : i32
      %dma_start3A_22 = arith.constant 0 : i32
      %dma_start3A_23 = tpu.memref_slice %arg2[%dma_start3A_21, %dma_start3A_22] : memref<8192x640xf32, #tpu.memory_space<hbm>> -> memref<8192x640xf32, #tpu.memory_space<hbm>>
      tpu.enqueue_indirect_dma source(%dma_start3A_23 : memref<8192x640xf32, #tpu.memory_space<hbm>>) target(%arg8 : memref<64x640xf32, #tpu.memory_space<vmem>>) offsets(%arg6 : memref<64xi32, #tpu.memory_space<vmem>>) semaphore(%arg10 : memref<!tpu.dma_semaphore, #tpu.memory_space<semaphore_mem>>)
      %dma_wait3A = arith.constant 0 : i32
      %dma_wait3A_24 = arith.constant 0 : i32
      %dma_wait3A_25 = tpu.memref_slice %arg2[%dma_wait3A, %dma_wait3A_24] : memref<8192x640xf32, #tpu.memory_space<hbm>> -> memref<8192x640xf32, #tpu.memory_space<hbm>>
      tpu.wait_indirect_dma semaphore(%arg9 : memref<!tpu.dma_semaphore, #tpu.memory_space<semaphore_mem>>) src(%dma_wait3A_25 : memref<8192x640xf32, #tpu.memory_space<hbm>>) dst(%arg7 : memref<64x640xf32, #tpu.memory_space<vmem>>)
      %mul3A_26 = arith.constant 64 : i32
      %mul3A_27 = arith.muli %add3A_15, %mul3A_26 : i32
      %add3A_28 = arith.addi %mul3A_2, %mul3A_27 : i32
      "tpu.region"() ({
        %run_scoped3A = tpu.sem_alloc : memref<!tpu.dma_semaphore, #tpu.memory_space<semaphore_mem>>
        %dma_start3A_41 = arith.constant 0 : i32
        %dma_start3A_42 = tpu.memref_slice %arg4[%add3A_28, %dma_start3A_41] : memref<16384x640xf32, #tpu.memory_space<hbm>> -> memref<64x640xf32, #tpu.memory_space<hbm>>
        %dma_start3A_43 = arith.constant 0 : i32
        %dma_start3A_44 = tpu.memref_slice %arg4[%add3A_28, %dma_start3A_43] : memref<16384x640xf32, #tpu.memory_space<hbm>> -> memref<64x640xf32, #tpu.memory_space<hbm>>
        tpu.enqueue_dma source(%arg7 : memref<64x640xf32, #tpu.memory_space<vmem>>) target(%dma_start3A_44 : memref<64x640xf32, #tpu.memory_space<hbm>>) target_semaphore(%run_scoped3A : memref<!tpu.dma_semaphore, #tpu.memory_space<semaphore_mem>>)
        %dma_wait3A_45 = arith.constant 0 : i32
        %dma_wait3A_46 = tpu.memref_slice %arg4[%add3A_28, %dma_wait3A_45] : memref<16384x640xf32, #tpu.memory_space<hbm>> -> memref<64x640xf32, #tpu.memory_space<hbm>>
        %dma_wait3A_47 = arith.constant 0 : i32
        %dma_wait3A_48 = tpu.memref_slice %arg4[%add3A_28, %dma_wait3A_47] : memref<16384x640xf32, #tpu.memory_space<hbm>> -> memref<64x640xf32, #tpu.memory_space<hbm>>
        tpu.wait_dma2 semaphore(%run_scoped3A : memref<!tpu.dma_semaphore, #tpu.memory_space<semaphore_mem>>) src(%arg7 : memref<64x640xf32, #tpu.memory_space<vmem>>) dst(%dma_wait3A_48 : memref<64x640xf32, #tpu.memory_space<hbm>>)
        tpu.yield
      }) : () -> ()
      %add3A_29 = arith.constant 2 : i32
      %add3A_30 = arith.addi %add3A_15, %add3A_29 : i32
      %lt3A = arith.constant 8 : i32
      %lt3A_31 = arith.cmpi slt, %add3A_30, %lt3A : i32
      %convert_element_type3A = arith.extui %lt3A_31 : i1 to i32
      %cond3A = arith.constant 0 : i32
      %cond3A_32 = arith.cmpi ne, %convert_element_type3A, %cond3A : i32
      scf.if %cond3A_32 {
        %add3A_41 = arith.constant 2 : i32
        %add3A_42 = arith.addi %add3A_15, %add3A_41 : i32
        %mul3A_43 = arith.constant 64 : i32
        %mul3A_44 = arith.muli %add3A_42, %mul3A_43 : i32
        %add3A_45 = arith.addi %mul3A_2, %mul3A_44 : i32
        "tpu.region"() ({
          %run_scoped3A = tpu.sem_alloc : memref<!tpu.dma_semaphore, #tpu.memory_space<semaphore_mem>>
          %dma_start3A_49 = tpu.memref_slice %arg3[%add3A_45] : memref<16384xi32, #tpu.memory_space<hbm>> -> memref<64xi32, #tpu.memory_space<hbm>>
          %dma_start3A_50 = tpu.memref_slice %arg3[%add3A_45] : memref<16384xi32, #tpu.memory_space<hbm>> -> memref<64xi32, #tpu.memory_space<hbm>>
          tpu.enqueue_dma source(%dma_start3A_50 : memref<64xi32, #tpu.memory_space<hbm>>) target(%arg5 : memref<64xi32, #tpu.memory_space<vmem>>) target_semaphore(%run_scoped3A : memref<!tpu.dma_semaphore, #tpu.memory_space<semaphore_mem>>)
          %dma_wait3A_51 = tpu.memref_slice %arg3[%add3A_45] : memref<16384xi32, #tpu.memory_space<hbm>> -> memref<64xi32, #tpu.memory_space<hbm>>
          %dma_wait3A_52 = tpu.memref_slice %arg3[%add3A_45] : memref<16384xi32, #tpu.memory_space<hbm>> -> memref<64xi32, #tpu.memory_space<hbm>>
          tpu.wait_dma2 semaphore(%run_scoped3A : memref<!tpu.dma_semaphore, #tpu.memory_space<semaphore_mem>>) src(%dma_wait3A_52 : memref<64xi32, #tpu.memory_space<hbm>>) dst(%arg5 : memref<64xi32, #tpu.memory_space<vmem>>)
          tpu.yield
        }) : () -> ()
        %dma_start3A_46 = arith.constant 0 : i32
        %dma_start3A_47 = arith.constant 0 : i32
        %dma_start3A_48 = tpu.memref_slice %arg2[%dma_start3A_46, %dma_start3A_47] : memref<8192x640xf32, #tpu.memory_space<hbm>> -> memref<8192x640xf32, #tpu.memory_space<hbm>>
        tpu.enqueue_indirect_dma source(%dma_start3A_48 : memref<8192x640xf32, #tpu.memory_space<hbm>>) target(%arg7 : memref<64x640xf32, #tpu.memory_space<vmem>>) offsets(%arg5 : memref<64xi32, #tpu.memory_space<vmem>>) semaphore(%arg9 : memref<!tpu.dma_semaphore, #tpu.memory_space<semaphore_mem>>)
      } else {
      }
      %dma_wait3A_33 = arith.constant 0 : i32
      %dma_wait3A_34 = arith.constant 0 : i32
      %dma_wait3A_35 = tpu.memref_slice %arg2[%dma_wait3A_33, %dma_wait3A_34] : memref<8192x640xf32, #tpu.memory_space<hbm>> -> memref<8192x640xf32, #tpu.memory_space<hbm>>
      tpu.wait_indirect_dma semaphore(%arg10 : memref<!tpu.dma_semaphore, #tpu.memory_space<semaphore_mem>>) src(%dma_wait3A_35 : memref<8192x640xf32, #tpu.memory_space<hbm>>) dst(%arg8 : memref<64x640xf32, #tpu.memory_space<vmem>>)
      %add3A_36 = arith.constant 1 : i32
      %add3A_37 = arith.addi %add3A_15, %add3A_36 : i32
      %mul3A_38 = arith.constant 64 : i32
      %mul3A_39 = arith.muli %add3A_37, %mul3A_38 : i32
      %add3A_40 = arith.addi %mul3A_2, %mul3A_39 : i32
      "tpu.region"() ({
        %run_scoped3A = tpu.sem_alloc : memref<!tpu.dma_semaphore, #tpu.memory_space<semaphore_mem>>
        %dma_start3A_41 = arith.constant 0 : i32
        %dma_start3A_42 = tpu.memref_slice %arg4[%add3A_40, %dma_start3A_41] : memref<16384x640xf32, #tpu.memory_space<hbm>> -> memref<64x640xf32, #tpu.memory_space<hbm>>
        %dma_start3A_43 = arith.constant 0 : i32
        %dma_start3A_44 = tpu.memref_slice %arg4[%add3A_40, %dma_start3A_43] : memref<16384x640xf32, #tpu.memory_space<hbm>> -> memref<64x640xf32, #tpu.memory_space<hbm>>
        tpu.enqueue_dma source(%arg8 : memref<64x640xf32, #tpu.memory_space<vmem>>) target(%dma_start3A_44 : memref<64x640xf32, #tpu.memory_space<hbm>>) target_semaphore(%run_scoped3A : memref<!tpu.dma_semaphore, #tpu.memory_space<semaphore_mem>>)
        %dma_wait3A_45 = arith.constant 0 : i32
        %dma_wait3A_46 = tpu.memref_slice %arg4[%add3A_40, %dma_wait3A_45] : memref<16384x640xf32, #tpu.memory_space<hbm>> -> memref<64x640xf32, #tpu.memory_space<hbm>>
        %dma_wait3A_47 = arith.constant 0 : i32
        %dma_wait3A_48 = tpu.memref_slice %arg4[%add3A_40, %dma_wait3A_47] : memref<16384x640xf32, #tpu.memory_space<hbm>> -> memref<64x640xf32, #tpu.memory_space<hbm>>
        tpu.wait_dma2 semaphore(%run_scoped3A : memref<!tpu.dma_semaphore, #tpu.memory_space<semaphore_mem>>) src(%arg8 : memref<64x640xf32, #tpu.memory_space<vmem>>) dst(%dma_wait3A_48 : memref<64x640xf32, #tpu.memory_space<hbm>>)
        tpu.yield
      }) : () -> ()
    }
    %scan3A_10 = arith.constant 4 : i32
    return
  }
}

module attributes {stable_mosaic.version = 14 : i64} {
  func.func @_knn_body(%arg0: i32, %arg1: memref<1x256x16xf32, #tpu.memory_space<vmem>>, %arg2: memref<1x16x4096xf32, #tpu.memory_space<vmem>>, %arg3: memref<1x256x8xi32, #tpu.memory_space<vmem>>) attributes {dimension_semantics = [#tpu.dimension_semantics<arbitrary>], iteration_bounds = array<i64: 8>, scalar_prefetch = 0 : i64, scratch_operands = 0 : i64, tpu.core_type = #tpu.core_type<tc>, window_params = [{transform_indices = @transform_0, window_bounds = array<i64: 1, 256, 16>}, {pipeline_mode = #tpu.pipeline_mode<synchronous>, transform_indices = @transform_1, window_bounds = array<i64: 1, 16, 4096>}, {transform_indices = @transform_2, window_bounds = array<i64: 1, 256, 8>}]} {
    %get3A = arith.constant 0 : index
    %get3A_0 = arith.constant 0 : index
    %get3A_1 = arith.constant 0 : index
    %get3A_2 = vector.load %arg1[%get3A, %get3A_0, %get3A_1] : memref<1x256x16xf32, #tpu.memory_space<vmem>>, vector<1x256x16xf32>
    %get3A_3 = vector.shape_cast %get3A_2 : vector<1x256x16xf32> to vector<256x16xf32>
    %get3A_4 = arith.constant 0 : index
    %get3A_5 = arith.constant 0 : index
    %get3A_6 = arith.constant 0 : index
    %get3A_7 = vector.load %arg2[%get3A_4, %get3A_5, %get3A_6] : memref<1x16x4096xf32, #tpu.memory_space<vmem>>, vector<1x16x4096xf32>
    %get3A_8 = vector.shape_cast %get3A_7 : vector<1x16x4096xf32> to vector<16x4096xf32>
    %slice3A = vector.extract_strided_slice %get3A_3 {offsets = [0, 0], sizes = [256, 1], strides = [1, 1]} : vector<256x16xf32> to vector<256x1xf32>
    %slice3A_9 = vector.extract_strided_slice %get3A_3 {offsets = [0, 0], sizes = [256, 1], strides = [1, 1]} : vector<256x16xf32> to vector<256x1xf32>
    %mul3A = arith.mulf %slice3A, %slice3A_9 : vector<256x1xf32>
    %slice3A_10 = vector.extract_strided_slice %get3A_3 {offsets = [0, 1], sizes = [256, 1], strides = [1, 1]} : vector<256x16xf32> to vector<256x1xf32>
    %slice3A_11 = vector.extract_strided_slice %get3A_3 {offsets = [0, 1], sizes = [256, 1], strides = [1, 1]} : vector<256x16xf32> to vector<256x1xf32>
    %mul3A_12 = arith.mulf %slice3A_10, %slice3A_11 : vector<256x1xf32>
    %add3A = arith.addf %mul3A, %mul3A_12 : vector<256x1xf32>
    %slice3A_13 = vector.extract_strided_slice %get3A_3 {offsets = [0, 2], sizes = [256, 1], strides = [1, 1]} : vector<256x16xf32> to vector<256x1xf32>
    %slice3A_14 = vector.extract_strided_slice %get3A_3 {offsets = [0, 2], sizes = [256, 1], strides = [1, 1]} : vector<256x16xf32> to vector<256x1xf32>
    %mul3A_15 = arith.mulf %slice3A_13, %slice3A_14 : vector<256x1xf32>
    %add3A_16 = arith.addf %add3A, %mul3A_15 : vector<256x1xf32>
    %slice3A_17 = vector.extract_strided_slice %get3A_8 {offsets = [0, 0], sizes = [1, 4096], strides = [1, 1]} : vector<16x4096xf32> to vector<1x4096xf32>
    %slice3A_18 = vector.extract_strided_slice %get3A_8 {offsets = [0, 0], sizes = [1, 4096], strides = [1, 1]} : vector<16x4096xf32> to vector<1x4096xf32>
    %mul3A_19 = arith.mulf %slice3A_17, %slice3A_18 : vector<1x4096xf32>
    %slice3A_20 = vector.extract_strided_slice %get3A_8 {offsets = [1, 0], sizes = [1, 4096], strides = [1, 1]} : vector<16x4096xf32> to vector<1x4096xf32>
    %slice3A_21 = vector.extract_strided_slice %get3A_8 {offsets = [1, 0], sizes = [1, 4096], strides = [1, 1]} : vector<16x4096xf32> to vector<1x4096xf32>
    %mul3A_22 = arith.mulf %slice3A_20, %slice3A_21 : vector<1x4096xf32>
    %add3A_23 = arith.addf %mul3A_19, %mul3A_22 : vector<1x4096xf32>
    %slice3A_24 = vector.extract_strided_slice %get3A_8 {offsets = [2, 0], sizes = [1, 4096], strides = [1, 1]} : vector<16x4096xf32> to vector<1x4096xf32>
    %slice3A_25 = vector.extract_strided_slice %get3A_8 {offsets = [2, 0], sizes = [1, 4096], strides = [1, 1]} : vector<16x4096xf32> to vector<1x4096xf32>
    %mul3A_26 = arith.mulf %slice3A_24, %slice3A_25 : vector<1x4096xf32>
    %add3A_27 = arith.addf %add3A_23, %mul3A_26 : vector<1x4096xf32>
    %convert_element_type3A = arith.truncf %get3A_3 : vector<256x16xf32> to vector<256x16xbf16>
    %convert_element_type3A_28 = arith.truncf %get3A_8 : vector<16x4096xf32> to vector<16x4096xbf16>
    %dot_general3A = arith.constant dense<0.000000e+00> : vector<256x4096xf32>
    %dot_general3A_29 = tpu.matmul %convert_element_type3A, %convert_element_type3A_28, %dot_general3A {dimension_numbers = #tpu.dot_dimension_numbers<[1], [0], [0], [1], [0, 0, 1, 1], [], []>, transpose_lhs_hint = false} : vector<256x16xbf16>, vector<16x4096xbf16>, vector<256x4096xf32> -> vector<256x4096xf32>
    %add3A_30 = vector.broadcast %add3A_16 : vector<256x1xf32> to vector<256x4096xf32>
    %add3A_31 = vector.broadcast %add3A_27 : vector<1x4096xf32> to vector<256x4096xf32>
    %add3A_32 = arith.addf %add3A_30, %add3A_31 : vector<256x4096xf32>
    %mul3A_33 = arith.constant 2.000000e+00 : f32
    %mul3A_34 = vector.broadcast %mul3A_33 : f32 to vector<256x4096xf32>
    %mul3A_35 = arith.mulf %mul3A_34, %dot_general3A_29 : vector<256x4096xf32>
    %sub3A = arith.subf %add3A_32, %mul3A_35 : vector<256x4096xf32>
    %iota3A = tpu.iota {dimensions = array<i32: 1>} : vector<256x4096xi32>
    %convert_element_type3A_36 = arith.sitofp %iota3A : vector<256x4096xi32> to vector<256x4096xf32>
    %slice3A_37 = vector.extract_strided_slice %sub3A {offsets = [0, 0], sizes = [256, 128], strides = [1, 1]} : vector<256x4096xf32> to vector<256x128xf32>
    %slice3A_38 = vector.extract_strided_slice %sub3A {offsets = [0, 128], sizes = [256, 128], strides = [1, 1]} : vector<256x4096xf32> to vector<256x128xf32>
    %slice3A_39 = vector.extract_strided_slice %sub3A {offsets = [0, 256], sizes = [256, 128], strides = [1, 1]} : vector<256x4096xf32> to vector<256x128xf32>
    %slice3A_40 = vector.extract_strided_slice %sub3A {offsets = [0, 384], sizes = [256, 128], strides = [1, 1]} : vector<256x4096xf32> to vector<256x128xf32>
    %slice3A_41 = vector.extract_strided_slice %sub3A {offsets = [0, 512], sizes = [256, 128], strides = [1, 1]} : vector<256x4096xf32> to vector<256x128xf32>
    %slice3A_42 = vector.extract_strided_slice %sub3A {offsets = [0, 640], sizes = [256, 128], strides = [1, 1]} : vector<256x4096xf32> to vector<256x128xf32>
    %slice3A_43 = vector.extract_strided_slice %sub3A {offsets = [0, 768], sizes = [256, 128], strides = [1, 1]} : vector<256x4096xf32> to vector<256x128xf32>
    %slice3A_44 = vector.extract_strided_slice %sub3A {offsets = [0, 896], sizes = [256, 128], strides = [1, 1]} : vector<256x4096xf32> to vector<256x128xf32>
    %slice3A_45 = vector.extract_strided_slice %sub3A {offsets = [0, 1024], sizes = [256, 128], strides = [1, 1]} : vector<256x4096xf32> to vector<256x128xf32>
    %slice3A_46 = vector.extract_strided_slice %sub3A {offsets = [0, 1152], sizes = [256, 128], strides = [1, 1]} : vector<256x4096xf32> to vector<256x128xf32>
    %slice3A_47 = vector.extract_strided_slice %sub3A {offsets = [0, 1280], sizes = [256, 128], strides = [1, 1]} : vector<256x4096xf32> to vector<256x128xf32>
    %slice3A_48 = vector.extract_strided_slice %sub3A {offsets = [0, 1408], sizes = [256, 128], strides = [1, 1]} : vector<256x4096xf32> to vector<256x128xf32>
    %slice3A_49 = vector.extract_strided_slice %sub3A {offsets = [0, 1536], sizes = [256, 128], strides = [1, 1]} : vector<256x4096xf32> to vector<256x128xf32>
    %slice3A_50 = vector.extract_strided_slice %sub3A {offsets = [0, 1664], sizes = [256, 128], strides = [1, 1]} : vector<256x4096xf32> to vector<256x128xf32>
    %slice3A_51 = vector.extract_strided_slice %sub3A {offsets = [0, 1792], sizes = [256, 128], strides = [1, 1]} : vector<256x4096xf32> to vector<256x128xf32>
    %slice3A_52 = vector.extract_strided_slice %sub3A {offsets = [0, 1920], sizes = [256, 128], strides = [1, 1]} : vector<256x4096xf32> to vector<256x128xf32>
    %slice3A_53 = vector.extract_strided_slice %sub3A {offsets = [0, 2048], sizes = [256, 128], strides = [1, 1]} : vector<256x4096xf32> to vector<256x128xf32>
    %slice3A_54 = vector.extract_strided_slice %sub3A {offsets = [0, 2176], sizes = [256, 128], strides = [1, 1]} : vector<256x4096xf32> to vector<256x128xf32>
    %slice3A_55 = vector.extract_strided_slice %sub3A {offsets = [0, 2304], sizes = [256, 128], strides = [1, 1]} : vector<256x4096xf32> to vector<256x128xf32>
    %slice3A_56 = vector.extract_strided_slice %sub3A {offsets = [0, 2432], sizes = [256, 128], strides = [1, 1]} : vector<256x4096xf32> to vector<256x128xf32>
    %slice3A_57 = vector.extract_strided_slice %sub3A {offsets = [0, 2560], sizes = [256, 128], strides = [1, 1]} : vector<256x4096xf32> to vector<256x128xf32>
    %slice3A_58 = vector.extract_strided_slice %sub3A {offsets = [0, 2688], sizes = [256, 128], strides = [1, 1]} : vector<256x4096xf32> to vector<256x128xf32>
    %slice3A_59 = vector.extract_strided_slice %sub3A {offsets = [0, 2816], sizes = [256, 128], strides = [1, 1]} : vector<256x4096xf32> to vector<256x128xf32>
    %slice3A_60 = vector.extract_strided_slice %sub3A {offsets = [0, 2944], sizes = [256, 128], strides = [1, 1]} : vector<256x4096xf32> to vector<256x128xf32>
    %slice3A_61 = vector.extract_strided_slice %sub3A {offsets = [0, 3072], sizes = [256, 128], strides = [1, 1]} : vector<256x4096xf32> to vector<256x128xf32>
    %slice3A_62 = vector.extract_strided_slice %sub3A {offsets = [0, 3200], sizes = [256, 128], strides = [1, 1]} : vector<256x4096xf32> to vector<256x128xf32>
    %slice3A_63 = vector.extract_strided_slice %sub3A {offsets = [0, 3328], sizes = [256, 128], strides = [1, 1]} : vector<256x4096xf32> to vector<256x128xf32>
    %slice3A_64 = vector.extract_strided_slice %sub3A {offsets = [0, 3456], sizes = [256, 128], strides = [1, 1]} : vector<256x4096xf32> to vector<256x128xf32>
    %slice3A_65 = vector.extract_strided_slice %sub3A {offsets = [0, 3584], sizes = [256, 128], strides = [1, 1]} : vector<256x4096xf32> to vector<256x128xf32>
    %slice3A_66 = vector.extract_strided_slice %sub3A {offsets = [0, 3712], sizes = [256, 128], strides = [1, 1]} : vector<256x4096xf32> to vector<256x128xf32>
    %slice3A_67 = vector.extract_strided_slice %sub3A {offsets = [0, 3840], sizes = [256, 128], strides = [1, 1]} : vector<256x4096xf32> to vector<256x128xf32>
    %slice3A_68 = vector.extract_strided_slice %sub3A {offsets = [0, 3968], sizes = [256, 128], strides = [1, 1]} : vector<256x4096xf32> to vector<256x128xf32>
    %min3A = arith.minimumf %slice3A_37, %slice3A_38 : vector<256x128xf32>
    %min3A_69 = arith.minimumf %slice3A_39, %slice3A_40 : vector<256x128xf32>
    %min3A_70 = arith.minimumf %slice3A_41, %slice3A_42 : vector<256x128xf32>
    %min3A_71 = arith.minimumf %slice3A_43, %slice3A_44 : vector<256x128xf32>
    %min3A_72 = arith.minimumf %slice3A_45, %slice3A_46 : vector<256x128xf32>
    %min3A_73 = arith.minimumf %slice3A_47, %slice3A_48 : vector<256x128xf32>
    %min3A_74 = arith.minimumf %slice3A_49, %slice3A_50 : vector<256x128xf32>
    %min3A_75 = arith.minimumf %slice3A_51, %slice3A_52 : vector<256x128xf32>
    %min3A_76 = arith.minimumf %slice3A_53, %slice3A_54 : vector<256x128xf32>
    %min3A_77 = arith.minimumf %slice3A_55, %slice3A_56 : vector<256x128xf32>
    %min3A_78 = arith.minimumf %slice3A_57, %slice3A_58 : vector<256x128xf32>
    %min3A_79 = arith.minimumf %slice3A_59, %slice3A_60 : vector<256x128xf32>
    %min3A_80 = arith.minimumf %slice3A_61, %slice3A_62 : vector<256x128xf32>
    %min3A_81 = arith.minimumf %slice3A_63, %slice3A_64 : vector<256x128xf32>
    %min3A_82 = arith.minimumf %slice3A_65, %slice3A_66 : vector<256x128xf32>
    %min3A_83 = arith.minimumf %slice3A_67, %slice3A_68 : vector<256x128xf32>
    %min3A_84 = arith.minimumf %min3A, %min3A_69 : vector<256x128xf32>
    %min3A_85 = arith.minimumf %min3A_70, %min3A_71 : vector<256x128xf32>
    %min3A_86 = arith.minimumf %min3A_72, %min3A_73 : vector<256x128xf32>
    %min3A_87 = arith.minimumf %min3A_74, %min3A_75 : vector<256x128xf32>
    %min3A_88 = arith.minimumf %min3A_76, %min3A_77 : vector<256x128xf32>
    %min3A_89 = arith.minimumf %min3A_78, %min3A_79 : vector<256x128xf32>
    %min3A_90 = arith.minimumf %min3A_80, %min3A_81 : vector<256x128xf32>
    %min3A_91 = arith.minimumf %min3A_82, %min3A_83 : vector<256x128xf32>
    %min3A_92 = arith.minimumf %min3A_84, %min3A_85 : vector<256x128xf32>
    %min3A_93 = arith.minimumf %min3A_86, %min3A_87 : vector<256x128xf32>
    %min3A_94 = arith.minimumf %min3A_88, %min3A_89 : vector<256x128xf32>
    %min3A_95 = arith.minimumf %min3A_90, %min3A_91 : vector<256x128xf32>
    %min3A_96 = arith.minimumf %min3A_92, %min3A_93 : vector<256x128xf32>
    %min3A_97 = arith.minimumf %min3A_94, %min3A_95 : vector<256x128xf32>
    %min3A_98 = arith.minimumf %min3A_96, %min3A_97 : vector<256x128xf32>
    %reduce_min3A = arith.constant dense<0x7F800000> : vector<256xf32>
    %reduce_min3A_99 = vector.multi_reduction <minimumf>, %min3A_98, %reduce_min3A [1] : vector<256x128xf32> to vector<256xf32>
    %broadcast_in_dim3A = vector.shape_cast %reduce_min3A_99 : vector<256xf32> to vector<256x1xf32>
    %le3A = vector.broadcast %broadcast_in_dim3A : vector<256x1xf32> to vector<256x4096xf32>
    %le3A_100 = arith.cmpf ole, %sub3A, %le3A : vector<256x4096xf32>
    %jit3A = arith.constant 8.192000e+03 : f32
    %broadcast_in_dim3A_101 = vector.broadcast %jit3A : f32 to vector<256x4096xf32>
    %select_n3A = arith.select %le3A_100, %convert_element_type3A_36, %broadcast_in_dim3A_101 : vector<256x4096xi1>, vector<256x4096xf32>
    %slice3A_102 = vector.extract_strided_slice %select_n3A {offsets = [0, 0], sizes = [256, 128], strides = [1, 1]} : vector<256x4096xf32> to vector<256x128xf32>
    %slice3A_103 = vector.extract_strided_slice %select_n3A {offsets = [0, 128], sizes = [256, 128], strides = [1, 1]} : vector<256x4096xf32> to vector<256x128xf32>
    %slice3A_104 = vector.extract_strided_slice %select_n3A {offsets = [0, 256], sizes = [256, 128], strides = [1, 1]} : vector<256x4096xf32> to vector<256x128xf32>
    %slice3A_105 = vector.extract_strided_slice %select_n3A {offsets = [0, 384], sizes = [256, 128], strides = [1, 1]} : vector<256x4096xf32> to vector<256x128xf32>
    %slice3A_106 = vector.extract_strided_slice %select_n3A {offsets = [0, 512], sizes = [256, 128], strides = [1, 1]} : vector<256x4096xf32> to vector<256x128xf32>
    %slice3A_107 = vector.extract_strided_slice %select_n3A {offsets = [0, 640], sizes = [256, 128], strides = [1, 1]} : vector<256x4096xf32> to vector<256x128xf32>
    %slice3A_108 = vector.extract_strided_slice %select_n3A {offsets = [0, 768], sizes = [256, 128], strides = [1, 1]} : vector<256x4096xf32> to vector<256x128xf32>
    %slice3A_109 = vector.extract_strided_slice %select_n3A {offsets = [0, 896], sizes = [256, 128], strides = [1, 1]} : vector<256x4096xf32> to vector<256x128xf32>
    %slice3A_110 = vector.extract_strided_slice %select_n3A {offsets = [0, 1024], sizes = [256, 128], strides = [1, 1]} : vector<256x4096xf32> to vector<256x128xf32>
    %slice3A_111 = vector.extract_strided_slice %select_n3A {offsets = [0, 1152], sizes = [256, 128], strides = [1, 1]} : vector<256x4096xf32> to vector<256x128xf32>
    %slice3A_112 = vector.extract_strided_slice %select_n3A {offsets = [0, 1280], sizes = [256, 128], strides = [1, 1]} : vector<256x4096xf32> to vector<256x128xf32>
    %slice3A_113 = vector.extract_strided_slice %select_n3A {offsets = [0, 1408], sizes = [256, 128], strides = [1, 1]} : vector<256x4096xf32> to vector<256x128xf32>
    %slice3A_114 = vector.extract_strided_slice %select_n3A {offsets = [0, 1536], sizes = [256, 128], strides = [1, 1]} : vector<256x4096xf32> to vector<256x128xf32>
    %slice3A_115 = vector.extract_strided_slice %select_n3A {offsets = [0, 1664], sizes = [256, 128], strides = [1, 1]} : vector<256x4096xf32> to vector<256x128xf32>
    %slice3A_116 = vector.extract_strided_slice %select_n3A {offsets = [0, 1792], sizes = [256, 128], strides = [1, 1]} : vector<256x4096xf32> to vector<256x128xf32>
    %slice3A_117 = vector.extract_strided_slice %select_n3A {offsets = [0, 1920], sizes = [256, 128], strides = [1, 1]} : vector<256x4096xf32> to vector<256x128xf32>
    %slice3A_118 = vector.extract_strided_slice %select_n3A {offsets = [0, 2048], sizes = [256, 128], strides = [1, 1]} : vector<256x4096xf32> to vector<256x128xf32>
    %slice3A_119 = vector.extract_strided_slice %select_n3A {offsets = [0, 2176], sizes = [256, 128], strides = [1, 1]} : vector<256x4096xf32> to vector<256x128xf32>
    %slice3A_120 = vector.extract_strided_slice %select_n3A {offsets = [0, 2304], sizes = [256, 128], strides = [1, 1]} : vector<256x4096xf32> to vector<256x128xf32>
    %slice3A_121 = vector.extract_strided_slice %select_n3A {offsets = [0, 2432], sizes = [256, 128], strides = [1, 1]} : vector<256x4096xf32> to vector<256x128xf32>
    %slice3A_122 = vector.extract_strided_slice %select_n3A {offsets = [0, 2560], sizes = [256, 128], strides = [1, 1]} : vector<256x4096xf32> to vector<256x128xf32>
    %slice3A_123 = vector.extract_strided_slice %select_n3A {offsets = [0, 2688], sizes = [256, 128], strides = [1, 1]} : vector<256x4096xf32> to vector<256x128xf32>
    %slice3A_124 = vector.extract_strided_slice %select_n3A {offsets = [0, 2816], sizes = [256, 128], strides = [1, 1]} : vector<256x4096xf32> to vector<256x128xf32>
    %slice3A_125 = vector.extract_strided_slice %select_n3A {offsets = [0, 2944], sizes = [256, 128], strides = [1, 1]} : vector<256x4096xf32> to vector<256x128xf32>
    %slice3A_126 = vector.extract_strided_slice %select_n3A {offsets = [0, 3072], sizes = [256, 128], strides = [1, 1]} : vector<256x4096xf32> to vector<256x128xf32>
    %slice3A_127 = vector.extract_strided_slice %select_n3A {offsets = [0, 3200], sizes = [256, 128], strides = [1, 1]} : vector<256x4096xf32> to vector<256x128xf32>
    %slice3A_128 = vector.extract_strided_slice %select_n3A {offsets = [0, 3328], sizes = [256, 128], strides = [1, 1]} : vector<256x4096xf32> to vector<256x128xf32>
    %slice3A_129 = vector.extract_strided_slice %select_n3A {offsets = [0, 3456], sizes = [256, 128], strides = [1, 1]} : vector<256x4096xf32> to vector<256x128xf32>
    %slice3A_130 = vector.extract_strided_slice %select_n3A {offsets = [0, 3584], sizes = [256, 128], strides = [1, 1]} : vector<256x4096xf32> to vector<256x128xf32>
    %slice3A_131 = vector.extract_strided_slice %select_n3A {offsets = [0, 3712], sizes = [256, 128], strides = [1, 1]} : vector<256x4096xf32> to vector<256x128xf32>
    %slice3A_132 = vector.extract_strided_slice %select_n3A {offsets = [0, 3840], sizes = [256, 128], strides = [1, 1]} : vector<256x4096xf32> to vector<256x128xf32>
    %slice3A_133 = vector.extract_strided_slice %select_n3A {offsets = [0, 3968], sizes = [256, 128], strides = [1, 1]} : vector<256x4096xf32> to vector<256x128xf32>
    %min3A_134 = arith.minimumf %slice3A_102, %slice3A_103 : vector<256x128xf32>
    %min3A_135 = arith.minimumf %slice3A_104, %slice3A_105 : vector<256x128xf32>
    %min3A_136 = arith.minimumf %slice3A_106, %slice3A_107 : vector<256x128xf32>
    %min3A_137 = arith.minimumf %slice3A_108, %slice3A_109 : vector<256x128xf32>
    %min3A_138 = arith.minimumf %slice3A_110, %slice3A_111 : vector<256x128xf32>
    %min3A_139 = arith.minimumf %slice3A_112, %slice3A_113 : vector<256x128xf32>
    %min3A_140 = arith.minimumf %slice3A_114, %slice3A_115 : vector<256x128xf32>
    %min3A_141 = arith.minimumf %slice3A_116, %slice3A_117 : vector<256x128xf32>
    %min3A_142 = arith.minimumf %slice3A_118, %slice3A_119 : vector<256x128xf32>
    %min3A_143 = arith.minimumf %slice3A_120, %slice3A_121 : vector<256x128xf32>
    %min3A_144 = arith.minimumf %slice3A_122, %slice3A_123 : vector<256x128xf32>
    %min3A_145 = arith.minimumf %slice3A_124, %slice3A_125 : vector<256x128xf32>
    %min3A_146 = arith.minimumf %slice3A_126, %slice3A_127 : vector<256x128xf32>
    %min3A_147 = arith.minimumf %slice3A_128, %slice3A_129 : vector<256x128xf32>
    %min3A_148 = arith.minimumf %slice3A_130, %slice3A_131 : vector<256x128xf32>
    %min3A_149 = arith.minimumf %slice3A_132, %slice3A_133 : vector<256x128xf32>
    %min3A_150 = arith.minimumf %min3A_134, %min3A_135 : vector<256x128xf32>
    %min3A_151 = arith.minimumf %min3A_136, %min3A_137 : vector<256x128xf32>
    %min3A_152 = arith.minimumf %min3A_138, %min3A_139 : vector<256x128xf32>
    %min3A_153 = arith.minimumf %min3A_140, %min3A_141 : vector<256x128xf32>
    %min3A_154 = arith.minimumf %min3A_142, %min3A_143 : vector<256x128xf32>
    %min3A_155 = arith.minimumf %min3A_144, %min3A_145 : vector<256x128xf32>
    %min3A_156 = arith.minimumf %min3A_146, %min3A_147 : vector<256x128xf32>
    %min3A_157 = arith.minimumf %min3A_148, %min3A_149 : vector<256x128xf32>
    %min3A_158 = arith.minimumf %min3A_150, %min3A_151 : vector<256x128xf32>
    %min3A_159 = arith.minimumf %min3A_152, %min3A_153 : vector<256x128xf32>
    %min3A_160 = arith.minimumf %min3A_154, %min3A_155 : vector<256x128xf32>
    %min3A_161 = arith.minimumf %min3A_156, %min3A_157 : vector<256x128xf32>
    %min3A_162 = arith.minimumf %min3A_158, %min3A_159 : vector<256x128xf32>
    %min3A_163 = arith.minimumf %min3A_160, %min3A_161 : vector<256x128xf32>
    %min3A_164 = arith.minimumf %min3A_162, %min3A_163 : vector<256x128xf32>
    %reduce_min3A_165 = arith.constant dense<0x7F800000> : vector<256xf32>
    %reduce_min3A_166 = vector.multi_reduction <minimumf>, %min3A_164, %reduce_min3A_165 [1] : vector<256x128xf32> to vector<256xf32>
    %broadcast_in_dim3A_167 = vector.shape_cast %reduce_min3A_166 : vector<256xf32> to vector<256x1xf32>
    %eq3A = vector.broadcast %broadcast_in_dim3A_167 : vector<256x1xf32> to vector<256x4096xf32>
    %eq3A_168 = arith.cmpf oeq, %convert_element_type3A_36, %eq3A : vector<256x4096xf32>
    %jit3A_169 = arith.constant 0x7F800000 : f32
    %broadcast_in_dim3A_170 = vector.broadcast %jit3A_169 : f32 to vector<256x4096xf32>
    %select_n3A_171 = arith.select %eq3A_168, %broadcast_in_dim3A_170, %sub3A : vector<256x4096xi1>, vector<256x4096xf32>
    %slice3A_172 = vector.extract_strided_slice %select_n3A_171 {offsets = [0, 0], sizes = [256, 128], strides = [1, 1]} : vector<256x4096xf32> to vector<256x128xf32>
    %slice3A_173 = vector.extract_strided_slice %select_n3A_171 {offsets = [0, 128], sizes = [256, 128], strides = [1, 1]} : vector<256x4096xf32> to vector<256x128xf32>
    %slice3A_174 = vector.extract_strided_slice %select_n3A_171 {offsets = [0, 256], sizes = [256, 128], strides = [1, 1]} : vector<256x4096xf32> to vector<256x128xf32>
    %slice3A_175 = vector.extract_strided_slice %select_n3A_171 {offsets = [0, 384], sizes = [256, 128], strides = [1, 1]} : vector<256x4096xf32> to vector<256x128xf32>
    %slice3A_176 = vector.extract_strided_slice %select_n3A_171 {offsets = [0, 512], sizes = [256, 128], strides = [1, 1]} : vector<256x4096xf32> to vector<256x128xf32>
    %slice3A_177 = vector.extract_strided_slice %select_n3A_171 {offsets = [0, 640], sizes = [256, 128], strides = [1, 1]} : vector<256x4096xf32> to vector<256x128xf32>
    %slice3A_178 = vector.extract_strided_slice %select_n3A_171 {offsets = [0, 768], sizes = [256, 128], strides = [1, 1]} : vector<256x4096xf32> to vector<256x128xf32>
    %slice3A_179 = vector.extract_strided_slice %select_n3A_171 {offsets = [0, 896], sizes = [256, 128], strides = [1, 1]} : vector<256x4096xf32> to vector<256x128xf32>
    %slice3A_180 = vector.extract_strided_slice %select_n3A_171 {offsets = [0, 1024], sizes = [256, 128], strides = [1, 1]} : vector<256x4096xf32> to vector<256x128xf32>
    %slice3A_181 = vector.extract_strided_slice %select_n3A_171 {offsets = [0, 1152], sizes = [256, 128], strides = [1, 1]} : vector<256x4096xf32> to vector<256x128xf32>
    %slice3A_182 = vector.extract_strided_slice %select_n3A_171 {offsets = [0, 1280], sizes = [256, 128], strides = [1, 1]} : vector<256x4096xf32> to vector<256x128xf32>
    %slice3A_183 = vector.extract_strided_slice %select_n3A_171 {offsets = [0, 1408], sizes = [256, 128], strides = [1, 1]} : vector<256x4096xf32> to vector<256x128xf32>
    %slice3A_184 = vector.extract_strided_slice %select_n3A_171 {offsets = [0, 1536], sizes = [256, 128], strides = [1, 1]} : vector<256x4096xf32> to vector<256x128xf32>
    %slice3A_185 = vector.extract_strided_slice %select_n3A_171 {offsets = [0, 1664], sizes = [256, 128], strides = [1, 1]} : vector<256x4096xf32> to vector<256x128xf32>
    %slice3A_186 = vector.extract_strided_slice %select_n3A_171 {offsets = [0, 1792], sizes = [256, 128], strides = [1, 1]} : vector<256x4096xf32> to vector<256x128xf32>
    %slice3A_187 = vector.extract_strided_slice %select_n3A_171 {offsets = [0, 1920], sizes = [256, 128], strides = [1, 1]} : vector<256x4096xf32> to vector<256x128xf32>
    %slice3A_188 = vector.extract_strided_slice %select_n3A_171 {offsets = [0, 2048], sizes = [256, 128], strides = [1, 1]} : vector<256x4096xf32> to vector<256x128xf32>
    %slice3A_189 = vector.extract_strided_slice %select_n3A_171 {offsets = [0, 2176], sizes = [256, 128], strides = [1, 1]} : vector<256x4096xf32> to vector<256x128xf32>
    %slice3A_190 = vector.extract_strided_slice %select_n3A_171 {offsets = [0, 2304], sizes = [256, 128], strides = [1, 1]} : vector<256x4096xf32> to vector<256x128xf32>
    %slice3A_191 = vector.extract_strided_slice %select_n3A_171 {offsets = [0, 2432], sizes = [256, 128], strides = [1, 1]} : vector<256x4096xf32> to vector<256x128xf32>
    %slice3A_192 = vector.extract_strided_slice %select_n3A_171 {offsets = [0, 2560], sizes = [256, 128], strides = [1, 1]} : vector<256x4096xf32> to vector<256x128xf32>
    %slice3A_193 = vector.extract_strided_slice %select_n3A_171 {offsets = [0, 2688], sizes = [256, 128], strides = [1, 1]} : vector<256x4096xf32> to vector<256x128xf32>
    %slice3A_194 = vector.extract_strided_slice %select_n3A_171 {offsets = [0, 2816], sizes = [256, 128], strides = [1, 1]} : vector<256x4096xf32> to vector<256x128xf32>
    %slice3A_195 = vector.extract_strided_slice %select_n3A_171 {offsets = [0, 2944], sizes = [256, 128], strides = [1, 1]} : vector<256x4096xf32> to vector<256x128xf32>
    %slice3A_196 = vector.extract_strided_slice %select_n3A_171 {offsets = [0, 3072], sizes = [256, 128], strides = [1, 1]} : vector<256x4096xf32> to vector<256x128xf32>
    %slice3A_197 = vector.extract_strided_slice %select_n3A_171 {offsets = [0, 3200], sizes = [256, 128], strides = [1, 1]} : vector<256x4096xf32> to vector<256x128xf32>
    %slice3A_198 = vector.extract_strided_slice %select_n3A_171 {offsets = [0, 3328], sizes = [256, 128], strides = [1, 1]} : vector<256x4096xf32> to vector<256x128xf32>
    %slice3A_199 = vector.extract_strided_slice %select_n3A_171 {offsets = [0, 3456], sizes = [256, 128], strides = [1, 1]} : vector<256x4096xf32> to vector<256x128xf32>
    %slice3A_200 = vector.extract_strided_slice %select_n3A_171 {offsets = [0, 3584], sizes = [256, 128], strides = [1, 1]} : vector<256x4096xf32> to vector<256x128xf32>
    %slice3A_201 = vector.extract_strided_slice %select_n3A_171 {offsets = [0, 3712], sizes = [256, 128], strides = [1, 1]} : vector<256x4096xf32> to vector<256x128xf32>
    %slice3A_202 = vector.extract_strided_slice %select_n3A_171 {offsets = [0, 3840], sizes = [256, 128], strides = [1, 1]} : vector<256x4096xf32> to vector<256x128xf32>
    %slice3A_203 = vector.extract_strided_slice %select_n3A_171 {offsets = [0, 3968], sizes = [256, 128], strides = [1, 1]} : vector<256x4096xf32> to vector<256x128xf32>
    %min3A_204 = arith.minimumf %slice3A_172, %slice3A_173 : vector<256x128xf32>
    %min3A_205 = arith.minimumf %slice3A_174, %slice3A_175 : vector<256x128xf32>
    %min3A_206 = arith.minimumf %slice3A_176, %slice3A_177 : vector<256x128xf32>
    %min3A_207 = arith.minimumf %slice3A_178, %slice3A_179 : vector<256x128xf32>
    %min3A_208 = arith.minimumf %slice3A_180, %slice3A_181 : vector<256x128xf32>
    %min3A_209 = arith.minimumf %slice3A_182, %slice3A_183 : vector<256x128xf32>
    %min3A_210 = arith.minimumf %slice3A_184, %slice3A_185 : vector<256x128xf32>
    %min3A_211 = arith.minimumf %slice3A_186, %slice3A_187 : vector<256x128xf32>
    %min3A_212 = arith.minimumf %slice3A_188, %slice3A_189 : vector<256x128xf32>
    %min3A_213 = arith.minimumf %slice3A_190, %slice3A_191 : vector<256x128xf32>
    %min3A_214 = arith.minimumf %slice3A_192, %slice3A_193 : vector<256x128xf32>
    %min3A_215 = arith.minimumf %slice3A_194, %slice3A_195 : vector<256x128xf32>
    %min3A_216 = arith.minimumf %slice3A_196, %slice3A_197 : vector<256x128xf32>
    %min3A_217 = arith.minimumf %slice3A_198, %slice3A_199 : vector<256x128xf32>
    %min3A_218 = arith.minimumf %slice3A_200, %slice3A_201 : vector<256x128xf32>
    %min3A_219 = arith.minimumf %slice3A_202, %slice3A_203 : vector<256x128xf32>
    %min3A_220 = arith.minimumf %min3A_204, %min3A_205 : vector<256x128xf32>
    %min3A_221 = arith.minimumf %min3A_206, %min3A_207 : vector<256x128xf32>
    %min3A_222 = arith.minimumf %min3A_208, %min3A_209 : vector<256x128xf32>
    %min3A_223 = arith.minimumf %min3A_210, %min3A_211 : vector<256x128xf32>
    %min3A_224 = arith.minimumf %min3A_212, %min3A_213 : vector<256x128xf32>
    %min3A_225 = arith.minimumf %min3A_214, %min3A_215 : vector<256x128xf32>
    %min3A_226 = arith.minimumf %min3A_216, %min3A_217 : vector<256x128xf32>
    %min3A_227 = arith.minimumf %min3A_218, %min3A_219 : vector<256x128xf32>
    %min3A_228 = arith.minimumf %min3A_220, %min3A_221 : vector<256x128xf32>
    %min3A_229 = arith.minimumf %min3A_222, %min3A_223 : vector<256x128xf32>
    %min3A_230 = arith.minimumf %min3A_224, %min3A_225 : vector<256x128xf32>
    %min3A_231 = arith.minimumf %min3A_226, %min3A_227 : vector<256x128xf32>
    %min3A_232 = arith.minimumf %min3A_228, %min3A_229 : vector<256x128xf32>
    %min3A_233 = arith.minimumf %min3A_230, %min3A_231 : vector<256x128xf32>
    %min3A_234 = arith.minimumf %min3A_232, %min3A_233 : vector<256x128xf32>
    %reduce_min3A_235 = arith.constant dense<0x7F800000> : vector<256xf32>
    %reduce_min3A_236 = vector.multi_reduction <minimumf>, %min3A_234, %reduce_min3A_235 [1] : vector<256x128xf32> to vector<256xf32>
    %broadcast_in_dim3A_237 = vector.shape_cast %reduce_min3A_236 : vector<256xf32> to vector<256x1xf32>
    %le3A_238 = vector.broadcast %broadcast_in_dim3A_237 : vector<256x1xf32> to vector<256x4096xf32>
    %le3A_239 = arith.cmpf ole, %select_n3A_171, %le3A_238 : vector<256x4096xf32>
    %jit3A_240 = arith.constant 8.192000e+03 : f32
    %broadcast_in_dim3A_241 = vector.broadcast %jit3A_240 : f32 to vector<256x4096xf32>
    %select_n3A_242 = arith.select %le3A_239, %convert_element_type3A_36, %broadcast_in_dim3A_241 : vector<256x4096xi1>, vector<256x4096xf32>
    %slice3A_243 = vector.extract_strided_slice %select_n3A_242 {offsets = [0, 0], sizes = [256, 128], strides = [1, 1]} : vector<256x4096xf32> to vector<256x128xf32>
    %slice3A_244 = vector.extract_strided_slice %select_n3A_242 {offsets = [0, 128], sizes = [256, 128], strides = [1, 1]} : vector<256x4096xf32> to vector<256x128xf32>
    %slice3A_245 = vector.extract_strided_slice %select_n3A_242 {offsets = [0, 256], sizes = [256, 128], strides = [1, 1]} : vector<256x4096xf32> to vector<256x128xf32>
    %slice3A_246 = vector.extract_strided_slice %select_n3A_242 {offsets = [0, 384], sizes = [256, 128], strides = [1, 1]} : vector<256x4096xf32> to vector<256x128xf32>
    %slice3A_247 = vector.extract_strided_slice %select_n3A_242 {offsets = [0, 512], sizes = [256, 128], strides = [1, 1]} : vector<256x4096xf32> to vector<256x128xf32>
    %slice3A_248 = vector.extract_strided_slice %select_n3A_242 {offsets = [0, 640], sizes = [256, 128], strides = [1, 1]} : vector<256x4096xf32> to vector<256x128xf32>
    %slice3A_249 = vector.extract_strided_slice %select_n3A_242 {offsets = [0, 768], sizes = [256, 128], strides = [1, 1]} : vector<256x4096xf32> to vector<256x128xf32>
    %slice3A_250 = vector.extract_strided_slice %select_n3A_242 {offsets = [0, 896], sizes = [256, 128], strides = [1, 1]} : vector<256x4096xf32> to vector<256x128xf32>
    %slice3A_251 = vector.extract_strided_slice %select_n3A_242 {offsets = [0, 1024], sizes = [256, 128], strides = [1, 1]} : vector<256x4096xf32> to vector<256x128xf32>
    %slice3A_252 = vector.extract_strided_slice %select_n3A_242 {offsets = [0, 1152], sizes = [256, 128], strides = [1, 1]} : vector<256x4096xf32> to vector<256x128xf32>
    %slice3A_253 = vector.extract_strided_slice %select_n3A_242 {offsets = [0, 1280], sizes = [256, 128], strides = [1, 1]} : vector<256x4096xf32> to vector<256x128xf32>
    %slice3A_254 = vector.extract_strided_slice %select_n3A_242 {offsets = [0, 1408], sizes = [256, 128], strides = [1, 1]} : vector<256x4096xf32> to vector<256x128xf32>
    %slice3A_255 = vector.extract_strided_slice %select_n3A_242 {offsets = [0, 1536], sizes = [256, 128], strides = [1, 1]} : vector<256x4096xf32> to vector<256x128xf32>
    %slice3A_256 = vector.extract_strided_slice %select_n3A_242 {offsets = [0, 1664], sizes = [256, 128], strides = [1, 1]} : vector<256x4096xf32> to vector<256x128xf32>
    %slice3A_257 = vector.extract_strided_slice %select_n3A_242 {offsets = [0, 1792], sizes = [256, 128], strides = [1, 1]} : vector<256x4096xf32> to vector<256x128xf32>
    %slice3A_258 = vector.extract_strided_slice %select_n3A_242 {offsets = [0, 1920], sizes = [256, 128], strides = [1, 1]} : vector<256x4096xf32> to vector<256x128xf32>
    %slice3A_259 = vector.extract_strided_slice %select_n3A_242 {offsets = [0, 2048], sizes = [256, 128], strides = [1, 1]} : vector<256x4096xf32> to vector<256x128xf32>
    %slice3A_260 = vector.extract_strided_slice %select_n3A_242 {offsets = [0, 2176], sizes = [256, 128], strides = [1, 1]} : vector<256x4096xf32> to vector<256x128xf32>
    %slice3A_261 = vector.extract_strided_slice %select_n3A_242 {offsets = [0, 2304], sizes = [256, 128], strides = [1, 1]} : vector<256x4096xf32> to vector<256x128xf32>
    %slice3A_262 = vector.extract_strided_slice %select_n3A_242 {offsets = [0, 2432], sizes = [256, 128], strides = [1, 1]} : vector<256x4096xf32> to vector<256x128xf32>
    %slice3A_263 = vector.extract_strided_slice %select_n3A_242 {offsets = [0, 2560], sizes = [256, 128], strides = [1, 1]} : vector<256x4096xf32> to vector<256x128xf32>
    %slice3A_264 = vector.extract_strided_slice %select_n3A_242 {offsets = [0, 2688], sizes = [256, 128], strides = [1, 1]} : vector<256x4096xf32> to vector<256x128xf32>
    %slice3A_265 = vector.extract_strided_slice %select_n3A_242 {offsets = [0, 2816], sizes = [256, 128], strides = [1, 1]} : vector<256x4096xf32> to vector<256x128xf32>
    %slice3A_266 = vector.extract_strided_slice %select_n3A_242 {offsets = [0, 2944], sizes = [256, 128], strides = [1, 1]} : vector<256x4096xf32> to vector<256x128xf32>
    %slice3A_267 = vector.extract_strided_slice %select_n3A_242 {offsets = [0, 3072], sizes = [256, 128], strides = [1, 1]} : vector<256x4096xf32> to vector<256x128xf32>
    %slice3A_268 = vector.extract_strided_slice %select_n3A_242 {offsets = [0, 3200], sizes = [256, 128], strides = [1, 1]} : vector<256x4096xf32> to vector<256x128xf32>
    %slice3A_269 = vector.extract_strided_slice %select_n3A_242 {offsets = [0, 3328], sizes = [256, 128], strides = [1, 1]} : vector<256x4096xf32> to vector<256x128xf32>
    %slice3A_270 = vector.extract_strided_slice %select_n3A_242 {offsets = [0, 3456], sizes = [256, 128], strides = [1, 1]} : vector<256x4096xf32> to vector<256x128xf32>
    %slice3A_271 = vector.extract_strided_slice %select_n3A_242 {offsets = [0, 3584], sizes = [256, 128], strides = [1, 1]} : vector<256x4096xf32> to vector<256x128xf32>
    %slice3A_272 = vector.extract_strided_slice %select_n3A_242 {offsets = [0, 3712], sizes = [256, 128], strides = [1, 1]} : vector<256x4096xf32> to vector<256x128xf32>
    %slice3A_273 = vector.extract_strided_slice %select_n3A_242 {offsets = [0, 3840], sizes = [256, 128], strides = [1, 1]} : vector<256x4096xf32> to vector<256x128xf32>
    %slice3A_274 = vector.extract_strided_slice %select_n3A_242 {offsets = [0, 3968], sizes = [256, 128], strides = [1, 1]} : vector<256x4096xf32> to vector<256x128xf32>
    %min3A_275 = arith.minimumf %slice3A_243, %slice3A_244 : vector<256x128xf32>
    %min3A_276 = arith.minimumf %slice3A_245, %slice3A_246 : vector<256x128xf32>
    %min3A_277 = arith.minimumf %slice3A_247, %slice3A_248 : vector<256x128xf32>
    %min3A_278 = arith.minimumf %slice3A_249, %slice3A_250 : vector<256x128xf32>
    %min3A_279 = arith.minimumf %slice3A_251, %slice3A_252 : vector<256x128xf32>
    %min3A_280 = arith.minimumf %slice3A_253, %slice3A_254 : vector<256x128xf32>
    %min3A_281 = arith.minimumf %slice3A_255, %slice3A_256 : vector<256x128xf32>
    %min3A_282 = arith.minimumf %slice3A_257, %slice3A_258 : vector<256x128xf32>
    %min3A_283 = arith.minimumf %slice3A_259, %slice3A_260 : vector<256x128xf32>
    %min3A_284 = arith.minimumf %slice3A_261, %slice3A_262 : vector<256x128xf32>
    %min3A_285 = arith.minimumf %slice3A_263, %slice3A_264 : vector<256x128xf32>
    %min3A_286 = arith.minimumf %slice3A_265, %slice3A_266 : vector<256x128xf32>
    %min3A_287 = arith.minimumf %slice3A_267, %slice3A_268 : vector<256x128xf32>
    %min3A_288 = arith.minimumf %slice3A_269, %slice3A_270 : vector<256x128xf32>
    %min3A_289 = arith.minimumf %slice3A_271, %slice3A_272 : vector<256x128xf32>
    %min3A_290 = arith.minimumf %slice3A_273, %slice3A_274 : vector<256x128xf32>
    %min3A_291 = arith.minimumf %min3A_275, %min3A_276 : vector<256x128xf32>
    %min3A_292 = arith.minimumf %min3A_277, %min3A_278 : vector<256x128xf32>
    %min3A_293 = arith.minimumf %min3A_279, %min3A_280 : vector<256x128xf32>
    %min3A_294 = arith.minimumf %min3A_281, %min3A_282 : vector<256x128xf32>
    %min3A_295 = arith.minimumf %min3A_283, %min3A_284 : vector<256x128xf32>
    %min3A_296 = arith.minimumf %min3A_285, %min3A_286 : vector<256x128xf32>
    %min3A_297 = arith.minimumf %min3A_287, %min3A_288 : vector<256x128xf32>
    %min3A_298 = arith.minimumf %min3A_289, %min3A_290 : vector<256x128xf32>
    %min3A_299 = arith.minimumf %min3A_291, %min3A_292 : vector<256x128xf32>
    %min3A_300 = arith.minimumf %min3A_293, %min3A_294 : vector<256x128xf32>
    %min3A_301 = arith.minimumf %min3A_295, %min3A_296 : vector<256x128xf32>
    %min3A_302 = arith.minimumf %min3A_297, %min3A_298 : vector<256x128xf32>
    %min3A_303 = arith.minimumf %min3A_299, %min3A_300 : vector<256x128xf32>
    %min3A_304 = arith.minimumf %min3A_301, %min3A_302 : vector<256x128xf32>
    %min3A_305 = arith.minimumf %min3A_303, %min3A_304 : vector<256x128xf32>
    %reduce_min3A_306 = arith.constant dense<0x7F800000> : vector<256xf32>
    %reduce_min3A_307 = vector.multi_reduction <minimumf>, %min3A_305, %reduce_min3A_306 [1] : vector<256x128xf32> to vector<256xf32>
    %broadcast_in_dim3A_308 = vector.shape_cast %reduce_min3A_307 : vector<256xf32> to vector<256x1xf32>
    %eq3A_309 = vector.broadcast %broadcast_in_dim3A_308 : vector<256x1xf32> to vector<256x4096xf32>
    %eq3A_310 = arith.cmpf oeq, %convert_element_type3A_36, %eq3A_309 : vector<256x4096xf32>
    %jit3A_311 = arith.constant 0x7F800000 : f32
    %broadcast_in_dim3A_312 = vector.broadcast %jit3A_311 : f32 to vector<256x4096xf32>
    %select_n3A_313 = arith.select %eq3A_310, %broadcast_in_dim3A_312, %select_n3A_171 : vector<256x4096xi1>, vector<256x4096xf32>
    %slice3A_314 = vector.extract_strided_slice %select_n3A_313 {offsets = [0, 0], sizes = [256, 128], strides = [1, 1]} : vector<256x4096xf32> to vector<256x128xf32>
    %slice3A_315 = vector.extract_strided_slice %select_n3A_313 {offsets = [0, 128], sizes = [256, 128], strides = [1, 1]} : vector<256x4096xf32> to vector<256x128xf32>
    %slice3A_316 = vector.extract_strided_slice %select_n3A_313 {offsets = [0, 256], sizes = [256, 128], strides = [1, 1]} : vector<256x4096xf32> to vector<256x128xf32>
    %slice3A_317 = vector.extract_strided_slice %select_n3A_313 {offsets = [0, 384], sizes = [256, 128], strides = [1, 1]} : vector<256x4096xf32> to vector<256x128xf32>
    %slice3A_318 = vector.extract_strided_slice %select_n3A_313 {offsets = [0, 512], sizes = [256, 128], strides = [1, 1]} : vector<256x4096xf32> to vector<256x128xf32>
    %slice3A_319 = vector.extract_strided_slice %select_n3A_313 {offsets = [0, 640], sizes = [256, 128], strides = [1, 1]} : vector<256x4096xf32> to vector<256x128xf32>
    %slice3A_320 = vector.extract_strided_slice %select_n3A_313 {offsets = [0, 768], sizes = [256, 128], strides = [1, 1]} : vector<256x4096xf32> to vector<256x128xf32>
    %slice3A_321 = vector.extract_strided_slice %select_n3A_313 {offsets = [0, 896], sizes = [256, 128], strides = [1, 1]} : vector<256x4096xf32> to vector<256x128xf32>
    %slice3A_322 = vector.extract_strided_slice %select_n3A_313 {offsets = [0, 1024], sizes = [256, 128], strides = [1, 1]} : vector<256x4096xf32> to vector<256x128xf32>
    %slice3A_323 = vector.extract_strided_slice %select_n3A_313 {offsets = [0, 1152], sizes = [256, 128], strides = [1, 1]} : vector<256x4096xf32> to vector<256x128xf32>
    %slice3A_324 = vector.extract_strided_slice %select_n3A_313 {offsets = [0, 1280], sizes = [256, 128], strides = [1, 1]} : vector<256x4096xf32> to vector<256x128xf32>
    %slice3A_325 = vector.extract_strided_slice %select_n3A_313 {offsets = [0, 1408], sizes = [256, 128], strides = [1, 1]} : vector<256x4096xf32> to vector<256x128xf32>
    %slice3A_326 = vector.extract_strided_slice %select_n3A_313 {offsets = [0, 1536], sizes = [256, 128], strides = [1, 1]} : vector<256x4096xf32> to vector<256x128xf32>
    %slice3A_327 = vector.extract_strided_slice %select_n3A_313 {offsets = [0, 1664], sizes = [256, 128], strides = [1, 1]} : vector<256x4096xf32> to vector<256x128xf32>
    %slice3A_328 = vector.extract_strided_slice %select_n3A_313 {offsets = [0, 1792], sizes = [256, 128], strides = [1, 1]} : vector<256x4096xf32> to vector<256x128xf32>
    %slice3A_329 = vector.extract_strided_slice %select_n3A_313 {offsets = [0, 1920], sizes = [256, 128], strides = [1, 1]} : vector<256x4096xf32> to vector<256x128xf32>
    %slice3A_330 = vector.extract_strided_slice %select_n3A_313 {offsets = [0, 2048], sizes = [256, 128], strides = [1, 1]} : vector<256x4096xf32> to vector<256x128xf32>
    %slice3A_331 = vector.extract_strided_slice %select_n3A_313 {offsets = [0, 2176], sizes = [256, 128], strides = [1, 1]} : vector<256x4096xf32> to vector<256x128xf32>
    %slice3A_332 = vector.extract_strided_slice %select_n3A_313 {offsets = [0, 2304], sizes = [256, 128], strides = [1, 1]} : vector<256x4096xf32> to vector<256x128xf32>
    %slice3A_333 = vector.extract_strided_slice %select_n3A_313 {offsets = [0, 2432], sizes = [256, 128], strides = [1, 1]} : vector<256x4096xf32> to vector<256x128xf32>
    %slice3A_334 = vector.extract_strided_slice %select_n3A_313 {offsets = [0, 2560], sizes = [256, 128], strides = [1, 1]} : vector<256x4096xf32> to vector<256x128xf32>
    %slice3A_335 = vector.extract_strided_slice %select_n3A_313 {offsets = [0, 2688], sizes = [256, 128], strides = [1, 1]} : vector<256x4096xf32> to vector<256x128xf32>
    %slice3A_336 = vector.extract_strided_slice %select_n3A_313 {offsets = [0, 2816], sizes = [256, 128], strides = [1, 1]} : vector<256x4096xf32> to vector<256x128xf32>
    %slice3A_337 = vector.extract_strided_slice %select_n3A_313 {offsets = [0, 2944], sizes = [256, 128], strides = [1, 1]} : vector<256x4096xf32> to vector<256x128xf32>
    %slice3A_338 = vector.extract_strided_slice %select_n3A_313 {offsets = [0, 3072], sizes = [256, 128], strides = [1, 1]} : vector<256x4096xf32> to vector<256x128xf32>
    %slice3A_339 = vector.extract_strided_slice %select_n3A_313 {offsets = [0, 3200], sizes = [256, 128], strides = [1, 1]} : vector<256x4096xf32> to vector<256x128xf32>
    %slice3A_340 = vector.extract_strided_slice %select_n3A_313 {offsets = [0, 3328], sizes = [256, 128], strides = [1, 1]} : vector<256x4096xf32> to vector<256x128xf32>
    %slice3A_341 = vector.extract_strided_slice %select_n3A_313 {offsets = [0, 3456], sizes = [256, 128], strides = [1, 1]} : vector<256x4096xf32> to vector<256x128xf32>
    %slice3A_342 = vector.extract_strided_slice %select_n3A_313 {offsets = [0, 3584], sizes = [256, 128], strides = [1, 1]} : vector<256x4096xf32> to vector<256x128xf32>
    %slice3A_343 = vector.extract_strided_slice %select_n3A_313 {offsets = [0, 3712], sizes = [256, 128], strides = [1, 1]} : vector<256x4096xf32> to vector<256x128xf32>
    %slice3A_344 = vector.extract_strided_slice %select_n3A_313 {offsets = [0, 3840], sizes = [256, 128], strides = [1, 1]} : vector<256x4096xf32> to vector<256x128xf32>
    %slice3A_345 = vector.extract_strided_slice %select_n3A_313 {offsets = [0, 3968], sizes = [256, 128], strides = [1, 1]} : vector<256x4096xf32> to vector<256x128xf32>
    %min3A_346 = arith.minimumf %slice3A_314, %slice3A_315 : vector<256x128xf32>
    %min3A_347 = arith.minimumf %slice3A_316, %slice3A_317 : vector<256x128xf32>
    %min3A_348 = arith.minimumf %slice3A_318, %slice3A_319 : vector<256x128xf32>
    %min3A_349 = arith.minimumf %slice3A_320, %slice3A_321 : vector<256x128xf32>
    %min3A_350 = arith.minimumf %slice3A_322, %slice3A_323 : vector<256x128xf32>
    %min3A_351 = arith.minimumf %slice3A_324, %slice3A_325 : vector<256x128xf32>
    %min3A_352 = arith.minimumf %slice3A_326, %slice3A_327 : vector<256x128xf32>
    %min3A_353 = arith.minimumf %slice3A_328, %slice3A_329 : vector<256x128xf32>
    %min3A_354 = arith.minimumf %slice3A_330, %slice3A_331 : vector<256x128xf32>
    %min3A_355 = arith.minimumf %slice3A_332, %slice3A_333 : vector<256x128xf32>
    %min3A_356 = arith.minimumf %slice3A_334, %slice3A_335 : vector<256x128xf32>
    %min3A_357 = arith.minimumf %slice3A_336, %slice3A_337 : vector<256x128xf32>
    %min3A_358 = arith.minimumf %slice3A_338, %slice3A_339 : vector<256x128xf32>
    %min3A_359 = arith.minimumf %slice3A_340, %slice3A_341 : vector<256x128xf32>
    %min3A_360 = arith.minimumf %slice3A_342, %slice3A_343 : vector<256x128xf32>
    %min3A_361 = arith.minimumf %slice3A_344, %slice3A_345 : vector<256x128xf32>
    %min3A_362 = arith.minimumf %min3A_346, %min3A_347 : vector<256x128xf32>
    %min3A_363 = arith.minimumf %min3A_348, %min3A_349 : vector<256x128xf32>
    %min3A_364 = arith.minimumf %min3A_350, %min3A_351 : vector<256x128xf32>
    %min3A_365 = arith.minimumf %min3A_352, %min3A_353 : vector<256x128xf32>
    %min3A_366 = arith.minimumf %min3A_354, %min3A_355 : vector<256x128xf32>
    %min3A_367 = arith.minimumf %min3A_356, %min3A_357 : vector<256x128xf32>
    %min3A_368 = arith.minimumf %min3A_358, %min3A_359 : vector<256x128xf32>
    %min3A_369 = arith.minimumf %min3A_360, %min3A_361 : vector<256x128xf32>
    %min3A_370 = arith.minimumf %min3A_362, %min3A_363 : vector<256x128xf32>
    %min3A_371 = arith.minimumf %min3A_364, %min3A_365 : vector<256x128xf32>
    %min3A_372 = arith.minimumf %min3A_366, %min3A_367 : vector<256x128xf32>
    %min3A_373 = arith.minimumf %min3A_368, %min3A_369 : vector<256x128xf32>
    %min3A_374 = arith.minimumf %min3A_370, %min3A_371 : vector<256x128xf32>
    %min3A_375 = arith.minimumf %min3A_372, %min3A_373 : vector<256x128xf32>
    %min3A_376 = arith.minimumf %min3A_374, %min3A_375 : vector<256x128xf32>
    %reduce_min3A_377 = arith.constant dense<0x7F800000> : vector<256xf32>
    %reduce_min3A_378 = vector.multi_reduction <minimumf>, %min3A_376, %reduce_min3A_377 [1] : vector<256x128xf32> to vector<256xf32>
    %broadcast_in_dim3A_379 = vector.shape_cast %reduce_min3A_378 : vector<256xf32> to vector<256x1xf32>
    %le3A_380 = vector.broadcast %broadcast_in_dim3A_379 : vector<256x1xf32> to vector<256x4096xf32>
    %le3A_381 = arith.cmpf ole, %select_n3A_313, %le3A_380 : vector<256x4096xf32>
    %jit3A_382 = arith.constant 8.192000e+03 : f32
    %broadcast_in_dim3A_383 = vector.broadcast %jit3A_382 : f32 to vector<256x4096xf32>
    %select_n3A_384 = arith.select %le3A_381, %convert_element_type3A_36, %broadcast_in_dim3A_383 : vector<256x4096xi1>, vector<256x4096xf32>
    %slice3A_385 = vector.extract_strided_slice %select_n3A_384 {offsets = [0, 0], sizes = [256, 128], strides = [1, 1]} : vector<256x4096xf32> to vector<256x128xf32>
    %slice3A_386 = vector.extract_strided_slice %select_n3A_384 {offsets = [0, 128], sizes = [256, 128], strides = [1, 1]} : vector<256x4096xf32> to vector<256x128xf32>
    %slice3A_387 = vector.extract_strided_slice %select_n3A_384 {offsets = [0, 256], sizes = [256, 128], strides = [1, 1]} : vector<256x4096xf32> to vector<256x128xf32>
    %slice3A_388 = vector.extract_strided_slice %select_n3A_384 {offsets = [0, 384], sizes = [256, 128], strides = [1, 1]} : vector<256x4096xf32> to vector<256x128xf32>
    %slice3A_389 = vector.extract_strided_slice %select_n3A_384 {offsets = [0, 512], sizes = [256, 128], strides = [1, 1]} : vector<256x4096xf32> to vector<256x128xf32>
    %slice3A_390 = vector.extract_strided_slice %select_n3A_384 {offsets = [0, 640], sizes = [256, 128], strides = [1, 1]} : vector<256x4096xf32> to vector<256x128xf32>
    %slice3A_391 = vector.extract_strided_slice %select_n3A_384 {offsets = [0, 768], sizes = [256, 128], strides = [1, 1]} : vector<256x4096xf32> to vector<256x128xf32>
    %slice3A_392 = vector.extract_strided_slice %select_n3A_384 {offsets = [0, 896], sizes = [256, 128], strides = [1, 1]} : vector<256x4096xf32> to vector<256x128xf32>
    %slice3A_393 = vector.extract_strided_slice %select_n3A_384 {offsets = [0, 1024], sizes = [256, 128], strides = [1, 1]} : vector<256x4096xf32> to vector<256x128xf32>
    %slice3A_394 = vector.extract_strided_slice %select_n3A_384 {offsets = [0, 1152], sizes = [256, 128], strides = [1, 1]} : vector<256x4096xf32> to vector<256x128xf32>
    %slice3A_395 = vector.extract_strided_slice %select_n3A_384 {offsets = [0, 1280], sizes = [256, 128], strides = [1, 1]} : vector<256x4096xf32> to vector<256x128xf32>
    %slice3A_396 = vector.extract_strided_slice %select_n3A_384 {offsets = [0, 1408], sizes = [256, 128], strides = [1, 1]} : vector<256x4096xf32> to vector<256x128xf32>
    %slice3A_397 = vector.extract_strided_slice %select_n3A_384 {offsets = [0, 1536], sizes = [256, 128], strides = [1, 1]} : vector<256x4096xf32> to vector<256x128xf32>
    %slice3A_398 = vector.extract_strided_slice %select_n3A_384 {offsets = [0, 1664], sizes = [256, 128], strides = [1, 1]} : vector<256x4096xf32> to vector<256x128xf32>
    %slice3A_399 = vector.extract_strided_slice %select_n3A_384 {offsets = [0, 1792], sizes = [256, 128], strides = [1, 1]} : vector<256x4096xf32> to vector<256x128xf32>
    %slice3A_400 = vector.extract_strided_slice %select_n3A_384 {offsets = [0, 1920], sizes = [256, 128], strides = [1, 1]} : vector<256x4096xf32> to vector<256x128xf32>
    %slice3A_401 = vector.extract_strided_slice %select_n3A_384 {offsets = [0, 2048], sizes = [256, 128], strides = [1, 1]} : vector<256x4096xf32> to vector<256x128xf32>
    %slice3A_402 = vector.extract_strided_slice %select_n3A_384 {offsets = [0, 2176], sizes = [256, 128], strides = [1, 1]} : vector<256x4096xf32> to vector<256x128xf32>
    %slice3A_403 = vector.extract_strided_slice %select_n3A_384 {offsets = [0, 2304], sizes = [256, 128], strides = [1, 1]} : vector<256x4096xf32> to vector<256x128xf32>
    %slice3A_404 = vector.extract_strided_slice %select_n3A_384 {offsets = [0, 2432], sizes = [256, 128], strides = [1, 1]} : vector<256x4096xf32> to vector<256x128xf32>
    %slice3A_405 = vector.extract_strided_slice %select_n3A_384 {offsets = [0, 2560], sizes = [256, 128], strides = [1, 1]} : vector<256x4096xf32> to vector<256x128xf32>
    %slice3A_406 = vector.extract_strided_slice %select_n3A_384 {offsets = [0, 2688], sizes = [256, 128], strides = [1, 1]} : vector<256x4096xf32> to vector<256x128xf32>
    %slice3A_407 = vector.extract_strided_slice %select_n3A_384 {offsets = [0, 2816], sizes = [256, 128], strides = [1, 1]} : vector<256x4096xf32> to vector<256x128xf32>
    %slice3A_408 = vector.extract_strided_slice %select_n3A_384 {offsets = [0, 2944], sizes = [256, 128], strides = [1, 1]} : vector<256x4096xf32> to vector<256x128xf32>
    %slice3A_409 = vector.extract_strided_slice %select_n3A_384 {offsets = [0, 3072], sizes = [256, 128], strides = [1, 1]} : vector<256x4096xf32> to vector<256x128xf32>
    %slice3A_410 = vector.extract_strided_slice %select_n3A_384 {offsets = [0, 3200], sizes = [256, 128], strides = [1, 1]} : vector<256x4096xf32> to vector<256x128xf32>
    %slice3A_411 = vector.extract_strided_slice %select_n3A_384 {offsets = [0, 3328], sizes = [256, 128], strides = [1, 1]} : vector<256x4096xf32> to vector<256x128xf32>
    %slice3A_412 = vector.extract_strided_slice %select_n3A_384 {offsets = [0, 3456], sizes = [256, 128], strides = [1, 1]} : vector<256x4096xf32> to vector<256x128xf32>
    %slice3A_413 = vector.extract_strided_slice %select_n3A_384 {offsets = [0, 3584], sizes = [256, 128], strides = [1, 1]} : vector<256x4096xf32> to vector<256x128xf32>
    %slice3A_414 = vector.extract_strided_slice %select_n3A_384 {offsets = [0, 3712], sizes = [256, 128], strides = [1, 1]} : vector<256x4096xf32> to vector<256x128xf32>
    %slice3A_415 = vector.extract_strided_slice %select_n3A_384 {offsets = [0, 3840], sizes = [256, 128], strides = [1, 1]} : vector<256x4096xf32> to vector<256x128xf32>
    %slice3A_416 = vector.extract_strided_slice %select_n3A_384 {offsets = [0, 3968], sizes = [256, 128], strides = [1, 1]} : vector<256x4096xf32> to vector<256x128xf32>
    %min3A_417 = arith.minimumf %slice3A_385, %slice3A_386 : vector<256x128xf32>
    %min3A_418 = arith.minimumf %slice3A_387, %slice3A_388 : vector<256x128xf32>
    %min3A_419 = arith.minimumf %slice3A_389, %slice3A_390 : vector<256x128xf32>
    %min3A_420 = arith.minimumf %slice3A_391, %slice3A_392 : vector<256x128xf32>
    %min3A_421 = arith.minimumf %slice3A_393, %slice3A_394 : vector<256x128xf32>
    %min3A_422 = arith.minimumf %slice3A_395, %slice3A_396 : vector<256x128xf32>
    %min3A_423 = arith.minimumf %slice3A_397, %slice3A_398 : vector<256x128xf32>
    %min3A_424 = arith.minimumf %slice3A_399, %slice3A_400 : vector<256x128xf32>
    %min3A_425 = arith.minimumf %slice3A_401, %slice3A_402 : vector<256x128xf32>
    %min3A_426 = arith.minimumf %slice3A_403, %slice3A_404 : vector<256x128xf32>
    %min3A_427 = arith.minimumf %slice3A_405, %slice3A_406 : vector<256x128xf32>
    %min3A_428 = arith.minimumf %slice3A_407, %slice3A_408 : vector<256x128xf32>
    %min3A_429 = arith.minimumf %slice3A_409, %slice3A_410 : vector<256x128xf32>
    %min3A_430 = arith.minimumf %slice3A_411, %slice3A_412 : vector<256x128xf32>
    %min3A_431 = arith.minimumf %slice3A_413, %slice3A_414 : vector<256x128xf32>
    %min3A_432 = arith.minimumf %slice3A_415, %slice3A_416 : vector<256x128xf32>
    %min3A_433 = arith.minimumf %min3A_417, %min3A_418 : vector<256x128xf32>
    %min3A_434 = arith.minimumf %min3A_419, %min3A_420 : vector<256x128xf32>
    %min3A_435 = arith.minimumf %min3A_421, %min3A_422 : vector<256x128xf32>
    %min3A_436 = arith.minimumf %min3A_423, %min3A_424 : vector<256x128xf32>
    %min3A_437 = arith.minimumf %min3A_425, %min3A_426 : vector<256x128xf32>
    %min3A_438 = arith.minimumf %min3A_427, %min3A_428 : vector<256x128xf32>
    %min3A_439 = arith.minimumf %min3A_429, %min3A_430 : vector<256x128xf32>
    %min3A_440 = arith.minimumf %min3A_431, %min3A_432 : vector<256x128xf32>
    %min3A_441 = arith.minimumf %min3A_433, %min3A_434 : vector<256x128xf32>
    %min3A_442 = arith.minimumf %min3A_435, %min3A_436 : vector<256x128xf32>
    %min3A_443 = arith.minimumf %min3A_437, %min3A_438 : vector<256x128xf32>
    %min3A_444 = arith.minimumf %min3A_439, %min3A_440 : vector<256x128xf32>
    %min3A_445 = arith.minimumf %min3A_441, %min3A_442 : vector<256x128xf32>
    %min3A_446 = arith.minimumf %min3A_443, %min3A_444 : vector<256x128xf32>
    %min3A_447 = arith.minimumf %min3A_445, %min3A_446 : vector<256x128xf32>
    %reduce_min3A_448 = arith.constant dense<0x7F800000> : vector<256xf32>
    %reduce_min3A_449 = vector.multi_reduction <minimumf>, %min3A_447, %reduce_min3A_448 [1] : vector<256x128xf32> to vector<256xf32>
    %broadcast_in_dim3A_450 = vector.shape_cast %reduce_min3A_449 : vector<256xf32> to vector<256x1xf32>
    %eq3A_451 = vector.broadcast %broadcast_in_dim3A_450 : vector<256x1xf32> to vector<256x4096xf32>
    %eq3A_452 = arith.cmpf oeq, %convert_element_type3A_36, %eq3A_451 : vector<256x4096xf32>
    %jit3A_453 = arith.constant 0x7F800000 : f32
    %broadcast_in_dim3A_454 = vector.broadcast %jit3A_453 : f32 to vector<256x4096xf32>
    %select_n3A_455 = arith.select %eq3A_452, %broadcast_in_dim3A_454, %select_n3A_313 : vector<256x4096xi1>, vector<256x4096xf32>
    %slice3A_456 = vector.extract_strided_slice %select_n3A_455 {offsets = [0, 0], sizes = [256, 128], strides = [1, 1]} : vector<256x4096xf32> to vector<256x128xf32>
    %slice3A_457 = vector.extract_strided_slice %select_n3A_455 {offsets = [0, 128], sizes = [256, 128], strides = [1, 1]} : vector<256x4096xf32> to vector<256x128xf32>
    %slice3A_458 = vector.extract_strided_slice %select_n3A_455 {offsets = [0, 256], sizes = [256, 128], strides = [1, 1]} : vector<256x4096xf32> to vector<256x128xf32>
    %slice3A_459 = vector.extract_strided_slice %select_n3A_455 {offsets = [0, 384], sizes = [256, 128], strides = [1, 1]} : vector<256x4096xf32> to vector<256x128xf32>
    %slice3A_460 = vector.extract_strided_slice %select_n3A_455 {offsets = [0, 512], sizes = [256, 128], strides = [1, 1]} : vector<256x4096xf32> to vector<256x128xf32>
    %slice3A_461 = vector.extract_strided_slice %select_n3A_455 {offsets = [0, 640], sizes = [256, 128], strides = [1, 1]} : vector<256x4096xf32> to vector<256x128xf32>
    %slice3A_462 = vector.extract_strided_slice %select_n3A_455 {offsets = [0, 768], sizes = [256, 128], strides = [1, 1]} : vector<256x4096xf32> to vector<256x128xf32>
    %slice3A_463 = vector.extract_strided_slice %select_n3A_455 {offsets = [0, 896], sizes = [256, 128], strides = [1, 1]} : vector<256x4096xf32> to vector<256x128xf32>
    %slice3A_464 = vector.extract_strided_slice %select_n3A_455 {offsets = [0, 1024], sizes = [256, 128], strides = [1, 1]} : vector<256x4096xf32> to vector<256x128xf32>
    %slice3A_465 = vector.extract_strided_slice %select_n3A_455 {offsets = [0, 1152], sizes = [256, 128], strides = [1, 1]} : vector<256x4096xf32> to vector<256x128xf32>
    %slice3A_466 = vector.extract_strided_slice %select_n3A_455 {offsets = [0, 1280], sizes = [256, 128], strides = [1, 1]} : vector<256x4096xf32> to vector<256x128xf32>
    %slice3A_467 = vector.extract_strided_slice %select_n3A_455 {offsets = [0, 1408], sizes = [256, 128], strides = [1, 1]} : vector<256x4096xf32> to vector<256x128xf32>
    %slice3A_468 = vector.extract_strided_slice %select_n3A_455 {offsets = [0, 1536], sizes = [256, 128], strides = [1, 1]} : vector<256x4096xf32> to vector<256x128xf32>
    %slice3A_469 = vector.extract_strided_slice %select_n3A_455 {offsets = [0, 1664], sizes = [256, 128], strides = [1, 1]} : vector<256x4096xf32> to vector<256x128xf32>
    %slice3A_470 = vector.extract_strided_slice %select_n3A_455 {offsets = [0, 1792], sizes = [256, 128], strides = [1, 1]} : vector<256x4096xf32> to vector<256x128xf32>
    %slice3A_471 = vector.extract_strided_slice %select_n3A_455 {offsets = [0, 1920], sizes = [256, 128], strides = [1, 1]} : vector<256x4096xf32> to vector<256x128xf32>
    %slice3A_472 = vector.extract_strided_slice %select_n3A_455 {offsets = [0, 2048], sizes = [256, 128], strides = [1, 1]} : vector<256x4096xf32> to vector<256x128xf32>
    %slice3A_473 = vector.extract_strided_slice %select_n3A_455 {offsets = [0, 2176], sizes = [256, 128], strides = [1, 1]} : vector<256x4096xf32> to vector<256x128xf32>
    %slice3A_474 = vector.extract_strided_slice %select_n3A_455 {offsets = [0, 2304], sizes = [256, 128], strides = [1, 1]} : vector<256x4096xf32> to vector<256x128xf32>
    %slice3A_475 = vector.extract_strided_slice %select_n3A_455 {offsets = [0, 2432], sizes = [256, 128], strides = [1, 1]} : vector<256x4096xf32> to vector<256x128xf32>
    %slice3A_476 = vector.extract_strided_slice %select_n3A_455 {offsets = [0, 2560], sizes = [256, 128], strides = [1, 1]} : vector<256x4096xf32> to vector<256x128xf32>
    %slice3A_477 = vector.extract_strided_slice %select_n3A_455 {offsets = [0, 2688], sizes = [256, 128], strides = [1, 1]} : vector<256x4096xf32> to vector<256x128xf32>
    %slice3A_478 = vector.extract_strided_slice %select_n3A_455 {offsets = [0, 2816], sizes = [256, 128], strides = [1, 1]} : vector<256x4096xf32> to vector<256x128xf32>
    %slice3A_479 = vector.extract_strided_slice %select_n3A_455 {offsets = [0, 2944], sizes = [256, 128], strides = [1, 1]} : vector<256x4096xf32> to vector<256x128xf32>
    %slice3A_480 = vector.extract_strided_slice %select_n3A_455 {offsets = [0, 3072], sizes = [256, 128], strides = [1, 1]} : vector<256x4096xf32> to vector<256x128xf32>
    %slice3A_481 = vector.extract_strided_slice %select_n3A_455 {offsets = [0, 3200], sizes = [256, 128], strides = [1, 1]} : vector<256x4096xf32> to vector<256x128xf32>
    %slice3A_482 = vector.extract_strided_slice %select_n3A_455 {offsets = [0, 3328], sizes = [256, 128], strides = [1, 1]} : vector<256x4096xf32> to vector<256x128xf32>
    %slice3A_483 = vector.extract_strided_slice %select_n3A_455 {offsets = [0, 3456], sizes = [256, 128], strides = [1, 1]} : vector<256x4096xf32> to vector<256x128xf32>
    %slice3A_484 = vector.extract_strided_slice %select_n3A_455 {offsets = [0, 3584], sizes = [256, 128], strides = [1, 1]} : vector<256x4096xf32> to vector<256x128xf32>
    %slice3A_485 = vector.extract_strided_slice %select_n3A_455 {offsets = [0, 3712], sizes = [256, 128], strides = [1, 1]} : vector<256x4096xf32> to vector<256x128xf32>
    %slice3A_486 = vector.extract_strided_slice %select_n3A_455 {offsets = [0, 3840], sizes = [256, 128], strides = [1, 1]} : vector<256x4096xf32> to vector<256x128xf32>
    %slice3A_487 = vector.extract_strided_slice %select_n3A_455 {offsets = [0, 3968], sizes = [256, 128], strides = [1, 1]} : vector<256x4096xf32> to vector<256x128xf32>
    %min3A_488 = arith.minimumf %slice3A_456, %slice3A_457 : vector<256x128xf32>
    %min3A_489 = arith.minimumf %slice3A_458, %slice3A_459 : vector<256x128xf32>
    %min3A_490 = arith.minimumf %slice3A_460, %slice3A_461 : vector<256x128xf32>
    %min3A_491 = arith.minimumf %slice3A_462, %slice3A_463 : vector<256x128xf32>
    %min3A_492 = arith.minimumf %slice3A_464, %slice3A_465 : vector<256x128xf32>
    %min3A_493 = arith.minimumf %slice3A_466, %slice3A_467 : vector<256x128xf32>
    %min3A_494 = arith.minimumf %slice3A_468, %slice3A_469 : vector<256x128xf32>
    %min3A_495 = arith.minimumf %slice3A_470, %slice3A_471 : vector<256x128xf32>
    %min3A_496 = arith.minimumf %slice3A_472, %slice3A_473 : vector<256x128xf32>
    %min3A_497 = arith.minimumf %slice3A_474, %slice3A_475 : vector<256x128xf32>
    %min3A_498 = arith.minimumf %slice3A_476, %slice3A_477 : vector<256x128xf32>
    %min3A_499 = arith.minimumf %slice3A_478, %slice3A_479 : vector<256x128xf32>
    %min3A_500 = arith.minimumf %slice3A_480, %slice3A_481 : vector<256x128xf32>
    %min3A_501 = arith.minimumf %slice3A_482, %slice3A_483 : vector<256x128xf32>
    %min3A_502 = arith.minimumf %slice3A_484, %slice3A_485 : vector<256x128xf32>
    %min3A_503 = arith.minimumf %slice3A_486, %slice3A_487 : vector<256x128xf32>
    %min3A_504 = arith.minimumf %min3A_488, %min3A_489 : vector<256x128xf32>
    %min3A_505 = arith.minimumf %min3A_490, %min3A_491 : vector<256x128xf32>
    %min3A_506 = arith.minimumf %min3A_492, %min3A_493 : vector<256x128xf32>
    %min3A_507 = arith.minimumf %min3A_494, %min3A_495 : vector<256x128xf32>
    %min3A_508 = arith.minimumf %min3A_496, %min3A_497 : vector<256x128xf32>
    %min3A_509 = arith.minimumf %min3A_498, %min3A_499 : vector<256x128xf32>
    %min3A_510 = arith.minimumf %min3A_500, %min3A_501 : vector<256x128xf32>
    %min3A_511 = arith.minimumf %min3A_502, %min3A_503 : vector<256x128xf32>
    %min3A_512 = arith.minimumf %min3A_504, %min3A_505 : vector<256x128xf32>
    %min3A_513 = arith.minimumf %min3A_506, %min3A_507 : vector<256x128xf32>
    %min3A_514 = arith.minimumf %min3A_508, %min3A_509 : vector<256x128xf32>
    %min3A_515 = arith.minimumf %min3A_510, %min3A_511 : vector<256x128xf32>
    %min3A_516 = arith.minimumf %min3A_512, %min3A_513 : vector<256x128xf32>
    %min3A_517 = arith.minimumf %min3A_514, %min3A_515 : vector<256x128xf32>
    %min3A_518 = arith.minimumf %min3A_516, %min3A_517 : vector<256x128xf32>
    %reduce_min3A_519 = arith.constant dense<0x7F800000> : vector<256xf32>
    %reduce_min3A_520 = vector.multi_reduction <minimumf>, %min3A_518, %reduce_min3A_519 [1] : vector<256x128xf32> to vector<256xf32>
    %broadcast_in_dim3A_521 = vector.shape_cast %reduce_min3A_520 : vector<256xf32> to vector<256x1xf32>
    %le3A_522 = vector.broadcast %broadcast_in_dim3A_521 : vector<256x1xf32> to vector<256x4096xf32>
    %le3A_523 = arith.cmpf ole, %select_n3A_455, %le3A_522 : vector<256x4096xf32>
    %jit3A_524 = arith.constant 8.192000e+03 : f32
    %broadcast_in_dim3A_525 = vector.broadcast %jit3A_524 : f32 to vector<256x4096xf32>
    %select_n3A_526 = arith.select %le3A_523, %convert_element_type3A_36, %broadcast_in_dim3A_525 : vector<256x4096xi1>, vector<256x4096xf32>
    %slice3A_527 = vector.extract_strided_slice %select_n3A_526 {offsets = [0, 0], sizes = [256, 128], strides = [1, 1]} : vector<256x4096xf32> to vector<256x128xf32>
    %slice3A_528 = vector.extract_strided_slice %select_n3A_526 {offsets = [0, 128], sizes = [256, 128], strides = [1, 1]} : vector<256x4096xf32> to vector<256x128xf32>
    %slice3A_529 = vector.extract_strided_slice %select_n3A_526 {offsets = [0, 256], sizes = [256, 128], strides = [1, 1]} : vector<256x4096xf32> to vector<256x128xf32>
    %slice3A_530 = vector.extract_strided_slice %select_n3A_526 {offsets = [0, 384], sizes = [256, 128], strides = [1, 1]} : vector<256x4096xf32> to vector<256x128xf32>
    %slice3A_531 = vector.extract_strided_slice %select_n3A_526 {offsets = [0, 512], sizes = [256, 128], strides = [1, 1]} : vector<256x4096xf32> to vector<256x128xf32>
    %slice3A_532 = vector.extract_strided_slice %select_n3A_526 {offsets = [0, 640], sizes = [256, 128], strides = [1, 1]} : vector<256x4096xf32> to vector<256x128xf32>
    %slice3A_533 = vector.extract_strided_slice %select_n3A_526 {offsets = [0, 768], sizes = [256, 128], strides = [1, 1]} : vector<256x4096xf32> to vector<256x128xf32>
    %slice3A_534 = vector.extract_strided_slice %select_n3A_526 {offsets = [0, 896], sizes = [256, 128], strides = [1, 1]} : vector<256x4096xf32> to vector<256x128xf32>
    %slice3A_535 = vector.extract_strided_slice %select_n3A_526 {offsets = [0, 1024], sizes = [256, 128], strides = [1, 1]} : vector<256x4096xf32> to vector<256x128xf32>
    %slice3A_536 = vector.extract_strided_slice %select_n3A_526 {offsets = [0, 1152], sizes = [256, 128], strides = [1, 1]} : vector<256x4096xf32> to vector<256x128xf32>
    %slice3A_537 = vector.extract_strided_slice %select_n3A_526 {offsets = [0, 1280], sizes = [256, 128], strides = [1, 1]} : vector<256x4096xf32> to vector<256x128xf32>
    %slice3A_538 = vector.extract_strided_slice %select_n3A_526 {offsets = [0, 1408], sizes = [256, 128], strides = [1, 1]} : vector<256x4096xf32> to vector<256x128xf32>
    %slice3A_539 = vector.extract_strided_slice %select_n3A_526 {offsets = [0, 1536], sizes = [256, 128], strides = [1, 1]} : vector<256x4096xf32> to vector<256x128xf32>
    %slice3A_540 = vector.extract_strided_slice %select_n3A_526 {offsets = [0, 1664], sizes = [256, 128], strides = [1, 1]} : vector<256x4096xf32> to vector<256x128xf32>
    %slice3A_541 = vector.extract_strided_slice %select_n3A_526 {offsets = [0, 1792], sizes = [256, 128], strides = [1, 1]} : vector<256x4096xf32> to vector<256x128xf32>
    %slice3A_542 = vector.extract_strided_slice %select_n3A_526 {offsets = [0, 1920], sizes = [256, 128], strides = [1, 1]} : vector<256x4096xf32> to vector<256x128xf32>
    %slice3A_543 = vector.extract_strided_slice %select_n3A_526 {offsets = [0, 2048], sizes = [256, 128], strides = [1, 1]} : vector<256x4096xf32> to vector<256x128xf32>
    %slice3A_544 = vector.extract_strided_slice %select_n3A_526 {offsets = [0, 2176], sizes = [256, 128], strides = [1, 1]} : vector<256x4096xf32> to vector<256x128xf32>
    %slice3A_545 = vector.extract_strided_slice %select_n3A_526 {offsets = [0, 2304], sizes = [256, 128], strides = [1, 1]} : vector<256x4096xf32> to vector<256x128xf32>
    %slice3A_546 = vector.extract_strided_slice %select_n3A_526 {offsets = [0, 2432], sizes = [256, 128], strides = [1, 1]} : vector<256x4096xf32> to vector<256x128xf32>
    %slice3A_547 = vector.extract_strided_slice %select_n3A_526 {offsets = [0, 2560], sizes = [256, 128], strides = [1, 1]} : vector<256x4096xf32> to vector<256x128xf32>
    %slice3A_548 = vector.extract_strided_slice %select_n3A_526 {offsets = [0, 2688], sizes = [256, 128], strides = [1, 1]} : vector<256x4096xf32> to vector<256x128xf32>
    %slice3A_549 = vector.extract_strided_slice %select_n3A_526 {offsets = [0, 2816], sizes = [256, 128], strides = [1, 1]} : vector<256x4096xf32> to vector<256x128xf32>
    %slice3A_550 = vector.extract_strided_slice %select_n3A_526 {offsets = [0, 2944], sizes = [256, 128], strides = [1, 1]} : vector<256x4096xf32> to vector<256x128xf32>
    %slice3A_551 = vector.extract_strided_slice %select_n3A_526 {offsets = [0, 3072], sizes = [256, 128], strides = [1, 1]} : vector<256x4096xf32> to vector<256x128xf32>
    %slice3A_552 = vector.extract_strided_slice %select_n3A_526 {offsets = [0, 3200], sizes = [256, 128], strides = [1, 1]} : vector<256x4096xf32> to vector<256x128xf32>
    %slice3A_553 = vector.extract_strided_slice %select_n3A_526 {offsets = [0, 3328], sizes = [256, 128], strides = [1, 1]} : vector<256x4096xf32> to vector<256x128xf32>
    %slice3A_554 = vector.extract_strided_slice %select_n3A_526 {offsets = [0, 3456], sizes = [256, 128], strides = [1, 1]} : vector<256x4096xf32> to vector<256x128xf32>
    %slice3A_555 = vector.extract_strided_slice %select_n3A_526 {offsets = [0, 3584], sizes = [256, 128], strides = [1, 1]} : vector<256x4096xf32> to vector<256x128xf32>
    %slice3A_556 = vector.extract_strided_slice %select_n3A_526 {offsets = [0, 3712], sizes = [256, 128], strides = [1, 1]} : vector<256x4096xf32> to vector<256x128xf32>
    %slice3A_557 = vector.extract_strided_slice %select_n3A_526 {offsets = [0, 3840], sizes = [256, 128], strides = [1, 1]} : vector<256x4096xf32> to vector<256x128xf32>
    %slice3A_558 = vector.extract_strided_slice %select_n3A_526 {offsets = [0, 3968], sizes = [256, 128], strides = [1, 1]} : vector<256x4096xf32> to vector<256x128xf32>
    %min3A_559 = arith.minimumf %slice3A_527, %slice3A_528 : vector<256x128xf32>
    %min3A_560 = arith.minimumf %slice3A_529, %slice3A_530 : vector<256x128xf32>
    %min3A_561 = arith.minimumf %slice3A_531, %slice3A_532 : vector<256x128xf32>
    %min3A_562 = arith.minimumf %slice3A_533, %slice3A_534 : vector<256x128xf32>
    %min3A_563 = arith.minimumf %slice3A_535, %slice3A_536 : vector<256x128xf32>
    %min3A_564 = arith.minimumf %slice3A_537, %slice3A_538 : vector<256x128xf32>
    %min3A_565 = arith.minimumf %slice3A_539, %slice3A_540 : vector<256x128xf32>
    %min3A_566 = arith.minimumf %slice3A_541, %slice3A_542 : vector<256x128xf32>
    %min3A_567 = arith.minimumf %slice3A_543, %slice3A_544 : vector<256x128xf32>
    %min3A_568 = arith.minimumf %slice3A_545, %slice3A_546 : vector<256x128xf32>
    %min3A_569 = arith.minimumf %slice3A_547, %slice3A_548 : vector<256x128xf32>
    %min3A_570 = arith.minimumf %slice3A_549, %slice3A_550 : vector<256x128xf32>
    %min3A_571 = arith.minimumf %slice3A_551, %slice3A_552 : vector<256x128xf32>
    %min3A_572 = arith.minimumf %slice3A_553, %slice3A_554 : vector<256x128xf32>
    %min3A_573 = arith.minimumf %slice3A_555, %slice3A_556 : vector<256x128xf32>
    %min3A_574 = arith.minimumf %slice3A_557, %slice3A_558 : vector<256x128xf32>
    %min3A_575 = arith.minimumf %min3A_559, %min3A_560 : vector<256x128xf32>
    %min3A_576 = arith.minimumf %min3A_561, %min3A_562 : vector<256x128xf32>
    %min3A_577 = arith.minimumf %min3A_563, %min3A_564 : vector<256x128xf32>
    %min3A_578 = arith.minimumf %min3A_565, %min3A_566 : vector<256x128xf32>
    %min3A_579 = arith.minimumf %min3A_567, %min3A_568 : vector<256x128xf32>
    %min3A_580 = arith.minimumf %min3A_569, %min3A_570 : vector<256x128xf32>
    %min3A_581 = arith.minimumf %min3A_571, %min3A_572 : vector<256x128xf32>
    %min3A_582 = arith.minimumf %min3A_573, %min3A_574 : vector<256x128xf32>
    %min3A_583 = arith.minimumf %min3A_575, %min3A_576 : vector<256x128xf32>
    %min3A_584 = arith.minimumf %min3A_577, %min3A_578 : vector<256x128xf32>
    %min3A_585 = arith.minimumf %min3A_579, %min3A_580 : vector<256x128xf32>
    %min3A_586 = arith.minimumf %min3A_581, %min3A_582 : vector<256x128xf32>
    %min3A_587 = arith.minimumf %min3A_583, %min3A_584 : vector<256x128xf32>
    %min3A_588 = arith.minimumf %min3A_585, %min3A_586 : vector<256x128xf32>
    %min3A_589 = arith.minimumf %min3A_587, %min3A_588 : vector<256x128xf32>
    %reduce_min3A_590 = arith.constant dense<0x7F800000> : vector<256xf32>
    %reduce_min3A_591 = vector.multi_reduction <minimumf>, %min3A_589, %reduce_min3A_590 [1] : vector<256x128xf32> to vector<256xf32>
    %broadcast_in_dim3A_592 = vector.shape_cast %reduce_min3A_591 : vector<256xf32> to vector<256x1xf32>
    %eq3A_593 = vector.broadcast %broadcast_in_dim3A_592 : vector<256x1xf32> to vector<256x4096xf32>
    %eq3A_594 = arith.cmpf oeq, %convert_element_type3A_36, %eq3A_593 : vector<256x4096xf32>
    %jit3A_595 = arith.constant 0x7F800000 : f32
    %broadcast_in_dim3A_596 = vector.broadcast %jit3A_595 : f32 to vector<256x4096xf32>
    %select_n3A_597 = arith.select %eq3A_594, %broadcast_in_dim3A_596, %select_n3A_455 : vector<256x4096xi1>, vector<256x4096xf32>
    %slice3A_598 = vector.extract_strided_slice %select_n3A_597 {offsets = [0, 0], sizes = [256, 128], strides = [1, 1]} : vector<256x4096xf32> to vector<256x128xf32>
    %slice3A_599 = vector.extract_strided_slice %select_n3A_597 {offsets = [0, 128], sizes = [256, 128], strides = [1, 1]} : vector<256x4096xf32> to vector<256x128xf32>
    %slice3A_600 = vector.extract_strided_slice %select_n3A_597 {offsets = [0, 256], sizes = [256, 128], strides = [1, 1]} : vector<256x4096xf32> to vector<256x128xf32>
    %slice3A_601 = vector.extract_strided_slice %select_n3A_597 {offsets = [0, 384], sizes = [256, 128], strides = [1, 1]} : vector<256x4096xf32> to vector<256x128xf32>
    %slice3A_602 = vector.extract_strided_slice %select_n3A_597 {offsets = [0, 512], sizes = [256, 128], strides = [1, 1]} : vector<256x4096xf32> to vector<256x128xf32>
    %slice3A_603 = vector.extract_strided_slice %select_n3A_597 {offsets = [0, 640], sizes = [256, 128], strides = [1, 1]} : vector<256x4096xf32> to vector<256x128xf32>
    %slice3A_604 = vector.extract_strided_slice %select_n3A_597 {offsets = [0, 768], sizes = [256, 128], strides = [1, 1]} : vector<256x4096xf32> to vector<256x128xf32>
    %slice3A_605 = vector.extract_strided_slice %select_n3A_597 {offsets = [0, 896], sizes = [256, 128], strides = [1, 1]} : vector<256x4096xf32> to vector<256x128xf32>
    %slice3A_606 = vector.extract_strided_slice %select_n3A_597 {offsets = [0, 1024], sizes = [256, 128], strides = [1, 1]} : vector<256x4096xf32> to vector<256x128xf32>
    %slice3A_607 = vector.extract_strided_slice %select_n3A_597 {offsets = [0, 1152], sizes = [256, 128], strides = [1, 1]} : vector<256x4096xf32> to vector<256x128xf32>
    %slice3A_608 = vector.extract_strided_slice %select_n3A_597 {offsets = [0, 1280], sizes = [256, 128], strides = [1, 1]} : vector<256x4096xf32> to vector<256x128xf32>
    %slice3A_609 = vector.extract_strided_slice %select_n3A_597 {offsets = [0, 1408], sizes = [256, 128], strides = [1, 1]} : vector<256x4096xf32> to vector<256x128xf32>
    %slice3A_610 = vector.extract_strided_slice %select_n3A_597 {offsets = [0, 1536], sizes = [256, 128], strides = [1, 1]} : vector<256x4096xf32> to vector<256x128xf32>
    %slice3A_611 = vector.extract_strided_slice %select_n3A_597 {offsets = [0, 1664], sizes = [256, 128], strides = [1, 1]} : vector<256x4096xf32> to vector<256x128xf32>
    %slice3A_612 = vector.extract_strided_slice %select_n3A_597 {offsets = [0, 1792], sizes = [256, 128], strides = [1, 1]} : vector<256x4096xf32> to vector<256x128xf32>
    %slice3A_613 = vector.extract_strided_slice %select_n3A_597 {offsets = [0, 1920], sizes = [256, 128], strides = [1, 1]} : vector<256x4096xf32> to vector<256x128xf32>
    %slice3A_614 = vector.extract_strided_slice %select_n3A_597 {offsets = [0, 2048], sizes = [256, 128], strides = [1, 1]} : vector<256x4096xf32> to vector<256x128xf32>
    %slice3A_615 = vector.extract_strided_slice %select_n3A_597 {offsets = [0, 2176], sizes = [256, 128], strides = [1, 1]} : vector<256x4096xf32> to vector<256x128xf32>
    %slice3A_616 = vector.extract_strided_slice %select_n3A_597 {offsets = [0, 2304], sizes = [256, 128], strides = [1, 1]} : vector<256x4096xf32> to vector<256x128xf32>
    %slice3A_617 = vector.extract_strided_slice %select_n3A_597 {offsets = [0, 2432], sizes = [256, 128], strides = [1, 1]} : vector<256x4096xf32> to vector<256x128xf32>
    %slice3A_618 = vector.extract_strided_slice %select_n3A_597 {offsets = [0, 2560], sizes = [256, 128], strides = [1, 1]} : vector<256x4096xf32> to vector<256x128xf32>
    %slice3A_619 = vector.extract_strided_slice %select_n3A_597 {offsets = [0, 2688], sizes = [256, 128], strides = [1, 1]} : vector<256x4096xf32> to vector<256x128xf32>
    %slice3A_620 = vector.extract_strided_slice %select_n3A_597 {offsets = [0, 2816], sizes = [256, 128], strides = [1, 1]} : vector<256x4096xf32> to vector<256x128xf32>
    %slice3A_621 = vector.extract_strided_slice %select_n3A_597 {offsets = [0, 2944], sizes = [256, 128], strides = [1, 1]} : vector<256x4096xf32> to vector<256x128xf32>
    %slice3A_622 = vector.extract_strided_slice %select_n3A_597 {offsets = [0, 3072], sizes = [256, 128], strides = [1, 1]} : vector<256x4096xf32> to vector<256x128xf32>
    %slice3A_623 = vector.extract_strided_slice %select_n3A_597 {offsets = [0, 3200], sizes = [256, 128], strides = [1, 1]} : vector<256x4096xf32> to vector<256x128xf32>
    %slice3A_624 = vector.extract_strided_slice %select_n3A_597 {offsets = [0, 3328], sizes = [256, 128], strides = [1, 1]} : vector<256x4096xf32> to vector<256x128xf32>
    %slice3A_625 = vector.extract_strided_slice %select_n3A_597 {offsets = [0, 3456], sizes = [256, 128], strides = [1, 1]} : vector<256x4096xf32> to vector<256x128xf32>
    %slice3A_626 = vector.extract_strided_slice %select_n3A_597 {offsets = [0, 3584], sizes = [256, 128], strides = [1, 1]} : vector<256x4096xf32> to vector<256x128xf32>
    %slice3A_627 = vector.extract_strided_slice %select_n3A_597 {offsets = [0, 3712], sizes = [256, 128], strides = [1, 1]} : vector<256x4096xf32> to vector<256x128xf32>
    %slice3A_628 = vector.extract_strided_slice %select_n3A_597 {offsets = [0, 3840], sizes = [256, 128], strides = [1, 1]} : vector<256x4096xf32> to vector<256x128xf32>
    %slice3A_629 = vector.extract_strided_slice %select_n3A_597 {offsets = [0, 3968], sizes = [256, 128], strides = [1, 1]} : vector<256x4096xf32> to vector<256x128xf32>
    %min3A_630 = arith.minimumf %slice3A_598, %slice3A_599 : vector<256x128xf32>
    %min3A_631 = arith.minimumf %slice3A_600, %slice3A_601 : vector<256x128xf32>
    %min3A_632 = arith.minimumf %slice3A_602, %slice3A_603 : vector<256x128xf32>
    %min3A_633 = arith.minimumf %slice3A_604, %slice3A_605 : vector<256x128xf32>
    %min3A_634 = arith.minimumf %slice3A_606, %slice3A_607 : vector<256x128xf32>
    %min3A_635 = arith.minimumf %slice3A_608, %slice3A_609 : vector<256x128xf32>
    %min3A_636 = arith.minimumf %slice3A_610, %slice3A_611 : vector<256x128xf32>
    %min3A_637 = arith.minimumf %slice3A_612, %slice3A_613 : vector<256x128xf32>
    %min3A_638 = arith.minimumf %slice3A_614, %slice3A_615 : vector<256x128xf32>
    %min3A_639 = arith.minimumf %slice3A_616, %slice3A_617 : vector<256x128xf32>
    %min3A_640 = arith.minimumf %slice3A_618, %slice3A_619 : vector<256x128xf32>
    %min3A_641 = arith.minimumf %slice3A_620, %slice3A_621 : vector<256x128xf32>
    %min3A_642 = arith.minimumf %slice3A_622, %slice3A_623 : vector<256x128xf32>
    %min3A_643 = arith.minimumf %slice3A_624, %slice3A_625 : vector<256x128xf32>
    %min3A_644 = arith.minimumf %slice3A_626, %slice3A_627 : vector<256x128xf32>
    %min3A_645 = arith.minimumf %slice3A_628, %slice3A_629 : vector<256x128xf32>
    %min3A_646 = arith.minimumf %min3A_630, %min3A_631 : vector<256x128xf32>
    %min3A_647 = arith.minimumf %min3A_632, %min3A_633 : vector<256x128xf32>
    %min3A_648 = arith.minimumf %min3A_634, %min3A_635 : vector<256x128xf32>
    %min3A_649 = arith.minimumf %min3A_636, %min3A_637 : vector<256x128xf32>
    %min3A_650 = arith.minimumf %min3A_638, %min3A_639 : vector<256x128xf32>
    %min3A_651 = arith.minimumf %min3A_640, %min3A_641 : vector<256x128xf32>
    %min3A_652 = arith.minimumf %min3A_642, %min3A_643 : vector<256x128xf32>
    %min3A_653 = arith.minimumf %min3A_644, %min3A_645 : vector<256x128xf32>
    %min3A_654 = arith.minimumf %min3A_646, %min3A_647 : vector<256x128xf32>
    %min3A_655 = arith.minimumf %min3A_648, %min3A_649 : vector<256x128xf32>
    %min3A_656 = arith.minimumf %min3A_650, %min3A_651 : vector<256x128xf32>
    %min3A_657 = arith.minimumf %min3A_652, %min3A_653 : vector<256x128xf32>
    %min3A_658 = arith.minimumf %min3A_654, %min3A_655 : vector<256x128xf32>
    %min3A_659 = arith.minimumf %min3A_656, %min3A_657 : vector<256x128xf32>
    %min3A_660 = arith.minimumf %min3A_658, %min3A_659 : vector<256x128xf32>
    %reduce_min3A_661 = arith.constant dense<0x7F800000> : vector<256xf32>
    %reduce_min3A_662 = vector.multi_reduction <minimumf>, %min3A_660, %reduce_min3A_661 [1] : vector<256x128xf32> to vector<256xf32>
    %broadcast_in_dim3A_663 = vector.shape_cast %reduce_min3A_662 : vector<256xf32> to vector<256x1xf32>
    %le3A_664 = vector.broadcast %broadcast_in_dim3A_663 : vector<256x1xf32> to vector<256x4096xf32>
    %le3A_665 = arith.cmpf ole, %select_n3A_597, %le3A_664 : vector<256x4096xf32>
    %jit3A_666 = arith.constant 8.192000e+03 : f32
    %broadcast_in_dim3A_667 = vector.broadcast %jit3A_666 : f32 to vector<256x4096xf32>
    %select_n3A_668 = arith.select %le3A_665, %convert_element_type3A_36, %broadcast_in_dim3A_667 : vector<256x4096xi1>, vector<256x4096xf32>
    %slice3A_669 = vector.extract_strided_slice %select_n3A_668 {offsets = [0, 0], sizes = [256, 128], strides = [1, 1]} : vector<256x4096xf32> to vector<256x128xf32>
    %slice3A_670 = vector.extract_strided_slice %select_n3A_668 {offsets = [0, 128], sizes = [256, 128], strides = [1, 1]} : vector<256x4096xf32> to vector<256x128xf32>
    %slice3A_671 = vector.extract_strided_slice %select_n3A_668 {offsets = [0, 256], sizes = [256, 128], strides = [1, 1]} : vector<256x4096xf32> to vector<256x128xf32>
    %slice3A_672 = vector.extract_strided_slice %select_n3A_668 {offsets = [0, 384], sizes = [256, 128], strides = [1, 1]} : vector<256x4096xf32> to vector<256x128xf32>
    %slice3A_673 = vector.extract_strided_slice %select_n3A_668 {offsets = [0, 512], sizes = [256, 128], strides = [1, 1]} : vector<256x4096xf32> to vector<256x128xf32>
    %slice3A_674 = vector.extract_strided_slice %select_n3A_668 {offsets = [0, 640], sizes = [256, 128], strides = [1, 1]} : vector<256x4096xf32> to vector<256x128xf32>
    %slice3A_675 = vector.extract_strided_slice %select_n3A_668 {offsets = [0, 768], sizes = [256, 128], strides = [1, 1]} : vector<256x4096xf32> to vector<256x128xf32>
    %slice3A_676 = vector.extract_strided_slice %select_n3A_668 {offsets = [0, 896], sizes = [256, 128], strides = [1, 1]} : vector<256x4096xf32> to vector<256x128xf32>
    %slice3A_677 = vector.extract_strided_slice %select_n3A_668 {offsets = [0, 1024], sizes = [256, 128], strides = [1, 1]} : vector<256x4096xf32> to vector<256x128xf32>
    %slice3A_678 = vector.extract_strided_slice %select_n3A_668 {offsets = [0, 1152], sizes = [256, 128], strides = [1, 1]} : vector<256x4096xf32> to vector<256x128xf32>
    %slice3A_679 = vector.extract_strided_slice %select_n3A_668 {offsets = [0, 1280], sizes = [256, 128], strides = [1, 1]} : vector<256x4096xf32> to vector<256x128xf32>
    %slice3A_680 = vector.extract_strided_slice %select_n3A_668 {offsets = [0, 1408], sizes = [256, 128], strides = [1, 1]} : vector<256x4096xf32> to vector<256x128xf32>
    %slice3A_681 = vector.extract_strided_slice %select_n3A_668 {offsets = [0, 1536], sizes = [256, 128], strides = [1, 1]} : vector<256x4096xf32> to vector<256x128xf32>
    %slice3A_682 = vector.extract_strided_slice %select_n3A_668 {offsets = [0, 1664], sizes = [256, 128], strides = [1, 1]} : vector<256x4096xf32> to vector<256x128xf32>
    %slice3A_683 = vector.extract_strided_slice %select_n3A_668 {offsets = [0, 1792], sizes = [256, 128], strides = [1, 1]} : vector<256x4096xf32> to vector<256x128xf32>
    %slice3A_684 = vector.extract_strided_slice %select_n3A_668 {offsets = [0, 1920], sizes = [256, 128], strides = [1, 1]} : vector<256x4096xf32> to vector<256x128xf32>
    %slice3A_685 = vector.extract_strided_slice %select_n3A_668 {offsets = [0, 2048], sizes = [256, 128], strides = [1, 1]} : vector<256x4096xf32> to vector<256x128xf32>
    %slice3A_686 = vector.extract_strided_slice %select_n3A_668 {offsets = [0, 2176], sizes = [256, 128], strides = [1, 1]} : vector<256x4096xf32> to vector<256x128xf32>
    %slice3A_687 = vector.extract_strided_slice %select_n3A_668 {offsets = [0, 2304], sizes = [256, 128], strides = [1, 1]} : vector<256x4096xf32> to vector<256x128xf32>
    %slice3A_688 = vector.extract_strided_slice %select_n3A_668 {offsets = [0, 2432], sizes = [256, 128], strides = [1, 1]} : vector<256x4096xf32> to vector<256x128xf32>
    %slice3A_689 = vector.extract_strided_slice %select_n3A_668 {offsets = [0, 2560], sizes = [256, 128], strides = [1, 1]} : vector<256x4096xf32> to vector<256x128xf32>
    %slice3A_690 = vector.extract_strided_slice %select_n3A_668 {offsets = [0, 2688], sizes = [256, 128], strides = [1, 1]} : vector<256x4096xf32> to vector<256x128xf32>
    %slice3A_691 = vector.extract_strided_slice %select_n3A_668 {offsets = [0, 2816], sizes = [256, 128], strides = [1, 1]} : vector<256x4096xf32> to vector<256x128xf32>
    %slice3A_692 = vector.extract_strided_slice %select_n3A_668 {offsets = [0, 2944], sizes = [256, 128], strides = [1, 1]} : vector<256x4096xf32> to vector<256x128xf32>
    %slice3A_693 = vector.extract_strided_slice %select_n3A_668 {offsets = [0, 3072], sizes = [256, 128], strides = [1, 1]} : vector<256x4096xf32> to vector<256x128xf32>
    %slice3A_694 = vector.extract_strided_slice %select_n3A_668 {offsets = [0, 3200], sizes = [256, 128], strides = [1, 1]} : vector<256x4096xf32> to vector<256x128xf32>
    %slice3A_695 = vector.extract_strided_slice %select_n3A_668 {offsets = [0, 3328], sizes = [256, 128], strides = [1, 1]} : vector<256x4096xf32> to vector<256x128xf32>
    %slice3A_696 = vector.extract_strided_slice %select_n3A_668 {offsets = [0, 3456], sizes = [256, 128], strides = [1, 1]} : vector<256x4096xf32> to vector<256x128xf32>
    %slice3A_697 = vector.extract_strided_slice %select_n3A_668 {offsets = [0, 3584], sizes = [256, 128], strides = [1, 1]} : vector<256x4096xf32> to vector<256x128xf32>
    %slice3A_698 = vector.extract_strided_slice %select_n3A_668 {offsets = [0, 3712], sizes = [256, 128], strides = [1, 1]} : vector<256x4096xf32> to vector<256x128xf32>
    %slice3A_699 = vector.extract_strided_slice %select_n3A_668 {offsets = [0, 3840], sizes = [256, 128], strides = [1, 1]} : vector<256x4096xf32> to vector<256x128xf32>
    %slice3A_700 = vector.extract_strided_slice %select_n3A_668 {offsets = [0, 3968], sizes = [256, 128], strides = [1, 1]} : vector<256x4096xf32> to vector<256x128xf32>
    %min3A_701 = arith.minimumf %slice3A_669, %slice3A_670 : vector<256x128xf32>
    %min3A_702 = arith.minimumf %slice3A_671, %slice3A_672 : vector<256x128xf32>
    %min3A_703 = arith.minimumf %slice3A_673, %slice3A_674 : vector<256x128xf32>
    %min3A_704 = arith.minimumf %slice3A_675, %slice3A_676 : vector<256x128xf32>
    %min3A_705 = arith.minimumf %slice3A_677, %slice3A_678 : vector<256x128xf32>
    %min3A_706 = arith.minimumf %slice3A_679, %slice3A_680 : vector<256x128xf32>
    %min3A_707 = arith.minimumf %slice3A_681, %slice3A_682 : vector<256x128xf32>
    %min3A_708 = arith.minimumf %slice3A_683, %slice3A_684 : vector<256x128xf32>
    %min3A_709 = arith.minimumf %slice3A_685, %slice3A_686 : vector<256x128xf32>
    %min3A_710 = arith.minimumf %slice3A_687, %slice3A_688 : vector<256x128xf32>
    %min3A_711 = arith.minimumf %slice3A_689, %slice3A_690 : vector<256x128xf32>
    %min3A_712 = arith.minimumf %slice3A_691, %slice3A_692 : vector<256x128xf32>
    %min3A_713 = arith.minimumf %slice3A_693, %slice3A_694 : vector<256x128xf32>
    %min3A_714 = arith.minimumf %slice3A_695, %slice3A_696 : vector<256x128xf32>
    %min3A_715 = arith.minimumf %slice3A_697, %slice3A_698 : vector<256x128xf32>
    %min3A_716 = arith.minimumf %slice3A_699, %slice3A_700 : vector<256x128xf32>
    %min3A_717 = arith.minimumf %min3A_701, %min3A_702 : vector<256x128xf32>
    %min3A_718 = arith.minimumf %min3A_703, %min3A_704 : vector<256x128xf32>
    %min3A_719 = arith.minimumf %min3A_705, %min3A_706 : vector<256x128xf32>
    %min3A_720 = arith.minimumf %min3A_707, %min3A_708 : vector<256x128xf32>
    %min3A_721 = arith.minimumf %min3A_709, %min3A_710 : vector<256x128xf32>
    %min3A_722 = arith.minimumf %min3A_711, %min3A_712 : vector<256x128xf32>
    %min3A_723 = arith.minimumf %min3A_713, %min3A_714 : vector<256x128xf32>
    %min3A_724 = arith.minimumf %min3A_715, %min3A_716 : vector<256x128xf32>
    %min3A_725 = arith.minimumf %min3A_717, %min3A_718 : vector<256x128xf32>
    %min3A_726 = arith.minimumf %min3A_719, %min3A_720 : vector<256x128xf32>
    %min3A_727 = arith.minimumf %min3A_721, %min3A_722 : vector<256x128xf32>
    %min3A_728 = arith.minimumf %min3A_723, %min3A_724 : vector<256x128xf32>
    %min3A_729 = arith.minimumf %min3A_725, %min3A_726 : vector<256x128xf32>
    %min3A_730 = arith.minimumf %min3A_727, %min3A_728 : vector<256x128xf32>
    %min3A_731 = arith.minimumf %min3A_729, %min3A_730 : vector<256x128xf32>
    %reduce_min3A_732 = arith.constant dense<0x7F800000> : vector<256xf32>
    %reduce_min3A_733 = vector.multi_reduction <minimumf>, %min3A_731, %reduce_min3A_732 [1] : vector<256x128xf32> to vector<256xf32>
    %broadcast_in_dim3A_734 = vector.shape_cast %reduce_min3A_733 : vector<256xf32> to vector<256x1xf32>
    %eq3A_735 = vector.broadcast %broadcast_in_dim3A_734 : vector<256x1xf32> to vector<256x4096xf32>
    %eq3A_736 = arith.cmpf oeq, %convert_element_type3A_36, %eq3A_735 : vector<256x4096xf32>
    %jit3A_737 = arith.constant 0x7F800000 : f32
    %broadcast_in_dim3A_738 = vector.broadcast %jit3A_737 : f32 to vector<256x4096xf32>
    %select_n3A_739 = arith.select %eq3A_736, %broadcast_in_dim3A_738, %select_n3A_597 : vector<256x4096xi1>, vector<256x4096xf32>
    %slice3A_740 = vector.extract_strided_slice %select_n3A_739 {offsets = [0, 0], sizes = [256, 128], strides = [1, 1]} : vector<256x4096xf32> to vector<256x128xf32>
    %slice3A_741 = vector.extract_strided_slice %select_n3A_739 {offsets = [0, 128], sizes = [256, 128], strides = [1, 1]} : vector<256x4096xf32> to vector<256x128xf32>
    %slice3A_742 = vector.extract_strided_slice %select_n3A_739 {offsets = [0, 256], sizes = [256, 128], strides = [1, 1]} : vector<256x4096xf32> to vector<256x128xf32>
    %slice3A_743 = vector.extract_strided_slice %select_n3A_739 {offsets = [0, 384], sizes = [256, 128], strides = [1, 1]} : vector<256x4096xf32> to vector<256x128xf32>
    %slice3A_744 = vector.extract_strided_slice %select_n3A_739 {offsets = [0, 512], sizes = [256, 128], strides = [1, 1]} : vector<256x4096xf32> to vector<256x128xf32>
    %slice3A_745 = vector.extract_strided_slice %select_n3A_739 {offsets = [0, 640], sizes = [256, 128], strides = [1, 1]} : vector<256x4096xf32> to vector<256x128xf32>
    %slice3A_746 = vector.extract_strided_slice %select_n3A_739 {offsets = [0, 768], sizes = [256, 128], strides = [1, 1]} : vector<256x4096xf32> to vector<256x128xf32>
    %slice3A_747 = vector.extract_strided_slice %select_n3A_739 {offsets = [0, 896], sizes = [256, 128], strides = [1, 1]} : vector<256x4096xf32> to vector<256x128xf32>
    %slice3A_748 = vector.extract_strided_slice %select_n3A_739 {offsets = [0, 1024], sizes = [256, 128], strides = [1, 1]} : vector<256x4096xf32> to vector<256x128xf32>
    %slice3A_749 = vector.extract_strided_slice %select_n3A_739 {offsets = [0, 1152], sizes = [256, 128], strides = [1, 1]} : vector<256x4096xf32> to vector<256x128xf32>
    %slice3A_750 = vector.extract_strided_slice %select_n3A_739 {offsets = [0, 1280], sizes = [256, 128], strides = [1, 1]} : vector<256x4096xf32> to vector<256x128xf32>
    %slice3A_751 = vector.extract_strided_slice %select_n3A_739 {offsets = [0, 1408], sizes = [256, 128], strides = [1, 1]} : vector<256x4096xf32> to vector<256x128xf32>
    %slice3A_752 = vector.extract_strided_slice %select_n3A_739 {offsets = [0, 1536], sizes = [256, 128], strides = [1, 1]} : vector<256x4096xf32> to vector<256x128xf32>
    %slice3A_753 = vector.extract_strided_slice %select_n3A_739 {offsets = [0, 1664], sizes = [256, 128], strides = [1, 1]} : vector<256x4096xf32> to vector<256x128xf32>
    %slice3A_754 = vector.extract_strided_slice %select_n3A_739 {offsets = [0, 1792], sizes = [256, 128], strides = [1, 1]} : vector<256x4096xf32> to vector<256x128xf32>
    %slice3A_755 = vector.extract_strided_slice %select_n3A_739 {offsets = [0, 1920], sizes = [256, 128], strides = [1, 1]} : vector<256x4096xf32> to vector<256x128xf32>
    %slice3A_756 = vector.extract_strided_slice %select_n3A_739 {offsets = [0, 2048], sizes = [256, 128], strides = [1, 1]} : vector<256x4096xf32> to vector<256x128xf32>
    %slice3A_757 = vector.extract_strided_slice %select_n3A_739 {offsets = [0, 2176], sizes = [256, 128], strides = [1, 1]} : vector<256x4096xf32> to vector<256x128xf32>
    %slice3A_758 = vector.extract_strided_slice %select_n3A_739 {offsets = [0, 2304], sizes = [256, 128], strides = [1, 1]} : vector<256x4096xf32> to vector<256x128xf32>
    %slice3A_759 = vector.extract_strided_slice %select_n3A_739 {offsets = [0, 2432], sizes = [256, 128], strides = [1, 1]} : vector<256x4096xf32> to vector<256x128xf32>
    %slice3A_760 = vector.extract_strided_slice %select_n3A_739 {offsets = [0, 2560], sizes = [256, 128], strides = [1, 1]} : vector<256x4096xf32> to vector<256x128xf32>
    %slice3A_761 = vector.extract_strided_slice %select_n3A_739 {offsets = [0, 2688], sizes = [256, 128], strides = [1, 1]} : vector<256x4096xf32> to vector<256x128xf32>
    %slice3A_762 = vector.extract_strided_slice %select_n3A_739 {offsets = [0, 2816], sizes = [256, 128], strides = [1, 1]} : vector<256x4096xf32> to vector<256x128xf32>
    %slice3A_763 = vector.extract_strided_slice %select_n3A_739 {offsets = [0, 2944], sizes = [256, 128], strides = [1, 1]} : vector<256x4096xf32> to vector<256x128xf32>
    %slice3A_764 = vector.extract_strided_slice %select_n3A_739 {offsets = [0, 3072], sizes = [256, 128], strides = [1, 1]} : vector<256x4096xf32> to vector<256x128xf32>
    %slice3A_765 = vector.extract_strided_slice %select_n3A_739 {offsets = [0, 3200], sizes = [256, 128], strides = [1, 1]} : vector<256x4096xf32> to vector<256x128xf32>
    %slice3A_766 = vector.extract_strided_slice %select_n3A_739 {offsets = [0, 3328], sizes = [256, 128], strides = [1, 1]} : vector<256x4096xf32> to vector<256x128xf32>
    %slice3A_767 = vector.extract_strided_slice %select_n3A_739 {offsets = [0, 3456], sizes = [256, 128], strides = [1, 1]} : vector<256x4096xf32> to vector<256x128xf32>
    %slice3A_768 = vector.extract_strided_slice %select_n3A_739 {offsets = [0, 3584], sizes = [256, 128], strides = [1, 1]} : vector<256x4096xf32> to vector<256x128xf32>
    %slice3A_769 = vector.extract_strided_slice %select_n3A_739 {offsets = [0, 3712], sizes = [256, 128], strides = [1, 1]} : vector<256x4096xf32> to vector<256x128xf32>
    %slice3A_770 = vector.extract_strided_slice %select_n3A_739 {offsets = [0, 3840], sizes = [256, 128], strides = [1, 1]} : vector<256x4096xf32> to vector<256x128xf32>
    %slice3A_771 = vector.extract_strided_slice %select_n3A_739 {offsets = [0, 3968], sizes = [256, 128], strides = [1, 1]} : vector<256x4096xf32> to vector<256x128xf32>
    %min3A_772 = arith.minimumf %slice3A_740, %slice3A_741 : vector<256x128xf32>
    %min3A_773 = arith.minimumf %slice3A_742, %slice3A_743 : vector<256x128xf32>
    %min3A_774 = arith.minimumf %slice3A_744, %slice3A_745 : vector<256x128xf32>
    %min3A_775 = arith.minimumf %slice3A_746, %slice3A_747 : vector<256x128xf32>
    %min3A_776 = arith.minimumf %slice3A_748, %slice3A_749 : vector<256x128xf32>
    %min3A_777 = arith.minimumf %slice3A_750, %slice3A_751 : vector<256x128xf32>
    %min3A_778 = arith.minimumf %slice3A_752, %slice3A_753 : vector<256x128xf32>
    %min3A_779 = arith.minimumf %slice3A_754, %slice3A_755 : vector<256x128xf32>
    %min3A_780 = arith.minimumf %slice3A_756, %slice3A_757 : vector<256x128xf32>
    %min3A_781 = arith.minimumf %slice3A_758, %slice3A_759 : vector<256x128xf32>
    %min3A_782 = arith.minimumf %slice3A_760, %slice3A_761 : vector<256x128xf32>
    %min3A_783 = arith.minimumf %slice3A_762, %slice3A_763 : vector<256x128xf32>
    %min3A_784 = arith.minimumf %slice3A_764, %slice3A_765 : vector<256x128xf32>
    %min3A_785 = arith.minimumf %slice3A_766, %slice3A_767 : vector<256x128xf32>
    %min3A_786 = arith.minimumf %slice3A_768, %slice3A_769 : vector<256x128xf32>
    %min3A_787 = arith.minimumf %slice3A_770, %slice3A_771 : vector<256x128xf32>
    %min3A_788 = arith.minimumf %min3A_772, %min3A_773 : vector<256x128xf32>
    %min3A_789 = arith.minimumf %min3A_774, %min3A_775 : vector<256x128xf32>
    %min3A_790 = arith.minimumf %min3A_776, %min3A_777 : vector<256x128xf32>
    %min3A_791 = arith.minimumf %min3A_778, %min3A_779 : vector<256x128xf32>
    %min3A_792 = arith.minimumf %min3A_780, %min3A_781 : vector<256x128xf32>
    %min3A_793 = arith.minimumf %min3A_782, %min3A_783 : vector<256x128xf32>
    %min3A_794 = arith.minimumf %min3A_784, %min3A_785 : vector<256x128xf32>
    %min3A_795 = arith.minimumf %min3A_786, %min3A_787 : vector<256x128xf32>
    %min3A_796 = arith.minimumf %min3A_788, %min3A_789 : vector<256x128xf32>
    %min3A_797 = arith.minimumf %min3A_790, %min3A_791 : vector<256x128xf32>
    %min3A_798 = arith.minimumf %min3A_792, %min3A_793 : vector<256x128xf32>
    %min3A_799 = arith.minimumf %min3A_794, %min3A_795 : vector<256x128xf32>
    %min3A_800 = arith.minimumf %min3A_796, %min3A_797 : vector<256x128xf32>
    %min3A_801 = arith.minimumf %min3A_798, %min3A_799 : vector<256x128xf32>
    %min3A_802 = arith.minimumf %min3A_800, %min3A_801 : vector<256x128xf32>
    %reduce_min3A_803 = arith.constant dense<0x7F800000> : vector<256xf32>
    %reduce_min3A_804 = vector.multi_reduction <minimumf>, %min3A_802, %reduce_min3A_803 [1] : vector<256x128xf32> to vector<256xf32>
    %broadcast_in_dim3A_805 = vector.shape_cast %reduce_min3A_804 : vector<256xf32> to vector<256x1xf32>
    %le3A_806 = vector.broadcast %broadcast_in_dim3A_805 : vector<256x1xf32> to vector<256x4096xf32>
    %le3A_807 = arith.cmpf ole, %select_n3A_739, %le3A_806 : vector<256x4096xf32>
    %jit3A_808 = arith.constant 8.192000e+03 : f32
    %broadcast_in_dim3A_809 = vector.broadcast %jit3A_808 : f32 to vector<256x4096xf32>
    %select_n3A_810 = arith.select %le3A_807, %convert_element_type3A_36, %broadcast_in_dim3A_809 : vector<256x4096xi1>, vector<256x4096xf32>
    %slice3A_811 = vector.extract_strided_slice %select_n3A_810 {offsets = [0, 0], sizes = [256, 128], strides = [1, 1]} : vector<256x4096xf32> to vector<256x128xf32>
    %slice3A_812 = vector.extract_strided_slice %select_n3A_810 {offsets = [0, 128], sizes = [256, 128], strides = [1, 1]} : vector<256x4096xf32> to vector<256x128xf32>
    %slice3A_813 = vector.extract_strided_slice %select_n3A_810 {offsets = [0, 256], sizes = [256, 128], strides = [1, 1]} : vector<256x4096xf32> to vector<256x128xf32>
    %slice3A_814 = vector.extract_strided_slice %select_n3A_810 {offsets = [0, 384], sizes = [256, 128], strides = [1, 1]} : vector<256x4096xf32> to vector<256x128xf32>
    %slice3A_815 = vector.extract_strided_slice %select_n3A_810 {offsets = [0, 512], sizes = [256, 128], strides = [1, 1]} : vector<256x4096xf32> to vector<256x128xf32>
    %slice3A_816 = vector.extract_strided_slice %select_n3A_810 {offsets = [0, 640], sizes = [256, 128], strides = [1, 1]} : vector<256x4096xf32> to vector<256x128xf32>
    %slice3A_817 = vector.extract_strided_slice %select_n3A_810 {offsets = [0, 768], sizes = [256, 128], strides = [1, 1]} : vector<256x4096xf32> to vector<256x128xf32>
    %slice3A_818 = vector.extract_strided_slice %select_n3A_810 {offsets = [0, 896], sizes = [256, 128], strides = [1, 1]} : vector<256x4096xf32> to vector<256x128xf32>
    %slice3A_819 = vector.extract_strided_slice %select_n3A_810 {offsets = [0, 1024], sizes = [256, 128], strides = [1, 1]} : vector<256x4096xf32> to vector<256x128xf32>
    %slice3A_820 = vector.extract_strided_slice %select_n3A_810 {offsets = [0, 1152], sizes = [256, 128], strides = [1, 1]} : vector<256x4096xf32> to vector<256x128xf32>
    %slice3A_821 = vector.extract_strided_slice %select_n3A_810 {offsets = [0, 1280], sizes = [256, 128], strides = [1, 1]} : vector<256x4096xf32> to vector<256x128xf32>
    %slice3A_822 = vector.extract_strided_slice %select_n3A_810 {offsets = [0, 1408], sizes = [256, 128], strides = [1, 1]} : vector<256x4096xf32> to vector<256x128xf32>
    %slice3A_823 = vector.extract_strided_slice %select_n3A_810 {offsets = [0, 1536], sizes = [256, 128], strides = [1, 1]} : vector<256x4096xf32> to vector<256x128xf32>
    %slice3A_824 = vector.extract_strided_slice %select_n3A_810 {offsets = [0, 1664], sizes = [256, 128], strides = [1, 1]} : vector<256x4096xf32> to vector<256x128xf32>
    %slice3A_825 = vector.extract_strided_slice %select_n3A_810 {offsets = [0, 1792], sizes = [256, 128], strides = [1, 1]} : vector<256x4096xf32> to vector<256x128xf32>
    %slice3A_826 = vector.extract_strided_slice %select_n3A_810 {offsets = [0, 1920], sizes = [256, 128], strides = [1, 1]} : vector<256x4096xf32> to vector<256x128xf32>
    %slice3A_827 = vector.extract_strided_slice %select_n3A_810 {offsets = [0, 2048], sizes = [256, 128], strides = [1, 1]} : vector<256x4096xf32> to vector<256x128xf32>
    %slice3A_828 = vector.extract_strided_slice %select_n3A_810 {offsets = [0, 2176], sizes = [256, 128], strides = [1, 1]} : vector<256x4096xf32> to vector<256x128xf32>
    %slice3A_829 = vector.extract_strided_slice %select_n3A_810 {offsets = [0, 2304], sizes = [256, 128], strides = [1, 1]} : vector<256x4096xf32> to vector<256x128xf32>
    %slice3A_830 = vector.extract_strided_slice %select_n3A_810 {offsets = [0, 2432], sizes = [256, 128], strides = [1, 1]} : vector<256x4096xf32> to vector<256x128xf32>
    %slice3A_831 = vector.extract_strided_slice %select_n3A_810 {offsets = [0, 2560], sizes = [256, 128], strides = [1, 1]} : vector<256x4096xf32> to vector<256x128xf32>
    %slice3A_832 = vector.extract_strided_slice %select_n3A_810 {offsets = [0, 2688], sizes = [256, 128], strides = [1, 1]} : vector<256x4096xf32> to vector<256x128xf32>
    %slice3A_833 = vector.extract_strided_slice %select_n3A_810 {offsets = [0, 2816], sizes = [256, 128], strides = [1, 1]} : vector<256x4096xf32> to vector<256x128xf32>
    %slice3A_834 = vector.extract_strided_slice %select_n3A_810 {offsets = [0, 2944], sizes = [256, 128], strides = [1, 1]} : vector<256x4096xf32> to vector<256x128xf32>
    %slice3A_835 = vector.extract_strided_slice %select_n3A_810 {offsets = [0, 3072], sizes = [256, 128], strides = [1, 1]} : vector<256x4096xf32> to vector<256x128xf32>
    %slice3A_836 = vector.extract_strided_slice %select_n3A_810 {offsets = [0, 3200], sizes = [256, 128], strides = [1, 1]} : vector<256x4096xf32> to vector<256x128xf32>
    %slice3A_837 = vector.extract_strided_slice %select_n3A_810 {offsets = [0, 3328], sizes = [256, 128], strides = [1, 1]} : vector<256x4096xf32> to vector<256x128xf32>
    %slice3A_838 = vector.extract_strided_slice %select_n3A_810 {offsets = [0, 3456], sizes = [256, 128], strides = [1, 1]} : vector<256x4096xf32> to vector<256x128xf32>
    %slice3A_839 = vector.extract_strided_slice %select_n3A_810 {offsets = [0, 3584], sizes = [256, 128], strides = [1, 1]} : vector<256x4096xf32> to vector<256x128xf32>
    %slice3A_840 = vector.extract_strided_slice %select_n3A_810 {offsets = [0, 3712], sizes = [256, 128], strides = [1, 1]} : vector<256x4096xf32> to vector<256x128xf32>
    %slice3A_841 = vector.extract_strided_slice %select_n3A_810 {offsets = [0, 3840], sizes = [256, 128], strides = [1, 1]} : vector<256x4096xf32> to vector<256x128xf32>
    %slice3A_842 = vector.extract_strided_slice %select_n3A_810 {offsets = [0, 3968], sizes = [256, 128], strides = [1, 1]} : vector<256x4096xf32> to vector<256x128xf32>
    %min3A_843 = arith.minimumf %slice3A_811, %slice3A_812 : vector<256x128xf32>
    %min3A_844 = arith.minimumf %slice3A_813, %slice3A_814 : vector<256x128xf32>
    %min3A_845 = arith.minimumf %slice3A_815, %slice3A_816 : vector<256x128xf32>
    %min3A_846 = arith.minimumf %slice3A_817, %slice3A_818 : vector<256x128xf32>
    %min3A_847 = arith.minimumf %slice3A_819, %slice3A_820 : vector<256x128xf32>
    %min3A_848 = arith.minimumf %slice3A_821, %slice3A_822 : vector<256x128xf32>
    %min3A_849 = arith.minimumf %slice3A_823, %slice3A_824 : vector<256x128xf32>
    %min3A_850 = arith.minimumf %slice3A_825, %slice3A_826 : vector<256x128xf32>
    %min3A_851 = arith.minimumf %slice3A_827, %slice3A_828 : vector<256x128xf32>
    %min3A_852 = arith.minimumf %slice3A_829, %slice3A_830 : vector<256x128xf32>
    %min3A_853 = arith.minimumf %slice3A_831, %slice3A_832 : vector<256x128xf32>
    %min3A_854 = arith.minimumf %slice3A_833, %slice3A_834 : vector<256x128xf32>
    %min3A_855 = arith.minimumf %slice3A_835, %slice3A_836 : vector<256x128xf32>
    %min3A_856 = arith.minimumf %slice3A_837, %slice3A_838 : vector<256x128xf32>
    %min3A_857 = arith.minimumf %slice3A_839, %slice3A_840 : vector<256x128xf32>
    %min3A_858 = arith.minimumf %slice3A_841, %slice3A_842 : vector<256x128xf32>
    %min3A_859 = arith.minimumf %min3A_843, %min3A_844 : vector<256x128xf32>
    %min3A_860 = arith.minimumf %min3A_845, %min3A_846 : vector<256x128xf32>
    %min3A_861 = arith.minimumf %min3A_847, %min3A_848 : vector<256x128xf32>
    %min3A_862 = arith.minimumf %min3A_849, %min3A_850 : vector<256x128xf32>
    %min3A_863 = arith.minimumf %min3A_851, %min3A_852 : vector<256x128xf32>
    %min3A_864 = arith.minimumf %min3A_853, %min3A_854 : vector<256x128xf32>
    %min3A_865 = arith.minimumf %min3A_855, %min3A_856 : vector<256x128xf32>
    %min3A_866 = arith.minimumf %min3A_857, %min3A_858 : vector<256x128xf32>
    %min3A_867 = arith.minimumf %min3A_859, %min3A_860 : vector<256x128xf32>
    %min3A_868 = arith.minimumf %min3A_861, %min3A_862 : vector<256x128xf32>
    %min3A_869 = arith.minimumf %min3A_863, %min3A_864 : vector<256x128xf32>
    %min3A_870 = arith.minimumf %min3A_865, %min3A_866 : vector<256x128xf32>
    %min3A_871 = arith.minimumf %min3A_867, %min3A_868 : vector<256x128xf32>
    %min3A_872 = arith.minimumf %min3A_869, %min3A_870 : vector<256x128xf32>
    %min3A_873 = arith.minimumf %min3A_871, %min3A_872 : vector<256x128xf32>
    %reduce_min3A_874 = arith.constant dense<0x7F800000> : vector<256xf32>
    %reduce_min3A_875 = vector.multi_reduction <minimumf>, %min3A_873, %reduce_min3A_874 [1] : vector<256x128xf32> to vector<256xf32>
    %broadcast_in_dim3A_876 = vector.shape_cast %reduce_min3A_875 : vector<256xf32> to vector<256x1xf32>
    %eq3A_877 = vector.broadcast %broadcast_in_dim3A_876 : vector<256x1xf32> to vector<256x4096xf32>
    %eq3A_878 = arith.cmpf oeq, %convert_element_type3A_36, %eq3A_877 : vector<256x4096xf32>
    %jit3A_879 = arith.constant 0x7F800000 : f32
    %broadcast_in_dim3A_880 = vector.broadcast %jit3A_879 : f32 to vector<256x4096xf32>
    %select_n3A_881 = arith.select %eq3A_878, %broadcast_in_dim3A_880, %select_n3A_739 : vector<256x4096xi1>, vector<256x4096xf32>
    %slice3A_882 = vector.extract_strided_slice %select_n3A_881 {offsets = [0, 0], sizes = [256, 128], strides = [1, 1]} : vector<256x4096xf32> to vector<256x128xf32>
    %slice3A_883 = vector.extract_strided_slice %select_n3A_881 {offsets = [0, 128], sizes = [256, 128], strides = [1, 1]} : vector<256x4096xf32> to vector<256x128xf32>
    %slice3A_884 = vector.extract_strided_slice %select_n3A_881 {offsets = [0, 256], sizes = [256, 128], strides = [1, 1]} : vector<256x4096xf32> to vector<256x128xf32>
    %slice3A_885 = vector.extract_strided_slice %select_n3A_881 {offsets = [0, 384], sizes = [256, 128], strides = [1, 1]} : vector<256x4096xf32> to vector<256x128xf32>
    %slice3A_886 = vector.extract_strided_slice %select_n3A_881 {offsets = [0, 512], sizes = [256, 128], strides = [1, 1]} : vector<256x4096xf32> to vector<256x128xf32>
    %slice3A_887 = vector.extract_strided_slice %select_n3A_881 {offsets = [0, 640], sizes = [256, 128], strides = [1, 1]} : vector<256x4096xf32> to vector<256x128xf32>
    %slice3A_888 = vector.extract_strided_slice %select_n3A_881 {offsets = [0, 768], sizes = [256, 128], strides = [1, 1]} : vector<256x4096xf32> to vector<256x128xf32>
    %slice3A_889 = vector.extract_strided_slice %select_n3A_881 {offsets = [0, 896], sizes = [256, 128], strides = [1, 1]} : vector<256x4096xf32> to vector<256x128xf32>
    %slice3A_890 = vector.extract_strided_slice %select_n3A_881 {offsets = [0, 1024], sizes = [256, 128], strides = [1, 1]} : vector<256x4096xf32> to vector<256x128xf32>
    %slice3A_891 = vector.extract_strided_slice %select_n3A_881 {offsets = [0, 1152], sizes = [256, 128], strides = [1, 1]} : vector<256x4096xf32> to vector<256x128xf32>
    %slice3A_892 = vector.extract_strided_slice %select_n3A_881 {offsets = [0, 1280], sizes = [256, 128], strides = [1, 1]} : vector<256x4096xf32> to vector<256x128xf32>
    %slice3A_893 = vector.extract_strided_slice %select_n3A_881 {offsets = [0, 1408], sizes = [256, 128], strides = [1, 1]} : vector<256x4096xf32> to vector<256x128xf32>
    %slice3A_894 = vector.extract_strided_slice %select_n3A_881 {offsets = [0, 1536], sizes = [256, 128], strides = [1, 1]} : vector<256x4096xf32> to vector<256x128xf32>
    %slice3A_895 = vector.extract_strided_slice %select_n3A_881 {offsets = [0, 1664], sizes = [256, 128], strides = [1, 1]} : vector<256x4096xf32> to vector<256x128xf32>
    %slice3A_896 = vector.extract_strided_slice %select_n3A_881 {offsets = [0, 1792], sizes = [256, 128], strides = [1, 1]} : vector<256x4096xf32> to vector<256x128xf32>
    %slice3A_897 = vector.extract_strided_slice %select_n3A_881 {offsets = [0, 1920], sizes = [256, 128], strides = [1, 1]} : vector<256x4096xf32> to vector<256x128xf32>
    %slice3A_898 = vector.extract_strided_slice %select_n3A_881 {offsets = [0, 2048], sizes = [256, 128], strides = [1, 1]} : vector<256x4096xf32> to vector<256x128xf32>
    %slice3A_899 = vector.extract_strided_slice %select_n3A_881 {offsets = [0, 2176], sizes = [256, 128], strides = [1, 1]} : vector<256x4096xf32> to vector<256x128xf32>
    %slice3A_900 = vector.extract_strided_slice %select_n3A_881 {offsets = [0, 2304], sizes = [256, 128], strides = [1, 1]} : vector<256x4096xf32> to vector<256x128xf32>
    %slice3A_901 = vector.extract_strided_slice %select_n3A_881 {offsets = [0, 2432], sizes = [256, 128], strides = [1, 1]} : vector<256x4096xf32> to vector<256x128xf32>
    %slice3A_902 = vector.extract_strided_slice %select_n3A_881 {offsets = [0, 2560], sizes = [256, 128], strides = [1, 1]} : vector<256x4096xf32> to vector<256x128xf32>
    %slice3A_903 = vector.extract_strided_slice %select_n3A_881 {offsets = [0, 2688], sizes = [256, 128], strides = [1, 1]} : vector<256x4096xf32> to vector<256x128xf32>
    %slice3A_904 = vector.extract_strided_slice %select_n3A_881 {offsets = [0, 2816], sizes = [256, 128], strides = [1, 1]} : vector<256x4096xf32> to vector<256x128xf32>
    %slice3A_905 = vector.extract_strided_slice %select_n3A_881 {offsets = [0, 2944], sizes = [256, 128], strides = [1, 1]} : vector<256x4096xf32> to vector<256x128xf32>
    %slice3A_906 = vector.extract_strided_slice %select_n3A_881 {offsets = [0, 3072], sizes = [256, 128], strides = [1, 1]} : vector<256x4096xf32> to vector<256x128xf32>
    %slice3A_907 = vector.extract_strided_slice %select_n3A_881 {offsets = [0, 3200], sizes = [256, 128], strides = [1, 1]} : vector<256x4096xf32> to vector<256x128xf32>
    %slice3A_908 = vector.extract_strided_slice %select_n3A_881 {offsets = [0, 3328], sizes = [256, 128], strides = [1, 1]} : vector<256x4096xf32> to vector<256x128xf32>
    %slice3A_909 = vector.extract_strided_slice %select_n3A_881 {offsets = [0, 3456], sizes = [256, 128], strides = [1, 1]} : vector<256x4096xf32> to vector<256x128xf32>
    %slice3A_910 = vector.extract_strided_slice %select_n3A_881 {offsets = [0, 3584], sizes = [256, 128], strides = [1, 1]} : vector<256x4096xf32> to vector<256x128xf32>
    %slice3A_911 = vector.extract_strided_slice %select_n3A_881 {offsets = [0, 3712], sizes = [256, 128], strides = [1, 1]} : vector<256x4096xf32> to vector<256x128xf32>
    %slice3A_912 = vector.extract_strided_slice %select_n3A_881 {offsets = [0, 3840], sizes = [256, 128], strides = [1, 1]} : vector<256x4096xf32> to vector<256x128xf32>
    %slice3A_913 = vector.extract_strided_slice %select_n3A_881 {offsets = [0, 3968], sizes = [256, 128], strides = [1, 1]} : vector<256x4096xf32> to vector<256x128xf32>
    %min3A_914 = arith.minimumf %slice3A_882, %slice3A_883 : vector<256x128xf32>
    %min3A_915 = arith.minimumf %slice3A_884, %slice3A_885 : vector<256x128xf32>
    %min3A_916 = arith.minimumf %slice3A_886, %slice3A_887 : vector<256x128xf32>
    %min3A_917 = arith.minimumf %slice3A_888, %slice3A_889 : vector<256x128xf32>
    %min3A_918 = arith.minimumf %slice3A_890, %slice3A_891 : vector<256x128xf32>
    %min3A_919 = arith.minimumf %slice3A_892, %slice3A_893 : vector<256x128xf32>
    %min3A_920 = arith.minimumf %slice3A_894, %slice3A_895 : vector<256x128xf32>
    %min3A_921 = arith.minimumf %slice3A_896, %slice3A_897 : vector<256x128xf32>
    %min3A_922 = arith.minimumf %slice3A_898, %slice3A_899 : vector<256x128xf32>
    %min3A_923 = arith.minimumf %slice3A_900, %slice3A_901 : vector<256x128xf32>
    %min3A_924 = arith.minimumf %slice3A_902, %slice3A_903 : vector<256x128xf32>
    %min3A_925 = arith.minimumf %slice3A_904, %slice3A_905 : vector<256x128xf32>
    %min3A_926 = arith.minimumf %slice3A_906, %slice3A_907 : vector<256x128xf32>
    %min3A_927 = arith.minimumf %slice3A_908, %slice3A_909 : vector<256x128xf32>
    %min3A_928 = arith.minimumf %slice3A_910, %slice3A_911 : vector<256x128xf32>
    %min3A_929 = arith.minimumf %slice3A_912, %slice3A_913 : vector<256x128xf32>
    %min3A_930 = arith.minimumf %min3A_914, %min3A_915 : vector<256x128xf32>
    %min3A_931 = arith.minimumf %min3A_916, %min3A_917 : vector<256x128xf32>
    %min3A_932 = arith.minimumf %min3A_918, %min3A_919 : vector<256x128xf32>
    %min3A_933 = arith.minimumf %min3A_920, %min3A_921 : vector<256x128xf32>
    %min3A_934 = arith.minimumf %min3A_922, %min3A_923 : vector<256x128xf32>
    %min3A_935 = arith.minimumf %min3A_924, %min3A_925 : vector<256x128xf32>
    %min3A_936 = arith.minimumf %min3A_926, %min3A_927 : vector<256x128xf32>
    %min3A_937 = arith.minimumf %min3A_928, %min3A_929 : vector<256x128xf32>
    %min3A_938 = arith.minimumf %min3A_930, %min3A_931 : vector<256x128xf32>
    %min3A_939 = arith.minimumf %min3A_932, %min3A_933 : vector<256x128xf32>
    %min3A_940 = arith.minimumf %min3A_934, %min3A_935 : vector<256x128xf32>
    %min3A_941 = arith.minimumf %min3A_936, %min3A_937 : vector<256x128xf32>
    %min3A_942 = arith.minimumf %min3A_938, %min3A_939 : vector<256x128xf32>
    %min3A_943 = arith.minimumf %min3A_940, %min3A_941 : vector<256x128xf32>
    %min3A_944 = arith.minimumf %min3A_942, %min3A_943 : vector<256x128xf32>
    %reduce_min3A_945 = arith.constant dense<0x7F800000> : vector<256xf32>
    %reduce_min3A_946 = vector.multi_reduction <minimumf>, %min3A_944, %reduce_min3A_945 [1] : vector<256x128xf32> to vector<256xf32>
    %broadcast_in_dim3A_947 = vector.shape_cast %reduce_min3A_946 : vector<256xf32> to vector<256x1xf32>
    %le3A_948 = vector.broadcast %broadcast_in_dim3A_947 : vector<256x1xf32> to vector<256x4096xf32>
    %le3A_949 = arith.cmpf ole, %select_n3A_881, %le3A_948 : vector<256x4096xf32>
    %jit3A_950 = arith.constant 8.192000e+03 : f32
    %broadcast_in_dim3A_951 = vector.broadcast %jit3A_950 : f32 to vector<256x4096xf32>
    %select_n3A_952 = arith.select %le3A_949, %convert_element_type3A_36, %broadcast_in_dim3A_951 : vector<256x4096xi1>, vector<256x4096xf32>
    %slice3A_953 = vector.extract_strided_slice %select_n3A_952 {offsets = [0, 0], sizes = [256, 128], strides = [1, 1]} : vector<256x4096xf32> to vector<256x128xf32>
    %slice3A_954 = vector.extract_strided_slice %select_n3A_952 {offsets = [0, 128], sizes = [256, 128], strides = [1, 1]} : vector<256x4096xf32> to vector<256x128xf32>
    %slice3A_955 = vector.extract_strided_slice %select_n3A_952 {offsets = [0, 256], sizes = [256, 128], strides = [1, 1]} : vector<256x4096xf32> to vector<256x128xf32>
    %slice3A_956 = vector.extract_strided_slice %select_n3A_952 {offsets = [0, 384], sizes = [256, 128], strides = [1, 1]} : vector<256x4096xf32> to vector<256x128xf32>
    %slice3A_957 = vector.extract_strided_slice %select_n3A_952 {offsets = [0, 512], sizes = [256, 128], strides = [1, 1]} : vector<256x4096xf32> to vector<256x128xf32>
    %slice3A_958 = vector.extract_strided_slice %select_n3A_952 {offsets = [0, 640], sizes = [256, 128], strides = [1, 1]} : vector<256x4096xf32> to vector<256x128xf32>
    %slice3A_959 = vector.extract_strided_slice %select_n3A_952 {offsets = [0, 768], sizes = [256, 128], strides = [1, 1]} : vector<256x4096xf32> to vector<256x128xf32>
    %slice3A_960 = vector.extract_strided_slice %select_n3A_952 {offsets = [0, 896], sizes = [256, 128], strides = [1, 1]} : vector<256x4096xf32> to vector<256x128xf32>
    %slice3A_961 = vector.extract_strided_slice %select_n3A_952 {offsets = [0, 1024], sizes = [256, 128], strides = [1, 1]} : vector<256x4096xf32> to vector<256x128xf32>
    %slice3A_962 = vector.extract_strided_slice %select_n3A_952 {offsets = [0, 1152], sizes = [256, 128], strides = [1, 1]} : vector<256x4096xf32> to vector<256x128xf32>
    %slice3A_963 = vector.extract_strided_slice %select_n3A_952 {offsets = [0, 1280], sizes = [256, 128], strides = [1, 1]} : vector<256x4096xf32> to vector<256x128xf32>
    %slice3A_964 = vector.extract_strided_slice %select_n3A_952 {offsets = [0, 1408], sizes = [256, 128], strides = [1, 1]} : vector<256x4096xf32> to vector<256x128xf32>
    %slice3A_965 = vector.extract_strided_slice %select_n3A_952 {offsets = [0, 1536], sizes = [256, 128], strides = [1, 1]} : vector<256x4096xf32> to vector<256x128xf32>
    %slice3A_966 = vector.extract_strided_slice %select_n3A_952 {offsets = [0, 1664], sizes = [256, 128], strides = [1, 1]} : vector<256x4096xf32> to vector<256x128xf32>
    %slice3A_967 = vector.extract_strided_slice %select_n3A_952 {offsets = [0, 1792], sizes = [256, 128], strides = [1, 1]} : vector<256x4096xf32> to vector<256x128xf32>
    %slice3A_968 = vector.extract_strided_slice %select_n3A_952 {offsets = [0, 1920], sizes = [256, 128], strides = [1, 1]} : vector<256x4096xf32> to vector<256x128xf32>
    %slice3A_969 = vector.extract_strided_slice %select_n3A_952 {offsets = [0, 2048], sizes = [256, 128], strides = [1, 1]} : vector<256x4096xf32> to vector<256x128xf32>
    %slice3A_970 = vector.extract_strided_slice %select_n3A_952 {offsets = [0, 2176], sizes = [256, 128], strides = [1, 1]} : vector<256x4096xf32> to vector<256x128xf32>
    %slice3A_971 = vector.extract_strided_slice %select_n3A_952 {offsets = [0, 2304], sizes = [256, 128], strides = [1, 1]} : vector<256x4096xf32> to vector<256x128xf32>
    %slice3A_972 = vector.extract_strided_slice %select_n3A_952 {offsets = [0, 2432], sizes = [256, 128], strides = [1, 1]} : vector<256x4096xf32> to vector<256x128xf32>
    %slice3A_973 = vector.extract_strided_slice %select_n3A_952 {offsets = [0, 2560], sizes = [256, 128], strides = [1, 1]} : vector<256x4096xf32> to vector<256x128xf32>
    %slice3A_974 = vector.extract_strided_slice %select_n3A_952 {offsets = [0, 2688], sizes = [256, 128], strides = [1, 1]} : vector<256x4096xf32> to vector<256x128xf32>
    %slice3A_975 = vector.extract_strided_slice %select_n3A_952 {offsets = [0, 2816], sizes = [256, 128], strides = [1, 1]} : vector<256x4096xf32> to vector<256x128xf32>
    %slice3A_976 = vector.extract_strided_slice %select_n3A_952 {offsets = [0, 2944], sizes = [256, 128], strides = [1, 1]} : vector<256x4096xf32> to vector<256x128xf32>
    %slice3A_977 = vector.extract_strided_slice %select_n3A_952 {offsets = [0, 3072], sizes = [256, 128], strides = [1, 1]} : vector<256x4096xf32> to vector<256x128xf32>
    %slice3A_978 = vector.extract_strided_slice %select_n3A_952 {offsets = [0, 3200], sizes = [256, 128], strides = [1, 1]} : vector<256x4096xf32> to vector<256x128xf32>
    %slice3A_979 = vector.extract_strided_slice %select_n3A_952 {offsets = [0, 3328], sizes = [256, 128], strides = [1, 1]} : vector<256x4096xf32> to vector<256x128xf32>
    %slice3A_980 = vector.extract_strided_slice %select_n3A_952 {offsets = [0, 3456], sizes = [256, 128], strides = [1, 1]} : vector<256x4096xf32> to vector<256x128xf32>
    %slice3A_981 = vector.extract_strided_slice %select_n3A_952 {offsets = [0, 3584], sizes = [256, 128], strides = [1, 1]} : vector<256x4096xf32> to vector<256x128xf32>
    %slice3A_982 = vector.extract_strided_slice %select_n3A_952 {offsets = [0, 3712], sizes = [256, 128], strides = [1, 1]} : vector<256x4096xf32> to vector<256x128xf32>
    %slice3A_983 = vector.extract_strided_slice %select_n3A_952 {offsets = [0, 3840], sizes = [256, 128], strides = [1, 1]} : vector<256x4096xf32> to vector<256x128xf32>
    %slice3A_984 = vector.extract_strided_slice %select_n3A_952 {offsets = [0, 3968], sizes = [256, 128], strides = [1, 1]} : vector<256x4096xf32> to vector<256x128xf32>
    %min3A_985 = arith.minimumf %slice3A_953, %slice3A_954 : vector<256x128xf32>
    %min3A_986 = arith.minimumf %slice3A_955, %slice3A_956 : vector<256x128xf32>
    %min3A_987 = arith.minimumf %slice3A_957, %slice3A_958 : vector<256x128xf32>
    %min3A_988 = arith.minimumf %slice3A_959, %slice3A_960 : vector<256x128xf32>
    %min3A_989 = arith.minimumf %slice3A_961, %slice3A_962 : vector<256x128xf32>
    %min3A_990 = arith.minimumf %slice3A_963, %slice3A_964 : vector<256x128xf32>
    %min3A_991 = arith.minimumf %slice3A_965, %slice3A_966 : vector<256x128xf32>
    %min3A_992 = arith.minimumf %slice3A_967, %slice3A_968 : vector<256x128xf32>
    %min3A_993 = arith.minimumf %slice3A_969, %slice3A_970 : vector<256x128xf32>
    %min3A_994 = arith.minimumf %slice3A_971, %slice3A_972 : vector<256x128xf32>
    %min3A_995 = arith.minimumf %slice3A_973, %slice3A_974 : vector<256x128xf32>
    %min3A_996 = arith.minimumf %slice3A_975, %slice3A_976 : vector<256x128xf32>
    %min3A_997 = arith.minimumf %slice3A_977, %slice3A_978 : vector<256x128xf32>
    %min3A_998 = arith.minimumf %slice3A_979, %slice3A_980 : vector<256x128xf32>
    %min3A_999 = arith.minimumf %slice3A_981, %slice3A_982 : vector<256x128xf32>
    %min3A_1000 = arith.minimumf %slice3A_983, %slice3A_984 : vector<256x128xf32>
    %min3A_1001 = arith.minimumf %min3A_985, %min3A_986 : vector<256x128xf32>
    %min3A_1002 = arith.minimumf %min3A_987, %min3A_988 : vector<256x128xf32>
    %min3A_1003 = arith.minimumf %min3A_989, %min3A_990 : vector<256x128xf32>
    %min3A_1004 = arith.minimumf %min3A_991, %min3A_992 : vector<256x128xf32>
    %min3A_1005 = arith.minimumf %min3A_993, %min3A_994 : vector<256x128xf32>
    %min3A_1006 = arith.minimumf %min3A_995, %min3A_996 : vector<256x128xf32>
    %min3A_1007 = arith.minimumf %min3A_997, %min3A_998 : vector<256x128xf32>
    %min3A_1008 = arith.minimumf %min3A_999, %min3A_1000 : vector<256x128xf32>
    %min3A_1009 = arith.minimumf %min3A_1001, %min3A_1002 : vector<256x128xf32>
    %min3A_1010 = arith.minimumf %min3A_1003, %min3A_1004 : vector<256x128xf32>
    %min3A_1011 = arith.minimumf %min3A_1005, %min3A_1006 : vector<256x128xf32>
    %min3A_1012 = arith.minimumf %min3A_1007, %min3A_1008 : vector<256x128xf32>
    %min3A_1013 = arith.minimumf %min3A_1009, %min3A_1010 : vector<256x128xf32>
    %min3A_1014 = arith.minimumf %min3A_1011, %min3A_1012 : vector<256x128xf32>
    %min3A_1015 = arith.minimumf %min3A_1013, %min3A_1014 : vector<256x128xf32>
    %reduce_min3A_1016 = arith.constant dense<0x7F800000> : vector<256xf32>
    %reduce_min3A_1017 = vector.multi_reduction <minimumf>, %min3A_1015, %reduce_min3A_1016 [1] : vector<256x128xf32> to vector<256xf32>
    %broadcast_in_dim3A_1018 = vector.shape_cast %reduce_min3A_1017 : vector<256xf32> to vector<256x1xf32>
    %eq3A_1019 = vector.broadcast %broadcast_in_dim3A_1018 : vector<256x1xf32> to vector<256x4096xf32>
    %eq3A_1020 = arith.cmpf oeq, %convert_element_type3A_36, %eq3A_1019 : vector<256x4096xf32>
    %jit3A_1021 = arith.constant 0x7F800000 : f32
    %broadcast_in_dim3A_1022 = vector.broadcast %jit3A_1021 : f32 to vector<256x4096xf32>
    %select_n3A_1023 = arith.select %eq3A_1020, %broadcast_in_dim3A_1022, %select_n3A_881 : vector<256x4096xi1>, vector<256x4096xf32>
    %slice3A_1024 = vector.extract_strided_slice %select_n3A_1023 {offsets = [0, 0], sizes = [256, 128], strides = [1, 1]} : vector<256x4096xf32> to vector<256x128xf32>
    %slice3A_1025 = vector.extract_strided_slice %select_n3A_1023 {offsets = [0, 128], sizes = [256, 128], strides = [1, 1]} : vector<256x4096xf32> to vector<256x128xf32>
    %slice3A_1026 = vector.extract_strided_slice %select_n3A_1023 {offsets = [0, 256], sizes = [256, 128], strides = [1, 1]} : vector<256x4096xf32> to vector<256x128xf32>
    %slice3A_1027 = vector.extract_strided_slice %select_n3A_1023 {offsets = [0, 384], sizes = [256, 128], strides = [1, 1]} : vector<256x4096xf32> to vector<256x128xf32>
    %slice3A_1028 = vector.extract_strided_slice %select_n3A_1023 {offsets = [0, 512], sizes = [256, 128], strides = [1, 1]} : vector<256x4096xf32> to vector<256x128xf32>
    %slice3A_1029 = vector.extract_strided_slice %select_n3A_1023 {offsets = [0, 640], sizes = [256, 128], strides = [1, 1]} : vector<256x4096xf32> to vector<256x128xf32>
    %slice3A_1030 = vector.extract_strided_slice %select_n3A_1023 {offsets = [0, 768], sizes = [256, 128], strides = [1, 1]} : vector<256x4096xf32> to vector<256x128xf32>
    %slice3A_1031 = vector.extract_strided_slice %select_n3A_1023 {offsets = [0, 896], sizes = [256, 128], strides = [1, 1]} : vector<256x4096xf32> to vector<256x128xf32>
    %slice3A_1032 = vector.extract_strided_slice %select_n3A_1023 {offsets = [0, 1024], sizes = [256, 128], strides = [1, 1]} : vector<256x4096xf32> to vector<256x128xf32>
    %slice3A_1033 = vector.extract_strided_slice %select_n3A_1023 {offsets = [0, 1152], sizes = [256, 128], strides = [1, 1]} : vector<256x4096xf32> to vector<256x128xf32>
    %slice3A_1034 = vector.extract_strided_slice %select_n3A_1023 {offsets = [0, 1280], sizes = [256, 128], strides = [1, 1]} : vector<256x4096xf32> to vector<256x128xf32>
    %slice3A_1035 = vector.extract_strided_slice %select_n3A_1023 {offsets = [0, 1408], sizes = [256, 128], strides = [1, 1]} : vector<256x4096xf32> to vector<256x128xf32>
    %slice3A_1036 = vector.extract_strided_slice %select_n3A_1023 {offsets = [0, 1536], sizes = [256, 128], strides = [1, 1]} : vector<256x4096xf32> to vector<256x128xf32>
    %slice3A_1037 = vector.extract_strided_slice %select_n3A_1023 {offsets = [0, 1664], sizes = [256, 128], strides = [1, 1]} : vector<256x4096xf32> to vector<256x128xf32>
    %slice3A_1038 = vector.extract_strided_slice %select_n3A_1023 {offsets = [0, 1792], sizes = [256, 128], strides = [1, 1]} : vector<256x4096xf32> to vector<256x128xf32>
    %slice3A_1039 = vector.extract_strided_slice %select_n3A_1023 {offsets = [0, 1920], sizes = [256, 128], strides = [1, 1]} : vector<256x4096xf32> to vector<256x128xf32>
    %slice3A_1040 = vector.extract_strided_slice %select_n3A_1023 {offsets = [0, 2048], sizes = [256, 128], strides = [1, 1]} : vector<256x4096xf32> to vector<256x128xf32>
    %slice3A_1041 = vector.extract_strided_slice %select_n3A_1023 {offsets = [0, 2176], sizes = [256, 128], strides = [1, 1]} : vector<256x4096xf32> to vector<256x128xf32>
    %slice3A_1042 = vector.extract_strided_slice %select_n3A_1023 {offsets = [0, 2304], sizes = [256, 128], strides = [1, 1]} : vector<256x4096xf32> to vector<256x128xf32>
    %slice3A_1043 = vector.extract_strided_slice %select_n3A_1023 {offsets = [0, 2432], sizes = [256, 128], strides = [1, 1]} : vector<256x4096xf32> to vector<256x128xf32>
    %slice3A_1044 = vector.extract_strided_slice %select_n3A_1023 {offsets = [0, 2560], sizes = [256, 128], strides = [1, 1]} : vector<256x4096xf32> to vector<256x128xf32>
    %slice3A_1045 = vector.extract_strided_slice %select_n3A_1023 {offsets = [0, 2688], sizes = [256, 128], strides = [1, 1]} : vector<256x4096xf32> to vector<256x128xf32>
    %slice3A_1046 = vector.extract_strided_slice %select_n3A_1023 {offsets = [0, 2816], sizes = [256, 128], strides = [1, 1]} : vector<256x4096xf32> to vector<256x128xf32>
    %slice3A_1047 = vector.extract_strided_slice %select_n3A_1023 {offsets = [0, 2944], sizes = [256, 128], strides = [1, 1]} : vector<256x4096xf32> to vector<256x128xf32>
    %slice3A_1048 = vector.extract_strided_slice %select_n3A_1023 {offsets = [0, 3072], sizes = [256, 128], strides = [1, 1]} : vector<256x4096xf32> to vector<256x128xf32>
    %slice3A_1049 = vector.extract_strided_slice %select_n3A_1023 {offsets = [0, 3200], sizes = [256, 128], strides = [1, 1]} : vector<256x4096xf32> to vector<256x128xf32>
    %slice3A_1050 = vector.extract_strided_slice %select_n3A_1023 {offsets = [0, 3328], sizes = [256, 128], strides = [1, 1]} : vector<256x4096xf32> to vector<256x128xf32>
    %slice3A_1051 = vector.extract_strided_slice %select_n3A_1023 {offsets = [0, 3456], sizes = [256, 128], strides = [1, 1]} : vector<256x4096xf32> to vector<256x128xf32>
    %slice3A_1052 = vector.extract_strided_slice %select_n3A_1023 {offsets = [0, 3584], sizes = [256, 128], strides = [1, 1]} : vector<256x4096xf32> to vector<256x128xf32>
    %slice3A_1053 = vector.extract_strided_slice %select_n3A_1023 {offsets = [0, 3712], sizes = [256, 128], strides = [1, 1]} : vector<256x4096xf32> to vector<256x128xf32>
    %slice3A_1054 = vector.extract_strided_slice %select_n3A_1023 {offsets = [0, 3840], sizes = [256, 128], strides = [1, 1]} : vector<256x4096xf32> to vector<256x128xf32>
    %slice3A_1055 = vector.extract_strided_slice %select_n3A_1023 {offsets = [0, 3968], sizes = [256, 128], strides = [1, 1]} : vector<256x4096xf32> to vector<256x128xf32>
    %min3A_1056 = arith.minimumf %slice3A_1024, %slice3A_1025 : vector<256x128xf32>
    %min3A_1057 = arith.minimumf %slice3A_1026, %slice3A_1027 : vector<256x128xf32>
    %min3A_1058 = arith.minimumf %slice3A_1028, %slice3A_1029 : vector<256x128xf32>
    %min3A_1059 = arith.minimumf %slice3A_1030, %slice3A_1031 : vector<256x128xf32>
    %min3A_1060 = arith.minimumf %slice3A_1032, %slice3A_1033 : vector<256x128xf32>
    %min3A_1061 = arith.minimumf %slice3A_1034, %slice3A_1035 : vector<256x128xf32>
    %min3A_1062 = arith.minimumf %slice3A_1036, %slice3A_1037 : vector<256x128xf32>
    %min3A_1063 = arith.minimumf %slice3A_1038, %slice3A_1039 : vector<256x128xf32>
    %min3A_1064 = arith.minimumf %slice3A_1040, %slice3A_1041 : vector<256x128xf32>
    %min3A_1065 = arith.minimumf %slice3A_1042, %slice3A_1043 : vector<256x128xf32>
    %min3A_1066 = arith.minimumf %slice3A_1044, %slice3A_1045 : vector<256x128xf32>
    %min3A_1067 = arith.minimumf %slice3A_1046, %slice3A_1047 : vector<256x128xf32>
    %min3A_1068 = arith.minimumf %slice3A_1048, %slice3A_1049 : vector<256x128xf32>
    %min3A_1069 = arith.minimumf %slice3A_1050, %slice3A_1051 : vector<256x128xf32>
    %min3A_1070 = arith.minimumf %slice3A_1052, %slice3A_1053 : vector<256x128xf32>
    %min3A_1071 = arith.minimumf %slice3A_1054, %slice3A_1055 : vector<256x128xf32>
    %min3A_1072 = arith.minimumf %min3A_1056, %min3A_1057 : vector<256x128xf32>
    %min3A_1073 = arith.minimumf %min3A_1058, %min3A_1059 : vector<256x128xf32>
    %min3A_1074 = arith.minimumf %min3A_1060, %min3A_1061 : vector<256x128xf32>
    %min3A_1075 = arith.minimumf %min3A_1062, %min3A_1063 : vector<256x128xf32>
    %min3A_1076 = arith.minimumf %min3A_1064, %min3A_1065 : vector<256x128xf32>
    %min3A_1077 = arith.minimumf %min3A_1066, %min3A_1067 : vector<256x128xf32>
    %min3A_1078 = arith.minimumf %min3A_1068, %min3A_1069 : vector<256x128xf32>
    %min3A_1079 = arith.minimumf %min3A_1070, %min3A_1071 : vector<256x128xf32>
    %min3A_1080 = arith.minimumf %min3A_1072, %min3A_1073 : vector<256x128xf32>
    %min3A_1081 = arith.minimumf %min3A_1074, %min3A_1075 : vector<256x128xf32>
    %min3A_1082 = arith.minimumf %min3A_1076, %min3A_1077 : vector<256x128xf32>
    %min3A_1083 = arith.minimumf %min3A_1078, %min3A_1079 : vector<256x128xf32>
    %min3A_1084 = arith.minimumf %min3A_1080, %min3A_1081 : vector<256x128xf32>
    %min3A_1085 = arith.minimumf %min3A_1082, %min3A_1083 : vector<256x128xf32>
    %min3A_1086 = arith.minimumf %min3A_1084, %min3A_1085 : vector<256x128xf32>
    %reduce_min3A_1087 = arith.constant dense<0x7F800000> : vector<256xf32>
    %reduce_min3A_1088 = vector.multi_reduction <minimumf>, %min3A_1086, %reduce_min3A_1087 [1] : vector<256x128xf32> to vector<256xf32>
    %broadcast_in_dim3A_1089 = vector.shape_cast %reduce_min3A_1088 : vector<256xf32> to vector<256x1xf32>
    %le3A_1090 = vector.broadcast %broadcast_in_dim3A_1089 : vector<256x1xf32> to vector<256x4096xf32>
    %le3A_1091 = arith.cmpf ole, %select_n3A_1023, %le3A_1090 : vector<256x4096xf32>
    %jit3A_1092 = arith.constant 8.192000e+03 : f32
    %broadcast_in_dim3A_1093 = vector.broadcast %jit3A_1092 : f32 to vector<256x4096xf32>
    %select_n3A_1094 = arith.select %le3A_1091, %convert_element_type3A_36, %broadcast_in_dim3A_1093 : vector<256x4096xi1>, vector<256x4096xf32>
    %slice3A_1095 = vector.extract_strided_slice %select_n3A_1094 {offsets = [0, 0], sizes = [256, 128], strides = [1, 1]} : vector<256x4096xf32> to vector<256x128xf32>
    %slice3A_1096 = vector.extract_strided_slice %select_n3A_1094 {offsets = [0, 128], sizes = [256, 128], strides = [1, 1]} : vector<256x4096xf32> to vector<256x128xf32>
    %slice3A_1097 = vector.extract_strided_slice %select_n3A_1094 {offsets = [0, 256], sizes = [256, 128], strides = [1, 1]} : vector<256x4096xf32> to vector<256x128xf32>
    %slice3A_1098 = vector.extract_strided_slice %select_n3A_1094 {offsets = [0, 384], sizes = [256, 128], strides = [1, 1]} : vector<256x4096xf32> to vector<256x128xf32>
    %slice3A_1099 = vector.extract_strided_slice %select_n3A_1094 {offsets = [0, 512], sizes = [256, 128], strides = [1, 1]} : vector<256x4096xf32> to vector<256x128xf32>
    %slice3A_1100 = vector.extract_strided_slice %select_n3A_1094 {offsets = [0, 640], sizes = [256, 128], strides = [1, 1]} : vector<256x4096xf32> to vector<256x128xf32>
    %slice3A_1101 = vector.extract_strided_slice %select_n3A_1094 {offsets = [0, 768], sizes = [256, 128], strides = [1, 1]} : vector<256x4096xf32> to vector<256x128xf32>
    %slice3A_1102 = vector.extract_strided_slice %select_n3A_1094 {offsets = [0, 896], sizes = [256, 128], strides = [1, 1]} : vector<256x4096xf32> to vector<256x128xf32>
    %slice3A_1103 = vector.extract_strided_slice %select_n3A_1094 {offsets = [0, 1024], sizes = [256, 128], strides = [1, 1]} : vector<256x4096xf32> to vector<256x128xf32>
    %slice3A_1104 = vector.extract_strided_slice %select_n3A_1094 {offsets = [0, 1152], sizes = [256, 128], strides = [1, 1]} : vector<256x4096xf32> to vector<256x128xf32>
    %slice3A_1105 = vector.extract_strided_slice %select_n3A_1094 {offsets = [0, 1280], sizes = [256, 128], strides = [1, 1]} : vector<256x4096xf32> to vector<256x128xf32>
    %slice3A_1106 = vector.extract_strided_slice %select_n3A_1094 {offsets = [0, 1408], sizes = [256, 128], strides = [1, 1]} : vector<256x4096xf32> to vector<256x128xf32>
    %slice3A_1107 = vector.extract_strided_slice %select_n3A_1094 {offsets = [0, 1536], sizes = [256, 128], strides = [1, 1]} : vector<256x4096xf32> to vector<256x128xf32>
    %slice3A_1108 = vector.extract_strided_slice %select_n3A_1094 {offsets = [0, 1664], sizes = [256, 128], strides = [1, 1]} : vector<256x4096xf32> to vector<256x128xf32>
    %slice3A_1109 = vector.extract_strided_slice %select_n3A_1094 {offsets = [0, 1792], sizes = [256, 128], strides = [1, 1]} : vector<256x4096xf32> to vector<256x128xf32>
    %slice3A_1110 = vector.extract_strided_slice %select_n3A_1094 {offsets = [0, 1920], sizes = [256, 128], strides = [1, 1]} : vector<256x4096xf32> to vector<256x128xf32>
    %slice3A_1111 = vector.extract_strided_slice %select_n3A_1094 {offsets = [0, 2048], sizes = [256, 128], strides = [1, 1]} : vector<256x4096xf32> to vector<256x128xf32>
    %slice3A_1112 = vector.extract_strided_slice %select_n3A_1094 {offsets = [0, 2176], sizes = [256, 128], strides = [1, 1]} : vector<256x4096xf32> to vector<256x128xf32>
    %slice3A_1113 = vector.extract_strided_slice %select_n3A_1094 {offsets = [0, 2304], sizes = [256, 128], strides = [1, 1]} : vector<256x4096xf32> to vector<256x128xf32>
    %slice3A_1114 = vector.extract_strided_slice %select_n3A_1094 {offsets = [0, 2432], sizes = [256, 128], strides = [1, 1]} : vector<256x4096xf32> to vector<256x128xf32>
    %slice3A_1115 = vector.extract_strided_slice %select_n3A_1094 {offsets = [0, 2560], sizes = [256, 128], strides = [1, 1]} : vector<256x4096xf32> to vector<256x128xf32>
    %slice3A_1116 = vector.extract_strided_slice %select_n3A_1094 {offsets = [0, 2688], sizes = [256, 128], strides = [1, 1]} : vector<256x4096xf32> to vector<256x128xf32>
    %slice3A_1117 = vector.extract_strided_slice %select_n3A_1094 {offsets = [0, 2816], sizes = [256, 128], strides = [1, 1]} : vector<256x4096xf32> to vector<256x128xf32>
    %slice3A_1118 = vector.extract_strided_slice %select_n3A_1094 {offsets = [0, 2944], sizes = [256, 128], strides = [1, 1]} : vector<256x4096xf32> to vector<256x128xf32>
    %slice3A_1119 = vector.extract_strided_slice %select_n3A_1094 {offsets = [0, 3072], sizes = [256, 128], strides = [1, 1]} : vector<256x4096xf32> to vector<256x128xf32>
    %slice3A_1120 = vector.extract_strided_slice %select_n3A_1094 {offsets = [0, 3200], sizes = [256, 128], strides = [1, 1]} : vector<256x4096xf32> to vector<256x128xf32>
    %slice3A_1121 = vector.extract_strided_slice %select_n3A_1094 {offsets = [0, 3328], sizes = [256, 128], strides = [1, 1]} : vector<256x4096xf32> to vector<256x128xf32>
    %slice3A_1122 = vector.extract_strided_slice %select_n3A_1094 {offsets = [0, 3456], sizes = [256, 128], strides = [1, 1]} : vector<256x4096xf32> to vector<256x128xf32>
    %slice3A_1123 = vector.extract_strided_slice %select_n3A_1094 {offsets = [0, 3584], sizes = [256, 128], strides = [1, 1]} : vector<256x4096xf32> to vector<256x128xf32>
    %slice3A_1124 = vector.extract_strided_slice %select_n3A_1094 {offsets = [0, 3712], sizes = [256, 128], strides = [1, 1]} : vector<256x4096xf32> to vector<256x128xf32>
    %slice3A_1125 = vector.extract_strided_slice %select_n3A_1094 {offsets = [0, 3840], sizes = [256, 128], strides = [1, 1]} : vector<256x4096xf32> to vector<256x128xf32>
    %slice3A_1126 = vector.extract_strided_slice %select_n3A_1094 {offsets = [0, 3968], sizes = [256, 128], strides = [1, 1]} : vector<256x4096xf32> to vector<256x128xf32>
    %min3A_1127 = arith.minimumf %slice3A_1095, %slice3A_1096 : vector<256x128xf32>
    %min3A_1128 = arith.minimumf %slice3A_1097, %slice3A_1098 : vector<256x128xf32>
    %min3A_1129 = arith.minimumf %slice3A_1099, %slice3A_1100 : vector<256x128xf32>
    %min3A_1130 = arith.minimumf %slice3A_1101, %slice3A_1102 : vector<256x128xf32>
    %min3A_1131 = arith.minimumf %slice3A_1103, %slice3A_1104 : vector<256x128xf32>
    %min3A_1132 = arith.minimumf %slice3A_1105, %slice3A_1106 : vector<256x128xf32>
    %min3A_1133 = arith.minimumf %slice3A_1107, %slice3A_1108 : vector<256x128xf32>
    %min3A_1134 = arith.minimumf %slice3A_1109, %slice3A_1110 : vector<256x128xf32>
    %min3A_1135 = arith.minimumf %slice3A_1111, %slice3A_1112 : vector<256x128xf32>
    %min3A_1136 = arith.minimumf %slice3A_1113, %slice3A_1114 : vector<256x128xf32>
    %min3A_1137 = arith.minimumf %slice3A_1115, %slice3A_1116 : vector<256x128xf32>
    %min3A_1138 = arith.minimumf %slice3A_1117, %slice3A_1118 : vector<256x128xf32>
    %min3A_1139 = arith.minimumf %slice3A_1119, %slice3A_1120 : vector<256x128xf32>
    %min3A_1140 = arith.minimumf %slice3A_1121, %slice3A_1122 : vector<256x128xf32>
    %min3A_1141 = arith.minimumf %slice3A_1123, %slice3A_1124 : vector<256x128xf32>
    %min3A_1142 = arith.minimumf %slice3A_1125, %slice3A_1126 : vector<256x128xf32>
    %min3A_1143 = arith.minimumf %min3A_1127, %min3A_1128 : vector<256x128xf32>
    %min3A_1144 = arith.minimumf %min3A_1129, %min3A_1130 : vector<256x128xf32>
    %min3A_1145 = arith.minimumf %min3A_1131, %min3A_1132 : vector<256x128xf32>
    %min3A_1146 = arith.minimumf %min3A_1133, %min3A_1134 : vector<256x128xf32>
    %min3A_1147 = arith.minimumf %min3A_1135, %min3A_1136 : vector<256x128xf32>
    %min3A_1148 = arith.minimumf %min3A_1137, %min3A_1138 : vector<256x128xf32>
    %min3A_1149 = arith.minimumf %min3A_1139, %min3A_1140 : vector<256x128xf32>
    %min3A_1150 = arith.minimumf %min3A_1141, %min3A_1142 : vector<256x128xf32>
    %min3A_1151 = arith.minimumf %min3A_1143, %min3A_1144 : vector<256x128xf32>
    %min3A_1152 = arith.minimumf %min3A_1145, %min3A_1146 : vector<256x128xf32>
    %min3A_1153 = arith.minimumf %min3A_1147, %min3A_1148 : vector<256x128xf32>
    %min3A_1154 = arith.minimumf %min3A_1149, %min3A_1150 : vector<256x128xf32>
    %min3A_1155 = arith.minimumf %min3A_1151, %min3A_1152 : vector<256x128xf32>
    %min3A_1156 = arith.minimumf %min3A_1153, %min3A_1154 : vector<256x128xf32>
    %min3A_1157 = arith.minimumf %min3A_1155, %min3A_1156 : vector<256x128xf32>
    %reduce_min3A_1158 = arith.constant dense<0x7F800000> : vector<256xf32>
    %reduce_min3A_1159 = vector.multi_reduction <minimumf>, %min3A_1157, %reduce_min3A_1158 [1] : vector<256x128xf32> to vector<256xf32>
    %broadcast_in_dim3A_1160 = vector.shape_cast %reduce_min3A_1159 : vector<256xf32> to vector<256x1xf32>
    %concatenate3A = tpu.concatenate %broadcast_in_dim3A_167, %broadcast_in_dim3A_308, %broadcast_in_dim3A_450, %broadcast_in_dim3A_592, %broadcast_in_dim3A_734, %broadcast_in_dim3A_876, %broadcast_in_dim3A_1018, %broadcast_in_dim3A_1160 in 1 : vector<256x1xf32>, vector<256x1xf32>, vector<256x1xf32>, vector<256x1xf32>, vector<256x1xf32>, vector<256x1xf32>, vector<256x1xf32>, vector<256x1xf32> -> vector<256x8xf32>
    %convert_element_type3A_1161 = arith.fptosi %concatenate3A : vector<256x8xf32> to vector<256x8xi32>
    %add3A_1162 = arith.constant 4096 : i32
    %add3A_1163 = vector.broadcast %add3A_1162 : i32 to vector<256x8xi32>
    %add3A_1164 = arith.addi %convert_element_type3A_1161, %add3A_1163 : vector<256x8xi32>
    %swap3A = arith.constant 0 : index
    %swap3A_1165 = arith.constant 0 : index
    %swap3A_1166 = arith.constant 0 : index
    %swap3A_1167 = vector.load %arg3[%swap3A, %swap3A_1165, %swap3A_1166] : memref<1x256x8xi32, #tpu.memory_space<vmem>>, vector<1x256x8xi32>
    %swap3A_1168 = vector.shape_cast %swap3A_1167 : vector<1x256x8xi32> to vector<256x8xi32>
    %swap3A_1169 = vector.shape_cast %add3A_1164 : vector<256x8xi32> to vector<1x256x8xi32>
    tpu.vector_store %arg3[%swap3A, %swap3A_1165, %swap3A_1166], %swap3A_1169 {strides = array<i32>} : memref<1x256x8xi32, #tpu.memory_space<vmem>>, vector<1x256x8xi32>,
    return
  }
  func.func @transform_0(%arg0: i32) -> (i32, i32, i32) {
    %c0_i32 = arith.constant 0 : i32
    %c0_i32_0 = arith.constant 0 : i32
    %c0_i32_1 = arith.constant 0 : i32
    return %c0_i32, %arg0, %c0_i32_0 : i32, i32, i32
  }
  func.func @transform_1(%arg0: i32) -> (i32, i32, i32) {
    %c0_i32 = arith.constant 0 : i32
    %c0_i32_0 = arith.constant 0 : i32
    %c0_i32_1 = arith.constant 0 : i32
    %c0_i32_2 = arith.constant 0 : i32
    return %c0_i32, %c0_i32_0, %c0_i32_1 : i32, i32, i32
  }
  func.func @transform_2(%arg0: i32) -> (i32, i32, i32) {
    %c0_i32 = arith.constant 0 : i32
    %c0_i32_0 = arith.constant 0 : i32
    %c0_i32_1 = arith.constant 0 : i32
    return %c0_i32, %arg0, %c0_i32_0 : i32, i32, i32
  }
}

module attributes {stable_mosaic.version = 14 : i64} {
  func.func @_fold_body(%arg0: memref<256x256xf32, #tpu.memory_space<vmem>>, %arg1: memref<256x256xf32, #tpu.memory_space<vmem>>, %arg2: memref<256x256xf32, #tpu.memory_space<vmem>>, %arg3: memref<256x256xf32, #tpu.memory_space<vmem>>, %arg4: memref<256x256xf32, #tpu.memory_space<vmem>>, %arg5: memref<1x256xf32, #tpu.memory_space<vmem>>, %arg6: memref<1x256xf32, #tpu.memory_space<vmem>>, %arg7: memref<1x256xf32, #tpu.memory_space<vmem>>, %arg8: memref<1x256xf32, #tpu.memory_space<vmem>>, %arg9: memref<1x256xf32, #tpu.memory_space<vmem>>, %arg10: memref<256x768xf32, #tpu.memory_space<vmem>>, %arg11: memref<1x768xf32, #tpu.memory_space<vmem>>, %arg12: memref<256x512xf32, #tpu.memory_space<vmem>>, %arg13: memref<1x512xf32, #tpu.memory_space<vmem>>) attributes {dimension_semantics = [], scalar_prefetch = 0 : i64, scratch_operands = 0 : i64, tpu.core_type = #tpu.core_type<tc>} {
    %get3A = arith.constant 0 : index
    %get3A_0 = arith.constant 0 : index
    %get3A_1 = vector.load %arg3[%get3A, %get3A_0] : memref<256x256xf32, #tpu.memory_space<vmem>>, vector<256x256xf32>
    %get3A_2 = arith.constant 0 : index
    %get3A_3 = arith.constant 0 : index
    %get3A_4 = vector.load %arg0[%get3A_2, %get3A_3] : memref<256x256xf32, #tpu.memory_space<vmem>>, vector<256x256xf32>
    %dot_general3A = arith.constant dense<0.000000e+00> : vector<256x256xf32>
    %dot_general3A_5 = tpu.matmul %get3A_4, %get3A_1, %dot_general3A {dimension_numbers = #tpu.dot_dimension_numbers<[1], [0], [0], [1], [0, 0, 1, 1], [], []>, transpose_lhs_hint = false} : vector<256x256xf32>, vector<256x256xf32>, vector<256x256xf32> -> vector<256x256xf32>
    %get3A_6 = arith.constant 0 : index
    %get3A_7 = arith.constant 0 : index
    %get3A_8 = vector.load %arg1[%get3A_6, %get3A_7] : memref<256x256xf32, #tpu.memory_space<vmem>>, vector<256x256xf32>
    %dot_general3A_9 = arith.constant dense<0.000000e+00> : vector<256x256xf32>
    %dot_general3A_10 = tpu.matmul %get3A_8, %get3A_1, %dot_general3A_9 {dimension_numbers = #tpu.dot_dimension_numbers<[1], [0], [0], [1], [0, 0, 1, 1], [], []>, transpose_lhs_hint = false} : vector<256x256xf32>, vector<256x256xf32>, vector<256x256xf32> -> vector<256x256xf32>
    %get3A_11 = arith.constant 0 : index
    %get3A_12 = arith.constant 0 : index
    %get3A_13 = vector.load %arg4[%get3A_11, %get3A_12] : memref<256x256xf32, #tpu.memory_space<vmem>>, vector<256x256xf32>
    %dot_general3A_14 = arith.constant dense<0.000000e+00> : vector<256x256xf32>
    %dot_general3A_15 = tpu.matmul %get3A_13, %get3A_1, %dot_general3A_14 {dimension_numbers = #tpu.dot_dimension_numbers<[1], [0], [0], [1], [0, 0, 1, 1], [], []>, transpose_lhs_hint = false} : vector<256x256xf32>, vector<256x256xf32>, vector<256x256xf32> -> vector<256x256xf32>
    %get3A_16 = arith.constant 0 : index
    %get3A_17 = arith.constant 0 : index
    %get3A_18 = vector.load %arg2[%get3A_16, %get3A_17] : memref<256x256xf32, #tpu.memory_space<vmem>>, vector<256x256xf32>
    %concatenate3A = tpu.concatenate %dot_general3A_5, %dot_general3A_10, %get3A_18 in 1 : vector<256x256xf32>, vector<256x256xf32>, vector<256x256xf32> -> vector<256x768xf32>
    %swap3A = arith.constant 0 : index
    %swap3A_19 = arith.constant 0 : index
    %swap3A_20 = vector.load %arg10[%swap3A, %swap3A_19] : memref<256x768xf32, #tpu.memory_space<vmem>>, vector<256x768xf32>
    tpu.vector_store %arg10[%swap3A, %swap3A_19], %concatenate3A {strides = array<i32>} : memref<256x768xf32, #tpu.memory_space<vmem>>, vector<256x768xf32>,
    %get3A_21 = arith.constant 0 : index
    %get3A_22 = arith.constant 0 : index
    %get3A_23 = vector.load %arg5[%get3A_21, %get3A_22] : memref<1x256xf32, #tpu.memory_space<vmem>>, vector<1x256xf32>
    %transpose3A = tpu.transpose %get3A_23, [1, 0] : vector<1x256xf32> -> vector<256x1xf32>
    %mul3A = vector.broadcast %transpose3A : vector<256x1xf32> to vector<256x256xf32>
    %mul3A_24 = arith.mulf %mul3A, %get3A_1 : vector<256x256xf32>
    %reduce_sum3A = arith.constant dense<0.000000e+00> : vector<256xf32>
    %reduce_sum3A_25 = vector.multi_reduction <add>, %mul3A_24, %reduce_sum3A [0] : vector<256x256xf32> to vector<256xf32>
    %broadcast_in_dim3A = vector.shape_cast %reduce_sum3A_25 : vector<256xf32> to vector<1x256xf32>
    %get3A_26 = arith.constant 0 : index
    %get3A_27 = arith.constant 0 : index
    %get3A_28 = vector.load %arg8[%get3A_26, %get3A_27] : memref<1x256xf32, #tpu.memory_space<vmem>>, vector<1x256xf32>
    %add3A = arith.addf %broadcast_in_dim3A, %get3A_28 : vector<1x256xf32>
    %get3A_29 = arith.constant 0 : index
    %get3A_30 = arith.constant 0 : index
    %get3A_31 = vector.load %arg6[%get3A_29, %get3A_30] : memref<1x256xf32, #tpu.memory_space<vmem>>, vector<1x256xf32>
    %transpose3A_32 = tpu.transpose %get3A_31, [1, 0] : vector<1x256xf32> -> vector<256x1xf32>
    %mul3A_33 = vector.broadcast %transpose3A_32 : vector<256x1xf32> to vector<256x256xf32>
    %mul3A_34 = arith.mulf %mul3A_33, %get3A_1 : vector<256x256xf32>
    %reduce_sum3A_35 = arith.constant dense<0.000000e+00> : vector<256xf32>
    %reduce_sum3A_36 = vector.multi_reduction <add>, %mul3A_34, %reduce_sum3A_35 [0] : vector<256x256xf32> to vector<256xf32>
    %broadcast_in_dim3A_37 = vector.shape_cast %reduce_sum3A_36 : vector<256xf32> to vector<1x256xf32>
    %get3A_38 = arith.constant 0 : index
    %get3A_39 = arith.constant 0 : index
    %get3A_40 = vector.load %arg9[%get3A_38, %get3A_39] : memref<1x256xf32, #tpu.memory_space<vmem>>, vector<1x256xf32>
    %transpose3A_41 = tpu.transpose %get3A_40, [1, 0] : vector<1x256xf32> -> vector<256x1xf32>
    %mul3A_42 = vector.broadcast %transpose3A_41 : vector<256x1xf32> to vector<256x256xf32>
    %mul3A_43 = arith.mulf %mul3A_42, %get3A_1 : vector<256x256xf32>
    %reduce_sum3A_44 = arith.constant dense<0.000000e+00> : vector<256xf32>
    %reduce_sum3A_45 = vector.multi_reduction <add>, %mul3A_43, %reduce_sum3A_44 [0] : vector<256x256xf32> to vector<256xf32>
    %broadcast_in_dim3A_46 = vector.shape_cast %reduce_sum3A_45 : vector<256xf32> to vector<1x256xf32>
    %get3A_47 = arith.constant 0 : index
    %get3A_48 = arith.constant 0 : index
    %get3A_49 = vector.load %arg7[%get3A_47, %get3A_48] : memref<1x256xf32, #tpu.memory_space<vmem>>, vector<1x256xf32>
    %concatenate3A_50 = tpu.concatenate %add3A, %broadcast_in_dim3A_37, %get3A_49 in 1 : vector<1x256xf32>, vector<1x256xf32>, vector<1x256xf32> -> vector<1x768xf32>
    %swap3A_51 = arith.constant 0 : index
    %swap3A_52 = arith.constant 0 : index
    %swap3A_53 = vector.load %arg11[%swap3A_51, %swap3A_52] : memref<1x768xf32, #tpu.memory_space<vmem>>, vector<1x768xf32>
    tpu.vector_store %arg11[%swap3A_51, %swap3A_52], %concatenate3A_50 {strides = array<i32>} : memref<1x768xf32, #tpu.memory_space<vmem>>, vector<1x768xf32>,
    %get3A_54 = arith.constant 0 : index
    %get3A_55 = arith.constant 0 : index
    %get3A_56 = vector.load %arg4[%get3A_54, %get3A_55] : memref<256x256xf32, #tpu.memory_space<vmem>>, vector<256x256xf32>
    %concatenate3A_57 = tpu.concatenate %get3A_56, %dot_general3A_15 in 1 : vector<256x256xf32>, vector<256x256xf32> -> vector<256x512xf32>
    %swap3A_58 = arith.constant 0 : index
    %swap3A_59 = arith.constant 0 : index
    %swap3A_60 = vector.load %arg12[%swap3A_58, %swap3A_59] : memref<256x512xf32, #tpu.memory_space<vmem>>, vector<256x512xf32>
    tpu.vector_store %arg12[%swap3A_58, %swap3A_59], %concatenate3A_57 {strides = array<i32>} : memref<256x512xf32, #tpu.memory_space<vmem>>, vector<256x512xf32>,
    %get3A_61 = arith.constant 0 : index
    %get3A_62 = arith.constant 0 : index
    %get3A_63 = vector.load %arg9[%get3A_61, %get3A_62] : memref<1x256xf32, #tpu.memory_space<vmem>>, vector<1x256xf32>
    %concatenate3A_64 = tpu.concatenate %get3A_63, %broadcast_in_dim3A_46 in 1 : vector<1x256xf32>, vector<1x256xf32> -> vector<1x512xf32>
    %swap3A_65 = arith.constant 0 : index
    %swap3A_66 = arith.constant 0 : index
    %swap3A_67 = vector.load %arg13[%swap3A_65, %swap3A_66] : memref<1x512xf32, #tpu.memory_space<vmem>>, vector<1x512xf32>
    tpu.vector_store %arg13[%swap3A_65, %swap3A_66], %concatenate3A_64 {strides = array<i32>} : memref<1x512xf32, #tpu.memory_space<vmem>>, vector<1x512xf32>,
    return
  }
}

module attributes {stable_mosaic.version = 14 : i64} {
  func.func @_proj_body(%arg0: i32, %arg1: i32, %arg2: memref<1x512x256xf32, #tpu.memory_space<vmem>>, %arg3: memref<1x512x128xf32, #tpu.memory_space<vmem>>, %arg4: memref<256x768xf32, #tpu.memory_space<vmem>>, %arg5: memref<1x768xf32, #tpu.memory_space<vmem>>, %arg6: memref<1x512x256xf32, #tpu.memory_space<vmem>>, %arg7: memref<1x512x640xf32, #tpu.memory_space<vmem>>) attributes {dimension_semantics = [#tpu.dimension_semantics<arbitrary>, #tpu.dimension_semantics<arbitrary>], iteration_bounds = array<i64: 2, 8>, scalar_prefetch = 0 : i64, scratch_operands = 0 : i64, tpu.core_type = #tpu.core_type<tc>, window_params = [{transform_indices = @transform_0, window_bounds = array<i64: 1, 512, 256>}, {transform_indices = @transform_1, window_bounds = array<i64: 1, 512, 128>}, {pipeline_mode = #tpu.pipeline_mode<synchronous>, transform_indices = @transform_2, window_bounds = array<i64: 256, 768>}, {pipeline_mode = #tpu.pipeline_mode<synchronous>, transform_indices = @transform_3, window_bounds = array<i64: 1, 768>}, {transform_indices = @transform_4, window_bounds = array<i64: 1, 512, 256>}, {transform_indices = @transform_5, window_bounds = array<i64: 1, 512, 640>}]} {
    %get3A = arith.constant 0 : index
    %get3A_0 = arith.constant 0 : index
    %get3A_1 = arith.constant 0 : index
    %get3A_2 = vector.load %arg2[%get3A, %get3A_0, %get3A_1] : memref<1x512x256xf32, #tpu.memory_space<vmem>>, vector<1x512x256xf32>
    %get3A_3 = vector.shape_cast %get3A_2 : vector<1x512x256xf32> to vector<512x256xf32>
    %convert_element_type3A = arith.truncf %get3A_3 : vector<512x256xf32> to vector<512x256xbf16>
    %get3A_4 = arith.constant 0 : index
    %get3A_5 = arith.constant 0 : index
    %get3A_6 = vector.load %arg4[%get3A_4, %get3A_5] : memref<256x768xf32, #tpu.memory_space<vmem>>, vector<256x768xf32>
    %convert_element_type3A_7 = arith.truncf %get3A_6 : vector<256x768xf32> to vector<256x768xbf16>
    %dot_general3A = arith.constant dense<0.000000e+00> : vector<512x768xf32>
    %dot_general3A_8 = tpu.matmul %convert_element_type3A, %convert_element_type3A_7, %dot_general3A {dimension_numbers = #tpu.dot_dimension_numbers<[1], [0], [0], [1], [0, 0, 1, 1], [], []>, transpose_lhs_hint = false} : vector<512x256xbf16>, vector<256x768xbf16>, vector<512x768xf32> -> vector<512x768xf32>
    %get3A_9 = arith.constant 0 : index
    %get3A_10 = arith.constant 0 : index
    %get3A_11 = vector.load %arg5[%get3A_9, %get3A_10] : memref<1x768xf32, #tpu.memory_space<vmem>>, vector<1x768xf32>
    %add3A = vector.broadcast %get3A_11 : vector<1x768xf32> to vector<512x768xf32>
    %add3A_12 = arith.addf %dot_general3A_8, %add3A : vector<512x768xf32>
    %slice3A = vector.extract_strided_slice %add3A_12 {offsets = [0, 0], sizes = [512, 256], strides = [1, 1]} : vector<512x768xf32> to vector<512x256xf32>
    %swap3A = arith.constant 0 : index
    %swap3A_13 = arith.constant 0 : index
    %swap3A_14 = arith.constant 0 : index
    %swap3A_15 = vector.load %arg6[%swap3A, %swap3A_13, %swap3A_14] : memref<1x512x256xf32, #tpu.memory_space<vmem>>, vector<1x512x256xf32>
    %swap3A_16 = vector.shape_cast %swap3A_15 : vector<1x512x256xf32> to vector<512x256xf32>
    %swap3A_17 = vector.shape_cast %slice3A : vector<512x256xf32> to vector<1x512x256xf32>
    tpu.vector_store %arg6[%swap3A, %swap3A_13, %swap3A_14], %swap3A_17 {strides = array<i32>} : memref<1x512x256xf32, #tpu.memory_space<vmem>>, vector<1x512x256xf32>,
    %slice3A_18 = vector.extract_strided_slice %add3A_12 {offsets = [0, 256], sizes = [512, 512], strides = [1, 1]} : vector<512x768xf32> to vector<512x512xf32>
    %swap3A_19 = arith.constant 0 : index
    %swap3A_20 = arith.constant 0 : index
    %swap3A_21 = arith.constant 0 : index
    %swap3A_22 = vector.load %arg7[%swap3A_19, %swap3A_20, %swap3A_21] : memref<1x512x640xf32, #tpu.memory_space<vmem>>, vector<1x512x512xf32>
    %swap3A_23 = vector.shape_cast %swap3A_22 : vector<1x512x512xf32> to vector<512x512xf32>
    %swap3A_24 = vector.shape_cast %slice3A_18 : vector<512x512xf32> to vector<1x512x512xf32>
    tpu.vector_store %arg7[%swap3A_19, %swap3A_20, %swap3A_21], %swap3A_24 {strides = array<i32>} : memref<1x512x640xf32, #tpu.memory_space<vmem>>, vector<1x512x512xf32>,
    %get3A_25 = arith.constant 0 : index
    %get3A_26 = arith.constant 0 : index
    %get3A_27 = arith.constant 0 : index
    %get3A_28 = vector.load %arg3[%get3A_25, %get3A_26, %get3A_27] : memref<1x512x128xf32, #tpu.memory_space<vmem>>, vector<1x512x128xf32>
    %get3A_29 = vector.shape_cast %get3A_28 : vector<1x512x128xf32> to vector<512x128xf32>
    %swap3A_30 = arith.constant 0 : index
    %swap3A_31 = arith.constant 0 : index
    %swap3A_32 = arith.constant 512 : index
    %swap3A_33 = vector.load %arg7[%swap3A_30, %swap3A_31, %swap3A_32] : memref<1x512x640xf32, #tpu.memory_space<vmem>>, vector<1x512x128xf32>
    %swap3A_34 = vector.shape_cast %swap3A_33 : vector<1x512x128xf32> to vector<512x128xf32>
    %swap3A_35 = vector.shape_cast %get3A_29 : vector<512x128xf32> to vector<1x512x128xf32>
    tpu.vector_store %arg7[%swap3A_30, %swap3A_31, %swap3A_32], %swap3A_35 {strides = array<i32>} : memref<1x512x640xf32, #tpu.memory_space<vmem>>, vector<1x512x128xf32>,
    return
  }
  func.func @transform_0(%arg0: i32, %arg1: i32) -> (i32, i32, i32) {
    %c0_i32 = arith.constant 0 : i32
    %c0_i32_0 = arith.constant 0 : i32
    return %arg0, %arg1, %c0_i32 : i32, i32, i32
  }
  func.func @transform_1(%arg0: i32, %arg1: i32) -> (i32, i32, i32) {
    %c0_i32 = arith.constant 0 : i32
    %c0_i32_0 = arith.constant 0 : i32
    return %arg0, %arg1, %c0_i32 : i32, i32, i32
  }
  func.func @transform_2(%arg0: i32, %arg1: i32) -> (i32, i32) {
    %c0_i32 = arith.constant 0 : i32
    %c0_i32_0 = arith.constant 0 : i32
    %c0_i32_1 = arith.constant 0 : i32
    return %c0_i32, %c0_i32_0 : i32, i32
  }
  func.func @transform_3(%arg0: i32, %arg1: i32) -> (i32, i32) {
    %c0_i32 = arith.constant 0 : i32
    %c0_i32_0 = arith.constant 0 : i32
    %c0_i32_1 = arith.constant 0 : i32
    return %c0_i32, %c0_i32_0 : i32, i32
  }
  func.func @transform_4(%arg0: i32, %arg1: i32) -> (i32, i32, i32) {
    %c0_i32 = arith.constant 0 : i32
    %c0_i32_0 = arith.constant 0 : i32
    return %arg0, %arg1, %c0_i32 : i32, i32, i32
  }
  func.func @transform_5(%arg0: i32, %arg1: i32) -> (i32, i32, i32) {
    %c0_i32 = arith.constant 0 : i32
    %c0_i32_0 = arith.constant 0 : i32
    return %arg0, %arg1, %c0_i32 : i32, i32, i32
  }
}

module attributes {stable_mosaic.version = 14 : i64} {
  func.func @_knn_body(%arg0: i32, %arg1: memref<1x256x16xf32, #tpu.memory_space<vmem>>, %arg2: memref<1x16x4096xf32, #tpu.memory_space<vmem>>, %arg3: memref<1x256x8xi32, #tpu.memory_space<vmem>>) attributes {dimension_semantics = [#tpu.dimension_semantics<arbitrary>], iteration_bounds = array<i64: 8>, scalar_prefetch = 0 : i64, scratch_operands = 0 : i64, tpu.core_type = #tpu.core_type<tc>, window_params = [{transform_indices = @transform_0, window_bounds = array<i64: 1, 256, 16>}, {pipeline_mode = #tpu.pipeline_mode<synchronous>, transform_indices = @transform_1, window_bounds = array<i64: 1, 16, 4096>}, {transform_indices = @transform_2, window_bounds = array<i64: 1, 256, 8>}]} {
    %get3A = arith.constant 0 : index
    %get3A_0 = arith.constant 0 : index
    %get3A_1 = arith.constant 0 : index
    %get3A_2 = vector.load %arg1[%get3A, %get3A_0, %get3A_1] : memref<1x256x16xf32, #tpu.memory_space<vmem>>, vector<1x256x16xf32>
    %get3A_3 = vector.shape_cast %get3A_2 : vector<1x256x16xf32> to vector<256x16xf32>
    %get3A_4 = arith.constant 0 : index
    %get3A_5 = arith.constant 0 : index
    %get3A_6 = arith.constant 0 : index
    %get3A_7 = vector.load %arg2[%get3A_4, %get3A_5, %get3A_6] : memref<1x16x4096xf32, #tpu.memory_space<vmem>>, vector<1x16x4096xf32>
    %get3A_8 = vector.shape_cast %get3A_7 : vector<1x16x4096xf32> to vector<16x4096xf32>
    %slice3A = vector.extract_strided_slice %get3A_3 {offsets = [0, 0], sizes = [256, 1], strides = [1, 1]} : vector<256x16xf32> to vector<256x1xf32>
    %slice3A_9 = vector.extract_strided_slice %get3A_3 {offsets = [0, 0], sizes = [256, 1], strides = [1, 1]} : vector<256x16xf32> to vector<256x1xf32>
    %mul3A = arith.mulf %slice3A, %slice3A_9 : vector<256x1xf32>
    %slice3A_10 = vector.extract_strided_slice %get3A_3 {offsets = [0, 1], sizes = [256, 1], strides = [1, 1]} : vector<256x16xf32> to vector<256x1xf32>
    %slice3A_11 = vector.extract_strided_slice %get3A_3 {offsets = [0, 1], sizes = [256, 1], strides = [1, 1]} : vector<256x16xf32> to vector<256x1xf32>
    %mul3A_12 = arith.mulf %slice3A_10, %slice3A_11 : vector<256x1xf32>
    %add3A = arith.addf %mul3A, %mul3A_12 : vector<256x1xf32>
    %slice3A_13 = vector.extract_strided_slice %get3A_3 {offsets = [0, 2], sizes = [256, 1], strides = [1, 1]} : vector<256x16xf32> to vector<256x1xf32>
    %slice3A_14 = vector.extract_strided_slice %get3A_3 {offsets = [0, 2], sizes = [256, 1], strides = [1, 1]} : vector<256x16xf32> to vector<256x1xf32>
    %mul3A_15 = arith.mulf %slice3A_13, %slice3A_14 : vector<256x1xf32>
    %add3A_16 = arith.addf %add3A, %mul3A_15 : vector<256x1xf32>
    %slice3A_17 = vector.extract_strided_slice %get3A_8 {offsets = [0, 0], sizes = [1, 4096], strides = [1, 1]} : vector<16x4096xf32> to vector<1x4096xf32>
    %slice3A_18 = vector.extract_strided_slice %get3A_8 {offsets = [0, 0], sizes = [1, 4096], strides = [1, 1]} : vector<16x4096xf32> to vector<1x4096xf32>
    %mul3A_19 = arith.mulf %slice3A_17, %slice3A_18 : vector<1x4096xf32>
    %slice3A_20 = vector.extract_strided_slice %get3A_8 {offsets = [1, 0], sizes = [1, 4096], strides = [1, 1]} : vector<16x4096xf32> to vector<1x4096xf32>
    %slice3A_21 = vector.extract_strided_slice %get3A_8 {offsets = [1, 0], sizes = [1, 4096], strides = [1, 1]} : vector<16x4096xf32> to vector<1x4096xf32>
    %mul3A_22 = arith.mulf %slice3A_20, %slice3A_21 : vector<1x4096xf32>
    %add3A_23 = arith.addf %mul3A_19, %mul3A_22 : vector<1x4096xf32>
    %slice3A_24 = vector.extract_strided_slice %get3A_8 {offsets = [2, 0], sizes = [1, 4096], strides = [1, 1]} : vector<16x4096xf32> to vector<1x4096xf32>
    %slice3A_25 = vector.extract_strided_slice %get3A_8 {offsets = [2, 0], sizes = [1, 4096], strides = [1, 1]} : vector<16x4096xf32> to vector<1x4096xf32>
    %mul3A_26 = arith.mulf %slice3A_24, %slice3A_25 : vector<1x4096xf32>
    %add3A_27 = arith.addf %add3A_23, %mul3A_26 : vector<1x4096xf32>
    %convert_element_type3A = arith.truncf %get3A_3 : vector<256x16xf32> to vector<256x16xbf16>
    %convert_element_type3A_28 = arith.truncf %get3A_8 : vector<16x4096xf32> to vector<16x4096xbf16>
    %dot_general3A = arith.constant dense<0.000000e+00> : vector<256x4096xf32>
    %dot_general3A_29 = tpu.matmul %convert_element_type3A, %convert_element_type3A_28, %dot_general3A {dimension_numbers = #tpu.dot_dimension_numbers<[1], [0], [0], [1], [0, 0, 1, 1], [], []>, transpose_lhs_hint = false} : vector<256x16xbf16>, vector<16x4096xbf16>, vector<256x4096xf32> -> vector<256x4096xf32>
    %add3A_30 = vector.broadcast %add3A_16 : vector<256x1xf32> to vector<256x4096xf32>
    %add3A_31 = vector.broadcast %add3A_27 : vector<1x4096xf32> to vector<256x4096xf32>
    %add3A_32 = arith.addf %add3A_30, %add3A_31 : vector<256x4096xf32>
    %mul3A_33 = arith.constant 2.000000e+00 : f32
    %mul3A_34 = vector.broadcast %mul3A_33 : f32 to vector<256x4096xf32>
    %mul3A_35 = arith.mulf %mul3A_34, %dot_general3A_29 : vector<256x4096xf32>
    %sub3A = arith.subf %add3A_32, %mul3A_35 : vector<256x4096xf32>
    %iota3A = tpu.iota {dimensions = array<i32: 1>} : vector<256x4096xi32>
    %convert_element_type3A_36 = arith.sitofp %iota3A : vector<256x4096xi32> to vector<256x4096xf32>
    %slice3A_37 = vector.extract_strided_slice %sub3A {offsets = [0, 0], sizes = [256, 128], strides = [1, 1]} : vector<256x4096xf32> to vector<256x128xf32>
    %slice3A_38 = vector.extract_strided_slice %sub3A {offsets = [0, 128], sizes = [256, 128], strides = [1, 1]} : vector<256x4096xf32> to vector<256x128xf32>
    %slice3A_39 = vector.extract_strided_slice %sub3A {offsets = [0, 256], sizes = [256, 128], strides = [1, 1]} : vector<256x4096xf32> to vector<256x128xf32>
    %slice3A_40 = vector.extract_strided_slice %sub3A {offsets = [0, 384], sizes = [256, 128], strides = [1, 1]} : vector<256x4096xf32> to vector<256x128xf32>
    %slice3A_41 = vector.extract_strided_slice %sub3A {offsets = [0, 512], sizes = [256, 128], strides = [1, 1]} : vector<256x4096xf32> to vector<256x128xf32>
    %slice3A_42 = vector.extract_strided_slice %sub3A {offsets = [0, 640], sizes = [256, 128], strides = [1, 1]} : vector<256x4096xf32> to vector<256x128xf32>
    %slice3A_43 = vector.extract_strided_slice %sub3A {offsets = [0, 768], sizes = [256, 128], strides = [1, 1]} : vector<256x4096xf32> to vector<256x128xf32>
    %slice3A_44 = vector.extract_strided_slice %sub3A {offsets = [0, 896], sizes = [256, 128], strides = [1, 1]} : vector<256x4096xf32> to vector<256x128xf32>
    %slice3A_45 = vector.extract_strided_slice %sub3A {offsets = [0, 1024], sizes = [256, 128], strides = [1, 1]} : vector<256x4096xf32> to vector<256x128xf32>
    %slice3A_46 = vector.extract_strided_slice %sub3A {offsets = [0, 1152], sizes = [256, 128], strides = [1, 1]} : vector<256x4096xf32> to vector<256x128xf32>
    %slice3A_47 = vector.extract_strided_slice %sub3A {offsets = [0, 1280], sizes = [256, 128], strides = [1, 1]} : vector<256x4096xf32> to vector<256x128xf32>
    %slice3A_48 = vector.extract_strided_slice %sub3A {offsets = [0, 1408], sizes = [256, 128], strides = [1, 1]} : vector<256x4096xf32> to vector<256x128xf32>
    %slice3A_49 = vector.extract_strided_slice %sub3A {offsets = [0, 1536], sizes = [256, 128], strides = [1, 1]} : vector<256x4096xf32> to vector<256x128xf32>
    %slice3A_50 = vector.extract_strided_slice %sub3A {offsets = [0, 1664], sizes = [256, 128], strides = [1, 1]} : vector<256x4096xf32> to vector<256x128xf32>
    %slice3A_51 = vector.extract_strided_slice %sub3A {offsets = [0, 1792], sizes = [256, 128], strides = [1, 1]} : vector<256x4096xf32> to vector<256x128xf32>
    %slice3A_52 = vector.extract_strided_slice %sub3A {offsets = [0, 1920], sizes = [256, 128], strides = [1, 1]} : vector<256x4096xf32> to vector<256x128xf32>
    %slice3A_53 = vector.extract_strided_slice %sub3A {offsets = [0, 2048], sizes = [256, 128], strides = [1, 1]} : vector<256x4096xf32> to vector<256x128xf32>
    %slice3A_54 = vector.extract_strided_slice %sub3A {offsets = [0, 2176], sizes = [256, 128], strides = [1, 1]} : vector<256x4096xf32> to vector<256x128xf32>
    %slice3A_55 = vector.extract_strided_slice %sub3A {offsets = [0, 2304], sizes = [256, 128], strides = [1, 1]} : vector<256x4096xf32> to vector<256x128xf32>
    %slice3A_56 = vector.extract_strided_slice %sub3A {offsets = [0, 2432], sizes = [256, 128], strides = [1, 1]} : vector<256x4096xf32> to vector<256x128xf32>
    %slice3A_57 = vector.extract_strided_slice %sub3A {offsets = [0, 2560], sizes = [256, 128], strides = [1, 1]} : vector<256x4096xf32> to vector<256x128xf32>
    %slice3A_58 = vector.extract_strided_slice %sub3A {offsets = [0, 2688], sizes = [256, 128], strides = [1, 1]} : vector<256x4096xf32> to vector<256x128xf32>
    %slice3A_59 = vector.extract_strided_slice %sub3A {offsets = [0, 2816], sizes = [256, 128], strides = [1, 1]} : vector<256x4096xf32> to vector<256x128xf32>
    %slice3A_60 = vector.extract_strided_slice %sub3A {offsets = [0, 2944], sizes = [256, 128], strides = [1, 1]} : vector<256x4096xf32> to vector<256x128xf32>
    %slice3A_61 = vector.extract_strided_slice %sub3A {offsets = [0, 3072], sizes = [256, 128], strides = [1, 1]} : vector<256x4096xf32> to vector<256x128xf32>
    %slice3A_62 = vector.extract_strided_slice %sub3A {offsets = [0, 3200], sizes = [256, 128], strides = [1, 1]} : vector<256x4096xf32> to vector<256x128xf32>
    %slice3A_63 = vector.extract_strided_slice %sub3A {offsets = [0, 3328], sizes = [256, 128], strides = [1, 1]} : vector<256x4096xf32> to vector<256x128xf32>
    %slice3A_64 = vector.extract_strided_slice %sub3A {offsets = [0, 3456], sizes = [256, 128], strides = [1, 1]} : vector<256x4096xf32> to vector<256x128xf32>
    %slice3A_65 = vector.extract_strided_slice %sub3A {offsets = [0, 3584], sizes = [256, 128], strides = [1, 1]} : vector<256x4096xf32> to vector<256x128xf32>
    %slice3A_66 = vector.extract_strided_slice %sub3A {offsets = [0, 3712], sizes = [256, 128], strides = [1, 1]} : vector<256x4096xf32> to vector<256x128xf32>
    %slice3A_67 = vector.extract_strided_slice %sub3A {offsets = [0, 3840], sizes = [256, 128], strides = [1, 1]} : vector<256x4096xf32> to vector<256x128xf32>
    %slice3A_68 = vector.extract_strided_slice %sub3A {offsets = [0, 3968], sizes = [256, 128], strides = [1, 1]} : vector<256x4096xf32> to vector<256x128xf32>
    %min3A = arith.minimumf %slice3A_37, %slice3A_38 : vector<256x128xf32>
    %min3A_69 = arith.minimumf %slice3A_39, %slice3A_40 : vector<256x128xf32>
    %min3A_70 = arith.minimumf %slice3A_41, %slice3A_42 : vector<256x128xf32>
    %min3A_71 = arith.minimumf %slice3A_43, %slice3A_44 : vector<256x128xf32>
    %min3A_72 = arith.minimumf %slice3A_45, %slice3A_46 : vector<256x128xf32>
    %min3A_73 = arith.minimumf %slice3A_47, %slice3A_48 : vector<256x128xf32>
    %min3A_74 = arith.minimumf %slice3A_49, %slice3A_50 : vector<256x128xf32>
    %min3A_75 = arith.minimumf %slice3A_51, %slice3A_52 : vector<256x128xf32>
    %min3A_76 = arith.minimumf %slice3A_53, %slice3A_54 : vector<256x128xf32>
    %min3A_77 = arith.minimumf %slice3A_55, %slice3A_56 : vector<256x128xf32>
    %min3A_78 = arith.minimumf %slice3A_57, %slice3A_58 : vector<256x128xf32>
    %min3A_79 = arith.minimumf %slice3A_59, %slice3A_60 : vector<256x128xf32>
    %min3A_80 = arith.minimumf %slice3A_61, %slice3A_62 : vector<256x128xf32>
    %min3A_81 = arith.minimumf %slice3A_63, %slice3A_64 : vector<256x128xf32>
    %min3A_82 = arith.minimumf %slice3A_65, %slice3A_66 : vector<256x128xf32>
    %min3A_83 = arith.minimumf %slice3A_67, %slice3A_68 : vector<256x128xf32>
    %min3A_84 = arith.minimumf %min3A, %min3A_69 : vector<256x128xf32>
    %min3A_85 = arith.minimumf %min3A_70, %min3A_71 : vector<256x128xf32>
    %min3A_86 = arith.minimumf %min3A_72, %min3A_73 : vector<256x128xf32>
    %min3A_87 = arith.minimumf %min3A_74, %min3A_75 : vector<256x128xf32>
    %min3A_88 = arith.minimumf %min3A_76, %min3A_77 : vector<256x128xf32>
    %min3A_89 = arith.minimumf %min3A_78, %min3A_79 : vector<256x128xf32>
    %min3A_90 = arith.minimumf %min3A_80, %min3A_81 : vector<256x128xf32>
    %min3A_91 = arith.minimumf %min3A_82, %min3A_83 : vector<256x128xf32>
    %min3A_92 = arith.minimumf %min3A_84, %min3A_85 : vector<256x128xf32>
    %min3A_93 = arith.minimumf %min3A_86, %min3A_87 : vector<256x128xf32>
    %min3A_94 = arith.minimumf %min3A_88, %min3A_89 : vector<256x128xf32>
    %min3A_95 = arith.minimumf %min3A_90, %min3A_91 : vector<256x128xf32>
    %min3A_96 = arith.minimumf %min3A_92, %min3A_93 : vector<256x128xf32>
    %min3A_97 = arith.minimumf %min3A_94, %min3A_95 : vector<256x128xf32>
    %min3A_98 = arith.minimumf %min3A_96, %min3A_97 : vector<256x128xf32>
    %reduce_min3A = arith.constant dense<0x7F800000> : vector<256xf32>
    %reduce_min3A_99 = vector.multi_reduction <minimumf>, %min3A_98, %reduce_min3A [1] : vector<256x128xf32> to vector<256xf32>
    %broadcast_in_dim3A = vector.shape_cast %reduce_min3A_99 : vector<256xf32> to vector<256x1xf32>
    %le3A = vector.broadcast %broadcast_in_dim3A : vector<256x1xf32> to vector<256x4096xf32>
    %le3A_100 = arith.cmpf ole, %sub3A, %le3A : vector<256x4096xf32>
    %jit3A = arith.constant 8.192000e+03 : f32
    %broadcast_in_dim3A_101 = vector.broadcast %jit3A : f32 to vector<256x4096xf32>
    %select_n3A = arith.select %le3A_100, %convert_element_type3A_36, %broadcast_in_dim3A_101 : vector<256x4096xi1>, vector<256x4096xf32>
    %slice3A_102 = vector.extract_strided_slice %select_n3A {offsets = [0, 0], sizes = [256, 128], strides = [1, 1]} : vector<256x4096xf32> to vector<256x128xf32>
    %slice3A_103 = vector.extract_strided_slice %select_n3A {offsets = [0, 128], sizes = [256, 128], strides = [1, 1]} : vector<256x4096xf32> to vector<256x128xf32>
    %slice3A_104 = vector.extract_strided_slice %select_n3A {offsets = [0, 256], sizes = [256, 128], strides = [1, 1]} : vector<256x4096xf32> to vector<256x128xf32>
    %slice3A_105 = vector.extract_strided_slice %select_n3A {offsets = [0, 384], sizes = [256, 128], strides = [1, 1]} : vector<256x4096xf32> to vector<256x128xf32>
    %slice3A_106 = vector.extract_strided_slice %select_n3A {offsets = [0, 512], sizes = [256, 128], strides = [1, 1]} : vector<256x4096xf32> to vector<256x128xf32>
    %slice3A_107 = vector.extract_strided_slice %select_n3A {offsets = [0, 640], sizes = [256, 128], strides = [1, 1]} : vector<256x4096xf32> to vector<256x128xf32>
    %slice3A_108 = vector.extract_strided_slice %select_n3A {offsets = [0, 768], sizes = [256, 128], strides = [1, 1]} : vector<256x4096xf32> to vector<256x128xf32>
    %slice3A_109 = vector.extract_strided_slice %select_n3A {offsets = [0, 896], sizes = [256, 128], strides = [1, 1]} : vector<256x4096xf32> to vector<256x128xf32>
    %slice3A_110 = vector.extract_strided_slice %select_n3A {offsets = [0, 1024], sizes = [256, 128], strides = [1, 1]} : vector<256x4096xf32> to vector<256x128xf32>
    %slice3A_111 = vector.extract_strided_slice %select_n3A {offsets = [0, 1152], sizes = [256, 128], strides = [1, 1]} : vector<256x4096xf32> to vector<256x128xf32>
    %slice3A_112 = vector.extract_strided_slice %select_n3A {offsets = [0, 1280], sizes = [256, 128], strides = [1, 1]} : vector<256x4096xf32> to vector<256x128xf32>
    %slice3A_113 = vector.extract_strided_slice %select_n3A {offsets = [0, 1408], sizes = [256, 128], strides = [1, 1]} : vector<256x4096xf32> to vector<256x128xf32>
    %slice3A_114 = vector.extract_strided_slice %select_n3A {offsets = [0, 1536], sizes = [256, 128], strides = [1, 1]} : vector<256x4096xf32> to vector<256x128xf32>
    %slice3A_115 = vector.extract_strided_slice %select_n3A {offsets = [0, 1664], sizes = [256, 128], strides = [1, 1]} : vector<256x4096xf32> to vector<256x128xf32>
    %slice3A_116 = vector.extract_strided_slice %select_n3A {offsets = [0, 1792], sizes = [256, 128], strides = [1, 1]} : vector<256x4096xf32> to vector<256x128xf32>
    %slice3A_117 = vector.extract_strided_slice %select_n3A {offsets = [0, 1920], sizes = [256, 128], strides = [1, 1]} : vector<256x4096xf32> to vector<256x128xf32>
    %slice3A_118 = vector.extract_strided_slice %select_n3A {offsets = [0, 2048], sizes = [256, 128], strides = [1, 1]} : vector<256x4096xf32> to vector<256x128xf32>
    %slice3A_119 = vector.extract_strided_slice %select_n3A {offsets = [0, 2176], sizes = [256, 128], strides = [1, 1]} : vector<256x4096xf32> to vector<256x128xf32>
    %slice3A_120 = vector.extract_strided_slice %select_n3A {offsets = [0, 2304], sizes = [256, 128], strides = [1, 1]} : vector<256x4096xf32> to vector<256x128xf32>
    %slice3A_121 = vector.extract_strided_slice %select_n3A {offsets = [0, 2432], sizes = [256, 128], strides = [1, 1]} : vector<256x4096xf32> to vector<256x128xf32>
    %slice3A_122 = vector.extract_strided_slice %select_n3A {offsets = [0, 2560], sizes = [256, 128], strides = [1, 1]} : vector<256x4096xf32> to vector<256x128xf32>
    %slice3A_123 = vector.extract_strided_slice %select_n3A {offsets = [0, 2688], sizes = [256, 128], strides = [1, 1]} : vector<256x4096xf32> to vector<256x128xf32>
    %slice3A_124 = vector.extract_strided_slice %select_n3A {offsets = [0, 2816], sizes = [256, 128], strides = [1, 1]} : vector<256x4096xf32> to vector<256x128xf32>
    %slice3A_125 = vector.extract_strided_slice %select_n3A {offsets = [0, 2944], sizes = [256, 128], strides = [1, 1]} : vector<256x4096xf32> to vector<256x128xf32>
    %slice3A_126 = vector.extract_strided_slice %select_n3A {offsets = [0, 3072], sizes = [256, 128], strides = [1, 1]} : vector<256x4096xf32> to vector<256x128xf32>
    %slice3A_127 = vector.extract_strided_slice %select_n3A {offsets = [0, 3200], sizes = [256, 128], strides = [1, 1]} : vector<256x4096xf32> to vector<256x128xf32>
    %slice3A_128 = vector.extract_strided_slice %select_n3A {offsets = [0, 3328], sizes = [256, 128], strides = [1, 1]} : vector<256x4096xf32> to vector<256x128xf32>
    %slice3A_129 = vector.extract_strided_slice %select_n3A {offsets = [0, 3456], sizes = [256, 128], strides = [1, 1]} : vector<256x4096xf32> to vector<256x128xf32>
    %slice3A_130 = vector.extract_strided_slice %select_n3A {offsets = [0, 3584], sizes = [256, 128], strides = [1, 1]} : vector<256x4096xf32> to vector<256x128xf32>
    %slice3A_131 = vector.extract_strided_slice %select_n3A {offsets = [0, 3712], sizes = [256, 128], strides = [1, 1]} : vector<256x4096xf32> to vector<256x128xf32>
    %slice3A_132 = vector.extract_strided_slice %select_n3A {offsets = [0, 3840], sizes = [256, 128], strides = [1, 1]} : vector<256x4096xf32> to vector<256x128xf32>
    %slice3A_133 = vector.extract_strided_slice %select_n3A {offsets = [0, 3968], sizes = [256, 128], strides = [1, 1]} : vector<256x4096xf32> to vector<256x128xf32>
    %min3A_134 = arith.minimumf %slice3A_102, %slice3A_103 : vector<256x128xf32>
    %min3A_135 = arith.minimumf %slice3A_104, %slice3A_105 : vector<256x128xf32>
    %min3A_136 = arith.minimumf %slice3A_106, %slice3A_107 : vector<256x128xf32>
    %min3A_137 = arith.minimumf %slice3A_108, %slice3A_109 : vector<256x128xf32>
    %min3A_138 = arith.minimumf %slice3A_110, %slice3A_111 : vector<256x128xf32>
    %min3A_139 = arith.minimumf %slice3A_112, %slice3A_113 : vector<256x128xf32>
    %min3A_140 = arith.minimumf %slice3A_114, %slice3A_115 : vector<256x128xf32>
    %min3A_141 = arith.minimumf %slice3A_116, %slice3A_117 : vector<256x128xf32>
    %min3A_142 = arith.minimumf %slice3A_118, %slice3A_119 : vector<256x128xf32>
    %min3A_143 = arith.minimumf %slice3A_120, %slice3A_121 : vector<256x128xf32>
    %min3A_144 = arith.minimumf %slice3A_122, %slice3A_123 : vector<256x128xf32>
    %min3A_145 = arith.minimumf %slice3A_124, %slice3A_125 : vector<256x128xf32>
    %min3A_146 = arith.minimumf %slice3A_126, %slice3A_127 : vector<256x128xf32>
    %min3A_147 = arith.minimumf %slice3A_128, %slice3A_129 : vector<256x128xf32>
    %min3A_148 = arith.minimumf %slice3A_130, %slice3A_131 : vector<256x128xf32>
    %min3A_149 = arith.minimumf %slice3A_132, %slice3A_133 : vector<256x128xf32>
    %min3A_150 = arith.minimumf %min3A_134, %min3A_135 : vector<256x128xf32>
    %min3A_151 = arith.minimumf %min3A_136, %min3A_137 : vector<256x128xf32>
    %min3A_152 = arith.minimumf %min3A_138, %min3A_139 : vector<256x128xf32>
    %min3A_153 = arith.minimumf %min3A_140, %min3A_141 : vector<256x128xf32>
    %min3A_154 = arith.minimumf %min3A_142, %min3A_143 : vector<256x128xf32>
    %min3A_155 = arith.minimumf %min3A_144, %min3A_145 : vector<256x128xf32>
    %min3A_156 = arith.minimumf %min3A_146, %min3A_147 : vector<256x128xf32>
    %min3A_157 = arith.minimumf %min3A_148, %min3A_149 : vector<256x128xf32>
    %min3A_158 = arith.minimumf %min3A_150, %min3A_151 : vector<256x128xf32>
    %min3A_159 = arith.minimumf %min3A_152, %min3A_153 : vector<256x128xf32>
    %min3A_160 = arith.minimumf %min3A_154, %min3A_155 : vector<256x128xf32>
    %min3A_161 = arith.minimumf %min3A_156, %min3A_157 : vector<256x128xf32>
    %min3A_162 = arith.minimumf %min3A_158, %min3A_159 : vector<256x128xf32>
    %min3A_163 = arith.minimumf %min3A_160, %min3A_161 : vector<256x128xf32>
    %min3A_164 = arith.minimumf %min3A_162, %min3A_163 : vector<256x128xf32>
    %reduce_min3A_165 = arith.constant dense<0x7F800000> : vector<256xf32>
    %reduce_min3A_166 = vector.multi_reduction <minimumf>, %min3A_164, %reduce_min3A_165 [1] : vector<256x128xf32> to vector<256xf32>
    %broadcast_in_dim3A_167 = vector.shape_cast %reduce_min3A_166 : vector<256xf32> to vector<256x1xf32>
    %eq3A = vector.broadcast %broadcast_in_dim3A_167 : vector<256x1xf32> to vector<256x4096xf32>
    %eq3A_168 = arith.cmpf oeq, %convert_element_type3A_36, %eq3A : vector<256x4096xf32>
    %jit3A_169 = arith.constant 0x7F800000 : f32
    %broadcast_in_dim3A_170 = vector.broadcast %jit3A_169 : f32 to vector<256x4096xf32>
    %select_n3A_171 = arith.select %eq3A_168, %broadcast_in_dim3A_170, %sub3A : vector<256x4096xi1>, vector<256x4096xf32>
    %slice3A_172 = vector.extract_strided_slice %select_n3A_171 {offsets = [0, 0], sizes = [256, 128], strides = [1, 1]} : vector<256x4096xf32> to vector<256x128xf32>
    %slice3A_173 = vector.extract_strided_slice %select_n3A_171 {offsets = [0, 128], sizes = [256, 128], strides = [1, 1]} : vector<256x4096xf32> to vector<256x128xf32>
    %slice3A_174 = vector.extract_strided_slice %select_n3A_171 {offsets = [0, 256], sizes = [256, 128], strides = [1, 1]} : vector<256x4096xf32> to vector<256x128xf32>
    %slice3A_175 = vector.extract_strided_slice %select_n3A_171 {offsets = [0, 384], sizes = [256, 128], strides = [1, 1]} : vector<256x4096xf32> to vector<256x128xf32>
    %slice3A_176 = vector.extract_strided_slice %select_n3A_171 {offsets = [0, 512], sizes = [256, 128], strides = [1, 1]} : vector<256x4096xf32> to vector<256x128xf32>
    %slice3A_177 = vector.extract_strided_slice %select_n3A_171 {offsets = [0, 640], sizes = [256, 128], strides = [1, 1]} : vector<256x4096xf32> to vector<256x128xf32>
    %slice3A_178 = vector.extract_strided_slice %select_n3A_171 {offsets = [0, 768], sizes = [256, 128], strides = [1, 1]} : vector<256x4096xf32> to vector<256x128xf32>
    %slice3A_179 = vector.extract_strided_slice %select_n3A_171 {offsets = [0, 896], sizes = [256, 128], strides = [1, 1]} : vector<256x4096xf32> to vector<256x128xf32>
    %slice3A_180 = vector.extract_strided_slice %select_n3A_171 {offsets = [0, 1024], sizes = [256, 128], strides = [1, 1]} : vector<256x4096xf32> to vector<256x128xf32>
    %slice3A_181 = vector.extract_strided_slice %select_n3A_171 {offsets = [0, 1152], sizes = [256, 128], strides = [1, 1]} : vector<256x4096xf32> to vector<256x128xf32>
    %slice3A_182 = vector.extract_strided_slice %select_n3A_171 {offsets = [0, 1280], sizes = [256, 128], strides = [1, 1]} : vector<256x4096xf32> to vector<256x128xf32>
    %slice3A_183 = vector.extract_strided_slice %select_n3A_171 {offsets = [0, 1408], sizes = [256, 128], strides = [1, 1]} : vector<256x4096xf32> to vector<256x128xf32>
    %slice3A_184 = vector.extract_strided_slice %select_n3A_171 {offsets = [0, 1536], sizes = [256, 128], strides = [1, 1]} : vector<256x4096xf32> to vector<256x128xf32>
    %slice3A_185 = vector.extract_strided_slice %select_n3A_171 {offsets = [0, 1664], sizes = [256, 128], strides = [1, 1]} : vector<256x4096xf32> to vector<256x128xf32>
    %slice3A_186 = vector.extract_strided_slice %select_n3A_171 {offsets = [0, 1792], sizes = [256, 128], strides = [1, 1]} : vector<256x4096xf32> to vector<256x128xf32>
    %slice3A_187 = vector.extract_strided_slice %select_n3A_171 {offsets = [0, 1920], sizes = [256, 128], strides = [1, 1]} : vector<256x4096xf32> to vector<256x128xf32>
    %slice3A_188 = vector.extract_strided_slice %select_n3A_171 {offsets = [0, 2048], sizes = [256, 128], strides = [1, 1]} : vector<256x4096xf32> to vector<256x128xf32>
    %slice3A_189 = vector.extract_strided_slice %select_n3A_171 {offsets = [0, 2176], sizes = [256, 128], strides = [1, 1]} : vector<256x4096xf32> to vector<256x128xf32>
    %slice3A_190 = vector.extract_strided_slice %select_n3A_171 {offsets = [0, 2304], sizes = [256, 128], strides = [1, 1]} : vector<256x4096xf32> to vector<256x128xf32>
    %slice3A_191 = vector.extract_strided_slice %select_n3A_171 {offsets = [0, 2432], sizes = [256, 128], strides = [1, 1]} : vector<256x4096xf32> to vector<256x128xf32>
    %slice3A_192 = vector.extract_strided_slice %select_n3A_171 {offsets = [0, 2560], sizes = [256, 128], strides = [1, 1]} : vector<256x4096xf32> to vector<256x128xf32>
    %slice3A_193 = vector.extract_strided_slice %select_n3A_171 {offsets = [0, 2688], sizes = [256, 128], strides = [1, 1]} : vector<256x4096xf32> to vector<256x128xf32>
    %slice3A_194 = vector.extract_strided_slice %select_n3A_171 {offsets = [0, 2816], sizes = [256, 128], strides = [1, 1]} : vector<256x4096xf32> to vector<256x128xf32>
    %slice3A_195 = vector.extract_strided_slice %select_n3A_171 {offsets = [0, 2944], sizes = [256, 128], strides = [1, 1]} : vector<256x4096xf32> to vector<256x128xf32>
    %slice3A_196 = vector.extract_strided_slice %select_n3A_171 {offsets = [0, 3072], sizes = [256, 128], strides = [1, 1]} : vector<256x4096xf32> to vector<256x128xf32>
    %slice3A_197 = vector.extract_strided_slice %select_n3A_171 {offsets = [0, 3200], sizes = [256, 128], strides = [1, 1]} : vector<256x4096xf32> to vector<256x128xf32>
    %slice3A_198 = vector.extract_strided_slice %select_n3A_171 {offsets = [0, 3328], sizes = [256, 128], strides = [1, 1]} : vector<256x4096xf32> to vector<256x128xf32>
    %slice3A_199 = vector.extract_strided_slice %select_n3A_171 {offsets = [0, 3456], sizes = [256, 128], strides = [1, 1]} : vector<256x4096xf32> to vector<256x128xf32>
    %slice3A_200 = vector.extract_strided_slice %select_n3A_171 {offsets = [0, 3584], sizes = [256, 128], strides = [1, 1]} : vector<256x4096xf32> to vector<256x128xf32>
    %slice3A_201 = vector.extract_strided_slice %select_n3A_171 {offsets = [0, 3712], sizes = [256, 128], strides = [1, 1]} : vector<256x4096xf32> to vector<256x128xf32>
    %slice3A_202 = vector.extract_strided_slice %select_n3A_171 {offsets = [0, 3840], sizes = [256, 128], strides = [1, 1]} : vector<256x4096xf32> to vector<256x128xf32>
    %slice3A_203 = vector.extract_strided_slice %select_n3A_171 {offsets = [0, 3968], sizes = [256, 128], strides = [1, 1]} : vector<256x4096xf32> to vector<256x128xf32>
    %min3A_204 = arith.minimumf %slice3A_172, %slice3A_173 : vector<256x128xf32>
    %min3A_205 = arith.minimumf %slice3A_174, %slice3A_175 : vector<256x128xf32>
    %min3A_206 = arith.minimumf %slice3A_176, %slice3A_177 : vector<256x128xf32>
    %min3A_207 = arith.minimumf %slice3A_178, %slice3A_179 : vector<256x128xf32>
    %min3A_208 = arith.minimumf %slice3A_180, %slice3A_181 : vector<256x128xf32>
    %min3A_209 = arith.minimumf %slice3A_182, %slice3A_183 : vector<256x128xf32>
    %min3A_210 = arith.minimumf %slice3A_184, %slice3A_185 : vector<256x128xf32>
    %min3A_211 = arith.minimumf %slice3A_186, %slice3A_187 : vector<256x128xf32>
    %min3A_212 = arith.minimumf %slice3A_188, %slice3A_189 : vector<256x128xf32>
    %min3A_213 = arith.minimumf %slice3A_190, %slice3A_191 : vector<256x128xf32>
    %min3A_214 = arith.minimumf %slice3A_192, %slice3A_193 : vector<256x128xf32>
    %min3A_215 = arith.minimumf %slice3A_194, %slice3A_195 : vector<256x128xf32>
    %min3A_216 = arith.minimumf %slice3A_196, %slice3A_197 : vector<256x128xf32>
    %min3A_217 = arith.minimumf %slice3A_198, %slice3A_199 : vector<256x128xf32>
    %min3A_218 = arith.minimumf %slice3A_200, %slice3A_201 : vector<256x128xf32>
    %min3A_219 = arith.minimumf %slice3A_202, %slice3A_203 : vector<256x128xf32>
    %min3A_220 = arith.minimumf %min3A_204, %min3A_205 : vector<256x128xf32>
    %min3A_221 = arith.minimumf %min3A_206, %min3A_207 : vector<256x128xf32>
    %min3A_222 = arith.minimumf %min3A_208, %min3A_209 : vector<256x128xf32>
    %min3A_223 = arith.minimumf %min3A_210, %min3A_211 : vector<256x128xf32>
    %min3A_224 = arith.minimumf %min3A_212, %min3A_213 : vector<256x128xf32>
    %min3A_225 = arith.minimumf %min3A_214, %min3A_215 : vector<256x128xf32>
    %min3A_226 = arith.minimumf %min3A_216, %min3A_217 : vector<256x128xf32>
    %min3A_227 = arith.minimumf %min3A_218, %min3A_219 : vector<256x128xf32>
    %min3A_228 = arith.minimumf %min3A_220, %min3A_221 : vector<256x128xf32>
    %min3A_229 = arith.minimumf %min3A_222, %min3A_223 : vector<256x128xf32>
    %min3A_230 = arith.minimumf %min3A_224, %min3A_225 : vector<256x128xf32>
    %min3A_231 = arith.minimumf %min3A_226, %min3A_227 : vector<256x128xf32>
    %min3A_232 = arith.minimumf %min3A_228, %min3A_229 : vector<256x128xf32>
    %min3A_233 = arith.minimumf %min3A_230, %min3A_231 : vector<256x128xf32>
    %min3A_234 = arith.minimumf %min3A_232, %min3A_233 : vector<256x128xf32>
    %reduce_min3A_235 = arith.constant dense<0x7F800000> : vector<256xf32>
    %reduce_min3A_236 = vector.multi_reduction <minimumf>, %min3A_234, %reduce_min3A_235 [1] : vector<256x128xf32> to vector<256xf32>
    %broadcast_in_dim3A_237 = vector.shape_cast %reduce_min3A_236 : vector<256xf32> to vector<256x1xf32>
    %le3A_238 = vector.broadcast %broadcast_in_dim3A_237 : vector<256x1xf32> to vector<256x4096xf32>
    %le3A_239 = arith.cmpf ole, %select_n3A_171, %le3A_238 : vector<256x4096xf32>
    %jit3A_240 = arith.constant 8.192000e+03 : f32
    %broadcast_in_dim3A_241 = vector.broadcast %jit3A_240 : f32 to vector<256x4096xf32>
    %select_n3A_242 = arith.select %le3A_239, %convert_element_type3A_36, %broadcast_in_dim3A_241 : vector<256x4096xi1>, vector<256x4096xf32>
    %slice3A_243 = vector.extract_strided_slice %select_n3A_242 {offsets = [0, 0], sizes = [256, 128], strides = [1, 1]} : vector<256x4096xf32> to vector<256x128xf32>
    %slice3A_244 = vector.extract_strided_slice %select_n3A_242 {offsets = [0, 128], sizes = [256, 128], strides = [1, 1]} : vector<256x4096xf32> to vector<256x128xf32>
    %slice3A_245 = vector.extract_strided_slice %select_n3A_242 {offsets = [0, 256], sizes = [256, 128], strides = [1, 1]} : vector<256x4096xf32> to vector<256x128xf32>
    %slice3A_246 = vector.extract_strided_slice %select_n3A_242 {offsets = [0, 384], sizes = [256, 128], strides = [1, 1]} : vector<256x4096xf32> to vector<256x128xf32>
    %slice3A_247 = vector.extract_strided_slice %select_n3A_242 {offsets = [0, 512], sizes = [256, 128], strides = [1, 1]} : vector<256x4096xf32> to vector<256x128xf32>
    %slice3A_248 = vector.extract_strided_slice %select_n3A_242 {offsets = [0, 640], sizes = [256, 128], strides = [1, 1]} : vector<256x4096xf32> to vector<256x128xf32>
    %slice3A_249 = vector.extract_strided_slice %select_n3A_242 {offsets = [0, 768], sizes = [256, 128], strides = [1, 1]} : vector<256x4096xf32> to vector<256x128xf32>
    %slice3A_250 = vector.extract_strided_slice %select_n3A_242 {offsets = [0, 896], sizes = [256, 128], strides = [1, 1]} : vector<256x4096xf32> to vector<256x128xf32>
    %slice3A_251 = vector.extract_strided_slice %select_n3A_242 {offsets = [0, 1024], sizes = [256, 128], strides = [1, 1]} : vector<256x4096xf32> to vector<256x128xf32>
    %slice3A_252 = vector.extract_strided_slice %select_n3A_242 {offsets = [0, 1152], sizes = [256, 128], strides = [1, 1]} : vector<256x4096xf32> to vector<256x128xf32>
    %slice3A_253 = vector.extract_strided_slice %select_n3A_242 {offsets = [0, 1280], sizes = [256, 128], strides = [1, 1]} : vector<256x4096xf32> to vector<256x128xf32>
    %slice3A_254 = vector.extract_strided_slice %select_n3A_242 {offsets = [0, 1408], sizes = [256, 128], strides = [1, 1]} : vector<256x4096xf32> to vector<256x128xf32>
    %slice3A_255 = vector.extract_strided_slice %select_n3A_242 {offsets = [0, 1536], sizes = [256, 128], strides = [1, 1]} : vector<256x4096xf32> to vector<256x128xf32>
    %slice3A_256 = vector.extract_strided_slice %select_n3A_242 {offsets = [0, 1664], sizes = [256, 128], strides = [1, 1]} : vector<256x4096xf32> to vector<256x128xf32>
    %slice3A_257 = vector.extract_strided_slice %select_n3A_242 {offsets = [0, 1792], sizes = [256, 128], strides = [1, 1]} : vector<256x4096xf32> to vector<256x128xf32>
    %slice3A_258 = vector.extract_strided_slice %select_n3A_242 {offsets = [0, 1920], sizes = [256, 128], strides = [1, 1]} : vector<256x4096xf32> to vector<256x128xf32>
    %slice3A_259 = vector.extract_strided_slice %select_n3A_242 {offsets = [0, 2048], sizes = [256, 128], strides = [1, 1]} : vector<256x4096xf32> to vector<256x128xf32>
    %slice3A_260 = vector.extract_strided_slice %select_n3A_242 {offsets = [0, 2176], sizes = [256, 128], strides = [1, 1]} : vector<256x4096xf32> to vector<256x128xf32>
    %slice3A_261 = vector.extract_strided_slice %select_n3A_242 {offsets = [0, 2304], sizes = [256, 128], strides = [1, 1]} : vector<256x4096xf32> to vector<256x128xf32>
    %slice3A_262 = vector.extract_strided_slice %select_n3A_242 {offsets = [0, 2432], sizes = [256, 128], strides = [1, 1]} : vector<256x4096xf32> to vector<256x128xf32>
    %slice3A_263 = vector.extract_strided_slice %select_n3A_242 {offsets = [0, 2560], sizes = [256, 128], strides = [1, 1]} : vector<256x4096xf32> to vector<256x128xf32>
    %slice3A_264 = vector.extract_strided_slice %select_n3A_242 {offsets = [0, 2688], sizes = [256, 128], strides = [1, 1]} : vector<256x4096xf32> to vector<256x128xf32>
    %slice3A_265 = vector.extract_strided_slice %select_n3A_242 {offsets = [0, 2816], sizes = [256, 128], strides = [1, 1]} : vector<256x4096xf32> to vector<256x128xf32>
    %slice3A_266 = vector.extract_strided_slice %select_n3A_242 {offsets = [0, 2944], sizes = [256, 128], strides = [1, 1]} : vector<256x4096xf32> to vector<256x128xf32>
    %slice3A_267 = vector.extract_strided_slice %select_n3A_242 {offsets = [0, 3072], sizes = [256, 128], strides = [1, 1]} : vector<256x4096xf32> to vector<256x128xf32>
    %slice3A_268 = vector.extract_strided_slice %select_n3A_242 {offsets = [0, 3200], sizes = [256, 128], strides = [1, 1]} : vector<256x4096xf32> to vector<256x128xf32>
    %slice3A_269 = vector.extract_strided_slice %select_n3A_242 {offsets = [0, 3328], sizes = [256, 128], strides = [1, 1]} : vector<256x4096xf32> to vector<256x128xf32>
    %slice3A_270 = vector.extract_strided_slice %select_n3A_242 {offsets = [0, 3456], sizes = [256, 128], strides = [1, 1]} : vector<256x4096xf32> to vector<256x128xf32>
    %slice3A_271 = vector.extract_strided_slice %select_n3A_242 {offsets = [0, 3584], sizes = [256, 128], strides = [1, 1]} : vector<256x4096xf32> to vector<256x128xf32>
    %slice3A_272 = vector.extract_strided_slice %select_n3A_242 {offsets = [0, 3712], sizes = [256, 128], strides = [1, 1]} : vector<256x4096xf32> to vector<256x128xf32>
    %slice3A_273 = vector.extract_strided_slice %select_n3A_242 {offsets = [0, 3840], sizes = [256, 128], strides = [1, 1]} : vector<256x4096xf32> to vector<256x128xf32>
    %slice3A_274 = vector.extract_strided_slice %select_n3A_242 {offsets = [0, 3968], sizes = [256, 128], strides = [1, 1]} : vector<256x4096xf32> to vector<256x128xf32>
    %min3A_275 = arith.minimumf %slice3A_243, %slice3A_244 : vector<256x128xf32>
    %min3A_276 = arith.minimumf %slice3A_245, %slice3A_246 : vector<256x128xf32>
    %min3A_277 = arith.minimumf %slice3A_247, %slice3A_248 : vector<256x128xf32>
    %min3A_278 = arith.minimumf %slice3A_249, %slice3A_250 : vector<256x128xf32>
    %min3A_279 = arith.minimumf %slice3A_251, %slice3A_252 : vector<256x128xf32>
    %min3A_280 = arith.minimumf %slice3A_253, %slice3A_254 : vector<256x128xf32>
    %min3A_281 = arith.minimumf %slice3A_255, %slice3A_256 : vector<256x128xf32>
    %min3A_282 = arith.minimumf %slice3A_257, %slice3A_258 : vector<256x128xf32>
    %min3A_283 = arith.minimumf %slice3A_259, %slice3A_260 : vector<256x128xf32>
    %min3A_284 = arith.minimumf %slice3A_261, %slice3A_262 : vector<256x128xf32>
    %min3A_285 = arith.minimumf %slice3A_263, %slice3A_264 : vector<256x128xf32>
    %min3A_286 = arith.minimumf %slice3A_265, %slice3A_266 : vector<256x128xf32>
    %min3A_287 = arith.minimumf %slice3A_267, %slice3A_268 : vector<256x128xf32>
    %min3A_288 = arith.minimumf %slice3A_269, %slice3A_270 : vector<256x128xf32>
    %min3A_289 = arith.minimumf %slice3A_271, %slice3A_272 : vector<256x128xf32>
    %min3A_290 = arith.minimumf %slice3A_273, %slice3A_274 : vector<256x128xf32>
    %min3A_291 = arith.minimumf %min3A_275, %min3A_276 : vector<256x128xf32>
    %min3A_292 = arith.minimumf %min3A_277, %min3A_278 : vector<256x128xf32>
    %min3A_293 = arith.minimumf %min3A_279, %min3A_280 : vector<256x128xf32>
    %min3A_294 = arith.minimumf %min3A_281, %min3A_282 : vector<256x128xf32>
    %min3A_295 = arith.minimumf %min3A_283, %min3A_284 : vector<256x128xf32>
    %min3A_296 = arith.minimumf %min3A_285, %min3A_286 : vector<256x128xf32>
    %min3A_297 = arith.minimumf %min3A_287, %min3A_288 : vector<256x128xf32>
    %min3A_298 = arith.minimumf %min3A_289, %min3A_290 : vector<256x128xf32>
    %min3A_299 = arith.minimumf %min3A_291, %min3A_292 : vector<256x128xf32>
    %min3A_300 = arith.minimumf %min3A_293, %min3A_294 : vector<256x128xf32>
    %min3A_301 = arith.minimumf %min3A_295, %min3A_296 : vector<256x128xf32>
    %min3A_302 = arith.minimumf %min3A_297, %min3A_298 : vector<256x128xf32>
    %min3A_303 = arith.minimumf %min3A_299, %min3A_300 : vector<256x128xf32>
    %min3A_304 = arith.minimumf %min3A_301, %min3A_302 : vector<256x128xf32>
    %min3A_305 = arith.minimumf %min3A_303, %min3A_304 : vector<256x128xf32>
    %reduce_min3A_306 = arith.constant dense<0x7F800000> : vector<256xf32>
    %reduce_min3A_307 = vector.multi_reduction <minimumf>, %min3A_305, %reduce_min3A_306 [1] : vector<256x128xf32> to vector<256xf32>
    %broadcast_in_dim3A_308 = vector.shape_cast %reduce_min3A_307 : vector<256xf32> to vector<256x1xf32>
    %eq3A_309 = vector.broadcast %broadcast_in_dim3A_308 : vector<256x1xf32> to vector<256x4096xf32>
    %eq3A_310 = arith.cmpf oeq, %convert_element_type3A_36, %eq3A_309 : vector<256x4096xf32>
    %jit3A_311 = arith.constant 0x7F800000 : f32
    %broadcast_in_dim3A_312 = vector.broadcast %jit3A_311 : f32 to vector<256x4096xf32>
    %select_n3A_313 = arith.select %eq3A_310, %broadcast_in_dim3A_312, %select_n3A_171 : vector<256x4096xi1>, vector<256x4096xf32>
    %slice3A_314 = vector.extract_strided_slice %select_n3A_313 {offsets = [0, 0], sizes = [256, 128], strides = [1, 1]} : vector<256x4096xf32> to vector<256x128xf32>
    %slice3A_315 = vector.extract_strided_slice %select_n3A_313 {offsets = [0, 128], sizes = [256, 128], strides = [1, 1]} : vector<256x4096xf32> to vector<256x128xf32>
    %slice3A_316 = vector.extract_strided_slice %select_n3A_313 {offsets = [0, 256], sizes = [256, 128], strides = [1, 1]} : vector<256x4096xf32> to vector<256x128xf32>
    %slice3A_317 = vector.extract_strided_slice %select_n3A_313 {offsets = [0, 384], sizes = [256, 128], strides = [1, 1]} : vector<256x4096xf32> to vector<256x128xf32>
    %slice3A_318 = vector.extract_strided_slice %select_n3A_313 {offsets = [0, 512], sizes = [256, 128], strides = [1, 1]} : vector<256x4096xf32> to vector<256x128xf32>
    %slice3A_319 = vector.extract_strided_slice %select_n3A_313 {offsets = [0, 640], sizes = [256, 128], strides = [1, 1]} : vector<256x4096xf32> to vector<256x128xf32>
    %slice3A_320 = vector.extract_strided_slice %select_n3A_313 {offsets = [0, 768], sizes = [256, 128], strides = [1, 1]} : vector<256x4096xf32> to vector<256x128xf32>
    %slice3A_321 = vector.extract_strided_slice %select_n3A_313 {offsets = [0, 896], sizes = [256, 128], strides = [1, 1]} : vector<256x4096xf32> to vector<256x128xf32>
    %slice3A_322 = vector.extract_strided_slice %select_n3A_313 {offsets = [0, 1024], sizes = [256, 128], strides = [1, 1]} : vector<256x4096xf32> to vector<256x128xf32>
    %slice3A_323 = vector.extract_strided_slice %select_n3A_313 {offsets = [0, 1152], sizes = [256, 128], strides = [1, 1]} : vector<256x4096xf32> to vector<256x128xf32>
    %slice3A_324 = vector.extract_strided_slice %select_n3A_313 {offsets = [0, 1280], sizes = [256, 128], strides = [1, 1]} : vector<256x4096xf32> to vector<256x128xf32>
    %slice3A_325 = vector.extract_strided_slice %select_n3A_313 {offsets = [0, 1408], sizes = [256, 128], strides = [1, 1]} : vector<256x4096xf32> to vector<256x128xf32>
    %slice3A_326 = vector.extract_strided_slice %select_n3A_313 {offsets = [0, 1536], sizes = [256, 128], strides = [1, 1]} : vector<256x4096xf32> to vector<256x128xf32>
    %slice3A_327 = vector.extract_strided_slice %select_n3A_313 {offsets = [0, 1664], sizes = [256, 128], strides = [1, 1]} : vector<256x4096xf32> to vector<256x128xf32>
    %slice3A_328 = vector.extract_strided_slice %select_n3A_313 {offsets = [0, 1792], sizes = [256, 128], strides = [1, 1]} : vector<256x4096xf32> to vector<256x128xf32>
    %slice3A_329 = vector.extract_strided_slice %select_n3A_313 {offsets = [0, 1920], sizes = [256, 128], strides = [1, 1]} : vector<256x4096xf32> to vector<256x128xf32>
    %slice3A_330 = vector.extract_strided_slice %select_n3A_313 {offsets = [0, 2048], sizes = [256, 128], strides = [1, 1]} : vector<256x4096xf32> to vector<256x128xf32>
    %slice3A_331 = vector.extract_strided_slice %select_n3A_313 {offsets = [0, 2176], sizes = [256, 128], strides = [1, 1]} : vector<256x4096xf32> to vector<256x128xf32>
    %slice3A_332 = vector.extract_strided_slice %select_n3A_313 {offsets = [0, 2304], sizes = [256, 128], strides = [1, 1]} : vector<256x4096xf32> to vector<256x128xf32>
    %slice3A_333 = vector.extract_strided_slice %select_n3A_313 {offsets = [0, 2432], sizes = [256, 128], strides = [1, 1]} : vector<256x4096xf32> to vector<256x128xf32>
    %slice3A_334 = vector.extract_strided_slice %select_n3A_313 {offsets = [0, 2560], sizes = [256, 128], strides = [1, 1]} : vector<256x4096xf32> to vector<256x128xf32>
    %slice3A_335 = vector.extract_strided_slice %select_n3A_313 {offsets = [0, 2688], sizes = [256, 128], strides = [1, 1]} : vector<256x4096xf32> to vector<256x128xf32>
    %slice3A_336 = vector.extract_strided_slice %select_n3A_313 {offsets = [0, 2816], sizes = [256, 128], strides = [1, 1]} : vector<256x4096xf32> to vector<256x128xf32>
    %slice3A_337 = vector.extract_strided_slice %select_n3A_313 {offsets = [0, 2944], sizes = [256, 128], strides = [1, 1]} : vector<256x4096xf32> to vector<256x128xf32>
    %slice3A_338 = vector.extract_strided_slice %select_n3A_313 {offsets = [0, 3072], sizes = [256, 128], strides = [1, 1]} : vector<256x4096xf32> to vector<256x128xf32>
    %slice3A_339 = vector.extract_strided_slice %select_n3A_313 {offsets = [0, 3200], sizes = [256, 128], strides = [1, 1]} : vector<256x4096xf32> to vector<256x128xf32>
    %slice3A_340 = vector.extract_strided_slice %select_n3A_313 {offsets = [0, 3328], sizes = [256, 128], strides = [1, 1]} : vector<256x4096xf32> to vector<256x128xf32>
    %slice3A_341 = vector.extract_strided_slice %select_n3A_313 {offsets = [0, 3456], sizes = [256, 128], strides = [1, 1]} : vector<256x4096xf32> to vector<256x128xf32>
    %slice3A_342 = vector.extract_strided_slice %select_n3A_313 {offsets = [0, 3584], sizes = [256, 128], strides = [1, 1]} : vector<256x4096xf32> to vector<256x128xf32>
    %slice3A_343 = vector.extract_strided_slice %select_n3A_313 {offsets = [0, 3712], sizes = [256, 128], strides = [1, 1]} : vector<256x4096xf32> to vector<256x128xf32>
    %slice3A_344 = vector.extract_strided_slice %select_n3A_313 {offsets = [0, 3840], sizes = [256, 128], strides = [1, 1]} : vector<256x4096xf32> to vector<256x128xf32>
    %slice3A_345 = vector.extract_strided_slice %select_n3A_313 {offsets = [0, 3968], sizes = [256, 128], strides = [1, 1]} : vector<256x4096xf32> to vector<256x128xf32>
    %min3A_346 = arith.minimumf %slice3A_314, %slice3A_315 : vector<256x128xf32>
    %min3A_347 = arith.minimumf %slice3A_316, %slice3A_317 : vector<256x128xf32>
    %min3A_348 = arith.minimumf %slice3A_318, %slice3A_319 : vector<256x128xf32>
    %min3A_349 = arith.minimumf %slice3A_320, %slice3A_321 : vector<256x128xf32>
    %min3A_350 = arith.minimumf %slice3A_322, %slice3A_323 : vector<256x128xf32>
    %min3A_351 = arith.minimumf %slice3A_324, %slice3A_325 : vector<256x128xf32>
    %min3A_352 = arith.minimumf %slice3A_326, %slice3A_327 : vector<256x128xf32>
    %min3A_353 = arith.minimumf %slice3A_328, %slice3A_329 : vector<256x128xf32>
    %min3A_354 = arith.minimumf %slice3A_330, %slice3A_331 : vector<256x128xf32>
    %min3A_355 = arith.minimumf %slice3A_332, %slice3A_333 : vector<256x128xf32>
    %min3A_356 = arith.minimumf %slice3A_334, %slice3A_335 : vector<256x128xf32>
    %min3A_357 = arith.minimumf %slice3A_336, %slice3A_337 : vector<256x128xf32>
    %min3A_358 = arith.minimumf %slice3A_338, %slice3A_339 : vector<256x128xf32>
    %min3A_359 = arith.minimumf %slice3A_340, %slice3A_341 : vector<256x128xf32>
    %min3A_360 = arith.minimumf %slice3A_342, %slice3A_343 : vector<256x128xf32>
    %min3A_361 = arith.minimumf %slice3A_344, %slice3A_345 : vector<256x128xf32>
    %min3A_362 = arith.minimumf %min3A_346, %min3A_347 : vector<256x128xf32>
    %min3A_363 = arith.minimumf %min3A_348, %min3A_349 : vector<256x128xf32>
    %min3A_364 = arith.minimumf %min3A_350, %min3A_351 : vector<256x128xf32>
    %min3A_365 = arith.minimumf %min3A_352, %min3A_353 : vector<256x128xf32>
    %min3A_366 = arith.minimumf %min3A_354, %min3A_355 : vector<256x128xf32>
    %min3A_367 = arith.minimumf %min3A_356, %min3A_357 : vector<256x128xf32>
    %min3A_368 = arith.minimumf %min3A_358, %min3A_359 : vector<256x128xf32>
    %min3A_369 = arith.minimumf %min3A_360, %min3A_361 : vector<256x128xf32>
    %min3A_370 = arith.minimumf %min3A_362, %min3A_363 : vector<256x128xf32>
    %min3A_371 = arith.minimumf %min3A_364, %min3A_365 : vector<256x128xf32>
    %min3A_372 = arith.minimumf %min3A_366, %min3A_367 : vector<256x128xf32>
    %min3A_373 = arith.minimumf %min3A_368, %min3A_369 : vector<256x128xf32>
    %min3A_374 = arith.minimumf %min3A_370, %min3A_371 : vector<256x128xf32>
    %min3A_375 = arith.minimumf %min3A_372, %min3A_373 : vector<256x128xf32>
    %min3A_376 = arith.minimumf %min3A_374, %min3A_375 : vector<256x128xf32>
    %reduce_min3A_377 = arith.constant dense<0x7F800000> : vector<256xf32>
    %reduce_min3A_378 = vector.multi_reduction <minimumf>, %min3A_376, %reduce_min3A_377 [1] : vector<256x128xf32> to vector<256xf32>
    %broadcast_in_dim3A_379 = vector.shape_cast %reduce_min3A_378 : vector<256xf32> to vector<256x1xf32>
    %le3A_380 = vector.broadcast %broadcast_in_dim3A_379 : vector<256x1xf32> to vector<256x4096xf32>
    %le3A_381 = arith.cmpf ole, %select_n3A_313, %le3A_380 : vector<256x4096xf32>
    %jit3A_382 = arith.constant 8.192000e+03 : f32
    %broadcast_in_dim3A_383 = vector.broadcast %jit3A_382 : f32 to vector<256x4096xf32>
    %select_n3A_384 = arith.select %le3A_381, %convert_element_type3A_36, %broadcast_in_dim3A_383 : vector<256x4096xi1>, vector<256x4096xf32>
    %slice3A_385 = vector.extract_strided_slice %select_n3A_384 {offsets = [0, 0], sizes = [256, 128], strides = [1, 1]} : vector<256x4096xf32> to vector<256x128xf32>
    %slice3A_386 = vector.extract_strided_slice %select_n3A_384 {offsets = [0, 128], sizes = [256, 128], strides = [1, 1]} : vector<256x4096xf32> to vector<256x128xf32>
    %slice3A_387 = vector.extract_strided_slice %select_n3A_384 {offsets = [0, 256], sizes = [256, 128], strides = [1, 1]} : vector<256x4096xf32> to vector<256x128xf32>
    %slice3A_388 = vector.extract_strided_slice %select_n3A_384 {offsets = [0, 384], sizes = [256, 128], strides = [1, 1]} : vector<256x4096xf32> to vector<256x128xf32>
    %slice3A_389 = vector.extract_strided_slice %select_n3A_384 {offsets = [0, 512], sizes = [256, 128], strides = [1, 1]} : vector<256x4096xf32> to vector<256x128xf32>
    %slice3A_390 = vector.extract_strided_slice %select_n3A_384 {offsets = [0, 640], sizes = [256, 128], strides = [1, 1]} : vector<256x4096xf32> to vector<256x128xf32>
    %slice3A_391 = vector.extract_strided_slice %select_n3A_384 {offsets = [0, 768], sizes = [256, 128], strides = [1, 1]} : vector<256x4096xf32> to vector<256x128xf32>
    %slice3A_392 = vector.extract_strided_slice %select_n3A_384 {offsets = [0, 896], sizes = [256, 128], strides = [1, 1]} : vector<256x4096xf32> to vector<256x128xf32>
    %slice3A_393 = vector.extract_strided_slice %select_n3A_384 {offsets = [0, 1024], sizes = [256, 128], strides = [1, 1]} : vector<256x4096xf32> to vector<256x128xf32>
    %slice3A_394 = vector.extract_strided_slice %select_n3A_384 {offsets = [0, 1152], sizes = [256, 128], strides = [1, 1]} : vector<256x4096xf32> to vector<256x128xf32>
    %slice3A_395 = vector.extract_strided_slice %select_n3A_384 {offsets = [0, 1280], sizes = [256, 128], strides = [1, 1]} : vector<256x4096xf32> to vector<256x128xf32>
    %slice3A_396 = vector.extract_strided_slice %select_n3A_384 {offsets = [0, 1408], sizes = [256, 128], strides = [1, 1]} : vector<256x4096xf32> to vector<256x128xf32>
    %slice3A_397 = vector.extract_strided_slice %select_n3A_384 {offsets = [0, 1536], sizes = [256, 128], strides = [1, 1]} : vector<256x4096xf32> to vector<256x128xf32>
    %slice3A_398 = vector.extract_strided_slice %select_n3A_384 {offsets = [0, 1664], sizes = [256, 128], strides = [1, 1]} : vector<256x4096xf32> to vector<256x128xf32>
    %slice3A_399 = vector.extract_strided_slice %select_n3A_384 {offsets = [0, 1792], sizes = [256, 128], strides = [1, 1]} : vector<256x4096xf32> to vector<256x128xf32>
    %slice3A_400 = vector.extract_strided_slice %select_n3A_384 {offsets = [0, 1920], sizes = [256, 128], strides = [1, 1]} : vector<256x4096xf32> to vector<256x128xf32>
    %slice3A_401 = vector.extract_strided_slice %select_n3A_384 {offsets = [0, 2048], sizes = [256, 128], strides = [1, 1]} : vector<256x4096xf32> to vector<256x128xf32>
    %slice3A_402 = vector.extract_strided_slice %select_n3A_384 {offsets = [0, 2176], sizes = [256, 128], strides = [1, 1]} : vector<256x4096xf32> to vector<256x128xf32>
    %slice3A_403 = vector.extract_strided_slice %select_n3A_384 {offsets = [0, 2304], sizes = [256, 128], strides = [1, 1]} : vector<256x4096xf32> to vector<256x128xf32>
    %slice3A_404 = vector.extract_strided_slice %select_n3A_384 {offsets = [0, 2432], sizes = [256, 128], strides = [1, 1]} : vector<256x4096xf32> to vector<256x128xf32>
    %slice3A_405 = vector.extract_strided_slice %select_n3A_384 {offsets = [0, 2560], sizes = [256, 128], strides = [1, 1]} : vector<256x4096xf32> to vector<256x128xf32>
    %slice3A_406 = vector.extract_strided_slice %select_n3A_384 {offsets = [0, 2688], sizes = [256, 128], strides = [1, 1]} : vector<256x4096xf32> to vector<256x128xf32>
    %slice3A_407 = vector.extract_strided_slice %select_n3A_384 {offsets = [0, 2816], sizes = [256, 128], strides = [1, 1]} : vector<256x4096xf32> to vector<256x128xf32>
    %slice3A_408 = vector.extract_strided_slice %select_n3A_384 {offsets = [0, 2944], sizes = [256, 128], strides = [1, 1]} : vector<256x4096xf32> to vector<256x128xf32>
    %slice3A_409 = vector.extract_strided_slice %select_n3A_384 {offsets = [0, 3072], sizes = [256, 128], strides = [1, 1]} : vector<256x4096xf32> to vector<256x128xf32>
    %slice3A_410 = vector.extract_strided_slice %select_n3A_384 {offsets = [0, 3200], sizes = [256, 128], strides = [1, 1]} : vector<256x4096xf32> to vector<256x128xf32>
    %slice3A_411 = vector.extract_strided_slice %select_n3A_384 {offsets = [0, 3328], sizes = [256, 128], strides = [1, 1]} : vector<256x4096xf32> to vector<256x128xf32>
    %slice3A_412 = vector.extract_strided_slice %select_n3A_384 {offsets = [0, 3456], sizes = [256, 128], strides = [1, 1]} : vector<256x4096xf32> to vector<256x128xf32>
    %slice3A_413 = vector.extract_strided_slice %select_n3A_384 {offsets = [0, 3584], sizes = [256, 128], strides = [1, 1]} : vector<256x4096xf32> to vector<256x128xf32>
    %slice3A_414 = vector.extract_strided_slice %select_n3A_384 {offsets = [0, 3712], sizes = [256, 128], strides = [1, 1]} : vector<256x4096xf32> to vector<256x128xf32>
    %slice3A_415 = vector.extract_strided_slice %select_n3A_384 {offsets = [0, 3840], sizes = [256, 128], strides = [1, 1]} : vector<256x4096xf32> to vector<256x128xf32>
    %slice3A_416 = vector.extract_strided_slice %select_n3A_384 {offsets = [0, 3968], sizes = [256, 128], strides = [1, 1]} : vector<256x4096xf32> to vector<256x128xf32>
    %min3A_417 = arith.minimumf %slice3A_385, %slice3A_386 : vector<256x128xf32>
    %min3A_418 = arith.minimumf %slice3A_387, %slice3A_388 : vector<256x128xf32>
    %min3A_419 = arith.minimumf %slice3A_389, %slice3A_390 : vector<256x128xf32>
    %min3A_420 = arith.minimumf %slice3A_391, %slice3A_392 : vector<256x128xf32>
    %min3A_421 = arith.minimumf %slice3A_393, %slice3A_394 : vector<256x128xf32>
    %min3A_422 = arith.minimumf %slice3A_395, %slice3A_396 : vector<256x128xf32>
    %min3A_423 = arith.minimumf %slice3A_397, %slice3A_398 : vector<256x128xf32>
    %min3A_424 = arith.minimumf %slice3A_399, %slice3A_400 : vector<256x128xf32>
    %min3A_425 = arith.minimumf %slice3A_401, %slice3A_402 : vector<256x128xf32>
    %min3A_426 = arith.minimumf %slice3A_403, %slice3A_404 : vector<256x128xf32>
    %min3A_427 = arith.minimumf %slice3A_405, %slice3A_406 : vector<256x128xf32>
    %min3A_428 = arith.minimumf %slice3A_407, %slice3A_408 : vector<256x128xf32>
    %min3A_429 = arith.minimumf %slice3A_409, %slice3A_410 : vector<256x128xf32>
    %min3A_430 = arith.minimumf %slice3A_411, %slice3A_412 : vector<256x128xf32>
    %min3A_431 = arith.minimumf %slice3A_413, %slice3A_414 : vector<256x128xf32>
    %min3A_432 = arith.minimumf %slice3A_415, %slice3A_416 : vector<256x128xf32>
    %min3A_433 = arith.minimumf %min3A_417, %min3A_418 : vector<256x128xf32>
    %min3A_434 = arith.minimumf %min3A_419, %min3A_420 : vector<256x128xf32>
    %min3A_435 = arith.minimumf %min3A_421, %min3A_422 : vector<256x128xf32>
    %min3A_436 = arith.minimumf %min3A_423, %min3A_424 : vector<256x128xf32>
    %min3A_437 = arith.minimumf %min3A_425, %min3A_426 : vector<256x128xf32>
    %min3A_438 = arith.minimumf %min3A_427, %min3A_428 : vector<256x128xf32>
    %min3A_439 = arith.minimumf %min3A_429, %min3A_430 : vector<256x128xf32>
    %min3A_440 = arith.minimumf %min3A_431, %min3A_432 : vector<256x128xf32>
    %min3A_441 = arith.minimumf %min3A_433, %min3A_434 : vector<256x128xf32>
    %min3A_442 = arith.minimumf %min3A_435, %min3A_436 : vector<256x128xf32>
    %min3A_443 = arith.minimumf %min3A_437, %min3A_438 : vector<256x128xf32>
    %min3A_444 = arith.minimumf %min3A_439, %min3A_440 : vector<256x128xf32>
    %min3A_445 = arith.minimumf %min3A_441, %min3A_442 : vector<256x128xf32>
    %min3A_446 = arith.minimumf %min3A_443, %min3A_444 : vector<256x128xf32>
    %min3A_447 = arith.minimumf %min3A_445, %min3A_446 : vector<256x128xf32>
    %reduce_min3A_448 = arith.constant dense<0x7F800000> : vector<256xf32>
    %reduce_min3A_449 = vector.multi_reduction <minimumf>, %min3A_447, %reduce_min3A_448 [1] : vector<256x128xf32> to vector<256xf32>
    %broadcast_in_dim3A_450 = vector.shape_cast %reduce_min3A_449 : vector<256xf32> to vector<256x1xf32>
    %eq3A_451 = vector.broadcast %broadcast_in_dim3A_450 : vector<256x1xf32> to vector<256x4096xf32>
    %eq3A_452 = arith.cmpf oeq, %convert_element_type3A_36, %eq3A_451 : vector<256x4096xf32>
    %jit3A_453 = arith.constant 0x7F800000 : f32
    %broadcast_in_dim3A_454 = vector.broadcast %jit3A_453 : f32 to vector<256x4096xf32>
    %select_n3A_455 = arith.select %eq3A_452, %broadcast_in_dim3A_454, %select_n3A_313 : vector<256x4096xi1>, vector<256x4096xf32>
    %slice3A_456 = vector.extract_strided_slice %select_n3A_455 {offsets = [0, 0], sizes = [256, 128], strides = [1, 1]} : vector<256x4096xf32> to vector<256x128xf32>
    %slice3A_457 = vector.extract_strided_slice %select_n3A_455 {offsets = [0, 128], sizes = [256, 128], strides = [1, 1]} : vector<256x4096xf32> to vector<256x128xf32>
    %slice3A_458 = vector.extract_strided_slice %select_n3A_455 {offsets = [0, 256], sizes = [256, 128], strides = [1, 1]} : vector<256x4096xf32> to vector<256x128xf32>
    %slice3A_459 = vector.extract_strided_slice %select_n3A_455 {offsets = [0, 384], sizes = [256, 128], strides = [1, 1]} : vector<256x4096xf32> to vector<256x128xf32>
    %slice3A_460 = vector.extract_strided_slice %select_n3A_455 {offsets = [0, 512], sizes = [256, 128], strides = [1, 1]} : vector<256x4096xf32> to vector<256x128xf32>
    %slice3A_461 = vector.extract_strided_slice %select_n3A_455 {offsets = [0, 640], sizes = [256, 128], strides = [1, 1]} : vector<256x4096xf32> to vector<256x128xf32>
    %slice3A_462 = vector.extract_strided_slice %select_n3A_455 {offsets = [0, 768], sizes = [256, 128], strides = [1, 1]} : vector<256x4096xf32> to vector<256x128xf32>
    %slice3A_463 = vector.extract_strided_slice %select_n3A_455 {offsets = [0, 896], sizes = [256, 128], strides = [1, 1]} : vector<256x4096xf32> to vector<256x128xf32>
    %slice3A_464 = vector.extract_strided_slice %select_n3A_455 {offsets = [0, 1024], sizes = [256, 128], strides = [1, 1]} : vector<256x4096xf32> to vector<256x128xf32>
    %slice3A_465 = vector.extract_strided_slice %select_n3A_455 {offsets = [0, 1152], sizes = [256, 128], strides = [1, 1]} : vector<256x4096xf32> to vector<256x128xf32>
    %slice3A_466 = vector.extract_strided_slice %select_n3A_455 {offsets = [0, 1280], sizes = [256, 128], strides = [1, 1]} : vector<256x4096xf32> to vector<256x128xf32>
    %slice3A_467 = vector.extract_strided_slice %select_n3A_455 {offsets = [0, 1408], sizes = [256, 128], strides = [1, 1]} : vector<256x4096xf32> to vector<256x128xf32>
    %slice3A_468 = vector.extract_strided_slice %select_n3A_455 {offsets = [0, 1536], sizes = [256, 128], strides = [1, 1]} : vector<256x4096xf32> to vector<256x128xf32>
    %slice3A_469 = vector.extract_strided_slice %select_n3A_455 {offsets = [0, 1664], sizes = [256, 128], strides = [1, 1]} : vector<256x4096xf32> to vector<256x128xf32>
    %slice3A_470 = vector.extract_strided_slice %select_n3A_455 {offsets = [0, 1792], sizes = [256, 128], strides = [1, 1]} : vector<256x4096xf32> to vector<256x128xf32>
    %slice3A_471 = vector.extract_strided_slice %select_n3A_455 {offsets = [0, 1920], sizes = [256, 128], strides = [1, 1]} : vector<256x4096xf32> to vector<256x128xf32>
    %slice3A_472 = vector.extract_strided_slice %select_n3A_455 {offsets = [0, 2048], sizes = [256, 128], strides = [1, 1]} : vector<256x4096xf32> to vector<256x128xf32>
    %slice3A_473 = vector.extract_strided_slice %select_n3A_455 {offsets = [0, 2176], sizes = [256, 128], strides = [1, 1]} : vector<256x4096xf32> to vector<256x128xf32>
    %slice3A_474 = vector.extract_strided_slice %select_n3A_455 {offsets = [0, 2304], sizes = [256, 128], strides = [1, 1]} : vector<256x4096xf32> to vector<256x128xf32>
    %slice3A_475 = vector.extract_strided_slice %select_n3A_455 {offsets = [0, 2432], sizes = [256, 128], strides = [1, 1]} : vector<256x4096xf32> to vector<256x128xf32>
    %slice3A_476 = vector.extract_strided_slice %select_n3A_455 {offsets = [0, 2560], sizes = [256, 128], strides = [1, 1]} : vector<256x4096xf32> to vector<256x128xf32>
    %slice3A_477 = vector.extract_strided_slice %select_n3A_455 {offsets = [0, 2688], sizes = [256, 128], strides = [1, 1]} : vector<256x4096xf32> to vector<256x128xf32>
    %slice3A_478 = vector.extract_strided_slice %select_n3A_455 {offsets = [0, 2816], sizes = [256, 128], strides = [1, 1]} : vector<256x4096xf32> to vector<256x128xf32>
    %slice3A_479 = vector.extract_strided_slice %select_n3A_455 {offsets = [0, 2944], sizes = [256, 128], strides = [1, 1]} : vector<256x4096xf32> to vector<256x128xf32>
    %slice3A_480 = vector.extract_strided_slice %select_n3A_455 {offsets = [0, 3072], sizes = [256, 128], strides = [1, 1]} : vector<256x4096xf32> to vector<256x128xf32>
    %slice3A_481 = vector.extract_strided_slice %select_n3A_455 {offsets = [0, 3200], sizes = [256, 128], strides = [1, 1]} : vector<256x4096xf32> to vector<256x128xf32>
    %slice3A_482 = vector.extract_strided_slice %select_n3A_455 {offsets = [0, 3328], sizes = [256, 128], strides = [1, 1]} : vector<256x4096xf32> to vector<256x128xf32>
    %slice3A_483 = vector.extract_strided_slice %select_n3A_455 {offsets = [0, 3456], sizes = [256, 128], strides = [1, 1]} : vector<256x4096xf32> to vector<256x128xf32>
    %slice3A_484 = vector.extract_strided_slice %select_n3A_455 {offsets = [0, 3584], sizes = [256, 128], strides = [1, 1]} : vector<256x4096xf32> to vector<256x128xf32>
    %slice3A_485 = vector.extract_strided_slice %select_n3A_455 {offsets = [0, 3712], sizes = [256, 128], strides = [1, 1]} : vector<256x4096xf32> to vector<256x128xf32>
    %slice3A_486 = vector.extract_strided_slice %select_n3A_455 {offsets = [0, 3840], sizes = [256, 128], strides = [1, 1]} : vector<256x4096xf32> to vector<256x128xf32>
    %slice3A_487 = vector.extract_strided_slice %select_n3A_455 {offsets = [0, 3968], sizes = [256, 128], strides = [1, 1]} : vector<256x4096xf32> to vector<256x128xf32>
    %min3A_488 = arith.minimumf %slice3A_456, %slice3A_457 : vector<256x128xf32>
    %min3A_489 = arith.minimumf %slice3A_458, %slice3A_459 : vector<256x128xf32>
    %min3A_490 = arith.minimumf %slice3A_460, %slice3A_461 : vector<256x128xf32>
    %min3A_491 = arith.minimumf %slice3A_462, %slice3A_463 : vector<256x128xf32>
    %min3A_492 = arith.minimumf %slice3A_464, %slice3A_465 : vector<256x128xf32>
    %min3A_493 = arith.minimumf %slice3A_466, %slice3A_467 : vector<256x128xf32>
    %min3A_494 = arith.minimumf %slice3A_468, %slice3A_469 : vector<256x128xf32>
    %min3A_495 = arith.minimumf %slice3A_470, %slice3A_471 : vector<256x128xf32>
    %min3A_496 = arith.minimumf %slice3A_472, %slice3A_473 : vector<256x128xf32>
    %min3A_497 = arith.minimumf %slice3A_474, %slice3A_475 : vector<256x128xf32>
    %min3A_498 = arith.minimumf %slice3A_476, %slice3A_477 : vector<256x128xf32>
    %min3A_499 = arith.minimumf %slice3A_478, %slice3A_479 : vector<256x128xf32>
    %min3A_500 = arith.minimumf %slice3A_480, %slice3A_481 : vector<256x128xf32>
    %min3A_501 = arith.minimumf %slice3A_482, %slice3A_483 : vector<256x128xf32>
    %min3A_502 = arith.minimumf %slice3A_484, %slice3A_485 : vector<256x128xf32>
    %min3A_503 = arith.minimumf %slice3A_486, %slice3A_487 : vector<256x128xf32>
    %min3A_504 = arith.minimumf %min3A_488, %min3A_489 : vector<256x128xf32>
    %min3A_505 = arith.minimumf %min3A_490, %min3A_491 : vector<256x128xf32>
    %min3A_506 = arith.minimumf %min3A_492, %min3A_493 : vector<256x128xf32>
    %min3A_507 = arith.minimumf %min3A_494, %min3A_495 : vector<256x128xf32>
    %min3A_508 = arith.minimumf %min3A_496, %min3A_497 : vector<256x128xf32>
    %min3A_509 = arith.minimumf %min3A_498, %min3A_499 : vector<256x128xf32>
    %min3A_510 = arith.minimumf %min3A_500, %min3A_501 : vector<256x128xf32>
    %min3A_511 = arith.minimumf %min3A_502, %min3A_503 : vector<256x128xf32>
    %min3A_512 = arith.minimumf %min3A_504, %min3A_505 : vector<256x128xf32>
    %min3A_513 = arith.minimumf %min3A_506, %min3A_507 : vector<256x128xf32>
    %min3A_514 = arith.minimumf %min3A_508, %min3A_509 : vector<256x128xf32>
    %min3A_515 = arith.minimumf %min3A_510, %min3A_511 : vector<256x128xf32>
    %min3A_516 = arith.minimumf %min3A_512, %min3A_513 : vector<256x128xf32>
    %min3A_517 = arith.minimumf %min3A_514, %min3A_515 : vector<256x128xf32>
    %min3A_518 = arith.minimumf %min3A_516, %min3A_517 : vector<256x128xf32>
    %reduce_min3A_519 = arith.constant dense<0x7F800000> : vector<256xf32>
    %reduce_min3A_520 = vector.multi_reduction <minimumf>, %min3A_518, %reduce_min3A_519 [1] : vector<256x128xf32> to vector<256xf32>
    %broadcast_in_dim3A_521 = vector.shape_cast %reduce_min3A_520 : vector<256xf32> to vector<256x1xf32>
    %le3A_522 = vector.broadcast %broadcast_in_dim3A_521 : vector<256x1xf32> to vector<256x4096xf32>
    %le3A_523 = arith.cmpf ole, %select_n3A_455, %le3A_522 : vector<256x4096xf32>
    %jit3A_524 = arith.constant 8.192000e+03 : f32
    %broadcast_in_dim3A_525 = vector.broadcast %jit3A_524 : f32 to vector<256x4096xf32>
    %select_n3A_526 = arith.select %le3A_523, %convert_element_type3A_36, %broadcast_in_dim3A_525 : vector<256x4096xi1>, vector<256x4096xf32>
    %slice3A_527 = vector.extract_strided_slice %select_n3A_526 {offsets = [0, 0], sizes = [256, 128], strides = [1, 1]} : vector<256x4096xf32> to vector<256x128xf32>
    %slice3A_528 = vector.extract_strided_slice %select_n3A_526 {offsets = [0, 128], sizes = [256, 128], strides = [1, 1]} : vector<256x4096xf32> to vector<256x128xf32>
    %slice3A_529 = vector.extract_strided_slice %select_n3A_526 {offsets = [0, 256], sizes = [256, 128], strides = [1, 1]} : vector<256x4096xf32> to vector<256x128xf32>
    %slice3A_530 = vector.extract_strided_slice %select_n3A_526 {offsets = [0, 384], sizes = [256, 128], strides = [1, 1]} : vector<256x4096xf32> to vector<256x128xf32>
    %slice3A_531 = vector.extract_strided_slice %select_n3A_526 {offsets = [0, 512], sizes = [256, 128], strides = [1, 1]} : vector<256x4096xf32> to vector<256x128xf32>
    %slice3A_532 = vector.extract_strided_slice %select_n3A_526 {offsets = [0, 640], sizes = [256, 128], strides = [1, 1]} : vector<256x4096xf32> to vector<256x128xf32>
    %slice3A_533 = vector.extract_strided_slice %select_n3A_526 {offsets = [0, 768], sizes = [256, 128], strides = [1, 1]} : vector<256x4096xf32> to vector<256x128xf32>
    %slice3A_534 = vector.extract_strided_slice %select_n3A_526 {offsets = [0, 896], sizes = [256, 128], strides = [1, 1]} : vector<256x4096xf32> to vector<256x128xf32>
    %slice3A_535 = vector.extract_strided_slice %select_n3A_526 {offsets = [0, 1024], sizes = [256, 128], strides = [1, 1]} : vector<256x4096xf32> to vector<256x128xf32>
    %slice3A_536 = vector.extract_strided_slice %select_n3A_526 {offsets = [0, 1152], sizes = [256, 128], strides = [1, 1]} : vector<256x4096xf32> to vector<256x128xf32>
    %slice3A_537 = vector.extract_strided_slice %select_n3A_526 {offsets = [0, 1280], sizes = [256, 128], strides = [1, 1]} : vector<256x4096xf32> to vector<256x128xf32>
    %slice3A_538 = vector.extract_strided_slice %select_n3A_526 {offsets = [0, 1408], sizes = [256, 128], strides = [1, 1]} : vector<256x4096xf32> to vector<256x128xf32>
    %slice3A_539 = vector.extract_strided_slice %select_n3A_526 {offsets = [0, 1536], sizes = [256, 128], strides = [1, 1]} : vector<256x4096xf32> to vector<256x128xf32>
    %slice3A_540 = vector.extract_strided_slice %select_n3A_526 {offsets = [0, 1664], sizes = [256, 128], strides = [1, 1]} : vector<256x4096xf32> to vector<256x128xf32>
    %slice3A_541 = vector.extract_strided_slice %select_n3A_526 {offsets = [0, 1792], sizes = [256, 128], strides = [1, 1]} : vector<256x4096xf32> to vector<256x128xf32>
    %slice3A_542 = vector.extract_strided_slice %select_n3A_526 {offsets = [0, 1920], sizes = [256, 128], strides = [1, 1]} : vector<256x4096xf32> to vector<256x128xf32>
    %slice3A_543 = vector.extract_strided_slice %select_n3A_526 {offsets = [0, 2048], sizes = [256, 128], strides = [1, 1]} : vector<256x4096xf32> to vector<256x128xf32>
    %slice3A_544 = vector.extract_strided_slice %select_n3A_526 {offsets = [0, 2176], sizes = [256, 128], strides = [1, 1]} : vector<256x4096xf32> to vector<256x128xf32>
    %slice3A_545 = vector.extract_strided_slice %select_n3A_526 {offsets = [0, 2304], sizes = [256, 128], strides = [1, 1]} : vector<256x4096xf32> to vector<256x128xf32>
    %slice3A_546 = vector.extract_strided_slice %select_n3A_526 {offsets = [0, 2432], sizes = [256, 128], strides = [1, 1]} : vector<256x4096xf32> to vector<256x128xf32>
    %slice3A_547 = vector.extract_strided_slice %select_n3A_526 {offsets = [0, 2560], sizes = [256, 128], strides = [1, 1]} : vector<256x4096xf32> to vector<256x128xf32>
    %slice3A_548 = vector.extract_strided_slice %select_n3A_526 {offsets = [0, 2688], sizes = [256, 128], strides = [1, 1]} : vector<256x4096xf32> to vector<256x128xf32>
    %slice3A_549 = vector.extract_strided_slice %select_n3A_526 {offsets = [0, 2816], sizes = [256, 128], strides = [1, 1]} : vector<256x4096xf32> to vector<256x128xf32>
    %slice3A_550 = vector.extract_strided_slice %select_n3A_526 {offsets = [0, 2944], sizes = [256, 128], strides = [1, 1]} : vector<256x4096xf32> to vector<256x128xf32>
    %slice3A_551 = vector.extract_strided_slice %select_n3A_526 {offsets = [0, 3072], sizes = [256, 128], strides = [1, 1]} : vector<256x4096xf32> to vector<256x128xf32>
    %slice3A_552 = vector.extract_strided_slice %select_n3A_526 {offsets = [0, 3200], sizes = [256, 128], strides = [1, 1]} : vector<256x4096xf32> to vector<256x128xf32>
    %slice3A_553 = vector.extract_strided_slice %select_n3A_526 {offsets = [0, 3328], sizes = [256, 128], strides = [1, 1]} : vector<256x4096xf32> to vector<256x128xf32>
    %slice3A_554 = vector.extract_strided_slice %select_n3A_526 {offsets = [0, 3456], sizes = [256, 128], strides = [1, 1]} : vector<256x4096xf32> to vector<256x128xf32>
    %slice3A_555 = vector.extract_strided_slice %select_n3A_526 {offsets = [0, 3584], sizes = [256, 128], strides = [1, 1]} : vector<256x4096xf32> to vector<256x128xf32>
    %slice3A_556 = vector.extract_strided_slice %select_n3A_526 {offsets = [0, 3712], sizes = [256, 128], strides = [1, 1]} : vector<256x4096xf32> to vector<256x128xf32>
    %slice3A_557 = vector.extract_strided_slice %select_n3A_526 {offsets = [0, 3840], sizes = [256, 128], strides = [1, 1]} : vector<256x4096xf32> to vector<256x128xf32>
    %slice3A_558 = vector.extract_strided_slice %select_n3A_526 {offsets = [0, 3968], sizes = [256, 128], strides = [1, 1]} : vector<256x4096xf32> to vector<256x128xf32>
    %min3A_559 = arith.minimumf %slice3A_527, %slice3A_528 : vector<256x128xf32>
    %min3A_560 = arith.minimumf %slice3A_529, %slice3A_530 : vector<256x128xf32>
    %min3A_561 = arith.minimumf %slice3A_531, %slice3A_532 : vector<256x128xf32>
    %min3A_562 = arith.minimumf %slice3A_533, %slice3A_534 : vector<256x128xf32>
    %min3A_563 = arith.minimumf %slice3A_535, %slice3A_536 : vector<256x128xf32>
    %min3A_564 = arith.minimumf %slice3A_537, %slice3A_538 : vector<256x128xf32>
    %min3A_565 = arith.minimumf %slice3A_539, %slice3A_540 : vector<256x128xf32>
    %min3A_566 = arith.minimumf %slice3A_541, %slice3A_542 : vector<256x128xf32>
    %min3A_567 = arith.minimumf %slice3A_543, %slice3A_544 : vector<256x128xf32>
    %min3A_568 = arith.minimumf %slice3A_545, %slice3A_546 : vector<256x128xf32>
    %min3A_569 = arith.minimumf %slice3A_547, %slice3A_548 : vector<256x128xf32>
    %min3A_570 = arith.minimumf %slice3A_549, %slice3A_550 : vector<256x128xf32>
    %min3A_571 = arith.minimumf %slice3A_551, %slice3A_552 : vector<256x128xf32>
    %min3A_572 = arith.minimumf %slice3A_553, %slice3A_554 : vector<256x128xf32>
    %min3A_573 = arith.minimumf %slice3A_555, %slice3A_556 : vector<256x128xf32>
    %min3A_574 = arith.minimumf %slice3A_557, %slice3A_558 : vector<256x128xf32>
    %min3A_575 = arith.minimumf %min3A_559, %min3A_560 : vector<256x128xf32>
    %min3A_576 = arith.minimumf %min3A_561, %min3A_562 : vector<256x128xf32>
    %min3A_577 = arith.minimumf %min3A_563, %min3A_564 : vector<256x128xf32>
    %min3A_578 = arith.minimumf %min3A_565, %min3A_566 : vector<256x128xf32>
    %min3A_579 = arith.minimumf %min3A_567, %min3A_568 : vector<256x128xf32>
    %min3A_580 = arith.minimumf %min3A_569, %min3A_570 : vector<256x128xf32>
    %min3A_581 = arith.minimumf %min3A_571, %min3A_572 : vector<256x128xf32>
    %min3A_582 = arith.minimumf %min3A_573, %min3A_574 : vector<256x128xf32>
    %min3A_583 = arith.minimumf %min3A_575, %min3A_576 : vector<256x128xf32>
    %min3A_584 = arith.minimumf %min3A_577, %min3A_578 : vector<256x128xf32>
    %min3A_585 = arith.minimumf %min3A_579, %min3A_580 : vector<256x128xf32>
    %min3A_586 = arith.minimumf %min3A_581, %min3A_582 : vector<256x128xf32>
    %min3A_587 = arith.minimumf %min3A_583, %min3A_584 : vector<256x128xf32>
    %min3A_588 = arith.minimumf %min3A_585, %min3A_586 : vector<256x128xf32>
    %min3A_589 = arith.minimumf %min3A_587, %min3A_588 : vector<256x128xf32>
    %reduce_min3A_590 = arith.constant dense<0x7F800000> : vector<256xf32>
    %reduce_min3A_591 = vector.multi_reduction <minimumf>, %min3A_589, %reduce_min3A_590 [1] : vector<256x128xf32> to vector<256xf32>
    %broadcast_in_dim3A_592 = vector.shape_cast %reduce_min3A_591 : vector<256xf32> to vector<256x1xf32>
    %eq3A_593 = vector.broadcast %broadcast_in_dim3A_592 : vector<256x1xf32> to vector<256x4096xf32>
    %eq3A_594 = arith.cmpf oeq, %convert_element_type3A_36, %eq3A_593 : vector<256x4096xf32>
    %jit3A_595 = arith.constant 0x7F800000 : f32
    %broadcast_in_dim3A_596 = vector.broadcast %jit3A_595 : f32 to vector<256x4096xf32>
    %select_n3A_597 = arith.select %eq3A_594, %broadcast_in_dim3A_596, %select_n3A_455 : vector<256x4096xi1>, vector<256x4096xf32>
    %slice3A_598 = vector.extract_strided_slice %select_n3A_597 {offsets = [0, 0], sizes = [256, 128], strides = [1, 1]} : vector<256x4096xf32> to vector<256x128xf32>
    %slice3A_599 = vector.extract_strided_slice %select_n3A_597 {offsets = [0, 128], sizes = [256, 128], strides = [1, 1]} : vector<256x4096xf32> to vector<256x128xf32>
    %slice3A_600 = vector.extract_strided_slice %select_n3A_597 {offsets = [0, 256], sizes = [256, 128], strides = [1, 1]} : vector<256x4096xf32> to vector<256x128xf32>
    %slice3A_601 = vector.extract_strided_slice %select_n3A_597 {offsets = [0, 384], sizes = [256, 128], strides = [1, 1]} : vector<256x4096xf32> to vector<256x128xf32>
    %slice3A_602 = vector.extract_strided_slice %select_n3A_597 {offsets = [0, 512], sizes = [256, 128], strides = [1, 1]} : vector<256x4096xf32> to vector<256x128xf32>
    %slice3A_603 = vector.extract_strided_slice %select_n3A_597 {offsets = [0, 640], sizes = [256, 128], strides = [1, 1]} : vector<256x4096xf32> to vector<256x128xf32>
    %slice3A_604 = vector.extract_strided_slice %select_n3A_597 {offsets = [0, 768], sizes = [256, 128], strides = [1, 1]} : vector<256x4096xf32> to vector<256x128xf32>
    %slice3A_605 = vector.extract_strided_slice %select_n3A_597 {offsets = [0, 896], sizes = [256, 128], strides = [1, 1]} : vector<256x4096xf32> to vector<256x128xf32>
    %slice3A_606 = vector.extract_strided_slice %select_n3A_597 {offsets = [0, 1024], sizes = [256, 128], strides = [1, 1]} : vector<256x4096xf32> to vector<256x128xf32>
    %slice3A_607 = vector.extract_strided_slice %select_n3A_597 {offsets = [0, 1152], sizes = [256, 128], strides = [1, 1]} : vector<256x4096xf32> to vector<256x128xf32>
    %slice3A_608 = vector.extract_strided_slice %select_n3A_597 {offsets = [0, 1280], sizes = [256, 128], strides = [1, 1]} : vector<256x4096xf32> to vector<256x128xf32>
    %slice3A_609 = vector.extract_strided_slice %select_n3A_597 {offsets = [0, 1408], sizes = [256, 128], strides = [1, 1]} : vector<256x4096xf32> to vector<256x128xf32>
    %slice3A_610 = vector.extract_strided_slice %select_n3A_597 {offsets = [0, 1536], sizes = [256, 128], strides = [1, 1]} : vector<256x4096xf32> to vector<256x128xf32>
    %slice3A_611 = vector.extract_strided_slice %select_n3A_597 {offsets = [0, 1664], sizes = [256, 128], strides = [1, 1]} : vector<256x4096xf32> to vector<256x128xf32>
    %slice3A_612 = vector.extract_strided_slice %select_n3A_597 {offsets = [0, 1792], sizes = [256, 128], strides = [1, 1]} : vector<256x4096xf32> to vector<256x128xf32>
    %slice3A_613 = vector.extract_strided_slice %select_n3A_597 {offsets = [0, 1920], sizes = [256, 128], strides = [1, 1]} : vector<256x4096xf32> to vector<256x128xf32>
    %slice3A_614 = vector.extract_strided_slice %select_n3A_597 {offsets = [0, 2048], sizes = [256, 128], strides = [1, 1]} : vector<256x4096xf32> to vector<256x128xf32>
    %slice3A_615 = vector.extract_strided_slice %select_n3A_597 {offsets = [0, 2176], sizes = [256, 128], strides = [1, 1]} : vector<256x4096xf32> to vector<256x128xf32>
    %slice3A_616 = vector.extract_strided_slice %select_n3A_597 {offsets = [0, 2304], sizes = [256, 128], strides = [1, 1]} : vector<256x4096xf32> to vector<256x128xf32>
    %slice3A_617 = vector.extract_strided_slice %select_n3A_597 {offsets = [0, 2432], sizes = [256, 128], strides = [1, 1]} : vector<256x4096xf32> to vector<256x128xf32>
    %slice3A_618 = vector.extract_strided_slice %select_n3A_597 {offsets = [0, 2560], sizes = [256, 128], strides = [1, 1]} : vector<256x4096xf32> to vector<256x128xf32>
    %slice3A_619 = vector.extract_strided_slice %select_n3A_597 {offsets = [0, 2688], sizes = [256, 128], strides = [1, 1]} : vector<256x4096xf32> to vector<256x128xf32>
    %slice3A_620 = vector.extract_strided_slice %select_n3A_597 {offsets = [0, 2816], sizes = [256, 128], strides = [1, 1]} : vector<256x4096xf32> to vector<256x128xf32>
    %slice3A_621 = vector.extract_strided_slice %select_n3A_597 {offsets = [0, 2944], sizes = [256, 128], strides = [1, 1]} : vector<256x4096xf32> to vector<256x128xf32>
    %slice3A_622 = vector.extract_strided_slice %select_n3A_597 {offsets = [0, 3072], sizes = [256, 128], strides = [1, 1]} : vector<256x4096xf32> to vector<256x128xf32>
    %slice3A_623 = vector.extract_strided_slice %select_n3A_597 {offsets = [0, 3200], sizes = [256, 128], strides = [1, 1]} : vector<256x4096xf32> to vector<256x128xf32>
    %slice3A_624 = vector.extract_strided_slice %select_n3A_597 {offsets = [0, 3328], sizes = [256, 128], strides = [1, 1]} : vector<256x4096xf32> to vector<256x128xf32>
    %slice3A_625 = vector.extract_strided_slice %select_n3A_597 {offsets = [0, 3456], sizes = [256, 128], strides = [1, 1]} : vector<256x4096xf32> to vector<256x128xf32>
    %slice3A_626 = vector.extract_strided_slice %select_n3A_597 {offsets = [0, 3584], sizes = [256, 128], strides = [1, 1]} : vector<256x4096xf32> to vector<256x128xf32>
    %slice3A_627 = vector.extract_strided_slice %select_n3A_597 {offsets = [0, 3712], sizes = [256, 128], strides = [1, 1]} : vector<256x4096xf32> to vector<256x128xf32>
    %slice3A_628 = vector.extract_strided_slice %select_n3A_597 {offsets = [0, 3840], sizes = [256, 128], strides = [1, 1]} : vector<256x4096xf32> to vector<256x128xf32>
    %slice3A_629 = vector.extract_strided_slice %select_n3A_597 {offsets = [0, 3968], sizes = [256, 128], strides = [1, 1]} : vector<256x4096xf32> to vector<256x128xf32>
    %min3A_630 = arith.minimumf %slice3A_598, %slice3A_599 : vector<256x128xf32>
    %min3A_631 = arith.minimumf %slice3A_600, %slice3A_601 : vector<256x128xf32>
    %min3A_632 = arith.minimumf %slice3A_602, %slice3A_603 : vector<256x128xf32>
    %min3A_633 = arith.minimumf %slice3A_604, %slice3A_605 : vector<256x128xf32>
    %min3A_634 = arith.minimumf %slice3A_606, %slice3A_607 : vector<256x128xf32>
    %min3A_635 = arith.minimumf %slice3A_608, %slice3A_609 : vector<256x128xf32>
    %min3A_636 = arith.minimumf %slice3A_610, %slice3A_611 : vector<256x128xf32>
    %min3A_637 = arith.minimumf %slice3A_612, %slice3A_613 : vector<256x128xf32>
    %min3A_638 = arith.minimumf %slice3A_614, %slice3A_615 : vector<256x128xf32>
    %min3A_639 = arith.minimumf %slice3A_616, %slice3A_617 : vector<256x128xf32>
    %min3A_640 = arith.minimumf %slice3A_618, %slice3A_619 : vector<256x128xf32>
    %min3A_641 = arith.minimumf %slice3A_620, %slice3A_621 : vector<256x128xf32>
    %min3A_642 = arith.minimumf %slice3A_622, %slice3A_623 : vector<256x128xf32>
    %min3A_643 = arith.minimumf %slice3A_624, %slice3A_625 : vector<256x128xf32>
    %min3A_644 = arith.minimumf %slice3A_626, %slice3A_627 : vector<256x128xf32>
    %min3A_645 = arith.minimumf %slice3A_628, %slice3A_629 : vector<256x128xf32>
    %min3A_646 = arith.minimumf %min3A_630, %min3A_631 : vector<256x128xf32>
    %min3A_647 = arith.minimumf %min3A_632, %min3A_633 : vector<256x128xf32>
    %min3A_648 = arith.minimumf %min3A_634, %min3A_635 : vector<256x128xf32>
    %min3A_649 = arith.minimumf %min3A_636, %min3A_637 : vector<256x128xf32>
    %min3A_650 = arith.minimumf %min3A_638, %min3A_639 : vector<256x128xf32>
    %min3A_651 = arith.minimumf %min3A_640, %min3A_641 : vector<256x128xf32>
    %min3A_652 = arith.minimumf %min3A_642, %min3A_643 : vector<256x128xf32>
    %min3A_653 = arith.minimumf %min3A_644, %min3A_645 : vector<256x128xf32>
    %min3A_654 = arith.minimumf %min3A_646, %min3A_647 : vector<256x128xf32>
    %min3A_655 = arith.minimumf %min3A_648, %min3A_649 : vector<256x128xf32>
    %min3A_656 = arith.minimumf %min3A_650, %min3A_651 : vector<256x128xf32>
    %min3A_657 = arith.minimumf %min3A_652, %min3A_653 : vector<256x128xf32>
    %min3A_658 = arith.minimumf %min3A_654, %min3A_655 : vector<256x128xf32>
    %min3A_659 = arith.minimumf %min3A_656, %min3A_657 : vector<256x128xf32>
    %min3A_660 = arith.minimumf %min3A_658, %min3A_659 : vector<256x128xf32>
    %reduce_min3A_661 = arith.constant dense<0x7F800000> : vector<256xf32>
    %reduce_min3A_662 = vector.multi_reduction <minimumf>, %min3A_660, %reduce_min3A_661 [1] : vector<256x128xf32> to vector<256xf32>
    %broadcast_in_dim3A_663 = vector.shape_cast %reduce_min3A_662 : vector<256xf32> to vector<256x1xf32>
    %le3A_664 = vector.broadcast %broadcast_in_dim3A_663 : vector<256x1xf32> to vector<256x4096xf32>
    %le3A_665 = arith.cmpf ole, %select_n3A_597, %le3A_664 : vector<256x4096xf32>
    %jit3A_666 = arith.constant 8.192000e+03 : f32
    %broadcast_in_dim3A_667 = vector.broadcast %jit3A_666 : f32 to vector<256x4096xf32>
    %select_n3A_668 = arith.select %le3A_665, %convert_element_type3A_36, %broadcast_in_dim3A_667 : vector<256x4096xi1>, vector<256x4096xf32>
    %slice3A_669 = vector.extract_strided_slice %select_n3A_668 {offsets = [0, 0], sizes = [256, 128], strides = [1, 1]} : vector<256x4096xf32> to vector<256x128xf32>
    %slice3A_670 = vector.extract_strided_slice %select_n3A_668 {offsets = [0, 128], sizes = [256, 128], strides = [1, 1]} : vector<256x4096xf32> to vector<256x128xf32>
    %slice3A_671 = vector.extract_strided_slice %select_n3A_668 {offsets = [0, 256], sizes = [256, 128], strides = [1, 1]} : vector<256x4096xf32> to vector<256x128xf32>
    %slice3A_672 = vector.extract_strided_slice %select_n3A_668 {offsets = [0, 384], sizes = [256, 128], strides = [1, 1]} : vector<256x4096xf32> to vector<256x128xf32>
    %slice3A_673 = vector.extract_strided_slice %select_n3A_668 {offsets = [0, 512], sizes = [256, 128], strides = [1, 1]} : vector<256x4096xf32> to vector<256x128xf32>
    %slice3A_674 = vector.extract_strided_slice %select_n3A_668 {offsets = [0, 640], sizes = [256, 128], strides = [1, 1]} : vector<256x4096xf32> to vector<256x128xf32>
    %slice3A_675 = vector.extract_strided_slice %select_n3A_668 {offsets = [0, 768], sizes = [256, 128], strides = [1, 1]} : vector<256x4096xf32> to vector<256x128xf32>
    %slice3A_676 = vector.extract_strided_slice %select_n3A_668 {offsets = [0, 896], sizes = [256, 128], strides = [1, 1]} : vector<256x4096xf32> to vector<256x128xf32>
    %slice3A_677 = vector.extract_strided_slice %select_n3A_668 {offsets = [0, 1024], sizes = [256, 128], strides = [1, 1]} : vector<256x4096xf32> to vector<256x128xf32>
    %slice3A_678 = vector.extract_strided_slice %select_n3A_668 {offsets = [0, 1152], sizes = [256, 128], strides = [1, 1]} : vector<256x4096xf32> to vector<256x128xf32>
    %slice3A_679 = vector.extract_strided_slice %select_n3A_668 {offsets = [0, 1280], sizes = [256, 128], strides = [1, 1]} : vector<256x4096xf32> to vector<256x128xf32>
    %slice3A_680 = vector.extract_strided_slice %select_n3A_668 {offsets = [0, 1408], sizes = [256, 128], strides = [1, 1]} : vector<256x4096xf32> to vector<256x128xf32>
    %slice3A_681 = vector.extract_strided_slice %select_n3A_668 {offsets = [0, 1536], sizes = [256, 128], strides = [1, 1]} : vector<256x4096xf32> to vector<256x128xf32>
    %slice3A_682 = vector.extract_strided_slice %select_n3A_668 {offsets = [0, 1664], sizes = [256, 128], strides = [1, 1]} : vector<256x4096xf32> to vector<256x128xf32>
    %slice3A_683 = vector.extract_strided_slice %select_n3A_668 {offsets = [0, 1792], sizes = [256, 128], strides = [1, 1]} : vector<256x4096xf32> to vector<256x128xf32>
    %slice3A_684 = vector.extract_strided_slice %select_n3A_668 {offsets = [0, 1920], sizes = [256, 128], strides = [1, 1]} : vector<256x4096xf32> to vector<256x128xf32>
    %slice3A_685 = vector.extract_strided_slice %select_n3A_668 {offsets = [0, 2048], sizes = [256, 128], strides = [1, 1]} : vector<256x4096xf32> to vector<256x128xf32>
    %slice3A_686 = vector.extract_strided_slice %select_n3A_668 {offsets = [0, 2176], sizes = [256, 128], strides = [1, 1]} : vector<256x4096xf32> to vector<256x128xf32>
    %slice3A_687 = vector.extract_strided_slice %select_n3A_668 {offsets = [0, 2304], sizes = [256, 128], strides = [1, 1]} : vector<256x4096xf32> to vector<256x128xf32>
    %slice3A_688 = vector.extract_strided_slice %select_n3A_668 {offsets = [0, 2432], sizes = [256, 128], strides = [1, 1]} : vector<256x4096xf32> to vector<256x128xf32>
    %slice3A_689 = vector.extract_strided_slice %select_n3A_668 {offsets = [0, 2560], sizes = [256, 128], strides = [1, 1]} : vector<256x4096xf32> to vector<256x128xf32>
    %slice3A_690 = vector.extract_strided_slice %select_n3A_668 {offsets = [0, 2688], sizes = [256, 128], strides = [1, 1]} : vector<256x4096xf32> to vector<256x128xf32>
    %slice3A_691 = vector.extract_strided_slice %select_n3A_668 {offsets = [0, 2816], sizes = [256, 128], strides = [1, 1]} : vector<256x4096xf32> to vector<256x128xf32>
    %slice3A_692 = vector.extract_strided_slice %select_n3A_668 {offsets = [0, 2944], sizes = [256, 128], strides = [1, 1]} : vector<256x4096xf32> to vector<256x128xf32>
    %slice3A_693 = vector.extract_strided_slice %select_n3A_668 {offsets = [0, 3072], sizes = [256, 128], strides = [1, 1]} : vector<256x4096xf32> to vector<256x128xf32>
    %slice3A_694 = vector.extract_strided_slice %select_n3A_668 {offsets = [0, 3200], sizes = [256, 128], strides = [1, 1]} : vector<256x4096xf32> to vector<256x128xf32>
    %slice3A_695 = vector.extract_strided_slice %select_n3A_668 {offsets = [0, 3328], sizes = [256, 128], strides = [1, 1]} : vector<256x4096xf32> to vector<256x128xf32>
    %slice3A_696 = vector.extract_strided_slice %select_n3A_668 {offsets = [0, 3456], sizes = [256, 128], strides = [1, 1]} : vector<256x4096xf32> to vector<256x128xf32>
    %slice3A_697 = vector.extract_strided_slice %select_n3A_668 {offsets = [0, 3584], sizes = [256, 128], strides = [1, 1]} : vector<256x4096xf32> to vector<256x128xf32>
    %slice3A_698 = vector.extract_strided_slice %select_n3A_668 {offsets = [0, 3712], sizes = [256, 128], strides = [1, 1]} : vector<256x4096xf32> to vector<256x128xf32>
    %slice3A_699 = vector.extract_strided_slice %select_n3A_668 {offsets = [0, 3840], sizes = [256, 128], strides = [1, 1]} : vector<256x4096xf32> to vector<256x128xf32>
    %slice3A_700 = vector.extract_strided_slice %select_n3A_668 {offsets = [0, 3968], sizes = [256, 128], strides = [1, 1]} : vector<256x4096xf32> to vector<256x128xf32>
    %min3A_701 = arith.minimumf %slice3A_669, %slice3A_670 : vector<256x128xf32>
    %min3A_702 = arith.minimumf %slice3A_671, %slice3A_672 : vector<256x128xf32>
    %min3A_703 = arith.minimumf %slice3A_673, %slice3A_674 : vector<256x128xf32>
    %min3A_704 = arith.minimumf %slice3A_675, %slice3A_676 : vector<256x128xf32>
    %min3A_705 = arith.minimumf %slice3A_677, %slice3A_678 : vector<256x128xf32>
    %min3A_706 = arith.minimumf %slice3A_679, %slice3A_680 : vector<256x128xf32>
    %min3A_707 = arith.minimumf %slice3A_681, %slice3A_682 : vector<256x128xf32>
    %min3A_708 = arith.minimumf %slice3A_683, %slice3A_684 : vector<256x128xf32>
    %min3A_709 = arith.minimumf %slice3A_685, %slice3A_686 : vector<256x128xf32>
    %min3A_710 = arith.minimumf %slice3A_687, %slice3A_688 : vector<256x128xf32>
    %min3A_711 = arith.minimumf %slice3A_689, %slice3A_690 : vector<256x128xf32>
    %min3A_712 = arith.minimumf %slice3A_691, %slice3A_692 : vector<256x128xf32>
    %min3A_713 = arith.minimumf %slice3A_693, %slice3A_694 : vector<256x128xf32>
    %min3A_714 = arith.minimumf %slice3A_695, %slice3A_696 : vector<256x128xf32>
    %min3A_715 = arith.minimumf %slice3A_697, %slice3A_698 : vector<256x128xf32>
    %min3A_716 = arith.minimumf %slice3A_699, %slice3A_700 : vector<256x128xf32>
    %min3A_717 = arith.minimumf %min3A_701, %min3A_702 : vector<256x128xf32>
    %min3A_718 = arith.minimumf %min3A_703, %min3A_704 : vector<256x128xf32>
    %min3A_719 = arith.minimumf %min3A_705, %min3A_706 : vector<256x128xf32>
    %min3A_720 = arith.minimumf %min3A_707, %min3A_708 : vector<256x128xf32>
    %min3A_721 = arith.minimumf %min3A_709, %min3A_710 : vector<256x128xf32>
    %min3A_722 = arith.minimumf %min3A_711, %min3A_712 : vector<256x128xf32>
    %min3A_723 = arith.minimumf %min3A_713, %min3A_714 : vector<256x128xf32>
    %min3A_724 = arith.minimumf %min3A_715, %min3A_716 : vector<256x128xf32>
    %min3A_725 = arith.minimumf %min3A_717, %min3A_718 : vector<256x128xf32>
    %min3A_726 = arith.minimumf %min3A_719, %min3A_720 : vector<256x128xf32>
    %min3A_727 = arith.minimumf %min3A_721, %min3A_722 : vector<256x128xf32>
    %min3A_728 = arith.minimumf %min3A_723, %min3A_724 : vector<256x128xf32>
    %min3A_729 = arith.minimumf %min3A_725, %min3A_726 : vector<256x128xf32>
    %min3A_730 = arith.minimumf %min3A_727, %min3A_728 : vector<256x128xf32>
    %min3A_731 = arith.minimumf %min3A_729, %min3A_730 : vector<256x128xf32>
    %reduce_min3A_732 = arith.constant dense<0x7F800000> : vector<256xf32>
    %reduce_min3A_733 = vector.multi_reduction <minimumf>, %min3A_731, %reduce_min3A_732 [1] : vector<256x128xf32> to vector<256xf32>
    %broadcast_in_dim3A_734 = vector.shape_cast %reduce_min3A_733 : vector<256xf32> to vector<256x1xf32>
    %eq3A_735 = vector.broadcast %broadcast_in_dim3A_734 : vector<256x1xf32> to vector<256x4096xf32>
    %eq3A_736 = arith.cmpf oeq, %convert_element_type3A_36, %eq3A_735 : vector<256x4096xf32>
    %jit3A_737 = arith.constant 0x7F800000 : f32
    %broadcast_in_dim3A_738 = vector.broadcast %jit3A_737 : f32 to vector<256x4096xf32>
    %select_n3A_739 = arith.select %eq3A_736, %broadcast_in_dim3A_738, %select_n3A_597 : vector<256x4096xi1>, vector<256x4096xf32>
    %slice3A_740 = vector.extract_strided_slice %select_n3A_739 {offsets = [0, 0], sizes = [256, 128], strides = [1, 1]} : vector<256x4096xf32> to vector<256x128xf32>
    %slice3A_741 = vector.extract_strided_slice %select_n3A_739 {offsets = [0, 128], sizes = [256, 128], strides = [1, 1]} : vector<256x4096xf32> to vector<256x128xf32>
    %slice3A_742 = vector.extract_strided_slice %select_n3A_739 {offsets = [0, 256], sizes = [256, 128], strides = [1, 1]} : vector<256x4096xf32> to vector<256x128xf32>
    %slice3A_743 = vector.extract_strided_slice %select_n3A_739 {offsets = [0, 384], sizes = [256, 128], strides = [1, 1]} : vector<256x4096xf32> to vector<256x128xf32>
    %slice3A_744 = vector.extract_strided_slice %select_n3A_739 {offsets = [0, 512], sizes = [256, 128], strides = [1, 1]} : vector<256x4096xf32> to vector<256x128xf32>
    %slice3A_745 = vector.extract_strided_slice %select_n3A_739 {offsets = [0, 640], sizes = [256, 128], strides = [1, 1]} : vector<256x4096xf32> to vector<256x128xf32>
    %slice3A_746 = vector.extract_strided_slice %select_n3A_739 {offsets = [0, 768], sizes = [256, 128], strides = [1, 1]} : vector<256x4096xf32> to vector<256x128xf32>
    %slice3A_747 = vector.extract_strided_slice %select_n3A_739 {offsets = [0, 896], sizes = [256, 128], strides = [1, 1]} : vector<256x4096xf32> to vector<256x128xf32>
    %slice3A_748 = vector.extract_strided_slice %select_n3A_739 {offsets = [0, 1024], sizes = [256, 128], strides = [1, 1]} : vector<256x4096xf32> to vector<256x128xf32>
    %slice3A_749 = vector.extract_strided_slice %select_n3A_739 {offsets = [0, 1152], sizes = [256, 128], strides = [1, 1]} : vector<256x4096xf32> to vector<256x128xf32>
    %slice3A_750 = vector.extract_strided_slice %select_n3A_739 {offsets = [0, 1280], sizes = [256, 128], strides = [1, 1]} : vector<256x4096xf32> to vector<256x128xf32>
    %slice3A_751 = vector.extract_strided_slice %select_n3A_739 {offsets = [0, 1408], sizes = [256, 128], strides = [1, 1]} : vector<256x4096xf32> to vector<256x128xf32>
    %slice3A_752 = vector.extract_strided_slice %select_n3A_739 {offsets = [0, 1536], sizes = [256, 128], strides = [1, 1]} : vector<256x4096xf32> to vector<256x128xf32>
    %slice3A_753 = vector.extract_strided_slice %select_n3A_739 {offsets = [0, 1664], sizes = [256, 128], strides = [1, 1]} : vector<256x4096xf32> to vector<256x128xf32>
    %slice3A_754 = vector.extract_strided_slice %select_n3A_739 {offsets = [0, 1792], sizes = [256, 128], strides = [1, 1]} : vector<256x4096xf32> to vector<256x128xf32>
    %slice3A_755 = vector.extract_strided_slice %select_n3A_739 {offsets = [0, 1920], sizes = [256, 128], strides = [1, 1]} : vector<256x4096xf32> to vector<256x128xf32>
    %slice3A_756 = vector.extract_strided_slice %select_n3A_739 {offsets = [0, 2048], sizes = [256, 128], strides = [1, 1]} : vector<256x4096xf32> to vector<256x128xf32>
    %slice3A_757 = vector.extract_strided_slice %select_n3A_739 {offsets = [0, 2176], sizes = [256, 128], strides = [1, 1]} : vector<256x4096xf32> to vector<256x128xf32>
    %slice3A_758 = vector.extract_strided_slice %select_n3A_739 {offsets = [0, 2304], sizes = [256, 128], strides = [1, 1]} : vector<256x4096xf32> to vector<256x128xf32>
    %slice3A_759 = vector.extract_strided_slice %select_n3A_739 {offsets = [0, 2432], sizes = [256, 128], strides = [1, 1]} : vector<256x4096xf32> to vector<256x128xf32>
    %slice3A_760 = vector.extract_strided_slice %select_n3A_739 {offsets = [0, 2560], sizes = [256, 128], strides = [1, 1]} : vector<256x4096xf32> to vector<256x128xf32>
    %slice3A_761 = vector.extract_strided_slice %select_n3A_739 {offsets = [0, 2688], sizes = [256, 128], strides = [1, 1]} : vector<256x4096xf32> to vector<256x128xf32>
    %slice3A_762 = vector.extract_strided_slice %select_n3A_739 {offsets = [0, 2816], sizes = [256, 128], strides = [1, 1]} : vector<256x4096xf32> to vector<256x128xf32>
    %slice3A_763 = vector.extract_strided_slice %select_n3A_739 {offsets = [0, 2944], sizes = [256, 128], strides = [1, 1]} : vector<256x4096xf32> to vector<256x128xf32>
    %slice3A_764 = vector.extract_strided_slice %select_n3A_739 {offsets = [0, 3072], sizes = [256, 128], strides = [1, 1]} : vector<256x4096xf32> to vector<256x128xf32>
    %slice3A_765 = vector.extract_strided_slice %select_n3A_739 {offsets = [0, 3200], sizes = [256, 128], strides = [1, 1]} : vector<256x4096xf32> to vector<256x128xf32>
    %slice3A_766 = vector.extract_strided_slice %select_n3A_739 {offsets = [0, 3328], sizes = [256, 128], strides = [1, 1]} : vector<256x4096xf32> to vector<256x128xf32>
    %slice3A_767 = vector.extract_strided_slice %select_n3A_739 {offsets = [0, 3456], sizes = [256, 128], strides = [1, 1]} : vector<256x4096xf32> to vector<256x128xf32>
    %slice3A_768 = vector.extract_strided_slice %select_n3A_739 {offsets = [0, 3584], sizes = [256, 128], strides = [1, 1]} : vector<256x4096xf32> to vector<256x128xf32>
    %slice3A_769 = vector.extract_strided_slice %select_n3A_739 {offsets = [0, 3712], sizes = [256, 128], strides = [1, 1]} : vector<256x4096xf32> to vector<256x128xf32>
    %slice3A_770 = vector.extract_strided_slice %select_n3A_739 {offsets = [0, 3840], sizes = [256, 128], strides = [1, 1]} : vector<256x4096xf32> to vector<256x128xf32>
    %slice3A_771 = vector.extract_strided_slice %select_n3A_739 {offsets = [0, 3968], sizes = [256, 128], strides = [1, 1]} : vector<256x4096xf32> to vector<256x128xf32>
    %min3A_772 = arith.minimumf %slice3A_740, %slice3A_741 : vector<256x128xf32>
    %min3A_773 = arith.minimumf %slice3A_742, %slice3A_743 : vector<256x128xf32>
    %min3A_774 = arith.minimumf %slice3A_744, %slice3A_745 : vector<256x128xf32>
    %min3A_775 = arith.minimumf %slice3A_746, %slice3A_747 : vector<256x128xf32>
    %min3A_776 = arith.minimumf %slice3A_748, %slice3A_749 : vector<256x128xf32>
    %min3A_777 = arith.minimumf %slice3A_750, %slice3A_751 : vector<256x128xf32>
    %min3A_778 = arith.minimumf %slice3A_752, %slice3A_753 : vector<256x128xf32>
    %min3A_779 = arith.minimumf %slice3A_754, %slice3A_755 : vector<256x128xf32>
    %min3A_780 = arith.minimumf %slice3A_756, %slice3A_757 : vector<256x128xf32>
    %min3A_781 = arith.minimumf %slice3A_758, %slice3A_759 : vector<256x128xf32>
    %min3A_782 = arith.minimumf %slice3A_760, %slice3A_761 : vector<256x128xf32>
    %min3A_783 = arith.minimumf %slice3A_762, %slice3A_763 : vector<256x128xf32>
    %min3A_784 = arith.minimumf %slice3A_764, %slice3A_765 : vector<256x128xf32>
    %min3A_785 = arith.minimumf %slice3A_766, %slice3A_767 : vector<256x128xf32>
    %min3A_786 = arith.minimumf %slice3A_768, %slice3A_769 : vector<256x128xf32>
    %min3A_787 = arith.minimumf %slice3A_770, %slice3A_771 : vector<256x128xf32>
    %min3A_788 = arith.minimumf %min3A_772, %min3A_773 : vector<256x128xf32>
    %min3A_789 = arith.minimumf %min3A_774, %min3A_775 : vector<256x128xf32>
    %min3A_790 = arith.minimumf %min3A_776, %min3A_777 : vector<256x128xf32>
    %min3A_791 = arith.minimumf %min3A_778, %min3A_779 : vector<256x128xf32>
    %min3A_792 = arith.minimumf %min3A_780, %min3A_781 : vector<256x128xf32>
    %min3A_793 = arith.minimumf %min3A_782, %min3A_783 : vector<256x128xf32>
    %min3A_794 = arith.minimumf %min3A_784, %min3A_785 : vector<256x128xf32>
    %min3A_795 = arith.minimumf %min3A_786, %min3A_787 : vector<256x128xf32>
    %min3A_796 = arith.minimumf %min3A_788, %min3A_789 : vector<256x128xf32>
    %min3A_797 = arith.minimumf %min3A_790, %min3A_791 : vector<256x128xf32>
    %min3A_798 = arith.minimumf %min3A_792, %min3A_793 : vector<256x128xf32>
    %min3A_799 = arith.minimumf %min3A_794, %min3A_795 : vector<256x128xf32>
    %min3A_800 = arith.minimumf %min3A_796, %min3A_797 : vector<256x128xf32>
    %min3A_801 = arith.minimumf %min3A_798, %min3A_799 : vector<256x128xf32>
    %min3A_802 = arith.minimumf %min3A_800, %min3A_801 : vector<256x128xf32>
    %reduce_min3A_803 = arith.constant dense<0x7F800000> : vector<256xf32>
    %reduce_min3A_804 = vector.multi_reduction <minimumf>, %min3A_802, %reduce_min3A_803 [1] : vector<256x128xf32> to vector<256xf32>
    %broadcast_in_dim3A_805 = vector.shape_cast %reduce_min3A_804 : vector<256xf32> to vector<256x1xf32>
    %le3A_806 = vector.broadcast %broadcast_in_dim3A_805 : vector<256x1xf32> to vector<256x4096xf32>
    %le3A_807 = arith.cmpf ole, %select_n3A_739, %le3A_806 : vector<256x4096xf32>
    %jit3A_808 = arith.constant 8.192000e+03 : f32
    %broadcast_in_dim3A_809 = vector.broadcast %jit3A_808 : f32 to vector<256x4096xf32>
    %select_n3A_810 = arith.select %le3A_807, %convert_element_type3A_36, %broadcast_in_dim3A_809 : vector<256x4096xi1>, vector<256x4096xf32>
    %slice3A_811 = vector.extract_strided_slice %select_n3A_810 {offsets = [0, 0], sizes = [256, 128], strides = [1, 1]} : vector<256x4096xf32> to vector<256x128xf32>
    %slice3A_812 = vector.extract_strided_slice %select_n3A_810 {offsets = [0, 128], sizes = [256, 128], strides = [1, 1]} : vector<256x4096xf32> to vector<256x128xf32>
    %slice3A_813 = vector.extract_strided_slice %select_n3A_810 {offsets = [0, 256], sizes = [256, 128], strides = [1, 1]} : vector<256x4096xf32> to vector<256x128xf32>
    %slice3A_814 = vector.extract_strided_slice %select_n3A_810 {offsets = [0, 384], sizes = [256, 128], strides = [1, 1]} : vector<256x4096xf32> to vector<256x128xf32>
    %slice3A_815 = vector.extract_strided_slice %select_n3A_810 {offsets = [0, 512], sizes = [256, 128], strides = [1, 1]} : vector<256x4096xf32> to vector<256x128xf32>
    %slice3A_816 = vector.extract_strided_slice %select_n3A_810 {offsets = [0, 640], sizes = [256, 128], strides = [1, 1]} : vector<256x4096xf32> to vector<256x128xf32>
    %slice3A_817 = vector.extract_strided_slice %select_n3A_810 {offsets = [0, 768], sizes = [256, 128], strides = [1, 1]} : vector<256x4096xf32> to vector<256x128xf32>
    %slice3A_818 = vector.extract_strided_slice %select_n3A_810 {offsets = [0, 896], sizes = [256, 128], strides = [1, 1]} : vector<256x4096xf32> to vector<256x128xf32>
    %slice3A_819 = vector.extract_strided_slice %select_n3A_810 {offsets = [0, 1024], sizes = [256, 128], strides = [1, 1]} : vector<256x4096xf32> to vector<256x128xf32>
    %slice3A_820 = vector.extract_strided_slice %select_n3A_810 {offsets = [0, 1152], sizes = [256, 128], strides = [1, 1]} : vector<256x4096xf32> to vector<256x128xf32>
    %slice3A_821 = vector.extract_strided_slice %select_n3A_810 {offsets = [0, 1280], sizes = [256, 128], strides = [1, 1]} : vector<256x4096xf32> to vector<256x128xf32>
    %slice3A_822 = vector.extract_strided_slice %select_n3A_810 {offsets = [0, 1408], sizes = [256, 128], strides = [1, 1]} : vector<256x4096xf32> to vector<256x128xf32>
    %slice3A_823 = vector.extract_strided_slice %select_n3A_810 {offsets = [0, 1536], sizes = [256, 128], strides = [1, 1]} : vector<256x4096xf32> to vector<256x128xf32>
    %slice3A_824 = vector.extract_strided_slice %select_n3A_810 {offsets = [0, 1664], sizes = [256, 128], strides = [1, 1]} : vector<256x4096xf32> to vector<256x128xf32>
    %slice3A_825 = vector.extract_strided_slice %select_n3A_810 {offsets = [0, 1792], sizes = [256, 128], strides = [1, 1]} : vector<256x4096xf32> to vector<256x128xf32>
    %slice3A_826 = vector.extract_strided_slice %select_n3A_810 {offsets = [0, 1920], sizes = [256, 128], strides = [1, 1]} : vector<256x4096xf32> to vector<256x128xf32>
    %slice3A_827 = vector.extract_strided_slice %select_n3A_810 {offsets = [0, 2048], sizes = [256, 128], strides = [1, 1]} : vector<256x4096xf32> to vector<256x128xf32>
    %slice3A_828 = vector.extract_strided_slice %select_n3A_810 {offsets = [0, 2176], sizes = [256, 128], strides = [1, 1]} : vector<256x4096xf32> to vector<256x128xf32>
    %slice3A_829 = vector.extract_strided_slice %select_n3A_810 {offsets = [0, 2304], sizes = [256, 128], strides = [1, 1]} : vector<256x4096xf32> to vector<256x128xf32>
    %slice3A_830 = vector.extract_strided_slice %select_n3A_810 {offsets = [0, 2432], sizes = [256, 128], strides = [1, 1]} : vector<256x4096xf32> to vector<256x128xf32>
    %slice3A_831 = vector.extract_strided_slice %select_n3A_810 {offsets = [0, 2560], sizes = [256, 128], strides = [1, 1]} : vector<256x4096xf32> to vector<256x128xf32>
    %slice3A_832 = vector.extract_strided_slice %select_n3A_810 {offsets = [0, 2688], sizes = [256, 128], strides = [1, 1]} : vector<256x4096xf32> to vector<256x128xf32>
    %slice3A_833 = vector.extract_strided_slice %select_n3A_810 {offsets = [0, 2816], sizes = [256, 128], strides = [1, 1]} : vector<256x4096xf32> to vector<256x128xf32>
    %slice3A_834 = vector.extract_strided_slice %select_n3A_810 {offsets = [0, 2944], sizes = [256, 128], strides = [1, 1]} : vector<256x4096xf32> to vector<256x128xf32>
    %slice3A_835 = vector.extract_strided_slice %select_n3A_810 {offsets = [0, 3072], sizes = [256, 128], strides = [1, 1]} : vector<256x4096xf32> to vector<256x128xf32>
    %slice3A_836 = vector.extract_strided_slice %select_n3A_810 {offsets = [0, 3200], sizes = [256, 128], strides = [1, 1]} : vector<256x4096xf32> to vector<256x128xf32>
    %slice3A_837 = vector.extract_strided_slice %select_n3A_810 {offsets = [0, 3328], sizes = [256, 128], strides = [1, 1]} : vector<256x4096xf32> to vector<256x128xf32>
    %slice3A_838 = vector.extract_strided_slice %select_n3A_810 {offsets = [0, 3456], sizes = [256, 128], strides = [1, 1]} : vector<256x4096xf32> to vector<256x128xf32>
    %slice3A_839 = vector.extract_strided_slice %select_n3A_810 {offsets = [0, 3584], sizes = [256, 128], strides = [1, 1]} : vector<256x4096xf32> to vector<256x128xf32>
    %slice3A_840 = vector.extract_strided_slice %select_n3A_810 {offsets = [0, 3712], sizes = [256, 128], strides = [1, 1]} : vector<256x4096xf32> to vector<256x128xf32>
    %slice3A_841 = vector.extract_strided_slice %select_n3A_810 {offsets = [0, 3840], sizes = [256, 128], strides = [1, 1]} : vector<256x4096xf32> to vector<256x128xf32>
    %slice3A_842 = vector.extract_strided_slice %select_n3A_810 {offsets = [0, 3968], sizes = [256, 128], strides = [1, 1]} : vector<256x4096xf32> to vector<256x128xf32>
    %min3A_843 = arith.minimumf %slice3A_811, %slice3A_812 : vector<256x128xf32>
    %min3A_844 = arith.minimumf %slice3A_813, %slice3A_814 : vector<256x128xf32>
    %min3A_845 = arith.minimumf %slice3A_815, %slice3A_816 : vector<256x128xf32>
    %min3A_846 = arith.minimumf %slice3A_817, %slice3A_818 : vector<256x128xf32>
    %min3A_847 = arith.minimumf %slice3A_819, %slice3A_820 : vector<256x128xf32>
    %min3A_848 = arith.minimumf %slice3A_821, %slice3A_822 : vector<256x128xf32>
    %min3A_849 = arith.minimumf %slice3A_823, %slice3A_824 : vector<256x128xf32>
    %min3A_850 = arith.minimumf %slice3A_825, %slice3A_826 : vector<256x128xf32>
    %min3A_851 = arith.minimumf %slice3A_827, %slice3A_828 : vector<256x128xf32>
    %min3A_852 = arith.minimumf %slice3A_829, %slice3A_830 : vector<256x128xf32>
    %min3A_853 = arith.minimumf %slice3A_831, %slice3A_832 : vector<256x128xf32>
    %min3A_854 = arith.minimumf %slice3A_833, %slice3A_834 : vector<256x128xf32>
    %min3A_855 = arith.minimumf %slice3A_835, %slice3A_836 : vector<256x128xf32>
    %min3A_856 = arith.minimumf %slice3A_837, %slice3A_838 : vector<256x128xf32>
    %min3A_857 = arith.minimumf %slice3A_839, %slice3A_840 : vector<256x128xf32>
    %min3A_858 = arith.minimumf %slice3A_841, %slice3A_842 : vector<256x128xf32>
    %min3A_859 = arith.minimumf %min3A_843, %min3A_844 : vector<256x128xf32>
    %min3A_860 = arith.minimumf %min3A_845, %min3A_846 : vector<256x128xf32>
    %min3A_861 = arith.minimumf %min3A_847, %min3A_848 : vector<256x128xf32>
    %min3A_862 = arith.minimumf %min3A_849, %min3A_850 : vector<256x128xf32>
    %min3A_863 = arith.minimumf %min3A_851, %min3A_852 : vector<256x128xf32>
    %min3A_864 = arith.minimumf %min3A_853, %min3A_854 : vector<256x128xf32>
    %min3A_865 = arith.minimumf %min3A_855, %min3A_856 : vector<256x128xf32>
    %min3A_866 = arith.minimumf %min3A_857, %min3A_858 : vector<256x128xf32>
    %min3A_867 = arith.minimumf %min3A_859, %min3A_860 : vector<256x128xf32>
    %min3A_868 = arith.minimumf %min3A_861, %min3A_862 : vector<256x128xf32>
    %min3A_869 = arith.minimumf %min3A_863, %min3A_864 : vector<256x128xf32>
    %min3A_870 = arith.minimumf %min3A_865, %min3A_866 : vector<256x128xf32>
    %min3A_871 = arith.minimumf %min3A_867, %min3A_868 : vector<256x128xf32>
    %min3A_872 = arith.minimumf %min3A_869, %min3A_870 : vector<256x128xf32>
    %min3A_873 = arith.minimumf %min3A_871, %min3A_872 : vector<256x128xf32>
    %reduce_min3A_874 = arith.constant dense<0x7F800000> : vector<256xf32>
    %reduce_min3A_875 = vector.multi_reduction <minimumf>, %min3A_873, %reduce_min3A_874 [1] : vector<256x128xf32> to vector<256xf32>
    %broadcast_in_dim3A_876 = vector.shape_cast %reduce_min3A_875 : vector<256xf32> to vector<256x1xf32>
    %eq3A_877 = vector.broadcast %broadcast_in_dim3A_876 : vector<256x1xf32> to vector<256x4096xf32>
    %eq3A_878 = arith.cmpf oeq, %convert_element_type3A_36, %eq3A_877 : vector<256x4096xf32>
    %jit3A_879 = arith.constant 0x7F800000 : f32
    %broadcast_in_dim3A_880 = vector.broadcast %jit3A_879 : f32 to vector<256x4096xf32>
    %select_n3A_881 = arith.select %eq3A_878, %broadcast_in_dim3A_880, %select_n3A_739 : vector<256x4096xi1>, vector<256x4096xf32>
    %slice3A_882 = vector.extract_strided_slice %select_n3A_881 {offsets = [0, 0], sizes = [256, 128], strides = [1, 1]} : vector<256x4096xf32> to vector<256x128xf32>
    %slice3A_883 = vector.extract_strided_slice %select_n3A_881 {offsets = [0, 128], sizes = [256, 128], strides = [1, 1]} : vector<256x4096xf32> to vector<256x128xf32>
    %slice3A_884 = vector.extract_strided_slice %select_n3A_881 {offsets = [0, 256], sizes = [256, 128], strides = [1, 1]} : vector<256x4096xf32> to vector<256x128xf32>
    %slice3A_885 = vector.extract_strided_slice %select_n3A_881 {offsets = [0, 384], sizes = [256, 128], strides = [1, 1]} : vector<256x4096xf32> to vector<256x128xf32>
    %slice3A_886 = vector.extract_strided_slice %select_n3A_881 {offsets = [0, 512], sizes = [256, 128], strides = [1, 1]} : vector<256x4096xf32> to vector<256x128xf32>
    %slice3A_887 = vector.extract_strided_slice %select_n3A_881 {offsets = [0, 640], sizes = [256, 128], strides = [1, 1]} : vector<256x4096xf32> to vector<256x128xf32>
    %slice3A_888 = vector.extract_strided_slice %select_n3A_881 {offsets = [0, 768], sizes = [256, 128], strides = [1, 1]} : vector<256x4096xf32> to vector<256x128xf32>
    %slice3A_889 = vector.extract_strided_slice %select_n3A_881 {offsets = [0, 896], sizes = [256, 128], strides = [1, 1]} : vector<256x4096xf32> to vector<256x128xf32>
    %slice3A_890 = vector.extract_strided_slice %select_n3A_881 {offsets = [0, 1024], sizes = [256, 128], strides = [1, 1]} : vector<256x4096xf32> to vector<256x128xf32>
    %slice3A_891 = vector.extract_strided_slice %select_n3A_881 {offsets = [0, 1152], sizes = [256, 128], strides = [1, 1]} : vector<256x4096xf32> to vector<256x128xf32>
    %slice3A_892 = vector.extract_strided_slice %select_n3A_881 {offsets = [0, 1280], sizes = [256, 128], strides = [1, 1]} : vector<256x4096xf32> to vector<256x128xf32>
    %slice3A_893 = vector.extract_strided_slice %select_n3A_881 {offsets = [0, 1408], sizes = [256, 128], strides = [1, 1]} : vector<256x4096xf32> to vector<256x128xf32>
    %slice3A_894 = vector.extract_strided_slice %select_n3A_881 {offsets = [0, 1536], sizes = [256, 128], strides = [1, 1]} : vector<256x4096xf32> to vector<256x128xf32>
    %slice3A_895 = vector.extract_strided_slice %select_n3A_881 {offsets = [0, 1664], sizes = [256, 128], strides = [1, 1]} : vector<256x4096xf32> to vector<256x128xf32>
    %slice3A_896 = vector.extract_strided_slice %select_n3A_881 {offsets = [0, 1792], sizes = [256, 128], strides = [1, 1]} : vector<256x4096xf32> to vector<256x128xf32>
    %slice3A_897 = vector.extract_strided_slice %select_n3A_881 {offsets = [0, 1920], sizes = [256, 128], strides = [1, 1]} : vector<256x4096xf32> to vector<256x128xf32>
    %slice3A_898 = vector.extract_strided_slice %select_n3A_881 {offsets = [0, 2048], sizes = [256, 128], strides = [1, 1]} : vector<256x4096xf32> to vector<256x128xf32>
    %slice3A_899 = vector.extract_strided_slice %select_n3A_881 {offsets = [0, 2176], sizes = [256, 128], strides = [1, 1]} : vector<256x4096xf32> to vector<256x128xf32>
    %slice3A_900 = vector.extract_strided_slice %select_n3A_881 {offsets = [0, 2304], sizes = [256, 128], strides = [1, 1]} : vector<256x4096xf32> to vector<256x128xf32>
    %slice3A_901 = vector.extract_strided_slice %select_n3A_881 {offsets = [0, 2432], sizes = [256, 128], strides = [1, 1]} : vector<256x4096xf32> to vector<256x128xf32>
    %slice3A_902 = vector.extract_strided_slice %select_n3A_881 {offsets = [0, 2560], sizes = [256, 128], strides = [1, 1]} : vector<256x4096xf32> to vector<256x128xf32>
    %slice3A_903 = vector.extract_strided_slice %select_n3A_881 {offsets = [0, 2688], sizes = [256, 128], strides = [1, 1]} : vector<256x4096xf32> to vector<256x128xf32>
    %slice3A_904 = vector.extract_strided_slice %select_n3A_881 {offsets = [0, 2816], sizes = [256, 128], strides = [1, 1]} : vector<256x4096xf32> to vector<256x128xf32>
    %slice3A_905 = vector.extract_strided_slice %select_n3A_881 {offsets = [0, 2944], sizes = [256, 128], strides = [1, 1]} : vector<256x4096xf32> to vector<256x128xf32>
    %slice3A_906 = vector.extract_strided_slice %select_n3A_881 {offsets = [0, 3072], sizes = [256, 128], strides = [1, 1]} : vector<256x4096xf32> to vector<256x128xf32>
    %slice3A_907 = vector.extract_strided_slice %select_n3A_881 {offsets = [0, 3200], sizes = [256, 128], strides = [1, 1]} : vector<256x4096xf32> to vector<256x128xf32>
    %slice3A_908 = vector.extract_strided_slice %select_n3A_881 {offsets = [0, 3328], sizes = [256, 128], strides = [1, 1]} : vector<256x4096xf32> to vector<256x128xf32>
    %slice3A_909 = vector.extract_strided_slice %select_n3A_881 {offsets = [0, 3456], sizes = [256, 128], strides = [1, 1]} : vector<256x4096xf32> to vector<256x128xf32>
    %slice3A_910 = vector.extract_strided_slice %select_n3A_881 {offsets = [0, 3584], sizes = [256, 128], strides = [1, 1]} : vector<256x4096xf32> to vector<256x128xf32>
    %slice3A_911 = vector.extract_strided_slice %select_n3A_881 {offsets = [0, 3712], sizes = [256, 128], strides = [1, 1]} : vector<256x4096xf32> to vector<256x128xf32>
    %slice3A_912 = vector.extract_strided_slice %select_n3A_881 {offsets = [0, 3840], sizes = [256, 128], strides = [1, 1]} : vector<256x4096xf32> to vector<256x128xf32>
    %slice3A_913 = vector.extract_strided_slice %select_n3A_881 {offsets = [0, 3968], sizes = [256, 128], strides = [1, 1]} : vector<256x4096xf32> to vector<256x128xf32>
    %min3A_914 = arith.minimumf %slice3A_882, %slice3A_883 : vector<256x128xf32>
    %min3A_915 = arith.minimumf %slice3A_884, %slice3A_885 : vector<256x128xf32>
    %min3A_916 = arith.minimumf %slice3A_886, %slice3A_887 : vector<256x128xf32>
    %min3A_917 = arith.minimumf %slice3A_888, %slice3A_889 : vector<256x128xf32>
    %min3A_918 = arith.minimumf %slice3A_890, %slice3A_891 : vector<256x128xf32>
    %min3A_919 = arith.minimumf %slice3A_892, %slice3A_893 : vector<256x128xf32>
    %min3A_920 = arith.minimumf %slice3A_894, %slice3A_895 : vector<256x128xf32>
    %min3A_921 = arith.minimumf %slice3A_896, %slice3A_897 : vector<256x128xf32>
    %min3A_922 = arith.minimumf %slice3A_898, %slice3A_899 : vector<256x128xf32>
    %min3A_923 = arith.minimumf %slice3A_900, %slice3A_901 : vector<256x128xf32>
    %min3A_924 = arith.minimumf %slice3A_902, %slice3A_903 : vector<256x128xf32>
    %min3A_925 = arith.minimumf %slice3A_904, %slice3A_905 : vector<256x128xf32>
    %min3A_926 = arith.minimumf %slice3A_906, %slice3A_907 : vector<256x128xf32>
    %min3A_927 = arith.minimumf %slice3A_908, %slice3A_909 : vector<256x128xf32>
    %min3A_928 = arith.minimumf %slice3A_910, %slice3A_911 : vector<256x128xf32>
    %min3A_929 = arith.minimumf %slice3A_912, %slice3A_913 : vector<256x128xf32>
    %min3A_930 = arith.minimumf %min3A_914, %min3A_915 : vector<256x128xf32>
    %min3A_931 = arith.minimumf %min3A_916, %min3A_917 : vector<256x128xf32>
    %min3A_932 = arith.minimumf %min3A_918, %min3A_919 : vector<256x128xf32>
    %min3A_933 = arith.minimumf %min3A_920, %min3A_921 : vector<256x128xf32>
    %min3A_934 = arith.minimumf %min3A_922, %min3A_923 : vector<256x128xf32>
    %min3A_935 = arith.minimumf %min3A_924, %min3A_925 : vector<256x128xf32>
    %min3A_936 = arith.minimumf %min3A_926, %min3A_927 : vector<256x128xf32>
    %min3A_937 = arith.minimumf %min3A_928, %min3A_929 : vector<256x128xf32>
    %min3A_938 = arith.minimumf %min3A_930, %min3A_931 : vector<256x128xf32>
    %min3A_939 = arith.minimumf %min3A_932, %min3A_933 : vector<256x128xf32>
    %min3A_940 = arith.minimumf %min3A_934, %min3A_935 : vector<256x128xf32>
    %min3A_941 = arith.minimumf %min3A_936, %min3A_937 : vector<256x128xf32>
    %min3A_942 = arith.minimumf %min3A_938, %min3A_939 : vector<256x128xf32>
    %min3A_943 = arith.minimumf %min3A_940, %min3A_941 : vector<256x128xf32>
    %min3A_944 = arith.minimumf %min3A_942, %min3A_943 : vector<256x128xf32>
    %reduce_min3A_945 = arith.constant dense<0x7F800000> : vector<256xf32>
    %reduce_min3A_946 = vector.multi_reduction <minimumf>, %min3A_944, %reduce_min3A_945 [1] : vector<256x128xf32> to vector<256xf32>
    %broadcast_in_dim3A_947 = vector.shape_cast %reduce_min3A_946 : vector<256xf32> to vector<256x1xf32>
    %le3A_948 = vector.broadcast %broadcast_in_dim3A_947 : vector<256x1xf32> to vector<256x4096xf32>
    %le3A_949 = arith.cmpf ole, %select_n3A_881, %le3A_948 : vector<256x4096xf32>
    %jit3A_950 = arith.constant 8.192000e+03 : f32
    %broadcast_in_dim3A_951 = vector.broadcast %jit3A_950 : f32 to vector<256x4096xf32>
    %select_n3A_952 = arith.select %le3A_949, %convert_element_type3A_36, %broadcast_in_dim3A_951 : vector<256x4096xi1>, vector<256x4096xf32>
    %slice3A_953 = vector.extract_strided_slice %select_n3A_952 {offsets = [0, 0], sizes = [256, 128], strides = [1, 1]} : vector<256x4096xf32> to vector<256x128xf32>
    %slice3A_954 = vector.extract_strided_slice %select_n3A_952 {offsets = [0, 128], sizes = [256, 128], strides = [1, 1]} : vector<256x4096xf32> to vector<256x128xf32>
    %slice3A_955 = vector.extract_strided_slice %select_n3A_952 {offsets = [0, 256], sizes = [256, 128], strides = [1, 1]} : vector<256x4096xf32> to vector<256x128xf32>
    %slice3A_956 = vector.extract_strided_slice %select_n3A_952 {offsets = [0, 384], sizes = [256, 128], strides = [1, 1]} : vector<256x4096xf32> to vector<256x128xf32>
    %slice3A_957 = vector.extract_strided_slice %select_n3A_952 {offsets = [0, 512], sizes = [256, 128], strides = [1, 1]} : vector<256x4096xf32> to vector<256x128xf32>
    %slice3A_958 = vector.extract_strided_slice %select_n3A_952 {offsets = [0, 640], sizes = [256, 128], strides = [1, 1]} : vector<256x4096xf32> to vector<256x128xf32>
    %slice3A_959 = vector.extract_strided_slice %select_n3A_952 {offsets = [0, 768], sizes = [256, 128], strides = [1, 1]} : vector<256x4096xf32> to vector<256x128xf32>
    %slice3A_960 = vector.extract_strided_slice %select_n3A_952 {offsets = [0, 896], sizes = [256, 128], strides = [1, 1]} : vector<256x4096xf32> to vector<256x128xf32>
    %slice3A_961 = vector.extract_strided_slice %select_n3A_952 {offsets = [0, 1024], sizes = [256, 128], strides = [1, 1]} : vector<256x4096xf32> to vector<256x128xf32>
    %slice3A_962 = vector.extract_strided_slice %select_n3A_952 {offsets = [0, 1152], sizes = [256, 128], strides = [1, 1]} : vector<256x4096xf32> to vector<256x128xf32>
    %slice3A_963 = vector.extract_strided_slice %select_n3A_952 {offsets = [0, 1280], sizes = [256, 128], strides = [1, 1]} : vector<256x4096xf32> to vector<256x128xf32>
    %slice3A_964 = vector.extract_strided_slice %select_n3A_952 {offsets = [0, 1408], sizes = [256, 128], strides = [1, 1]} : vector<256x4096xf32> to vector<256x128xf32>
    %slice3A_965 = vector.extract_strided_slice %select_n3A_952 {offsets = [0, 1536], sizes = [256, 128], strides = [1, 1]} : vector<256x4096xf32> to vector<256x128xf32>
    %slice3A_966 = vector.extract_strided_slice %select_n3A_952 {offsets = [0, 1664], sizes = [256, 128], strides = [1, 1]} : vector<256x4096xf32> to vector<256x128xf32>
    %slice3A_967 = vector.extract_strided_slice %select_n3A_952 {offsets = [0, 1792], sizes = [256, 128], strides = [1, 1]} : vector<256x4096xf32> to vector<256x128xf32>
    %slice3A_968 = vector.extract_strided_slice %select_n3A_952 {offsets = [0, 1920], sizes = [256, 128], strides = [1, 1]} : vector<256x4096xf32> to vector<256x128xf32>
    %slice3A_969 = vector.extract_strided_slice %select_n3A_952 {offsets = [0, 2048], sizes = [256, 128], strides = [1, 1]} : vector<256x4096xf32> to vector<256x128xf32>
    %slice3A_970 = vector.extract_strided_slice %select_n3A_952 {offsets = [0, 2176], sizes = [256, 128], strides = [1, 1]} : vector<256x4096xf32> to vector<256x128xf32>
    %slice3A_971 = vector.extract_strided_slice %select_n3A_952 {offsets = [0, 2304], sizes = [256, 128], strides = [1, 1]} : vector<256x4096xf32> to vector<256x128xf32>
    %slice3A_972 = vector.extract_strided_slice %select_n3A_952 {offsets = [0, 2432], sizes = [256, 128], strides = [1, 1]} : vector<256x4096xf32> to vector<256x128xf32>
    %slice3A_973 = vector.extract_strided_slice %select_n3A_952 {offsets = [0, 2560], sizes = [256, 128], strides = [1, 1]} : vector<256x4096xf32> to vector<256x128xf32>
    %slice3A_974 = vector.extract_strided_slice %select_n3A_952 {offsets = [0, 2688], sizes = [256, 128], strides = [1, 1]} : vector<256x4096xf32> to vector<256x128xf32>
    %slice3A_975 = vector.extract_strided_slice %select_n3A_952 {offsets = [0, 2816], sizes = [256, 128], strides = [1, 1]} : vector<256x4096xf32> to vector<256x128xf32>
    %slice3A_976 = vector.extract_strided_slice %select_n3A_952 {offsets = [0, 2944], sizes = [256, 128], strides = [1, 1]} : vector<256x4096xf32> to vector<256x128xf32>
    %slice3A_977 = vector.extract_strided_slice %select_n3A_952 {offsets = [0, 3072], sizes = [256, 128], strides = [1, 1]} : vector<256x4096xf32> to vector<256x128xf32>
    %slice3A_978 = vector.extract_strided_slice %select_n3A_952 {offsets = [0, 3200], sizes = [256, 128], strides = [1, 1]} : vector<256x4096xf32> to vector<256x128xf32>
    %slice3A_979 = vector.extract_strided_slice %select_n3A_952 {offsets = [0, 3328], sizes = [256, 128], strides = [1, 1]} : vector<256x4096xf32> to vector<256x128xf32>
    %slice3A_980 = vector.extract_strided_slice %select_n3A_952 {offsets = [0, 3456], sizes = [256, 128], strides = [1, 1]} : vector<256x4096xf32> to vector<256x128xf32>
    %slice3A_981 = vector.extract_strided_slice %select_n3A_952 {offsets = [0, 3584], sizes = [256, 128], strides = [1, 1]} : vector<256x4096xf32> to vector<256x128xf32>
    %slice3A_982 = vector.extract_strided_slice %select_n3A_952 {offsets = [0, 3712], sizes = [256, 128], strides = [1, 1]} : vector<256x4096xf32> to vector<256x128xf32>
    %slice3A_983 = vector.extract_strided_slice %select_n3A_952 {offsets = [0, 3840], sizes = [256, 128], strides = [1, 1]} : vector<256x4096xf32> to vector<256x128xf32>
    %slice3A_984 = vector.extract_strided_slice %select_n3A_952 {offsets = [0, 3968], sizes = [256, 128], strides = [1, 1]} : vector<256x4096xf32> to vector<256x128xf32>
    %min3A_985 = arith.minimumf %slice3A_953, %slice3A_954 : vector<256x128xf32>
    %min3A_986 = arith.minimumf %slice3A_955, %slice3A_956 : vector<256x128xf32>
    %min3A_987 = arith.minimumf %slice3A_957, %slice3A_958 : vector<256x128xf32>
    %min3A_988 = arith.minimumf %slice3A_959, %slice3A_960 : vector<256x128xf32>
    %min3A_989 = arith.minimumf %slice3A_961, %slice3A_962 : vector<256x128xf32>
    %min3A_990 = arith.minimumf %slice3A_963, %slice3A_964 : vector<256x128xf32>
    %min3A_991 = arith.minimumf %slice3A_965, %slice3A_966 : vector<256x128xf32>
    %min3A_992 = arith.minimumf %slice3A_967, %slice3A_968 : vector<256x128xf32>
    %min3A_993 = arith.minimumf %slice3A_969, %slice3A_970 : vector<256x128xf32>
    %min3A_994 = arith.minimumf %slice3A_971, %slice3A_972 : vector<256x128xf32>
    %min3A_995 = arith.minimumf %slice3A_973, %slice3A_974 : vector<256x128xf32>
    %min3A_996 = arith.minimumf %slice3A_975, %slice3A_976 : vector<256x128xf32>
    %min3A_997 = arith.minimumf %slice3A_977, %slice3A_978 : vector<256x128xf32>
    %min3A_998 = arith.minimumf %slice3A_979, %slice3A_980 : vector<256x128xf32>
    %min3A_999 = arith.minimumf %slice3A_981, %slice3A_982 : vector<256x128xf32>
    %min3A_1000 = arith.minimumf %slice3A_983, %slice3A_984 : vector<256x128xf32>
    %min3A_1001 = arith.minimumf %min3A_985, %min3A_986 : vector<256x128xf32>
    %min3A_1002 = arith.minimumf %min3A_987, %min3A_988 : vector<256x128xf32>
    %min3A_1003 = arith.minimumf %min3A_989, %min3A_990 : vector<256x128xf32>
    %min3A_1004 = arith.minimumf %min3A_991, %min3A_992 : vector<256x128xf32>
    %min3A_1005 = arith.minimumf %min3A_993, %min3A_994 : vector<256x128xf32>
    %min3A_1006 = arith.minimumf %min3A_995, %min3A_996 : vector<256x128xf32>
    %min3A_1007 = arith.minimumf %min3A_997, %min3A_998 : vector<256x128xf32>
    %min3A_1008 = arith.minimumf %min3A_999, %min3A_1000 : vector<256x128xf32>
    %min3A_1009 = arith.minimumf %min3A_1001, %min3A_1002 : vector<256x128xf32>
    %min3A_1010 = arith.minimumf %min3A_1003, %min3A_1004 : vector<256x128xf32>
    %min3A_1011 = arith.minimumf %min3A_1005, %min3A_1006 : vector<256x128xf32>
    %min3A_1012 = arith.minimumf %min3A_1007, %min3A_1008 : vector<256x128xf32>
    %min3A_1013 = arith.minimumf %min3A_1009, %min3A_1010 : vector<256x128xf32>
    %min3A_1014 = arith.minimumf %min3A_1011, %min3A_1012 : vector<256x128xf32>
    %min3A_1015 = arith.minimumf %min3A_1013, %min3A_1014 : vector<256x128xf32>
    %reduce_min3A_1016 = arith.constant dense<0x7F800000> : vector<256xf32>
    %reduce_min3A_1017 = vector.multi_reduction <minimumf>, %min3A_1015, %reduce_min3A_1016 [1] : vector<256x128xf32> to vector<256xf32>
    %broadcast_in_dim3A_1018 = vector.shape_cast %reduce_min3A_1017 : vector<256xf32> to vector<256x1xf32>
    %eq3A_1019 = vector.broadcast %broadcast_in_dim3A_1018 : vector<256x1xf32> to vector<256x4096xf32>
    %eq3A_1020 = arith.cmpf oeq, %convert_element_type3A_36, %eq3A_1019 : vector<256x4096xf32>
    %jit3A_1021 = arith.constant 0x7F800000 : f32
    %broadcast_in_dim3A_1022 = vector.broadcast %jit3A_1021 : f32 to vector<256x4096xf32>
    %select_n3A_1023 = arith.select %eq3A_1020, %broadcast_in_dim3A_1022, %select_n3A_881 : vector<256x4096xi1>, vector<256x4096xf32>
    %slice3A_1024 = vector.extract_strided_slice %select_n3A_1023 {offsets = [0, 0], sizes = [256, 128], strides = [1, 1]} : vector<256x4096xf32> to vector<256x128xf32>
    %slice3A_1025 = vector.extract_strided_slice %select_n3A_1023 {offsets = [0, 128], sizes = [256, 128], strides = [1, 1]} : vector<256x4096xf32> to vector<256x128xf32>
    %slice3A_1026 = vector.extract_strided_slice %select_n3A_1023 {offsets = [0, 256], sizes = [256, 128], strides = [1, 1]} : vector<256x4096xf32> to vector<256x128xf32>
    %slice3A_1027 = vector.extract_strided_slice %select_n3A_1023 {offsets = [0, 384], sizes = [256, 128], strides = [1, 1]} : vector<256x4096xf32> to vector<256x128xf32>
    %slice3A_1028 = vector.extract_strided_slice %select_n3A_1023 {offsets = [0, 512], sizes = [256, 128], strides = [1, 1]} : vector<256x4096xf32> to vector<256x128xf32>
    %slice3A_1029 = vector.extract_strided_slice %select_n3A_1023 {offsets = [0, 640], sizes = [256, 128], strides = [1, 1]} : vector<256x4096xf32> to vector<256x128xf32>
    %slice3A_1030 = vector.extract_strided_slice %select_n3A_1023 {offsets = [0, 768], sizes = [256, 128], strides = [1, 1]} : vector<256x4096xf32> to vector<256x128xf32>
    %slice3A_1031 = vector.extract_strided_slice %select_n3A_1023 {offsets = [0, 896], sizes = [256, 128], strides = [1, 1]} : vector<256x4096xf32> to vector<256x128xf32>
    %slice3A_1032 = vector.extract_strided_slice %select_n3A_1023 {offsets = [0, 1024], sizes = [256, 128], strides = [1, 1]} : vector<256x4096xf32> to vector<256x128xf32>
    %slice3A_1033 = vector.extract_strided_slice %select_n3A_1023 {offsets = [0, 1152], sizes = [256, 128], strides = [1, 1]} : vector<256x4096xf32> to vector<256x128xf32>
    %slice3A_1034 = vector.extract_strided_slice %select_n3A_1023 {offsets = [0, 1280], sizes = [256, 128], strides = [1, 1]} : vector<256x4096xf32> to vector<256x128xf32>
    %slice3A_1035 = vector.extract_strided_slice %select_n3A_1023 {offsets = [0, 1408], sizes = [256, 128], strides = [1, 1]} : vector<256x4096xf32> to vector<256x128xf32>
    %slice3A_1036 = vector.extract_strided_slice %select_n3A_1023 {offsets = [0, 1536], sizes = [256, 128], strides = [1, 1]} : vector<256x4096xf32> to vector<256x128xf32>
    %slice3A_1037 = vector.extract_strided_slice %select_n3A_1023 {offsets = [0, 1664], sizes = [256, 128], strides = [1, 1]} : vector<256x4096xf32> to vector<256x128xf32>
    %slice3A_1038 = vector.extract_strided_slice %select_n3A_1023 {offsets = [0, 1792], sizes = [256, 128], strides = [1, 1]} : vector<256x4096xf32> to vector<256x128xf32>
    %slice3A_1039 = vector.extract_strided_slice %select_n3A_1023 {offsets = [0, 1920], sizes = [256, 128], strides = [1, 1]} : vector<256x4096xf32> to vector<256x128xf32>
    %slice3A_1040 = vector.extract_strided_slice %select_n3A_1023 {offsets = [0, 2048], sizes = [256, 128], strides = [1, 1]} : vector<256x4096xf32> to vector<256x128xf32>
    %slice3A_1041 = vector.extract_strided_slice %select_n3A_1023 {offsets = [0, 2176], sizes = [256, 128], strides = [1, 1]} : vector<256x4096xf32> to vector<256x128xf32>
    %slice3A_1042 = vector.extract_strided_slice %select_n3A_1023 {offsets = [0, 2304], sizes = [256, 128], strides = [1, 1]} : vector<256x4096xf32> to vector<256x128xf32>
    %slice3A_1043 = vector.extract_strided_slice %select_n3A_1023 {offsets = [0, 2432], sizes = [256, 128], strides = [1, 1]} : vector<256x4096xf32> to vector<256x128xf32>
    %slice3A_1044 = vector.extract_strided_slice %select_n3A_1023 {offsets = [0, 2560], sizes = [256, 128], strides = [1, 1]} : vector<256x4096xf32> to vector<256x128xf32>
    %slice3A_1045 = vector.extract_strided_slice %select_n3A_1023 {offsets = [0, 2688], sizes = [256, 128], strides = [1, 1]} : vector<256x4096xf32> to vector<256x128xf32>
    %slice3A_1046 = vector.extract_strided_slice %select_n3A_1023 {offsets = [0, 2816], sizes = [256, 128], strides = [1, 1]} : vector<256x4096xf32> to vector<256x128xf32>
    %slice3A_1047 = vector.extract_strided_slice %select_n3A_1023 {offsets = [0, 2944], sizes = [256, 128], strides = [1, 1]} : vector<256x4096xf32> to vector<256x128xf32>
    %slice3A_1048 = vector.extract_strided_slice %select_n3A_1023 {offsets = [0, 3072], sizes = [256, 128], strides = [1, 1]} : vector<256x4096xf32> to vector<256x128xf32>
    %slice3A_1049 = vector.extract_strided_slice %select_n3A_1023 {offsets = [0, 3200], sizes = [256, 128], strides = [1, 1]} : vector<256x4096xf32> to vector<256x128xf32>
    %slice3A_1050 = vector.extract_strided_slice %select_n3A_1023 {offsets = [0, 3328], sizes = [256, 128], strides = [1, 1]} : vector<256x4096xf32> to vector<256x128xf32>
    %slice3A_1051 = vector.extract_strided_slice %select_n3A_1023 {offsets = [0, 3456], sizes = [256, 128], strides = [1, 1]} : vector<256x4096xf32> to vector<256x128xf32>
    %slice3A_1052 = vector.extract_strided_slice %select_n3A_1023 {offsets = [0, 3584], sizes = [256, 128], strides = [1, 1]} : vector<256x4096xf32> to vector<256x128xf32>
    %slice3A_1053 = vector.extract_strided_slice %select_n3A_1023 {offsets = [0, 3712], sizes = [256, 128], strides = [1, 1]} : vector<256x4096xf32> to vector<256x128xf32>
    %slice3A_1054 = vector.extract_strided_slice %select_n3A_1023 {offsets = [0, 3840], sizes = [256, 128], strides = [1, 1]} : vector<256x4096xf32> to vector<256x128xf32>
    %slice3A_1055 = vector.extract_strided_slice %select_n3A_1023 {offsets = [0, 3968], sizes = [256, 128], strides = [1, 1]} : vector<256x4096xf32> to vector<256x128xf32>
    %min3A_1056 = arith.minimumf %slice3A_1024, %slice3A_1025 : vector<256x128xf32>
    %min3A_1057 = arith.minimumf %slice3A_1026, %slice3A_1027 : vector<256x128xf32>
    %min3A_1058 = arith.minimumf %slice3A_1028, %slice3A_1029 : vector<256x128xf32>
    %min3A_1059 = arith.minimumf %slice3A_1030, %slice3A_1031 : vector<256x128xf32>
    %min3A_1060 = arith.minimumf %slice3A_1032, %slice3A_1033 : vector<256x128xf32>
    %min3A_1061 = arith.minimumf %slice3A_1034, %slice3A_1035 : vector<256x128xf32>
    %min3A_1062 = arith.minimumf %slice3A_1036, %slice3A_1037 : vector<256x128xf32>
    %min3A_1063 = arith.minimumf %slice3A_1038, %slice3A_1039 : vector<256x128xf32>
    %min3A_1064 = arith.minimumf %slice3A_1040, %slice3A_1041 : vector<256x128xf32>
    %min3A_1065 = arith.minimumf %slice3A_1042, %slice3A_1043 : vector<256x128xf32>
    %min3A_1066 = arith.minimumf %slice3A_1044, %slice3A_1045 : vector<256x128xf32>
    %min3A_1067 = arith.minimumf %slice3A_1046, %slice3A_1047 : vector<256x128xf32>
    %min3A_1068 = arith.minimumf %slice3A_1048, %slice3A_1049 : vector<256x128xf32>
    %min3A_1069 = arith.minimumf %slice3A_1050, %slice3A_1051 : vector<256x128xf32>
    %min3A_1070 = arith.minimumf %slice3A_1052, %slice3A_1053 : vector<256x128xf32>
    %min3A_1071 = arith.minimumf %slice3A_1054, %slice3A_1055 : vector<256x128xf32>
    %min3A_1072 = arith.minimumf %min3A_1056, %min3A_1057 : vector<256x128xf32>
    %min3A_1073 = arith.minimumf %min3A_1058, %min3A_1059 : vector<256x128xf32>
    %min3A_1074 = arith.minimumf %min3A_1060, %min3A_1061 : vector<256x128xf32>
    %min3A_1075 = arith.minimumf %min3A_1062, %min3A_1063 : vector<256x128xf32>
    %min3A_1076 = arith.minimumf %min3A_1064, %min3A_1065 : vector<256x128xf32>
    %min3A_1077 = arith.minimumf %min3A_1066, %min3A_1067 : vector<256x128xf32>
    %min3A_1078 = arith.minimumf %min3A_1068, %min3A_1069 : vector<256x128xf32>
    %min3A_1079 = arith.minimumf %min3A_1070, %min3A_1071 : vector<256x128xf32>
    %min3A_1080 = arith.minimumf %min3A_1072, %min3A_1073 : vector<256x128xf32>
    %min3A_1081 = arith.minimumf %min3A_1074, %min3A_1075 : vector<256x128xf32>
    %min3A_1082 = arith.minimumf %min3A_1076, %min3A_1077 : vector<256x128xf32>
    %min3A_1083 = arith.minimumf %min3A_1078, %min3A_1079 : vector<256x128xf32>
    %min3A_1084 = arith.minimumf %min3A_1080, %min3A_1081 : vector<256x128xf32>
    %min3A_1085 = arith.minimumf %min3A_1082, %min3A_1083 : vector<256x128xf32>
    %min3A_1086 = arith.minimumf %min3A_1084, %min3A_1085 : vector<256x128xf32>
    %reduce_min3A_1087 = arith.constant dense<0x7F800000> : vector<256xf32>
    %reduce_min3A_1088 = vector.multi_reduction <minimumf>, %min3A_1086, %reduce_min3A_1087 [1] : vector<256x128xf32> to vector<256xf32>
    %broadcast_in_dim3A_1089 = vector.shape_cast %reduce_min3A_1088 : vector<256xf32> to vector<256x1xf32>
    %le3A_1090 = vector.broadcast %broadcast_in_dim3A_1089 : vector<256x1xf32> to vector<256x4096xf32>
    %le3A_1091 = arith.cmpf ole, %select_n3A_1023, %le3A_1090 : vector<256x4096xf32>
    %jit3A_1092 = arith.constant 8.192000e+03 : f32
    %broadcast_in_dim3A_1093 = vector.broadcast %jit3A_1092 : f32 to vector<256x4096xf32>
    %select_n3A_1094 = arith.select %le3A_1091, %convert_element_type3A_36, %broadcast_in_dim3A_1093 : vector<256x4096xi1>, vector<256x4096xf32>
    %slice3A_1095 = vector.extract_strided_slice %select_n3A_1094 {offsets = [0, 0], sizes = [256, 128], strides = [1, 1]} : vector<256x4096xf32> to vector<256x128xf32>
    %slice3A_1096 = vector.extract_strided_slice %select_n3A_1094 {offsets = [0, 128], sizes = [256, 128], strides = [1, 1]} : vector<256x4096xf32> to vector<256x128xf32>
    %slice3A_1097 = vector.extract_strided_slice %select_n3A_1094 {offsets = [0, 256], sizes = [256, 128], strides = [1, 1]} : vector<256x4096xf32> to vector<256x128xf32>
    %slice3A_1098 = vector.extract_strided_slice %select_n3A_1094 {offsets = [0, 384], sizes = [256, 128], strides = [1, 1]} : vector<256x4096xf32> to vector<256x128xf32>
    %slice3A_1099 = vector.extract_strided_slice %select_n3A_1094 {offsets = [0, 512], sizes = [256, 128], strides = [1, 1]} : vector<256x4096xf32> to vector<256x128xf32>
    %slice3A_1100 = vector.extract_strided_slice %select_n3A_1094 {offsets = [0, 640], sizes = [256, 128], strides = [1, 1]} : vector<256x4096xf32> to vector<256x128xf32>
    %slice3A_1101 = vector.extract_strided_slice %select_n3A_1094 {offsets = [0, 768], sizes = [256, 128], strides = [1, 1]} : vector<256x4096xf32> to vector<256x128xf32>
    %slice3A_1102 = vector.extract_strided_slice %select_n3A_1094 {offsets = [0, 896], sizes = [256, 128], strides = [1, 1]} : vector<256x4096xf32> to vector<256x128xf32>
    %slice3A_1103 = vector.extract_strided_slice %select_n3A_1094 {offsets = [0, 1024], sizes = [256, 128], strides = [1, 1]} : vector<256x4096xf32> to vector<256x128xf32>
    %slice3A_1104 = vector.extract_strided_slice %select_n3A_1094 {offsets = [0, 1152], sizes = [256, 128], strides = [1, 1]} : vector<256x4096xf32> to vector<256x128xf32>
    %slice3A_1105 = vector.extract_strided_slice %select_n3A_1094 {offsets = [0, 1280], sizes = [256, 128], strides = [1, 1]} : vector<256x4096xf32> to vector<256x128xf32>
    %slice3A_1106 = vector.extract_strided_slice %select_n3A_1094 {offsets = [0, 1408], sizes = [256, 128], strides = [1, 1]} : vector<256x4096xf32> to vector<256x128xf32>
    %slice3A_1107 = vector.extract_strided_slice %select_n3A_1094 {offsets = [0, 1536], sizes = [256, 128], strides = [1, 1]} : vector<256x4096xf32> to vector<256x128xf32>
    %slice3A_1108 = vector.extract_strided_slice %select_n3A_1094 {offsets = [0, 1664], sizes = [256, 128], strides = [1, 1]} : vector<256x4096xf32> to vector<256x128xf32>
    %slice3A_1109 = vector.extract_strided_slice %select_n3A_1094 {offsets = [0, 1792], sizes = [256, 128], strides = [1, 1]} : vector<256x4096xf32> to vector<256x128xf32>
    %slice3A_1110 = vector.extract_strided_slice %select_n3A_1094 {offsets = [0, 1920], sizes = [256, 128], strides = [1, 1]} : vector<256x4096xf32> to vector<256x128xf32>
    %slice3A_1111 = vector.extract_strided_slice %select_n3A_1094 {offsets = [0, 2048], sizes = [256, 128], strides = [1, 1]} : vector<256x4096xf32> to vector<256x128xf32>
    %slice3A_1112 = vector.extract_strided_slice %select_n3A_1094 {offsets = [0, 2176], sizes = [256, 128], strides = [1, 1]} : vector<256x4096xf32> to vector<256x128xf32>
    %slice3A_1113 = vector.extract_strided_slice %select_n3A_1094 {offsets = [0, 2304], sizes = [256, 128], strides = [1, 1]} : vector<256x4096xf32> to vector<256x128xf32>
    %slice3A_1114 = vector.extract_strided_slice %select_n3A_1094 {offsets = [0, 2432], sizes = [256, 128], strides = [1, 1]} : vector<256x4096xf32> to vector<256x128xf32>
    %slice3A_1115 = vector.extract_strided_slice %select_n3A_1094 {offsets = [0, 2560], sizes = [256, 128], strides = [1, 1]} : vector<256x4096xf32> to vector<256x128xf32>
    %slice3A_1116 = vector.extract_strided_slice %select_n3A_1094 {offsets = [0, 2688], sizes = [256, 128], strides = [1, 1]} : vector<256x4096xf32> to vector<256x128xf32>
    %slice3A_1117 = vector.extract_strided_slice %select_n3A_1094 {offsets = [0, 2816], sizes = [256, 128], strides = [1, 1]} : vector<256x4096xf32> to vector<256x128xf32>
    %slice3A_1118 = vector.extract_strided_slice %select_n3A_1094 {offsets = [0, 2944], sizes = [256, 128], strides = [1, 1]} : vector<256x4096xf32> to vector<256x128xf32>
    %slice3A_1119 = vector.extract_strided_slice %select_n3A_1094 {offsets = [0, 3072], sizes = [256, 128], strides = [1, 1]} : vector<256x4096xf32> to vector<256x128xf32>
    %slice3A_1120 = vector.extract_strided_slice %select_n3A_1094 {offsets = [0, 3200], sizes = [256, 128], strides = [1, 1]} : vector<256x4096xf32> to vector<256x128xf32>
    %slice3A_1121 = vector.extract_strided_slice %select_n3A_1094 {offsets = [0, 3328], sizes = [256, 128], strides = [1, 1]} : vector<256x4096xf32> to vector<256x128xf32>
    %slice3A_1122 = vector.extract_strided_slice %select_n3A_1094 {offsets = [0, 3456], sizes = [256, 128], strides = [1, 1]} : vector<256x4096xf32> to vector<256x128xf32>
    %slice3A_1123 = vector.extract_strided_slice %select_n3A_1094 {offsets = [0, 3584], sizes = [256, 128], strides = [1, 1]} : vector<256x4096xf32> to vector<256x128xf32>
    %slice3A_1124 = vector.extract_strided_slice %select_n3A_1094 {offsets = [0, 3712], sizes = [256, 128], strides = [1, 1]} : vector<256x4096xf32> to vector<256x128xf32>
    %slice3A_1125 = vector.extract_strided_slice %select_n3A_1094 {offsets = [0, 3840], sizes = [256, 128], strides = [1, 1]} : vector<256x4096xf32> to vector<256x128xf32>
    %slice3A_1126 = vector.extract_strided_slice %select_n3A_1094 {offsets = [0, 3968], sizes = [256, 128], strides = [1, 1]} : vector<256x4096xf32> to vector<256x128xf32>
    %min3A_1127 = arith.minimumf %slice3A_1095, %slice3A_1096 : vector<256x128xf32>
    %min3A_1128 = arith.minimumf %slice3A_1097, %slice3A_1098 : vector<256x128xf32>
    %min3A_1129 = arith.minimumf %slice3A_1099, %slice3A_1100 : vector<256x128xf32>
    %min3A_1130 = arith.minimumf %slice3A_1101, %slice3A_1102 : vector<256x128xf32>
    %min3A_1131 = arith.minimumf %slice3A_1103, %slice3A_1104 : vector<256x128xf32>
    %min3A_1132 = arith.minimumf %slice3A_1105, %slice3A_1106 : vector<256x128xf32>
    %min3A_1133 = arith.minimumf %slice3A_1107, %slice3A_1108 : vector<256x128xf32>
    %min3A_1134 = arith.minimumf %slice3A_1109, %slice3A_1110 : vector<256x128xf32>
    %min3A_1135 = arith.minimumf %slice3A_1111, %slice3A_1112 : vector<256x128xf32>
    %min3A_1136 = arith.minimumf %slice3A_1113, %slice3A_1114 : vector<256x128xf32>
    %min3A_1137 = arith.minimumf %slice3A_1115, %slice3A_1116 : vector<256x128xf32>
    %min3A_1138 = arith.minimumf %slice3A_1117, %slice3A_1118 : vector<256x128xf32>
    %min3A_1139 = arith.minimumf %slice3A_1119, %slice3A_1120 : vector<256x128xf32>
    %min3A_1140 = arith.minimumf %slice3A_1121, %slice3A_1122 : vector<256x128xf32>
    %min3A_1141 = arith.minimumf %slice3A_1123, %slice3A_1124 : vector<256x128xf32>
    %min3A_1142 = arith.minimumf %slice3A_1125, %slice3A_1126 : vector<256x128xf32>
    %min3A_1143 = arith.minimumf %min3A_1127, %min3A_1128 : vector<256x128xf32>
    %min3A_1144 = arith.minimumf %min3A_1129, %min3A_1130 : vector<256x128xf32>
    %min3A_1145 = arith.minimumf %min3A_1131, %min3A_1132 : vector<256x128xf32>
    %min3A_1146 = arith.minimumf %min3A_1133, %min3A_1134 : vector<256x128xf32>
    %min3A_1147 = arith.minimumf %min3A_1135, %min3A_1136 : vector<256x128xf32>
    %min3A_1148 = arith.minimumf %min3A_1137, %min3A_1138 : vector<256x128xf32>
    %min3A_1149 = arith.minimumf %min3A_1139, %min3A_1140 : vector<256x128xf32>
    %min3A_1150 = arith.minimumf %min3A_1141, %min3A_1142 : vector<256x128xf32>
    %min3A_1151 = arith.minimumf %min3A_1143, %min3A_1144 : vector<256x128xf32>
    %min3A_1152 = arith.minimumf %min3A_1145, %min3A_1146 : vector<256x128xf32>
    %min3A_1153 = arith.minimumf %min3A_1147, %min3A_1148 : vector<256x128xf32>
    %min3A_1154 = arith.minimumf %min3A_1149, %min3A_1150 : vector<256x128xf32>
    %min3A_1155 = arith.minimumf %min3A_1151, %min3A_1152 : vector<256x128xf32>
    %min3A_1156 = arith.minimumf %min3A_1153, %min3A_1154 : vector<256x128xf32>
    %min3A_1157 = arith.minimumf %min3A_1155, %min3A_1156 : vector<256x128xf32>
    %reduce_min3A_1158 = arith.constant dense<0x7F800000> : vector<256xf32>
    %reduce_min3A_1159 = vector.multi_reduction <minimumf>, %min3A_1157, %reduce_min3A_1158 [1] : vector<256x128xf32> to vector<256xf32>
    %broadcast_in_dim3A_1160 = vector.shape_cast %reduce_min3A_1159 : vector<256xf32> to vector<256x1xf32>
    %concatenate3A = tpu.concatenate %broadcast_in_dim3A_167, %broadcast_in_dim3A_308, %broadcast_in_dim3A_450, %broadcast_in_dim3A_592, %broadcast_in_dim3A_734, %broadcast_in_dim3A_876, %broadcast_in_dim3A_1018, %broadcast_in_dim3A_1160 in 1 : vector<256x1xf32>, vector<256x1xf32>, vector<256x1xf32>, vector<256x1xf32>, vector<256x1xf32>, vector<256x1xf32>, vector<256x1xf32>, vector<256x1xf32> -> vector<256x8xf32>
    %convert_element_type3A_1161 = arith.fptosi %concatenate3A : vector<256x8xf32> to vector<256x8xi32>
    %add3A_1162 = arith.constant 0 : i32
    %add3A_1163 = vector.broadcast %add3A_1162 : i32 to vector<256x8xi32>
    %add3A_1164 = arith.addi %convert_element_type3A_1161, %add3A_1163 : vector<256x8xi32>
    %swap3A = arith.constant 0 : index
    %swap3A_1165 = arith.constant 0 : index
    %swap3A_1166 = arith.constant 0 : index
    %swap3A_1167 = vector.load %arg3[%swap3A, %swap3A_1165, %swap3A_1166] : memref<1x256x8xi32, #tpu.memory_space<vmem>>, vector<1x256x8xi32>
    %swap3A_1168 = vector.shape_cast %swap3A_1167 : vector<1x256x8xi32> to vector<256x8xi32>
    %swap3A_1169 = vector.shape_cast %add3A_1164 : vector<256x8xi32> to vector<1x256x8xi32>
    tpu.vector_store %arg3[%swap3A, %swap3A_1165, %swap3A_1166], %swap3A_1169 {strides = array<i32>} : memref<1x256x8xi32, #tpu.memory_space<vmem>>, vector<1x256x8xi32>,
    return
  }
  func.func @transform_0(%arg0: i32) -> (i32, i32, i32) {
    %c0_i32 = arith.constant 0 : i32
    %c0_i32_0 = arith.constant 0 : i32
    %c0_i32_1 = arith.constant 0 : i32
    return %c0_i32, %arg0, %c0_i32_0 : i32, i32, i32
  }
  func.func @transform_1(%arg0: i32) -> (i32, i32, i32) {
    %c0_i32 = arith.constant 0 : i32
    %c0_i32_0 = arith.constant 0 : i32
    %c0_i32_1 = arith.constant 0 : i32
    %c0_i32_2 = arith.constant 0 : i32
    return %c0_i32, %c0_i32_0, %c0_i32_1 : i32, i32, i32
  }
  func.func @transform_2(%arg0: i32) -> (i32, i32, i32) {
    %c0_i32 = arith.constant 0 : i32
    %c0_i32_0 = arith.constant 0 : i32
    %c0_i32_1 = arith.constant 0 : i32
    return %c0_i32, %arg0, %c0_i32_0 : i32, i32, i32
  }
}

module attributes {stable_mosaic.version = 14 : i64} {
  func.func @_attend_body(%arg0: i32, %arg1: i32, %arg2: memref<2048x640xf32, #tpu.memory_space<vmem>>, %arg3: memref<1x256x256xf32, #tpu.memory_space<vmem>>, %arg4: memref<1x256x16xf32, #tpu.memory_space<vmem>>, %arg5: memref<1x256x256xf32, #tpu.memory_space<vmem>>, %arg6: memref<16x256xf32, #tpu.memory_space<vmem>>, %arg7: memref<1x256xf32, #tpu.memory_space<vmem>>, %arg8: memref<256x512xf32, #tpu.memory_space<vmem>>, %arg9: memref<1x512xf32, #tpu.memory_space<vmem>>, %arg10: memref<256x256xf32, #tpu.memory_space<vmem>>, %arg11: memref<1x256xf32, #tpu.memory_space<vmem>>, %arg12: memref<1x256x256xf32, #tpu.memory_space<vmem>>) attributes {dimension_semantics = [#tpu.dimension_semantics<arbitrary>, #tpu.dimension_semantics<arbitrary>], iteration_bounds = array<i64: 1, 8>, scalar_prefetch = 0 : i64, scratch_operands = 0 : i64, tpu.core_type = #tpu.core_type<tc>, window_params = [{transform_indices = @transform_0, window_bounds = array<i64: 2048, 640>}, {transform_indices = @transform_1, window_bounds = array<i64: 1, 256, 256>}, {transform_indices = @transform_2, window_bounds = array<i64: 1, 256, 16>}, {transform_indices = @transform_3, window_bounds = array<i64: 1, 256, 256>}, {pipeline_mode = #tpu.pipeline_mode<synchronous>, transform_indices = @transform_4, window_bounds = array<i64: 16, 256>}, {pipeline_mode = #tpu.pipeline_mode<synchronous>, transform_indices = @transform_5, window_bounds = array<i64: 1, 256>}, {pipeline_mode = #tpu.pipeline_mode<synchronous>, transform_indices = @transform_6, window_bounds = array<i64: 256, 512>}, {pipeline_mode = #tpu.pipeline_mode<synchronous>, transform_indices = @transform_7, window_bounds = array<i64: 1, 512>}, {pipeline_mode = #tpu.pipeline_mode<synchronous>, transform_indices = @transform_8, window_bounds = array<i64: 256, 256>}, {pipeline_mode = #tpu.pipeline_mode<synchronous>, transform_indices = @transform_9, window_bounds = array<i64: 1, 256>}, {transform_indices = @transform_10, window_bounds = array<i64: 1, 256, 256>}]} {
    %get3A = arith.constant 0 : index
    %get3A_0 = arith.constant 0 : index
    %get3A_1 = vector.load %arg2[%get3A, %get3A_0] : memref<2048x640xf32, #tpu.memory_space<vmem>>, vector<2048x640xf32>
    %slice3A = vector.extract_strided_slice %get3A_1 {offsets = [0, 0], sizes = [2048, 256], strides = [1, 1]} : vector<2048x640xf32> to vector<2048x256xf32>
    %slice3A_2 = vector.extract_strided_slice %get3A_1 {offsets = [0, 256], sizes = [2048, 256], strides = [1, 1]} : vector<2048x640xf32> to vector<2048x256xf32>
    %slice3A_3 = vector.extract_strided_slice %get3A_1 {offsets = [0, 512], sizes = [2048, 16], strides = [1, 1]} : vector<2048x640xf32> to vector<2048x16xf32>
    %get3A_4 = arith.constant 0 : index
    %get3A_5 = arith.constant 0 : index
    %get3A_6 = arith.constant 0 : index
    %get3A_7 = vector.load %arg4[%get3A_4, %get3A_5, %get3A_6] : memref<1x256x16xf32, #tpu.memory_space<vmem>>, vector<1x256x16xf32>
    %get3A_8 = vector.shape_cast %get3A_7 : vector<1x256x16xf32> to vector<256x16xf32>
    %broadcast_in_dim3A = vector.shape_cast %get3A_8 : vector<256x16xf32> to vector<256x1x16xf32>
    %broadcast_in_dim3A_9 = vector.shape_cast %broadcast_in_dim3A : vector<256x1x16xf32> to vector<256x1x16xf32>
    %broadcast_in_dim3A_10 = vector.broadcast %broadcast_in_dim3A_9 : vector<256x1x16xf32> to vector<256x8x16xf32>
    %reshape3A = vector.shape_cast %broadcast_in_dim3A_10 : vector<256x8x16xf32> to vector<2048x16xf32>
    %sub3A = arith.subf %reshape3A, %slice3A_3 : vector<2048x16xf32>
    %get3A_11 = arith.constant 0 : index
    %get3A_12 = arith.constant 0 : index
    %get3A_13 = vector.load %arg6[%get3A_11, %get3A_12] : memref<16x256xf32, #tpu.memory_space<vmem>>, vector<16x256xf32>
    %dot_general3A = arith.constant dense<0.000000e+00> : vector<2048x256xf32>
    %dot_general3A_14 = tpu.matmul %sub3A, %get3A_13, %dot_general3A {dimension_numbers = #tpu.dot_dimension_numbers<[1], [0], [0], [1], [0, 0, 1, 1], [], []>, transpose_lhs_hint = false} : vector<2048x16xf32>, vector<16x256xf32>, vector<2048x256xf32> -> vector<2048x256xf32>
    %get3A_15 = arith.constant 0 : index
    %get3A_16 = arith.constant 0 : index
    %get3A_17 = vector.load %arg7[%get3A_15, %get3A_16] : memref<1x256xf32, #tpu.memory_space<vmem>>, vector<1x256xf32>
    %add3A = vector.broadcast %get3A_17 : vector<1x256xf32> to vector<2048x256xf32>
    %add3A_18 = arith.addf %dot_general3A_14, %add3A : vector<2048x256xf32>
    %mul3A = arith.constant 5.000000e-01 : f32
    %mul3A_19 = vector.broadcast %mul3A : f32 to vector<2048x256xf32>
    %mul3A_20 = arith.mulf %mul3A_19, %add3A_18 : vector<2048x256xf32>
    %mul3A_21 = arith.constant 0.707106769 : f32
    %mul3A_22 = vector.broadcast %mul3A_21 : f32 to vector<2048x256xf32>
    %mul3A_23 = arith.mulf %add3A_18, %mul3A_22 : vector<2048x256xf32>
    %erf3A = math.erf %mul3A_23 : vector<2048x256xf32>
    %add3A_24 = arith.constant 1.000000e+00 : f32
    %add3A_25 = vector.broadcast %add3A_24 : f32 to vector<2048x256xf32>
    %add3A_26 = arith.addf %add3A_25, %erf3A : vector<2048x256xf32>
    %mul3A_27 = arith.mulf %mul3A_20, %add3A_26 : vector<2048x256xf32>
    %convert_element_type3A = arith.truncf %mul3A_27 : vector<2048x256xf32> to vector<2048x256xbf16>
    %get3A_28 = arith.constant 0 : index
    %get3A_29 = arith.constant 0 : index
    %get3A_30 = vector.load %arg8[%get3A_28, %get3A_29] : memref<256x512xf32, #tpu.memory_space<vmem>>, vector<256x512xf32>
    %convert_element_type3A_31 = arith.truncf %get3A_30 : vector<256x512xf32> to vector<256x512xbf16>
    %dot_general3A_32 = arith.constant dense<0.000000e+00> : vector<2048x512xf32>
    %dot_general3A_33 = tpu.matmul %convert_element_type3A, %convert_element_type3A_31, %dot_general3A_32 {dimension_numbers = #tpu.dot_dimension_numbers<[1], [0], [0], [1], [0, 0, 1, 1], [], []>, transpose_lhs_hint = false} : vector<2048x256xbf16>, vector<256x512xbf16>, vector<2048x512xf32> -> vector<2048x512xf32>
    %get3A_34 = arith.constant 0 : index
    %get3A_35 = arith.constant 0 : index
    %get3A_36 = vector.load %arg9[%get3A_34, %get3A_35] : memref<1x512xf32, #tpu.memory_space<vmem>>, vector<1x512xf32>
    %add3A_37 = vector.broadcast %get3A_36 : vector<1x512xf32> to vector<2048x512xf32>
    %add3A_38 = arith.addf %dot_general3A_33, %add3A_37 : vector<2048x512xf32>
    %slice3A_39 = vector.extract_strided_slice %add3A_38 {offsets = [0, 0], sizes = [2048, 256], strides = [1, 1]} : vector<2048x512xf32> to vector<2048x256xf32>
    %slice3A_40 = vector.extract_strided_slice %add3A_38 {offsets = [0, 256], sizes = [2048, 256], strides = [1, 1]} : vector<2048x512xf32> to vector<2048x256xf32>
    %get3A_41 = arith.constant 0 : index
    %get3A_42 = arith.constant 0 : index
    %get3A_43 = arith.constant 0 : index
    %get3A_44 = vector.load %arg3[%get3A_41, %get3A_42, %get3A_43] : memref<1x256x256xf32, #tpu.memory_space<vmem>>, vector<1x256x256xf32>
    %get3A_45 = vector.shape_cast %get3A_44 : vector<1x256x256xf32> to vector<256x256xf32>
    %broadcast_in_dim3A_46 = vector.shape_cast %get3A_45 : vector<256x256xf32> to vector<256x1x256xf32>
    %broadcast_in_dim3A_47 = vector.shape_cast %broadcast_in_dim3A_46 : vector<256x1x256xf32> to vector<256x1x256xf32>
    %broadcast_in_dim3A_48 = vector.broadcast %broadcast_in_dim3A_47 : vector<256x1x256xf32> to vector<256x8x256xf32>
    %reshape3A_49 = vector.shape_cast %broadcast_in_dim3A_48 : vector<256x8x256xf32> to vector<2048x256xf32>
    %sub3A_50 = arith.subf %reshape3A_49, %slice3A : vector<2048x256xf32>
    %add3A_51 = arith.addf %sub3A_50, %slice3A_40 : vector<2048x256xf32>
    %mul3A_52 = arith.constant 6.250000e-02 : f32
    %mul3A_53 = vector.broadcast %mul3A_52 : f32 to vector<2048x256xf32>
    %mul3A_54 = arith.mulf %add3A_51, %mul3A_53 : vector<2048x256xf32>
    %reduce_max3A = arith.constant dense<0xFF800000> : vector<2048xf32>
    %reduce_max3A_55 = vector.multi_reduction <maximumf>, %mul3A_54, %reduce_max3A [1] : vector<2048x256xf32> to vector<2048xf32>
    %broadcast_in_dim3A_56 = vector.shape_cast %reduce_max3A_55 : vector<2048xf32> to vector<2048x1xf32>
    %sub3A_57 = vector.broadcast %broadcast_in_dim3A_56 : vector<2048x1xf32> to vector<2048x256xf32>
    %sub3A_58 = arith.subf %mul3A_54, %sub3A_57 : vector<2048x256xf32>
    %exp3A = math.exp %sub3A_58 : vector<2048x256xf32>
    %reduce_sum3A = arith.constant dense<0.000000e+00> : vector<2048xf32>
    %reduce_sum3A_59 = vector.multi_reduction <add>, %exp3A, %reduce_sum3A [1] : vector<2048x256xf32> to vector<2048xf32>
    %broadcast_in_dim3A_60 = vector.shape_cast %reduce_sum3A_59 : vector<2048xf32> to vector<2048x1xf32>
    %div3A = vector.broadcast %broadcast_in_dim3A_60 : vector<2048x1xf32> to vector<2048x256xf32>
    %div3A_61 = arith.divf %exp3A, %div3A : vector<2048x256xf32>
    %add3A_62 = arith.addf %slice3A_2, %slice3A_39 : vector<2048x256xf32>
    %mul3A_63 = arith.mulf %div3A_61, %add3A_62 : vector<2048x256xf32>
    %reshape3A_64 = vector.shape_cast %mul3A_63 : vector<2048x256xf32> to vector<256x8x256xf32>
    %reduce_sum3A_65 = arith.constant dense<0.000000e+00> : vector<256x256xf32>
    %reduce_sum3A_66 = vector.multi_reduction <add>, %reshape3A_64, %reduce_sum3A_65 [1] : vector<256x8x256xf32> to vector<256x256xf32>
    %convert_element_type3A_67 = arith.truncf %reduce_sum3A_66 : vector<256x256xf32> to vector<256x256xbf16>
    %get3A_68 = arith.constant 0 : index
    %get3A_69 = arith.constant 0 : index
    %get3A_70 = vector.load %arg10[%get3A_68, %get3A_69] : memref<256x256xf32, #tpu.memory_space<vmem>>, vector<256x256xf32>
    %convert_element_type3A_71 = arith.truncf %get3A_70 : vector<256x256xf32> to vector<256x256xbf16>
    %dot_general3A_72 = arith.constant dense<0.000000e+00> : vector<256x256xf32>
    %dot_general3A_73 = tpu.matmul %convert_element_type3A_67, %convert_element_type3A_71, %dot_general3A_72 {dimension_numbers = #tpu.dot_dimension_numbers<[1], [0], [0], [1], [0, 0, 1, 1], [], []>, transpose_lhs_hint = false} : vector<256x256xbf16>, vector<256x256xbf16>, vector<256x256xf32> -> vector<256x256xf32>
    %get3A_74 = arith.constant 0 : index
    %get3A_75 = arith.constant 0 : index
    %get3A_76 = vector.load %arg11[%get3A_74, %get3A_75] : memref<1x256xf32, #tpu.memory_space<vmem>>, vector<1x256xf32>
    %add3A_77 = vector.broadcast %get3A_76 : vector<1x256xf32> to vector<256x256xf32>
    %add3A_78 = arith.addf %dot_general3A_73, %add3A_77 : vector<256x256xf32>
    %get3A_79 = arith.constant 0 : index
    %get3A_80 = arith.constant 0 : index
    %get3A_81 = arith.constant 0 : index
    %get3A_82 = vector.load %arg5[%get3A_79, %get3A_80, %get3A_81] : memref<1x256x256xf32, #tpu.memory_space<vmem>>, vector<1x256x256xf32>
    %get3A_83 = vector.shape_cast %get3A_82 : vector<1x256x256xf32> to vector<256x256xf32>
    %add3A_84 = arith.addf %add3A_78, %get3A_83 : vector<256x256xf32>
    %swap3A = arith.constant 0 : index
    %swap3A_85 = arith.constant 0 : index
    %swap3A_86 = arith.constant 0 : index
    %swap3A_87 = vector.load %arg12[%swap3A, %swap3A_85, %swap3A_86] : memref<1x256x256xf32, #tpu.memory_space<vmem>>, vector<1x256x256xf32>
    %swap3A_88 = vector.shape_cast %swap3A_87 : vector<1x256x256xf32> to vector<256x256xf32>
    %swap3A_89 = vector.shape_cast %add3A_84 : vector<256x256xf32> to vector<1x256x256xf32>
    tpu.vector_store %arg12[%swap3A, %swap3A_85, %swap3A_86], %swap3A_89 {strides = array<i32>} : memref<1x256x256xf32, #tpu.memory_space<vmem>>, vector<1x256x256xf32>,
    return
  }
  func.func @transform_0(%arg0: i32, %arg1: i32) -> (i32, i32) {
    %mul3A = arith.constant 8 : i32
    %mul3A_0 = arith.muli %arg0, %mul3A : i32
    %add3A = arith.addi %mul3A_0, %arg1 : i32
    %c0_i32 = arith.constant 0 : i32
    %c0_i32_1 = arith.constant 0 : i32
    return %add3A, %c0_i32 : i32, i32
  }
  func.func @transform_1(%arg0: i32, %arg1: i32) -> (i32, i32, i32) {
    %c0_i32 = arith.constant 0 : i32
    %c0_i32_0 = arith.constant 0 : i32
    return %arg0, %arg1, %c0_i32 : i32, i32, i32
  }
  func.func @transform_2(%arg0: i32, %arg1: i32) -> (i32, i32, i32) {
    %c0_i32 = arith.constant 0 : i32
    %c0_i32_0 = arith.constant 0 : i32
    return %arg0, %arg1, %c0_i32 : i32, i32, i32
  }
  func.func @transform_3(%arg0: i32, %arg1: i32) -> (i32, i32, i32) {
    %c0_i32 = arith.constant 0 : i32
    %c0_i32_0 = arith.constant 0 : i32
    return %arg0, %arg1, %c0_i32 : i32, i32, i32
  }
  func.func @transform_4(%arg0: i32, %arg1: i32) -> (i32, i32) {
    %c0_i32 = arith.constant 0 : i32
    %c0_i32_0 = arith.constant 0 : i32
    %c0_i32_1 = arith.constant 0 : i32
    return %c0_i32, %c0_i32_0 : i32, i32
  }
  func.func @transform_5(%arg0: i32, %arg1: i32) -> (i32, i32) {
    %c0_i32 = arith.constant 0 : i32
    %c0_i32_0 = arith.constant 0 : i32
    %c0_i32_1 = arith.constant 0 : i32
    return %c0_i32, %c0_i32_0 : i32, i32
  }
  func.func @transform_6(%arg0: i32, %arg1: i32) -> (i32, i32) {
    %c0_i32 = arith.constant 0 : i32
    %c0_i32_0 = arith.constant 0 : i32
    %c0_i32_1 = arith.constant 0 : i32
    return %c0_i32, %c0_i32_0 : i32, i32
  }
  func.func @transform_7(%arg0: i32, %arg1: i32) -> (i32, i32) {
    %c0_i32 = arith.constant 0 : i32
    %c0_i32_0 = arith.constant 0 : i32
    %c0_i32_1 = arith.constant 0 : i32
    return %c0_i32, %c0_i32_0 : i32, i32
  }
  func.func @transform_8(%arg0: i32, %arg1: i32) -> (i32, i32) {
    %c0_i32 = arith.constant 0 : i32
    %c0_i32_0 = arith.constant 0 : i32
    %c0_i32_1 = arith.constant 0 : i32
    return %c0_i32, %c0_i32_0 : i32, i32
  }
  func.func @transform_9(%arg0: i32, %arg1: i32) -> (i32, i32) {
    %c0_i32 = arith.constant 0 : i32
    %c0_i32_0 = arith.constant 0 : i32
    %c0_i32_1 = arith.constant 0 : i32
    return %c0_i32, %c0_i32_0 : i32, i32
  }
  func.func @transform_10(%arg0: i32, %arg1: i32) -> (i32, i32, i32) {
    %c0_i32 = arith.constant 0 : i32
    %c0_i32_0 = arith.constant 0 : i32
    return %arg0, %arg1, %c0_i32 : i32, i32, i32
  }
}

</mosaic_0001>

<sc_bundles>
// kernel: kernel.16.cloned.1.call-start
scs
__scs_entry_jumppad:
0x0: {  	(pc) =	sbr.rel $0x88, $3  }
0x1: {  	(tag) =	ssettag $0x0;
	lr =	simm.s32 $0x1  }
0x2: {  	[smem:$0x3F91] =	sst lr;
	_ =	strace $0xD0000000  }
0x3: {  	_ = 	snop  }
0x4: {  	_ = 	snop  }
0x5: {  	_ = 	snop  }
0x6: {  	_ = 	snop  }
0x7: {  	_ = 	snop  }
__scs_overlays_trampoline_lowered:
0x8: {  	[smem:$0x3FA0] =	sst s0  }
0x9: {  	[smem:$0x3FA1] =	sst s1  }
0xa: {  	[smem:$0x3FA2] =	sst s2  }
0xb: {  	[smem:$0x3FA3] =	sst s3  }
0xc: {  	[smem:$0x3FA4] =	sst s4  }
0xd: {  	[smem:$0x3FA5] =	sst s5  }
0xe: {  	[smem:$0x3FA6] =	sst s6  }
0xf: {  	[smem:$0x3FA7] =	sst s7  }
0x10: {  	[smem:$0x3FA8] =	sst s8  }
0x11: {  	[smem:$0x3FA9] =	sst s9;
	s0 =	simm.s32 @!p0 $0x0  }
0x12: {  	s1 =	sld [smem:$0x3F8F];
	s0 =	simm.s32 @p0 $0x1  }
0x13: {  	[smem:$0x3FAA] =	sst s0;
	s0 =	simm.s32 @!p1 $0x0  }
0x14: {  	s2 =	sld [smem:$0x3F8E];
	s0 =	simm.s32 @p1 $0x1  }
0x15: {  	[smem:$0x3FAB] =	sst s0;
	s0 =	simm.s32 @!p2 $0x0  }
0x16: {  	s3 =	sld [smem:$0x3FDB];
	s0 =	simm.s32 @p2 $0x1  }
0x17: {  	s4 =	simm.s32 $0x1BF5;
	[smem:$0x3FAD] =	sst s0  }
0x18: {  	s0 =	sld [smem:$0x3F90];
	_ =	swait.ge [sflag:s4], $0x0  }
0x19: {  	s7 =	sld [smem:$0x3F91]  }
0x1a: {  	s8 =	sadd.s32 $0xFFFFE003, lr  }
0x1b: {  	s9 =	sadd.s32 $0xFFFFFEF7, lr;
	s5 =	simm.s32 $0xFFFFFFFF;
	p2 =	slt.u32 s8, $0xFFFFF086  }
0x1c: {  	p1 =	slt.u32 s9, $0xF7A;
	s5 =	simm.s32 @!p2 $0x0  }
0x1d: {  	s5 =	simm.s32 @p1 $0x1;
	p0 =	seq.s32 s7, s2  }
0x1e: {  	s7 =	smul.u32 @!p0 $0xF7A, s2;
	p2 =	seq.s32 @!p0 s5, $0x0  }
0x1f: {  	s9 =	smul.u32 $0xF7A, s1;
	s8 =	simm.s32 @!p0 $0x1BF5;
	p2 =	por !p2, p0  }
0x20: {  	[sflag:s8] =	ssyncset.s32 @!p0 $0xFFFFF086;
	s6 =	sadd.s32 @!p0 s3, s7;
	s7 =	simm.s32 @!p0 $0x108  }
0x21: {  	s3 =	sadd.s32 s3, s9;
	s6 =	sadd.s32 @!p0 $0x88, s6;
	s7 =	simm.s32 @p2 $0x1082  }
0x22: {  	[simem:s7], [sflag:s8] =	dma.local @!p0 [hbm:s6], $0xF7A  }
0x23: {  	s9 =	sor.u32 $0xD0000000, s2;
	s6 =	simm.s32 $0x108;
	_ =	swait.ge @!p0 [sflag:s8], $0x0  }
0x24: {  	s3 =	sadd.s32 $0x88, s3;
	s6 =	simm.s32 @!p1 $0x1082;
	[sflag:s4] =	ssyncset.s32 $0xFFFFF086  }
0x25: {  	[simem:s6], [sflag:s4] =	dma.local [hbm:s3], $0xF7A  }
0x26: {  	[smem:$0x3F91] =	sst s1;
	(tag) =	ssettag s2;
	_ =	strace s9  }
0x27: {  	s1 =	sld [smem:$0x3FA1]  }
0x28: {  	s2 =	sld [smem:$0x3FA2]  }
0x29: {  	s4 =	sld [smem:$0x3FA4]  }
0x2a: {  	p0 =	seq.s32 s5, $0x0;
	s5 =	sld [smem:$0x3FA5]  }
0x2b: {  	s6 =	sld [smem:$0x3FA6]  }
0x2c: {  	s7 =	sld [smem:$0x3FA7]  }
0x2d: {  	s3 =	simm.s32 $0x108;
	s8 =	sld [smem:$0x3FA8]  }
0x2e: {  	s3 =	simm.s32 @!p0 $0x1082;
	s9 =	sld [smem:$0x3FA9]  }
0x2f: {  	lr =	sadd.s32 s0, s3;
	s0 =	sld [smem:$0x3FA0]  }
0x30: {  	s3 =	sld [smem:$0x3FA3]  }
0x31: {  	[smem:$0x3FAC] =	sst s10  }
0x32: {  	s10 =	sld [smem:$0x3FAA];
	_ =	sdelay $0x3  }
0x33: {  	p0 =	seq.s32 s10, $0x1;
	s10 =	sld [smem:$0x3FAC];
	_ =	sdelay $0x3  }
0x34: {  	[smem:$0x3FAC] =	sst s10  }
0x35: {  	s10 =	sld [smem:$0x3FAB];
	_ =	sdelay $0x3  }
0x36: {  	p1 =	seq.s32 s10, $0x1;
	s10 =	sld [smem:$0x3FAC];
	_ =	sdelay $0x3  }
0x37: {  	[smem:$0x3FAC] =	sst s10  }
0x38: {  	s10 =	sld [smem:$0x3FAD]  }
0x39: {  	_ = 	snop;
	(pc) =	sbr.ind lr, $3  }
0x3a: {  	_ = 	snop  }
0x3b: {  	_ = 	snop  }
0x3c: {  	p2 =	seq.s32 s10, $0x1;
	s10 =	sld [smem:$0x3FAC]  }
0x3d: {  	_ =	shalt  }
0x3e: {  	_ =	shalt  }
0x3f: {  	_ =	shalt  }
0x40: {  	_ =	shalt  }
0x41: {  	_ =	shalt  }
0x42: {  	_ =	shalt  }
0x43: {  	_ =	shalt  }
0x44: {  	_ =	shalt  }
0x45: {  	_ =	shalt  }
0x46: {  	_ =	shalt  }
0x47: {  	_ =	shalt  }
0x48: {  	_ =	shalt  }
0x49: {  	_ =	shalt  }
0x4a: {  	_ =	shalt  }
0x4b: {  	_ =	shalt  }
0x4c: {  	_ =	shalt  }
0x4d: {  	_ =	shalt  }
0x4e: {  	_ =	shalt  }
0x4f: {  	_ =	shalt  }
0x50: {  	_ =	shalt  }
0x51: {  	_ =	shalt  }
0x52: {  	_ =	shalt  }
0x53: {  	_ =	shalt  }
0x54: {  	_ =	shalt  }
0x55: {  	_ =	shalt  }
0x56: {  	_ =	shalt  }
0x57: {  	_ =	shalt  }
0x58: {  	_ =	shalt  }
0x59: {  	_ =	shalt  }
0x5a: {  	_ =	shalt  }
0x5b: {  	_ =	shalt  }
0x5c: {  	_ =	shalt  }
0x5d: {  	_ =	shalt  }
0x5e: {  	_ =	shalt  }
0x5f: {  	_ =	shalt  }
0x60: {  	_ =	shalt  }
0x61: {  	_ =	shalt  }
0x62: {  	_ =	shalt  }
0x63: {  	_ =	shalt  }
0x64: {  	_ =	shalt  }
0x65: {  	_ =	shalt  }
0x66: {  	_ =	shalt  }
0x67: {  	_ =	shalt  }
0x68: {  	_ =	shalt  }
0x69: {  	_ =	shalt  }
0x6a: {  	_ =	shalt  }
0x6b: {  	_ =	shalt  }
0x6c: {  	_ =	shalt  }
0x6d: {  	_ =	shalt  }
0x6e: {  	_ =	shalt  }
0x6f: {  	_ =	shalt  }
0x70: {  	_ =	shalt  }
0x71: {  	_ =	shalt  }
0x72: {  	_ =	shalt  }
0x73: {  	_ =	shalt  }
0x74: {  	_ =	shalt  }
0x75: {  	_ =	shalt  }
0x76: {  	_ =	shalt  }
0x77: {  	_ =	shalt  }
0x78: {  	_ =	shalt  }
0x79: {  	_ =	shalt  }
0x7a: {  	_ =	shalt  }
0x7b: {  	_ =	shalt  }
0x7c: {  	_ =	shalt  }
0x7d: {  	_ =	shalt  }
0x7e: {  	_ =	shalt  }
0x7f: {  	_ =	shalt  }
0x80: {  	_ =	shalt  }
0x81: {  	_ =	shalt  }
0x82: {  	_ =	shalt  }
0x83: {  	_ =	shalt  }
0x84: {  	_ =	shalt  }
0x85: {  	_ =	shalt  }
0x86: {  	_ =	shalt  }
0x87: {  	_ =	shalt  }
.Lfunc_end0:
.L_simem_size_0:
called_computation_lowered:
.L_overlay_start_0:
0x88: {  	s2 =	sld [smem:$0x3FD9]  }
0x89: {  	s3 =	sld [smem:$0x3FFE];
	_ =	sdelay $0x1  }
0x8a: {  	s1 =	srdreg.scid  }
0x8b: {  	s0 =	sand.u32 $0x1, s1  }
0x8c: {  	s17 =	sshll.u32 s0, $0xA;
	s2 =	sadd.s32 s3, s2  }
0x8d: {  	s2 =	sadd.s32 s2, s17  }
0x8e: {  	[smem:$0x3FB8] =	sst s2  }
0x8f: {  	_ = 	snop  }
0x90: {  	(tm) =	ssettm $0x1  }
0x91: {  	s18 =	sld [smem:$0x3FFB];
	_ =	sdelay $0x3  }
0x92: {  	_ =	strace s18  }
0x93: {  	s2 =	sld [smem:$0x3FFC];
	_ =	sdelay $0x3  }
0x94: {  	_ =	strace s2  }
0x95: {  	s2 =	sld [smem:$0x3FFD];
	_ =	sdelay $0x3  }
0x96: {  	_ =	strace s2  }
0x97: {  	_ =	strace $0x8FFFFFFF  }
0x98: {  	s19 =	sld [smem:$0x3FDB];
	_ =	sdelay $0x1  }
0x99: {  	s20 =	simm.s32 $_scs_section_size  }
0x9a: {  	s4 =	simm.s32 $_size__tile_overlayer_lowered;
	s5 =	simm.s32 $_tile_overlayer_lowered  }
0x9b: {  	s6 =	simm.s32 $0x1BFF;
	s21 =	sshll.u32 s5, $0x1;
	s3 =	sadd.s32 s20, s19  }
0x9c: {  	s22 =	simm.s32 $0x0;
	s4 =	sshll.u32 s4, $0x1;
	s5 =	sadd.s32 s21, s3  }
0x9d: {  	[timem:s22], [sflag:s6] =	dma.local [hbm:s5], s4  }
0x9e: {  	_ =	swait.ge [sflag:s6], s4  }
0x9f: {  	s4 =	ssub.s32 $0x0, s4;
	[sflag:s6] =	ssyncset.done $0x0  }
0xa0: {  	[sflag:s6] =	ssyncadd.s32 s4;
	_ =	sdelay $0x1  }
0xa1: {  	s23 =	simm.s32 $0x1B8B  }
0xa2: {  	_ =	swait.ge [sflag:s23], $0x1  }
0xa3: {  	[sflag:s23] =	ssyncset.done $0x0  }
0xa4: {  	[sflag:s23] =	ssyncadd.s32 $0xFFFFFFFF  }
0xa5: {  	s4 =	sld [smem:$0x0]  }
0xa6: {  	s5 =	sand.u32 $0xFFFFFFFE, s1  }
0xa7: {  	p0 =	sne.s32 s1, s5  }
0xa8: {  	s5 =	sshll.u32 @p0 s5, $0xE  }
0xa9: {  	s5 =	sadd.s32 @p0 $0x11B8D, s5;
	s6 =	sshll.u32 @p0 s4, $0x11  }
0xaa: {  	s5 =	sor.u32 @p0 s6, s5  }
0xab: {  	[sflag:s5] =	ssyncadd.remote.s32 @p0 $0x1;
	_ =	sdelay $0x1  }
0xac: {  	s5 =	simm.s32 @p0 $0x1B8D  }
0xad: {  	_ =	swait.eq @p0 [sflag:s5], $0x1  }
0xae: {  	[sflag:s5] =	ssyncadd.s32 @p0 $0xFFFFFFFF  }
0xaf: {  	s6 =	sshll.u32 @!p0 s1, $0xE  }
0xb0: {  	s6 =	sor.u32 @!p0 $0x4000, s6;
	s5 =	simm.s32 @!p0 $0x1B8D  }
0xb1: {  	s4 =	sshll.u32 @!p0 s4, $0x11;
	s6 =	sadd.s32 @!p0 $0x11B8D, s6;
	_ =	swait.eq @!p0 [sflag:s5], $0x1  }
0xb2: {  	s4 =	sor.u32 @!p0 s4, s6;
	[sflag:s5] =	ssyncadd.s32 @!p0 $0xFFFFFFFF  }
0xb3: {  	s25 =	simm.s32 $0x1B8E;
	s24 =	sld [smem:$0x3FFE];
	[sflag:s4] =	ssyncadd.remote.s32 @!p0 $0x1  }
0xb4: {  	s26 =	simm.s32 $execute0_lowered;
	[smem:$0x3FD2] =	sst s25  }
0xb5: {  	s5 =	sshll.u32 s26, $0x1;
	_ =	strace $0x8000004F;
	[dreg:$0x1] =	wrdreg $0xFFFFFFFF  }
0xb6: {  	s28 =	simm.s32 $_size_execute0_lowered;
	s3 =	sadd.s32 s3, s5;
	[dreg:$0x0] =	wrdreg $0x0  }
0xb7: {  	s5 =	sshll.u32 s28, $0x1;
	[dreg:$0x2] =	wrdreg s3  }
0xb8: {  	[dreg:$0x3] =	wrdreg s5  }
0xb9: {  	[dreg:$0x4] =	wrdreg $0xC0  }
0xba: {  	_ =	task [dreg:s22], $0x5FFFF  }
0xbb: {  	[dreg:$0x1] =	wrdreg $0xFFFFFFFF  }
0xbc: {  	[dreg:$0x0] =	wrdreg $0x60  }
0xbd: {  	[dreg:$0x2] =	wrdreg s24  }
0xbe: {  	[dreg:$0x3] =	wrdreg $0x9  }
0xbf: {  	_ =	task.clear_ibuf [dreg:s22], $0x4FFFF;
	_ =	strace $0x9000004F  }
0xc0: {  	s29 =	simm.s32 $0x9;
	_ =	strace $0x80000051  }
0xc1: {  	_ =	swait.ge [sflag:s29], $0x1  }
0xc2: {  	[sflag:s29] =	ssyncadd.s32 $0xFFFFFFFF  }
0xc3: {  	_ =	strace $0x90000051  }
0xc4: {  	_ =	sfence  }
0xc5: {  	s30 =	sld [smem:$0x0];
	_ =	sdelay $0x2  }
0xc6: {  	s31 =	sshll.u32 s1, $0xD;
	s1 =	sshrl.u32 s1, $0x2  }
0xc7: {  	s4 =	sand.u32 $0x4000, s31;
	s1 =	sadd.s32 s1, s30  }
0xc8: {  	s0 =	sor.u32 s4, s0;
	s1 =	sshll.u32 s1, $0x11  }
0xc9: {  	s0 =	sor.u32 s1, s0  }
0xca: {  	s0 =	sadd.s32 $0x8F2B, s0  }
0xcb: {  	[sflag:s0] =	ssyncadd.remote.s32 $0x1  }
0xcc: {  	_ =	sfence.sel $0xFFFF  }
0xcd: {  	[dreg:$0x0] =	wrdreg $0xFFFFFFFF;
	(pc) =	sbr.abs _section_cstart, $3  }
0xce: {  	[dreg:$0x1] =	wrdreg $0xFFFFFFFF  }
0xcf: {  	_ =	task.clear_ibuf [dreg:s22], $0x2FFFF;
	_ =	strace $0x9FFFFFFF  }
0xd0: {  	(tm) =	ssettm $0x7FFFFFFF  }
0xd1: {  	_ =	shalt  }
tec
execute0_lowered:
.L_overlay_start_1:
0x0: {  	(tag) =	ssettag $0x1  }
0x1: {  	s0 =	srdreg.scid  }
0x2: {  	s1 =	stileid.u32;
	s4 =	rddreg [dreg:$0x0];
	s11 =	simm.s32 $0x3  }
0x3: {  	s12 =	simm.s32 $0x100;
	s20 =	simm.s32 $0x80;
	s13 =	simm.s32 $0xA100  }
0x4: {  	s21 =	simm.s32 $0xD900;
	s22 =	simm.s32 $0xDD00;
	s23 =	simm.s32 $0xE500  }
0x5: {  	s28 =	simm.s32 $0x10100;
	s29 =	simm.s32 $0x10500;
	s30 =	simm.s32 $0x10D00  }
0x6: {  	s31 =	simm.s32 $0x11500;
	s10 =	simm.s32 $0x13D00;
	s14 =	simm.s32 $0x1  }
0x7: {  	s15 =	simm.s32 $0x2;
	s17 =	simm.s32 $0x0;
	s0 =	sand.u32 $0x1, s0  }
0x8: {  	s1 =	sshll.u32 s1, $0xA;
	s3 =	sadd.s32 $0x3AC00, s4;
	s2 =	sshll.u32 s0, $0x9  }
0x9: {  	s7 =	sadd.s32 $0x6200, s4;
	s0 =	ssub.s32 $0x2, s0;
	s1 =	sor.u32 s2, s1  }
0xa: {  	s2 =	simm.s32 $0x0;
	s24 =	sshrl.u32 s0, $0x1;
	s5 =	sshrl.u32 s1, $0x3  }
0xb: {  	[smem:$0x7FF] =	sst s2;
	s0 =	ssub.s32 s0, s24;
	s25 =	sor.u32 $0x80, s1  }
0xc: {  	s24 =	simm.s32 $0xED00;
	s1 =	simm.s32 $0x11900;
	s0 =	smax.u32 s0, $0x1  }
0xd: {  	_ =	strace $0x80000050;
	s9 =	sadd.s32 s5, s7;
	[dreg:$0x3] =	wrdreg s0  }
0xe: {  	s6 =	smul.u32 $0x280, s5;
	s5 =	sadd.s32 $0x3AD00, s4;
	[dreg:$0x2] =	wrdreg s9  }
.Ltmp0:
0xf: {  	s26 =	sadd.s32 $0x8, s9;
	s0 =	sshrl.u32 s25, $0x3;
	(pc) =	sbr.rel .LBB2_1-.Ltmp0, $4  }
0x10: {  	s25 =	simm.s32 $0xF100;
	s9 =	simm.s32 $0x12D00;
	s8 =	sadd.s32 s6, s4  }
0x11: {  	v2 =	vlaneseq.u32;
	s6 =	sadd.s32 $0x3AE00, s4;
	[dreg:$0x4] =	wrdreg s26;
	s0 =	sadd.s32 s0, s7  }
0x12: {  	vm0 =	vmmov $0xffff;
	vm1 =	vmmov $0xff;
	v1 =	vshrl.u32 v2, $0x3;
	s26 =	simm.s32 $0xF900;
	s7 =	simm.s32 $0x12900;
	s4 =	simm.s32 $0x13500  }
0x13: {  	v0 =	vand.u32 $0x7, v2;
	v2 =	vor.u32 $0x8, v2;
	v1 =	vmul.u32 $0x8, v1;
	s8 =	sadd.s32 $0x4DB400, s8;
	[dreg:$0x5] =	wrdreg s0;
	s0 =	simm.s32 $0x12100  }
.LBB2_5:
0x14: {  	s17 =	rddreg [dreg:$0x6]  }
0x15: {  	s16 =	rddreg [dreg:$0x3];
	s17 =	sadd.s32 $0x1, s17  }
0x16: {  	p0 =	sne.s32 s17, s16  }
.Ltmp1:
0x17: {  	_ = 	snop;
	(pc) =	sbr.rel @!p0 .LBB2_6-.Ltmp1, $1  }
0x18: {  	_ =	sdelay $0x3  }
.LBB2_1:
0x19: {  	[dreg:$0x6] =	wrdreg s17  }
0x1a: {  	s16 =	rddreg [dreg:$0x2]  }
0x1b: {  	[tilespmem:s2], [sflag:$0x3] =	stream.linear.gather [hbm4b:s16+s2], $0x40, $0x38;
	[tilespmem:$0x14100] =	vst v63  }
0x1c: {  	_ =	swait.ge [sflag:s11], $0x40  }
0x1d: {  	[sflag:s11] =	ssyncset.done $0x0  }
0x1e: {  	[sflag:s11] =	ssyncadd.s32 $0xFFFFFFC0  }
0x1f: {  	v3 =	vld [tilespmem:$0x0];
	_ =	sdelay $0x4  }
0x20: {  	v4 =	vshrl.u32 v3, $0x3  }
0x21: {  	v4 =	vmul.u32 $0x28, v4  }
0x22: {  	v3 =	vand.u32 $0x7, v3  }
0x23: {  	v3 =	vor.u32 v3, v4  }
0x24: {  	v4 =	vperm.xlane v3, v0;
	_ =	sdelay $0x1  }
0x25: {  	v4 =	vadd.s32 v1, v4;
	_ =	sdelay $0x3  }
0x26: {  	v3 =	vperm.xlane v3, v2  }
0x27: {  	[tilespmem:s12], [sflag:$0x1] =	stream.indirect_vreg.gather [hbm4b:s3+s2], $0x80, v4, vm0, $0xb8;
	[tilespmem:$0x14100] =	vst v63  }
0x28: {  	s18 =	simm.s32 $0x900;
	v3 =	vadd.s32 v1, v3  }
0x29: {  	[tilespmem:s18], [sflag:$0x1] =	stream.indirect_vreg.gather [hbm4b:s5+s2], $0x80, v4, vm0, $0xb8;
	[tilespmem:$0x14100] =	vst v63  }
0x2a: {  	s19 =	simm.s32 $0x1100  }
0x2b: {  	[tilespmem:s19], [sflag:$0x1] =	stream.indirect_vreg.gather [hbm4b:s6+s2], $0x80, v4, vm1, $0xb8;
	[tilespmem:$0x14100] =	vst v63  }
0x2c: {  	s17 =	simm.s32 $0x1500  }
0x2d: {  	[tilespmem:s17], [sflag:$0x1] =	stream.indirect_vreg.gather [hbm4b:s3+s2], $0x80, v3, vm0, $0xb8;
	[tilespmem:$0x14100] =	vst v63  }
0x2e: {  	s18 =	simm.s32 $0x1D00  }
0x2f: {  	[tilespmem:s18], [sflag:$0x1] =	stream.indirect_vreg.gather [hbm4b:s5+s2], $0x80, v3, vm0, $0xb8;
	[tilespmem:$0x14100] =	vst v63  }
0x30: {  	s19 =	simm.s32 $0x2500  }
0x31: {  	[tilespmem:s19], [sflag:$0x1] =	stream.indirect_vreg.gather [hbm4b:s6+s2], $0x80, v3, vm1, $0xb8;
	[tilespmem:$0x14100] =	vst v63  }
0x32: {  	v3 =	vld [tilespmem:$0x10];
	_ =	sdelay $0x4  }
0x33: {  	v61 =	vshrl.u32 v3, $0x3  }
0x34: {  	v4 =	vmul.u32 $0x28, v61  }
0x35: {  	v3 =	vand.u32 $0x7, v3  }
0x36: {  	v3 =	vor.u32 v3, v4  }
0x37: {  	v4 =	vperm.xlane v3, v0;
	_ =	sdelay $0x1  }
0x38: {  	v4 =	vadd.s32 v1, v4;
	_ =	sdelay $0x3  }
0x39: {  	s17 =	simm.s32 $0x2900;
	v3 =	vperm.xlane v3, v2  }
0x3a: {  	[tilespmem:s17], [sflag:$0x1] =	stream.indirect_vreg.gather [hbm4b:s3+s2], $0x80, v4, vm0, $0xb8;
	[tilespmem:$0x14100] =	vst v63  }
0x3b: {  	s18 =	simm.s32 $0x3100;
	v3 =	vadd.s32 v1, v3  }
0x3c: {  	[tilespmem:s18], [sflag:$0x1] =	stream.indirect_vreg.gather [hbm4b:s5+s2], $0x80, v4, vm0, $0xb8;
	[tilespmem:$0x14100] =	vst v63  }
0x3d: {  	s19 =	simm.s32 $0x3900  }
0x3e: {  	[tilespmem:s19], [sflag:$0x1] =	stream.indirect_vreg.gather [hbm4b:s6+s2], $0x80, v4, vm1, $0xb8;
	[tilespmem:$0x14100] =	vst v63  }
0x3f: {  	s17 =	simm.s32 $0x3D00  }
0x40: {  	[tilespmem:s17], [sflag:$0x1] =	stream.indirect_vreg.gather [hbm4b:s3+s2], $0x80, v3, vm0, $0xb8;
	[tilespmem:$0x14100] =	vst v63  }
0x41: {  	s18 =	simm.s32 $0x4500  }
0x42: {  	[tilespmem:s18], [sflag:$0x1] =	stream.indirect_vreg.gather [hbm4b:s5+s2], $0x80, v3, vm0, $0xb8;
	[tilespmem:$0x14100] =	vst v63  }
0x43: {  	s19 =	simm.s32 $0x4D00  }
0x44: {  	[tilespmem:s19], [sflag:$0x1] =	stream.indirect_vreg.gather [hbm4b:s6+s2], $0x80, v3, vm1, $0xb8;
	[tilespmem:$0x14100] =	vst v63  }
0x45: {  	v3 =	vld [tilespmem:$0x20];
	_ =	sdelay $0x4  }
0x46: {  	v62 =	vshrl.u32 v3, $0x3  }
0x47: {  	v4 =	vmul.u32 $0x28, v62  }
0x48: {  	v3 =	vand.u32 $0x7, v3  }
0x49: {  	v3 =	vor.u32 v3, v4  }
0x4a: {  	v4 =	vperm.xlane v3, v0;
	_ =	sdelay $0x1  }
0x4b: {  	v4 =	vadd.s32 v1, v4;
	_ =	sdelay $0x3  }
0x4c: {  	s17 =	simm.s32 $0x5100;
	v3 =	vperm.xlane v3, v2  }
0x4d: {  	[tilespmem:s17], [sflag:$0x1] =	stream.indirect_vreg.gather [hbm4b:s3+s2], $0x80, v4, vm0, $0xb8;
	[tilespmem:$0x14100] =	vst v63  }
0x4e: {  	s18 =	simm.s32 $0x5900;
	v3 =	vadd.s32 v1, v3  }
0x4f: {  	[tilespmem:s18], [sflag:$0x1] =	stream.indirect_vreg.gather [hbm4b:s5+s2], $0x80, v4, vm0, $0xb8;
	[tilespmem:$0x14100] =	vst v63  }
0x50: {  	s19 =	simm.s32 $0x6100  }
0x51: {  	[tilespmem:s19], [sflag:$0x1] =	stream.indirect_vreg.gather [hbm4b:s6+s2], $0x80, v4, vm1, $0xb8;
	[tilespmem:$0x14100] =	vst v63  }
0x52: {  	s17 =	simm.s32 $0x6500  }
0x53: {  	[tilespmem:s17], [sflag:$0x1] =	stream.indirect_vreg.gather [hbm4b:s3+s2], $0x80, v3, vm0, $0xb8;
	[tilespmem:$0x14100] =	vst v63  }
0x54: {  	s18 =	simm.s32 $0x6D00  }
0x55: {  	[tilespmem:s18], [sflag:$0x1] =	stream.indirect_vreg.gather [hbm4b:s5+s2], $0x80, v3, vm0, $0xb8;
	[tilespmem:$0x14100] =	vst v63  }
0x56: {  	s19 =	simm.s32 $0x7500  }
0x57: {  	[tilespmem:s19], [sflag:$0x1] =	stream.indirect_vreg.gather [hbm4b:s6+s2], $0x80, v3, vm1, $0xb8;
	[tilespmem:$0x14100] =	vst v63  }
0x58: {  	v3 =	vld [tilespmem:$0x30];
	_ =	sdelay $0x4  }
0x59: {  	v63 =	vshrl.u32 v3, $0x3  }
0x5a: {  	v4 =	vmul.u32 $0x28, v63  }
0x5b: {  	v3 =	vand.u32 $0x7, v3  }
0x5c: {  	v3 =	vor.u32 v3, v4  }
0x5d: {  	v4 =	vperm.xlane v3, v0;
	_ =	sdelay $0x1  }
0x5e: {  	v4 =	vadd.s32 v1, v4;
	_ =	sdelay $0x3  }
0x5f: {  	s17 =	simm.s32 $0x7900;
	v3 =	vperm.xlane v3, v2  }
0x60: {  	[tilespmem:s17], [sflag:$0x1] =	stream.indirect_vreg.gather [hbm4b:s3+s2], $0x80, v4, vm0, $0xb8;
	[tilespmem:$0x14100] =	vst v63  }
0x61: {  	s18 =	simm.s32 $0x8100;
	v3 =	vadd.s32 v1, v3  }
0x62: {  	[tilespmem:s18], [sflag:$0x1] =	stream.indirect_vreg.gather [hbm4b:s5+s2], $0x80, v4, vm0, $0xb8;
	[tilespmem:$0x14100] =	vst v63  }
0x63: {  	s19 =	simm.s32 $0x8900  }
0x64: {  	[tilespmem:s19], [sflag:$0x1] =	stream.indirect_vreg.gather [hbm4b:s6+s2], $0x80, v4, vm1, $0xb8;
	[tilespmem:$0x14100] =	vst v63  }
0x65: {  	s17 =	simm.s32 $0x8D00  }
0x66: {  	[tilespmem:s17], [sflag:$0x1] =	stream.indirect_vreg.gather [hbm4b:s3+s2], $0x80, v3, vm0, $0xb8;
	[tilespmem:$0x14100] =	vst v63  }
.Ltmp2:
0x67: {  	_ = 	snop;
	(pc) =	sbr.rel .LBB2_2-.Ltmp2, $4  }
0x68: {  	s16 =	rddreg [dreg:$0x5];
	s18 =	simm.s32 $0x9500  }
0x69: {  	[tilespmem:s18], [sflag:$0x1] =	stream.indirect_vreg.gather [hbm4b:s5+s2], $0x80, v3, vm0, $0xb8;
	[tilespmem:$0x14100] =	vst v63  }
0x6a: {  	s19 =	simm.s32 $0x9D00;
	s17 =	rddreg [dreg:$0x4];
	s18 =	simm.s32 $0x0  }
0x6b: {  	[tilespmem:s19], [sflag:$0x1] =	stream.indirect_vreg.gather [hbm4b:s6+s2], $0x80, v3, vm1, $0xb8;
	[tilespmem:$0x14100] =	vst v63  }
.LBB2_4:
0x6c: {  	_ =	swait.ge [sflag:s15], $0xA000;
	s18 =	sadd.s32 $0x2800, s18  }
0x6d: {  	[sflag:s15] =	ssyncset.done $0x0;
	p0 =	sne.s32 s18, $0xA000  }
.Ltmp3:
0x6e: {  	s19 =	sadd.s32 $0x1400, s19;
	[sflag:s15] =	ssyncadd.s32 $0xFFFF6000;
	(pc) =	sbr.rel @!p0 .LBB2_5-.Ltmp3, $4  }
0x6f: {  	[hbm4b:s19+s2] =	stream.linear.scatter [tilespmem:s13], [sflag:$0x3], $0xA000, $0x38;
	[tilespmem:$0x14100] =	vst v63  }
0x70: {  	_ =	swait.ge [sflag:s11], $0xA000  }
0x71: {  	[sflag:s11] =	ssyncset.done $0x0  }
0x72: {  	s17 =	sadd.s32 $0x10, s17;
	s16 =	sadd.s32 $0x10, s16;
	[sflag:s11] =	ssyncadd.s32 $0xFFFF6000  }
.LBB2_2:
0x73: {  	[tilespmem:s20], [sflag:$0x3] =	stream.linear.gather [hbm4b:s17+s2], $0x40, $0x38;
	[tilespmem:$0x14100] =	vst v63  }
0x74: {  	_ =	swait.ge [sflag:s11], $0x40  }
0x75: {  	[sflag:s11] =	ssyncset.done $0x0  }
0x76: {  	[sflag:s11] =	ssyncadd.s32 $0xFFFFFFC0  }
0x77: {  	v3 =	vld [tilespmem:$0x80];
	_ =	sdelay $0x4  }
0x78: {  	v4 =	vshrl.u32 v3, $0x3  }
0x79: {  	v4 =	vmul.u32 $0x28, v4  }
0x7a: {  	v3 =	vand.u32 $0x7, v3  }
0x7b: {  	v3 =	vor.u32 v3, v4  }
0x7c: {  	v4 =	vperm.xlane v3, v0;
	_ =	sdelay $0x1  }
0x7d: {  	v4 =	vadd.s32 v1, v4;
	_ =	sdelay $0x3  }
0x7e: {  	v3 =	vperm.xlane v3, v2  }
0x7f: {  	[tilespmem:s13], [sflag:$0x2] =	stream.indirect_vreg.gather [hbm4b:s3+s2], $0x80, v4, vm0, $0xb8;
	[tilespmem:$0x14100] =	vst v63  }
0x80: {  	s19 =	simm.s32 $0xA900;
	v3 =	vadd.s32 v1, v3  }
0x81: {  	[tilespmem:s19], [sflag:$0x2] =	stream.indirect_vreg.gather [hbm4b:s5+s2], $0x80, v4, vm0, $0xb8;
	[tilespmem:$0x14100] =	vst v63  }
0x82: {  	s19 =	simm.s32 $0xB100  }
0x83: {  	[tilespmem:s19], [sflag:$0x2] =	stream.indirect_vreg.gather [hbm4b:s6+s2], $0x80, v4, vm1, $0xb8;
	[tilespmem:$0x14100] =	vst v63  }
0x84: {  	s19 =	simm.s32 $0xB500  }
0x85: {  	[tilespmem:s19], [sflag:$0x2] =	stream.indirect_vreg.gather [hbm4b:s3+s2], $0x80, v3, vm0, $0xb8;
	[tilespmem:$0x14100] =	vst v63  }
0x86: {  	s19 =	simm.s32 $0xBD00  }
0x87: {  	[tilespmem:s19], [sflag:$0x2] =	stream.indirect_vreg.gather [hbm4b:s5+s2], $0x80, v3, vm0, $0xb8;
	[tilespmem:$0x14100] =	vst v63  }
0x88: {  	s19 =	simm.s32 $0xC500  }
0x89: {  	[tilespmem:s19], [sflag:$0x2] =	stream.indirect_vreg.gather [hbm4b:s6+s2], $0x80, v3, vm1, $0xb8;
	[tilespmem:$0x14100] =	vst v63  }
0x8a: {  	v3 =	vld [tilespmem:$0x90];
	_ =	sdelay $0x4  }
0x8b: {  	v61 =	vshrl.u32 v3, $0x3  }
0x8c: {  	v4 =	vmul.u32 $0x28, v61  }
0x8d: {  	v3 =	vand.u32 $0x7, v3  }
0x8e: {  	v3 =	vor.u32 v3, v4  }
0x8f: {  	v4 =	vperm.xlane v3, v0;
	_ =	sdelay $0x1  }
0x90: {  	v4 =	vadd.s32 v1, v4;
	_ =	sdelay $0x3  }
0x91: {  	s19 =	simm.s32 $0xC900;
	v3 =	vperm.xlane v3, v2  }
0x92: {  	[tilespmem:s19], [sflag:$0x2] =	stream.indirect_vreg.gather [hbm4b:s3+s2], $0x80, v4, vm0, $0xb8;
	[tilespmem:$0x14100] =	vst v63  }
0x93: {  	v3 =	vadd.s32 v1, v3;
	s19 =	simm.s32 $0xD100  }
0x94: {  	[tilespmem:s19], [sflag:$0x2] =	stream.indirect_vreg.gather [hbm4b:s5+s2], $0x80, v4, vm0, $0xb8;
	[tilespmem:$0x14100] =	vst v63  }
0x95: {  	_ = 	snop  }
0x96: {  	[tilespmem:s21], [sflag:$0x2] =	stream.indirect_vreg.gather [hbm4b:s6+s2], $0x80, v4, vm1, $0xb8;
	[tilespmem:$0x14100] =	vst v63  }
0x97: {  	_ = 	snop  }
0x98: {  	[tilespmem:s22], [sflag:$0x2] =	stream.indirect_vreg.gather [hbm4b:s3+s2], $0x80, v3, vm0, $0xb8;
	[tilespmem:$0x14100] =	vst v63  }
0x99: {  	_ = 	snop  }
0x9a: {  	[tilespmem:s23], [sflag:$0x2] =	stream.indirect_vreg.gather [hbm4b:s5+s2], $0x80, v3, vm0, $0xb8;
	[tilespmem:$0x14100] =	vst v63  }
0x9b: {  	_ = 	snop  }
0x9c: {  	[tilespmem:s24], [sflag:$0x2] =	stream.indirect_vreg.gather [hbm4b:s6+s2], $0x80, v3, vm1, $0xb8;
	[tilespmem:$0x14100] =	vst v63  }
0x9d: {  	v3 =	vld [tilespmem:$0xA0];
	_ =	sdelay $0x4  }
0x9e: {  	v62 =	vshrl.u32 v3, $0x3  }
0x9f: {  	v4 =	vmul.u32 $0x28, v62  }
0xa0: {  	v3 =	vand.u32 $0x7, v3  }
0xa1: {  	v3 =	vor.u32 v3, v4  }
0xa2: {  	v4 =	vperm.xlane v3, v0;
	_ =	sdelay $0x1  }
0xa3: {  	v4 =	vadd.s32 v1, v4;
	_ =	sdelay $0x3  }
0xa4: {  	v3 =	vperm.xlane v3, v2  }
0xa5: {  	[tilespmem:s25], [sflag:$0x2] =	stream.indirect_vreg.gather [hbm4b:s3+s2], $0x80, v4, vm0, $0xb8;
	[tilespmem:$0x14100] =	vst v63  }
0xa6: {  	v3 =	vadd.s32 v1, v3  }
0xa7: {  	[tilespmem:s26], [sflag:$0x2] =	stream.indirect_vreg.gather [hbm4b:s5+s2], $0x80, v4, vm0, $0xb8;
	[tilespmem:$0x14100] =	vst v63  }
0xa8: {  	_ = 	snop  }
0xa9: {  	[tilespmem:s28], [sflag:$0x2] =	stream.indirect_vreg.gather [hbm4b:s6+s2], $0x80, v4, vm1, $0xb8;
	[tilespmem:$0x14100] =	vst v63  }
0xaa: {  	_ = 	snop  }
0xab: {  	[tilespmem:s29], [sflag:$0x2] =	stream.indirect_vreg.gather [hbm4b:s3+s2], $0x80, v3, vm0, $0xb8;
	[tilespmem:$0x14100] =	vst v63  }
0xac: {  	_ = 	snop  }
0xad: {  	[tilespmem:s30], [sflag:$0x2] =	stream.indirect_vreg.gather [hbm4b:s5+s2], $0x80, v3, vm0, $0xb8;
	[tilespmem:$0x14100] =	vst v63  }
0xae: {  	_ = 	snop  }
0xaf: {  	[tilespmem:s31], [sflag:$0x2] =	stream.indirect_vreg.gather [hbm4b:s6+s2], $0x80, v3, vm1, $0xb8;
	[tilespmem:$0x14100] =	vst v63  }
0xb0: {  	v3 =	vld [tilespmem:$0xB0];
	_ =	sdelay $0x4  }
0xb1: {  	v63 =	vshrl.u32 v3, $0x3  }
0xb2: {  	v4 =	vmul.u32 $0x28, v63  }
0xb3: {  	v3 =	vand.u32 $0x7, v3  }
0xb4: {  	v3 =	vor.u32 v3, v4  }
0xb5: {  	v4 =	vperm.xlane v3, v0;
	_ =	sdelay $0x1  }
0xb6: {  	v4 =	vadd.s32 v1, v4;
	_ =	sdelay $0x3  }
0xb7: {  	v3 =	vperm.xlane v3, v2  }
0xb8: {  	[tilespmem:s1], [sflag:$0x2] =	stream.indirect_vreg.gather [hbm4b:s3+s2], $0x80, v4, vm0, $0xb8;
	[tilespmem:$0x14100] =	vst v63  }
0xb9: {  	v3 =	vadd.s32 v1, v3  }
0xba: {  	[tilespmem:s0], [sflag:$0x2] =	stream.indirect_vreg.gather [hbm4b:s5+s2], $0x80, v4, vm0, $0xb8;
	[tilespmem:$0x14100] =	vst v63  }
0xbb: {  	_ = 	snop  }
0xbc: {  	[tilespmem:s7], [sflag:$0x2] =	stream.indirect_vreg.gather [hbm4b:s6+s2], $0x80, v4, vm1, $0xb8;
	[tilespmem:$0x14100] =	vst v63  }
0xbd: {  	_ = 	snop  }
0xbe: {  	[tilespmem:s9], [sflag:$0x2] =	stream.indirect_vreg.gather [hbm4b:s3+s2], $0x80, v3, vm0, $0xb8;
	[tilespmem:$0x14100] =	vst v63  }
0xbf: {  	_ = 	snop  }
0xc0: {  	[tilespmem:s4], [sflag:$0x2] =	stream.indirect_vreg.gather [hbm4b:s5+s2], $0x80, v3, vm0, $0xb8;
	[tilespmem:$0x14100] =	vst v63  }
0xc1: {  	_ = 	snop  }
0xc2: {  	[tilespmem:s10], [sflag:$0x2] =	stream.indirect_vreg.gather [hbm4b:s6+s2], $0x80, v3, vm1, $0xb8;
	[tilespmem:$0x14100] =	vst v63  }
0xc3: {  	_ =	swait.ge [sflag:s14], $0xA000  }
0xc4: {  	p0 =	seq.s32 s18, $0x7800;
	[sflag:s14] =	ssyncset.done $0x0  }
.Ltmp4:
0xc5: {  	s19 =	sadd.s32 s18, s8;
	[sflag:s14] =	ssyncadd.s32 $0xFFFF6000;
	(pc) =	sbr.rel @p0 .LBB2_4-.Ltmp4, $4  }
0xc6: {  	[hbm4b:s19+s2] =	stream.linear.scatter [tilespmem:s12], [sflag:$0x3], $0xA000, $0x38;
	[tilespmem:$0x14100] =	vst v63  }
0xc7: {  	_ =	swait.ge [sflag:s11], $0xA000  }
0xc8: {  	[sflag:s11] =	ssyncset.done $0x0  }
0xc9: {  	[sflag:s11] =	ssyncadd.s32 $0xFFFF6000  }
0xca: {  	[tilespmem:s2], [sflag:$0x3] =	stream.linear.gather [hbm4b:s16+s2], $0x40, $0x38;
	[tilespmem:$0x14100] =	vst v63  }
0xcb: {  	_ =	swait.ge [sflag:s11], $0x40  }
0xcc: {  	[sflag:s11] =	ssyncset.done $0x0  }
0xcd: {  	[sflag:s11] =	ssyncadd.s32 $0xFFFFFFC0  }
0xce: {  	v3 =	vld [tilespmem:$0x0];
	_ =	sdelay $0x4  }
0xcf: {  	v4 =	vshrl.u32 v3, $0x3  }
0xd0: {  	v4 =	vmul.u32 $0x28, v4  }
0xd1: {  	v3 =	vand.u32 $0x7, v3  }
0xd2: {  	v3 =	vor.u32 v3, v4  }
0xd3: {  	v4 =	vperm.xlane v3, v0;
	_ =	sdelay $0x1  }
0xd4: {  	v4 =	vadd.s32 v1, v4;
	_ =	sdelay $0x3  }
0xd5: {  	v3 =	vperm.xlane v3, v2  }
0xd6: {  	[tilespmem:s12], [sflag:$0x1] =	stream.indirect_vreg.gather [hbm4b:s3+s2], $0x80, v4, vm0, $0xb8;
	[tilespmem:$0x14100] =	vst v63  }
0xd7: {  	s20 =	simm.s32 $0x900;
	v3 =	vadd.s32 v1, v3  }
0xd8: {  	[tilespmem:s20], [sflag:$0x1] =	stream.indirect_vreg.gather [hbm4b:s5+s2], $0x80, v4, vm0, $0xb8;
	[tilespmem:$0x14100] =	vst v63  }
0xd9: {  	s20 =	simm.s32 $0x1100  }
0xda: {  	[tilespmem:s20], [sflag:$0x1] =	stream.indirect_vreg.gather [hbm4b:s6+s2], $0x80, v4, vm1, $0xb8;
	[tilespmem:$0x14100] =	vst v63  }
0xdb: {  	s20 =	simm.s32 $0x1500  }
0xdc: {  	[tilespmem:s20], [sflag:$0x1] =	stream.indirect_vreg.gather [hbm4b:s3+s2], $0x80, v3, vm0, $0xb8;
	[tilespmem:$0x14100] =	vst v63  }
0xdd: {  	s20 =	simm.s32 $0x1D00  }
0xde: {  	[tilespmem:s20], [sflag:$0x1] =	stream.indirect_vreg.gather [hbm4b:s5+s2], $0x80, v3, vm0, $0xb8;
	[tilespmem:$0x14100] =	vst v63  }
0xdf: {  	s20 =	simm.s32 $0x2500  }
0xe0: {  	[tilespmem:s20], [sflag:$0x1] =	stream.indirect_vreg.gather [hbm4b:s6+s2], $0x80, v3, vm1, $0xb8;
	[tilespmem:$0x14100] =	vst v63  }
0xe1: {  	v3 =	vld [tilespmem:$0x10];
	_ =	sdelay $0x4  }
0xe2: {  	v61 =	vshrl.u32 v3, $0x3  }
0xe3: {  	v4 =	vmul.u32 $0x28, v61  }
0xe4: {  	v3 =	vand.u32 $0x7, v3  }
0xe5: {  	v3 =	vor.u32 v3, v4  }
0xe6: {  	v4 =	vperm.xlane v3, v0;
	_ =	sdelay $0x1  }
0xe7: {  	v4 =	vadd.s32 v1, v4;
	_ =	sdelay $0x3  }
0xe8: {  	s20 =	simm.s32 $0x2900;
	v3 =	vperm.xlane v3, v2  }
0xe9: {  	[tilespmem:s20], [sflag:$0x1] =	stream.indirect_vreg.gather [hbm4b:s3+s2], $0x80, v4, vm0, $0xb8;
	[tilespmem:$0x14100] =	vst v63  }
0xea: {  	v3 =	vadd.s32 v1, v3;
	s20 =	simm.s32 $0x3100  }
0xeb: {  	[tilespmem:s20], [sflag:$0x1] =	stream.indirect_vreg.gather [hbm4b:s5+s2], $0x80, v4, vm0, $0xb8;
	[tilespmem:$0x14100] =	vst v63  }
0xec: {  	s20 =	simm.s32 $0x3900  }
0xed: {  	[tilespmem:s20], [sflag:$0x1] =	stream.indirect_vreg.gather [hbm4b:s6+s2], $0x80, v4, vm1, $0xb8;
	[tilespmem:$0x14100] =	vst v63  }
0xee: {  	s20 =	simm.s32 $0x3D00  }
0xef: {  	[tilespmem:s20], [sflag:$0x1] =	stream.indirect_vreg.gather [hbm4b:s3+s2], $0x80, v3, vm0, $0xb8;
	[tilespmem:$0x14100] =	vst v63  }
0xf0: {  	s20 =	simm.s32 $0x4500  }
0xf1: {  	[tilespmem:s20], [sflag:$0x1] =	stream.indirect_vreg.gather [hbm4b:s5+s2], $0x80, v3, vm0, $0xb8;
	[tilespmem:$0x14100] =	vst v63  }
0xf2: {  	s20 =	simm.s32 $0x4D00  }
0xf3: {  	[tilespmem:s20], [sflag:$0x1] =	stream.indirect_vreg.gather [hbm4b:s6+s2], $0x80, v3, vm1, $0xb8;
	[tilespmem:$0x14100] =	vst v63  }
0xf4: {  	v3 =	vld [tilespmem:$0x20];
	_ =	sdelay $0x4  }
0xf5: {  	v62 =	vshrl.u32 v3, $0x3  }
0xf6: {  	v4 =	vmul.u32 $0x28, v62  }
0xf7: {  	v3 =	vand.u32 $0x7, v3  }
0xf8: {  	v3 =	vor.u32 v3, v4  }
0xf9: {  	v4 =	vperm.xlane v3, v0;
	_ =	sdelay $0x1  }
0xfa: {  	v4 =	vadd.s32 v1, v4;
	_ =	sdelay $0x3  }
0xfb: {  	s20 =	simm.s32 $0x5100;
	v3 =	vperm.xlane v3, v2  }
0xfc: {  	[tilespmem:s20], [sflag:$0x1] =	stream.indirect_vreg.gather [hbm4b:s3+s2], $0x80, v4, vm0, $0xb8;
	[tilespmem:$0x14100] =	vst v63  }
0xfd: {  	v3 =	vadd.s32 v1, v3;
	s20 =	simm.s32 $0x5900  }
0xfe: {  	[tilespmem:s20], [sflag:$0x1] =	stream.indirect_vreg.gather [hbm4b:s5+s2], $0x80, v4, vm0, $0xb8;
	[tilespmem:$0x14100] =	vst v63  }
0xff: {  	s20 =	simm.s32 $0x6100  }
0x100: {  	[tilespmem:s20], [sflag:$0x1] =	stream.indirect_vreg.gather [hbm4b:s6+s2], $0x80, v4, vm1, $0xb8;
	[tilespmem:$0x14100] =	vst v63  }
0x101: {  	s20 =	simm.s32 $0x6500  }
0x102: {  	[tilespmem:s20], [sflag:$0x1] =	stream.indirect_vreg.gather [hbm4b:s3+s2], $0x80, v3, vm0, $0xb8;
	[tilespmem:$0x14100] =	vst v63  }
0x103: {  	s20 =	simm.s32 $0x6D00  }
0x104: {  	[tilespmem:s20], [sflag:$0x1] =	stream.indirect_vreg.gather [hbm4b:s5+s2], $0x80, v3, vm0, $0xb8;
	[tilespmem:$0x14100] =	vst v63  }
0x105: {  	s20 =	simm.s32 $0x7500  }
0x106: {  	[tilespmem:s20], [sflag:$0x1] =	stream.indirect_vreg.gather [hbm4b:s6+s2], $0x80, v3, vm1, $0xb8;
	[tilespmem:$0x14100] =	vst v63  }
0x107: {  	v3 =	vld [tilespmem:$0x30];
	_ =	sdelay $0x4  }
0x108: {  	v63 =	vshrl.u32 v3, $0x3  }
0x109: {  	v4 =	vmul.u32 $0x28, v63  }
0x10a: {  	v3 =	vand.u32 $0x7, v3  }
0x10b: {  	v3 =	vor.u32 v3, v4  }
0x10c: {  	v4 =	vperm.xlane v3, v0;
	_ =	sdelay $0x1  }
0x10d: {  	v4 =	vadd.s32 v1, v4;
	_ =	sdelay $0x3  }
0x10e: {  	s20 =	simm.s32 $0x7900;
	v3 =	vperm.xlane v3, v2  }
0x10f: {  	[tilespmem:s20], [sflag:$0x1] =	stream.indirect_vreg.gather [hbm4b:s3+s2], $0x80, v4, vm0, $0xb8;
	[tilespmem:$0x14100] =	vst v63  }
0x110: {  	v3 =	vadd.s32 v1, v3;
	s20 =	simm.s32 $0x8100  }
0x111: {  	[tilespmem:s20], [sflag:$0x1] =	stream.indirect_vreg.gather [hbm4b:s5+s2], $0x80, v4, vm0, $0xb8;
	[tilespmem:$0x14100] =	vst v63  }
0x112: {  	s20 =	simm.s32 $0x8900  }
0x113: {  	[tilespmem:s20], [sflag:$0x1] =	stream.indirect_vreg.gather [hbm4b:s6+s2], $0x80, v4, vm1, $0xb8;
	[tilespmem:$0x14100] =	vst v63  }
0x114: {  	s20 =	simm.s32 $0x8D00  }
0x115: {  	[tilespmem:s20], [sflag:$0x1] =	stream.indirect_vreg.gather [hbm4b:s3+s2], $0x80, v3, vm0, $0xb8;
	[tilespmem:$0x14100] =	vst v63  }
.Ltmp5:
0x116: {  	s20 =	simm.s32 $0x9500;
	(pc) =	sbr.rel .LBB2_4-.Ltmp5, $4  }
0x117: {  	[tilespmem:s20], [sflag:$0x1] =	stream.indirect_vreg.gather [hbm4b:s5+s2], $0x80, v3, vm0, $0xb8;
	[tilespmem:$0x14100] =	vst v63  }
0x118: {  	s20 =	simm.s32 $0x9D00  }
0x119: {  	[tilespmem:s20], [sflag:$0x1] =	stream.indirect_vreg.gather [hbm4b:s6+s2], $0x80, v3, vm1, $0xb8;
	[tilespmem:$0x14100] =	vst v63  }
0x11a: {  	s20 =	simm.s32 $0x80  }
.LBB2_6:
0x11b: {  	_ =	sfence.sel $0x180000  }
0x11c: {  	[bflag:$0x0] =	sbarrier.arrive $0xFFFF  }
0x11d: {  	_ =	strace $0x90000050  }
0x11e: {  	s0 =	stileid.u32;
	[bflag:$0x2] =	sbarrier.arrive $0xFFFF  }
0x11f: {  	p0 =	sne.s32 s0, $0x0;
	s0 =	rddreg [dreg:$0x1]  }
0x120: {  	s0 =	sadd.s32 @!p0 $0x100000, s0  }
0x121: {  	[sflag:s0] =	ssyncadd.tile.s32 @!p0 $0x1;
	_ =	shalt  }
.Lfunc_end2:
_tile_overlayer_lowered:
.L_overlay_start_2:
0x122: {  	(tag) =	ssettag $0x2  }
0x123: {  	s0 =	rddreg [dreg:$0x0];
	s2 =	stileid.u32  }
0x124: {  	s1 =	rddreg [dreg:$0x1];
	p0 =	sne.s32 s2, $0x0  }
0x125: {  	s3 =	rddreg [dreg:$0x2];
	[bflag:$0x3] =	sbarrier.arrive $0xFFFF;
	s2 =	simm.s32 @!p0 $0x1C03  }
0x126: {  	[timem:s3], [sflag:s2] =	dma.local @!p0 [hbm:s0], s1  }
0x127: {  	s0 =	simm.s32 @!p0 $0x3  }
0x128: {  	_ =	swait.ge @!p0 [sflag:s0], s1  }
0x129: {  	s1 =	ssub.s32 @!p0 $0x0, s1;
	[sflag:s0] =	ssyncset.done @!p0 $0x0  }
0x12a: {  	[sflag:s0] =	ssyncadd.s32 @!p0 s1  }
0x12b: {  	[bflag:$0x3] =	sbarrier.arrive $0xFFFF  }
0x12c: {  	_ =	shalt  }

// kernel: kernel.19.cloned.1.call-start
scs
__scs_entry_jumppad:
0x0: {  	(pc) =	sbr.rel $0x88, $3  }
0x1: {  	(tag) =	ssettag $0x0;
	lr =	simm.s32 $0x1  }
0x2: {  	[smem:$0x3F91] =	sst lr;
	_ =	strace $0xD0000000  }
0x3: {  	_ = 	snop  }
0x4: {  	_ = 	snop  }
0x5: {  	_ = 	snop  }
0x6: {  	_ = 	snop  }
0x7: {  	_ = 	snop  }
__scs_overlays_trampoline_lowered:
0x8: {  	[smem:$0x3FA0] =	sst s0  }
0x9: {  	[smem:$0x3FA1] =	sst s1  }
0xa: {  	[smem:$0x3FA2] =	sst s2  }
0xb: {  	[smem:$0x3FA3] =	sst s3  }
0xc: {  	[smem:$0x3FA4] =	sst s4  }
0xd: {  	[smem:$0x3FA5] =	sst s5  }
0xe: {  	[smem:$0x3FA6] =	sst s6  }
0xf: {  	[smem:$0x3FA7] =	sst s7  }
0x10: {  	[smem:$0x3FA8] =	sst s8  }
0x11: {  	[smem:$0x3FA9] =	sst s9;
	s0 =	simm.s32 @!p0 $0x0  }
0x12: {  	s1 =	sld [smem:$0x3F8F];
	s0 =	simm.s32 @p0 $0x1  }
0x13: {  	[smem:$0x3FAA] =	sst s0;
	s0 =	simm.s32 @!p1 $0x0  }
0x14: {  	s2 =	sld [smem:$0x3F8E];
	s0 =	simm.s32 @p1 $0x1  }
0x15: {  	[smem:$0x3FAB] =	sst s0;
	s0 =	simm.s32 @!p2 $0x0  }
0x16: {  	s3 =	sld [smem:$0x3FDB];
	s0 =	simm.s32 @p2 $0x1  }
0x17: {  	s4 =	simm.s32 $0x1BF5;
	[smem:$0x3FAD] =	sst s0  }
0x18: {  	s0 =	sld [smem:$0x3F90];
	_ =	swait.ge [sflag:s4], $0x0  }
0x19: {  	s7 =	sld [smem:$0x3F91]  }
0x1a: {  	s8 =	sadd.s32 $0xFFFFE003, lr  }
0x1b: {  	s9 =	sadd.s32 $0xFFFFFEF7, lr;
	s5 =	simm.s32 $0xFFFFFFFF;
	p2 =	slt.u32 s8, $0xFFFFF086  }
0x1c: {  	p1 =	slt.u32 s9, $0xF7A;
	s5 =	simm.s32 @!p2 $0x0  }
0x1d: {  	s5 =	simm.s32 @p1 $0x1;
	p0 =	seq.s32 s7, s2  }
0x1e: {  	s7 =	smul.u32 @!p0 $0xF7A, s2;
	p2 =	seq.s32 @!p0 s5, $0x0  }
0x1f: {  	s9 =	smul.u32 $0xF7A, s1;
	s8 =	simm.s32 @!p0 $0x1BF5;
	p2 =	por !p2, p0  }
0x20: {  	[sflag:s8] =	ssyncset.s32 @!p0 $0xFFFFF086;
	s6 =	sadd.s32 @!p0 s3, s7;
	s7 =	simm.s32 @!p0 $0x108  }
0x21: {  	s3 =	sadd.s32 s3, s9;
	s6 =	sadd.s32 @!p0 $0x88, s6;
	s7 =	simm.s32 @p2 $0x1082  }
0x22: {  	[simem:s7], [sflag:s8] =	dma.local @!p0 [hbm:s6], $0xF7A  }
0x23: {  	s9 =	sor.u32 $0xD0000000, s2;
	s6 =	simm.s32 $0x108;
	_ =	swait.ge @!p0 [sflag:s8], $0x0  }
0x24: {  	s3 =	sadd.s32 $0x88, s3;
	s6 =	simm.s32 @!p1 $0x1082;
	[sflag:s4] =	ssyncset.s32 $0xFFFFF086  }
0x25: {  	[simem:s6], [sflag:s4] =	dma.local [hbm:s3], $0xF7A  }
0x26: {  	[smem:$0x3F91] =	sst s1;
	(tag) =	ssettag s2;
	_ =	strace s9  }
0x27: {  	s1 =	sld [smem:$0x3FA1]  }
0x28: {  	s2 =	sld [smem:$0x3FA2]  }
0x29: {  	s4 =	sld [smem:$0x3FA4]  }
0x2a: {  	p0 =	seq.s32 s5, $0x0;
	s5 =	sld [smem:$0x3FA5]  }
0x2b: {  	s6 =	sld [smem:$0x3FA6]  }
0x2c: {  	s7 =	sld [smem:$0x3FA7]  }
0x2d: {  	s3 =	simm.s32 $0x108;
	s8 =	sld [smem:$0x3FA8]  }
0x2e: {  	s3 =	simm.s32 @!p0 $0x1082;
	s9 =	sld [smem:$0x3FA9]  }
0x2f: {  	lr =	sadd.s32 s0, s3;
	s0 =	sld [smem:$0x3FA0]  }
0x30: {  	s3 =	sld [smem:$0x3FA3]  }
0x31: {  	[smem:$0x3FAC] =	sst s10  }
0x32: {  	s10 =	sld [smem:$0x3FAA];
	_ =	sdelay $0x3  }
0x33: {  	p0 =	seq.s32 s10, $0x1;
	s10 =	sld [smem:$0x3FAC];
	_ =	sdelay $0x3  }
0x34: {  	[smem:$0x3FAC] =	sst s10  }
0x35: {  	s10 =	sld [smem:$0x3FAB];
	_ =	sdelay $0x3  }
0x36: {  	p1 =	seq.s32 s10, $0x1;
	s10 =	sld [smem:$0x3FAC];
	_ =	sdelay $0x3  }
0x37: {  	[smem:$0x3FAC] =	sst s10  }
0x38: {  	s10 =	sld [smem:$0x3FAD]  }
0x39: {  	_ = 	snop;
	(pc) =	sbr.ind lr, $3  }
0x3a: {  	_ = 	snop  }
0x3b: {  	_ = 	snop  }
0x3c: {  	p2 =	seq.s32 s10, $0x1;
	s10 =	sld [smem:$0x3FAC]  }
0x3d: {  	_ =	shalt  }
0x3e: {  	_ =	shalt  }
0x3f: {  	_ =	shalt  }
0x40: {  	_ =	shalt  }
0x41: {  	_ =	shalt  }
0x42: {  	_ =	shalt  }
0x43: {  	_ =	shalt  }
0x44: {  	_ =	shalt  }
0x45: {  	_ =	shalt  }
0x46: {  	_ =	shalt  }
0x47: {  	_ =	shalt  }
0x48: {  	_ =	shalt  }
0x49: {  	_ =	shalt  }
0x4a: {  	_ =	shalt  }
0x4b: {  	_ =	shalt  }
0x4c: {  	_ =	shalt  }
0x4d: {  	_ =	shalt  }
0x4e: {  	_ =	shalt  }
0x4f: {  	_ =	shalt  }
0x50: {  	_ =	shalt  }
0x51: {  	_ =	shalt  }
0x52: {  	_ =	shalt  }
0x53: {  	_ =	shalt  }
0x54: {  	_ =	shalt  }
0x55: {  	_ =	shalt  }
0x56: {  	_ =	shalt  }
0x57: {  	_ =	shalt  }
0x58: {  	_ =	shalt  }
0x59: {  	_ =	shalt  }
0x5a: {  	_ =	shalt  }
0x5b: {  	_ =	shalt  }
0x5c: {  	_ =	shalt  }
0x5d: {  	_ =	shalt  }
0x5e: {  	_ =	shalt  }
0x5f: {  	_ =	shalt  }
0x60: {  	_ =	shalt  }
0x61: {  	_ =	shalt  }
0x62: {  	_ =	shalt  }
0x63: {  	_ =	shalt  }
0x64: {  	_ =	shalt  }
0x65: {  	_ =	shalt  }
0x66: {  	_ =	shalt  }
0x67: {  	_ =	shalt  }
0x68: {  	_ =	shalt  }
0x69: {  	_ =	shalt  }
0x6a: {  	_ =	shalt  }
0x6b: {  	_ =	shalt  }
0x6c: {  	_ =	shalt  }
0x6d: {  	_ =	shalt  }
0x6e: {  	_ =	shalt  }
0x6f: {  	_ =	shalt  }
0x70: {  	_ =	shalt  }
0x71: {  	_ =	shalt  }
0x72: {  	_ =	shalt  }
0x73: {  	_ =	shalt  }
0x74: {  	_ =	shalt  }
0x75: {  	_ =	shalt  }
0x76: {  	_ =	shalt  }
0x77: {  	_ =	shalt  }
0x78: {  	_ =	shalt  }
0x79: {  	_ =	shalt  }
0x7a: {  	_ =	shalt  }
0x7b: {  	_ =	shalt  }
0x7c: {  	_ =	shalt  }
0x7d: {  	_ =	shalt  }
0x7e: {  	_ =	shalt  }
0x7f: {  	_ =	shalt  }
0x80: {  	_ =	shalt  }
0x81: {  	_ =	shalt  }
0x82: {  	_ =	shalt  }
0x83: {  	_ =	shalt  }
0x84: {  	_ =	shalt  }
0x85: {  	_ =	shalt  }
0x86: {  	_ =	shalt  }
0x87: {  	_ =	shalt  }
.Lfunc_end0:
.L_simem_size_0:
called_computation.1_lowered:
.L_overlay_start_0:
0x88: {  	s2 =	sld [smem:$0x3FD9]  }
0x89: {  	s3 =	sld [smem:$0x3FFE];
	_ =	sdelay $0x1  }
0x8a: {  	s1 =	srdreg.scid  }
0x8b: {  	s0 =	sand.u32 $0x1, s1  }
0x8c: {  	s17 =	sshll.u32 s0, $0xA;
	s2 =	sadd.s32 s3, s2  }
0x8d: {  	s2 =	sadd.s32 s2, s17  }
0x8e: {  	[smem:$0x3FB8] =	sst s2  }
0x8f: {  	_ = 	snop  }
0x90: {  	(tm) =	ssettm $0x1  }
0x91: {  	s18 =	sld [smem:$0x3FFB];
	_ =	sdelay $0x3  }
0x92: {  	_ =	strace s18  }
0x93: {  	s2 =	sld [smem:$0x3FFC];
	_ =	sdelay $0x3  }
0x94: {  	_ =	strace s2  }
0x95: {  	s2 =	sld [smem:$0x3FFD];
	_ =	sdelay $0x3  }
0x96: {  	_ =	strace s2  }
0x97: {  	_ =	strace $0x8FFFFFFF  }
0x98: {  	s19 =	sld [smem:$0x3FDB];
	_ =	sdelay $0x1  }
0x99: {  	s20 =	simm.s32 $_scs_section_size  }
0x9a: {  	s4 =	simm.s32 $_size__tile_overlayer_lowered;
	s5 =	simm.s32 $_tile_overlayer_lowered  }
0x9b: {  	s6 =	simm.s32 $0x1BFF;
	s21 =	sshll.u32 s5, $0x1;
	s3 =	sadd.s32 s20, s19  }
0x9c: {  	s22 =	simm.s32 $0x0;
	s4 =	sshll.u32 s4, $0x1;
	s5 =	sadd.s32 s21, s3  }
0x9d: {  	[timem:s22], [sflag:s6] =	dma.local [hbm:s5], s4  }
0x9e: {  	_ =	swait.ge [sflag:s6], s4  }
0x9f: {  	s4 =	ssub.s32 $0x0, s4;
	[sflag:s6] =	ssyncset.done $0x0  }
0xa0: {  	[sflag:s6] =	ssyncadd.s32 s4;
	_ =	sdelay $0x1  }
0xa1: {  	s23 =	simm.s32 $0x1B8B  }
0xa2: {  	_ =	swait.ge [sflag:s23], $0x1  }
0xa3: {  	[sflag:s23] =	ssyncset.done $0x0  }
0xa4: {  	[sflag:s23] =	ssyncadd.s32 $0xFFFFFFFF  }
0xa5: {  	s4 =	sld [smem:$0x0]  }
0xa6: {  	s5 =	sand.u32 $0xFFFFFFFE, s1  }
0xa7: {  	p0 =	sne.s32 s1, s5  }
0xa8: {  	s5 =	sshll.u32 @p0 s5, $0xE  }
0xa9: {  	s5 =	sadd.s32 @p0 $0x11B8D, s5;
	s6 =	sshll.u32 @p0 s4, $0x11  }
0xaa: {  	s5 =	sor.u32 @p0 s6, s5  }
0xab: {  	[sflag:s5] =	ssyncadd.remote.s32 @p0 $0x1;
	_ =	sdelay $0x1  }
0xac: {  	s5 =	simm.s32 @p0 $0x1B8D  }
0xad: {  	_ =	swait.eq @p0 [sflag:s5], $0x1  }
0xae: {  	[sflag:s5] =	ssyncadd.s32 @p0 $0xFFFFFFFF  }
0xaf: {  	s6 =	sshll.u32 @!p0 s1, $0xE  }
0xb0: {  	s6 =	sor.u32 @!p0 $0x4000, s6;
	s5 =	simm.s32 @!p0 $0x1B8D  }
0xb1: {  	s4 =	sshll.u32 @!p0 s4, $0x11;
	s6 =	sadd.s32 @!p0 $0x11B8D, s6;
	_ =	swait.eq @!p0 [sflag:s5], $0x1  }
0xb2: {  	s4 =	sor.u32 @!p0 s4, s6;
	[sflag:s5] =	ssyncadd.s32 @!p0 $0xFFFFFFFF  }
0xb3: {  	s25 =	simm.s32 $0x1B8E;
	s24 =	sld [smem:$0x3FFE];
	[sflag:s4] =	ssyncadd.remote.s32 @!p0 $0x1  }
0xb4: {  	s26 =	simm.s32 $execute0_lowered;
	[smem:$0x3FD2] =	sst s25  }
0xb5: {  	s5 =	sshll.u32 s26, $0x1;
	_ =	strace $0x8000004C;
	[dreg:$0x1] =	wrdreg $0xFFFFFFFF  }
0xb6: {  	s28 =	simm.s32 $_size_execute0_lowered;
	s3 =	sadd.s32 s3, s5;
	[dreg:$0x0] =	wrdreg $0x0  }
0xb7: {  	s5 =	sshll.u32 s28, $0x1;
	[dreg:$0x2] =	wrdreg s3  }
0xb8: {  	[dreg:$0x3] =	wrdreg s5  }
0xb9: {  	[dreg:$0x4] =	wrdreg $0xC0  }
0xba: {  	_ =	task [dreg:s22], $0x5FFFF  }
0xbb: {  	[dreg:$0x1] =	wrdreg $0xFFFFFFFF  }
0xbc: {  	[dreg:$0x0] =	wrdreg $0x60  }
0xbd: {  	[dreg:$0x2] =	wrdreg s24  }
0xbe: {  	[dreg:$0x3] =	wrdreg $0xA  }
0xbf: {  	_ =	task.clear_ibuf [dreg:s22], $0x4FFFF;
	_ =	strace $0x9000004C  }
0xc0: {  	s29 =	simm.s32 $0xA;
	_ =	strace $0x8000004E  }
0xc1: {  	_ =	swait.ge [sflag:s29], $0x1  }
0xc2: {  	[sflag:s29] =	ssyncadd.s32 $0xFFFFFFFF  }
0xc3: {  	_ =	strace $0x9000004E  }
0xc4: {  	_ =	sfence  }
0xc5: {  	s30 =	sld [smem:$0x0];
	_ =	sdelay $0x2  }
0xc6: {  	s31 =	sshll.u32 s1, $0xD;
	s1 =	sshrl.u32 s1, $0x2  }
0xc7: {  	s4 =	sand.u32 $0x4000, s31;
	s1 =	sadd.s32 s1, s30  }
0xc8: {  	s0 =	sor.u32 s4, s0;
	s1 =	sshll.u32 s1, $0x11  }
0xc9: {  	s0 =	sor.u32 s1, s0  }
0xca: {  	s0 =	sadd.s32 $0x8F2B, s0  }
0xcb: {  	[sflag:s0] =	ssyncadd.remote.s32 $0x1  }
0xcc: {  	_ =	sfence.sel $0xFFFF  }
0xcd: {  	[dreg:$0x0] =	wrdreg $0xFFFFFFFF;
	(pc) =	sbr.abs _section_cstart, $3  }
0xce: {  	[dreg:$0x1] =	wrdreg $0xFFFFFFFF  }
0xcf: {  	_ =	task.clear_ibuf [dreg:s22], $0x2FFFF;
	_ =	strace $0x9FFFFFFF  }
0xd0: {  	(tm) =	ssettm $0x7FFFFFFF  }
0xd1: {  	_ =	shalt  }
tec
execute0_lowered:
.L_overlay_start_1:
0x0: {  	(tag) =	ssettag $0x1  }
0x1: {  	s0 =	srdreg.scid  }
0x2: {  	s1 =	stileid.u32;
	s4 =	rddreg [dreg:$0x0];
	s11 =	simm.s32 $0x3  }
0x3: {  	s12 =	simm.s32 $0x100;
	s20 =	simm.s32 $0x80;
	s13 =	simm.s32 $0xA100  }
0x4: {  	s21 =	simm.s32 $0xD900;
	s22 =	simm.s32 $0xDD00;
	s23 =	simm.s32 $0xE500  }
0x5: {  	s28 =	simm.s32 $0x10100;
	s29 =	simm.s32 $0x10500;
	s30 =	simm.s32 $0x10D00  }
0x6: {  	s31 =	simm.s32 $0x11500;
	s10 =	simm.s32 $0x13D00;
	s14 =	simm.s32 $0x1  }
0x7: {  	s15 =	simm.s32 $0x2;
	s17 =	simm.s32 $0x0;
	s0 =	sand.u32 $0x1, s0  }
0x8: {  	s1 =	sshll.u32 s1, $0xA;
	s3 =	sadd.s32 $0x3AC00, s4;
	s2 =	sshll.u32 s0, $0x9  }
0x9: {  	s7 =	sadd.s32 $0x26200, s4;
	s0 =	ssub.s32 $0x2, s0;
	s1 =	sor.u32 s2, s1  }
0xa: {  	s2 =	simm.s32 $0x0;
	s24 =	sshrl.u32 s0, $0x1;
	s5 =	sshrl.u32 s1, $0x3  }
0xb: {  	[smem:$0x7FF] =	sst s2;
	s0 =	ssub.s32 s0, s24;
	s25 =	sor.u32 $0x80, s1  }
0xc: {  	s24 =	simm.s32 $0xED00;
	s1 =	simm.s32 $0x11900;
	s0 =	smax.u32 s0, $0x1  }
0xd: {  	_ =	strace $0x8000004D;
	s9 =	sadd.s32 s5, s7;
	[dreg:$0x3] =	wrdreg s0  }
0xe: {  	s6 =	smul.u32 $0x280, s5;
	s5 =	sadd.s32 $0x3AD00, s4;
	[dreg:$0x2] =	wrdreg s9  }
.Ltmp0:
0xf: {  	s26 =	sadd.s32 $0x8, s9;
	s0 =	sshrl.u32 s25, $0x3;
	(pc) =	sbr.rel .LBB2_1-.Ltmp0, $4  }
0x10: {  	s25 =	simm.s32 $0xF100;
	s9 =	simm.s32 $0x12D00;
	s8 =	sadd.s32 s6, s4  }
0x11: {  	v2 =	vlaneseq.u32;
	s6 =	sadd.s32 $0x3AE00, s4;
	[dreg:$0x4] =	wrdreg s26;
	s0 =	sadd.s32 s0, s7  }
0x12: {  	vm0 =	vmmov $0xffff;
	vm1 =	vmmov $0xff;
	v1 =	vshrl.u32 v2, $0x3;
	s26 =	simm.s32 $0xF900;
	s7 =	simm.s32 $0x12900;
	s4 =	simm.s32 $0x13500  }
0x13: {  	v0 =	vand.u32 $0x7, v2;
	v2 =	vor.u32 $0x8, v2;
	v1 =	vmul.u32 $0x8, v1;
	s8 =	sadd.s32 $0x39B400, s8;
	[dreg:$0x5] =	wrdreg s0;
	s0 =	simm.s32 $0x12100  }
.LBB2_5:
0x14: {  	s17 =	rddreg [dreg:$0x6]  }
0x15: {  	s16 =	rddreg [dreg:$0x3];
	s17 =	sadd.s32 $0x1, s17  }
0x16: {  	p0 =	sne.s32 s17, s16  }
.Ltmp1:
0x17: {  	_ = 	snop;
	(pc) =	sbr.rel @!p0 .LBB2_6-.Ltmp1, $1  }
0x18: {  	_ =	sdelay $0x3  }
.LBB2_1:
0x19: {  	[dreg:$0x6] =	wrdreg s17  }
0x1a: {  	s16 =	rddreg [dreg:$0x2]  }
0x1b: {  	[tilespmem:s2], [sflag:$0x3] =	stream.linear.gather [hbm4b:s16+s2], $0x40, $0x38;
	[tilespmem:$0x14100] =	vst v63  }
0x1c: {  	_ =	swait.ge [sflag:s11], $0x40  }
0x1d: {  	[sflag:s11] =	ssyncset.done $0x0  }
0x1e: {  	[sflag:s11] =	ssyncadd.s32 $0xFFFFFFC0  }
0x1f: {  	v3 =	vld [tilespmem:$0x0];
	_ =	sdelay $0x4  }
0x20: {  	v4 =	vshrl.u32 v3, $0x3  }
0x21: {  	v4 =	vmul.u32 $0x28, v4  }
0x22: {  	v3 =	vand.u32 $0x7, v3  }
0x23: {  	v3 =	vor.u32 v3, v4  }
0x24: {  	v4 =	vperm.xlane v3, v0;
	_ =	sdelay $0x1  }
0x25: {  	v4 =	vadd.s32 v1, v4;
	_ =	sdelay $0x3  }
0x26: {  	v3 =	vperm.xlane v3, v2  }
0x27: {  	[tilespmem:s12], [sflag:$0x1] =	stream.indirect_vreg.gather [hbm4b:s3+s2], $0x80, v4, vm0, $0xb8;
	[tilespmem:$0x14100] =	vst v63  }
0x28: {  	s18 =	simm.s32 $0x900;
	v3 =	vadd.s32 v1, v3  }
0x29: {  	[tilespmem:s18], [sflag:$0x1] =	stream.indirect_vreg.gather [hbm4b:s5+s2], $0x80, v4, vm0, $0xb8;
	[tilespmem:$0x14100] =	vst v63  }
0x2a: {  	s19 =	simm.s32 $0x1100  }
0x2b: {  	[tilespmem:s19], [sflag:$0x1] =	stream.indirect_vreg.gather [hbm4b:s6+s2], $0x80, v4, vm1, $0xb8;
	[tilespmem:$0x14100] =	vst v63  }
0x2c: {  	s17 =	simm.s32 $0x1500  }
0x2d: {  	[tilespmem:s17], [sflag:$0x1] =	stream.indirect_vreg.gather [hbm4b:s3+s2], $0x80, v3, vm0, $0xb8;
	[tilespmem:$0x14100] =	vst v63  }
0x2e: {  	s18 =	simm.s32 $0x1D00  }
0x2f: {  	[tilespmem:s18], [sflag:$0x1] =	stream.indirect_vreg.gather [hbm4b:s5+s2], $0x80, v3, vm0, $0xb8;
	[tilespmem:$0x14100] =	vst v63  }
0x30: {  	s19 =	simm.s32 $0x2500  }
0x31: {  	[tilespmem:s19], [sflag:$0x1] =	stream.indirect_vreg.gather [hbm4b:s6+s2], $0x80, v3, vm1, $0xb8;
	[tilespmem:$0x14100] =	vst v63  }
0x32: {  	v3 =	vld [tilespmem:$0x10];
	_ =	sdelay $0x4  }
0x33: {  	v61 =	vshrl.u32 v3, $0x3  }
0x34: {  	v4 =	vmul.u32 $0x28, v61  }
0x35: {  	v3 =	vand.u32 $0x7, v3  }
0x36: {  	v3 =	vor.u32 v3, v4  }
0x37: {  	v4 =	vperm.xlane v3, v0;
	_ =	sdelay $0x1  }
0x38: {  	v4 =	vadd.s32 v1, v4;
	_ =	sdelay $0x3  }
0x39: {  	s17 =	simm.s32 $0x2900;
	v3 =	vperm.xlane v3, v2  }
0x3a: {  	[tilespmem:s17], [sflag:$0x1] =	stream.indirect_vreg.gather [hbm4b:s3+s2], $0x80, v4, vm0, $0xb8;
	[tilespmem:$0x14100] =	vst v63  }
0x3b: {  	s18 =	simm.s32 $0x3100;
	v3 =	vadd.s32 v1, v3  }
0x3c: {  	[tilespmem:s18], [sflag:$0x1] =	stream.indirect_vreg.gather [hbm4b:s5+s2], $0x80, v4, vm0, $0xb8;
	[tilespmem:$0x14100] =	vst v63  }
0x3d: {  	s19 =	simm.s32 $0x3900  }
0x3e: {  	[tilespmem:s19], [sflag:$0x1] =	stream.indirect_vreg.gather [hbm4b:s6+s2], $0x80, v4, vm1, $0xb8;
	[tilespmem:$0x14100] =	vst v63  }
0x3f: {  	s17 =	simm.s32 $0x3D00  }
0x40: {  	[tilespmem:s17], [sflag:$0x1] =	stream.indirect_vreg.gather [hbm4b:s3+s2], $0x80, v3, vm0, $0xb8;
	[tilespmem:$0x14100] =	vst v63  }
0x41: {  	s18 =	simm.s32 $0x4500  }
0x42: {  	[tilespmem:s18], [sflag:$0x1] =	stream.indirect_vreg.gather [hbm4b:s5+s2], $0x80, v3, vm0, $0xb8;
	[tilespmem:$0x14100] =	vst v63  }
0x43: {  	s19 =	simm.s32 $0x4D00  }
0x44: {  	[tilespmem:s19], [sflag:$0x1] =	stream.indirect_vreg.gather [hbm4b:s6+s2], $0x80, v3, vm1, $0xb8;
	[tilespmem:$0x14100] =	vst v63  }
0x45: {  	v3 =	vld [tilespmem:$0x20];
	_ =	sdelay $0x4  }
0x46: {  	v62 =	vshrl.u32 v3, $0x3  }
0x47: {  	v4 =	vmul.u32 $0x28, v62  }
0x48: {  	v3 =	vand.u32 $0x7, v3  }
0x49: {  	v3 =	vor.u32 v3, v4  }
0x4a: {  	v4 =	vperm.xlane v3, v0;
	_ =	sdelay $0x1  }
0x4b: {  	v4 =	vadd.s32 v1, v4;
	_ =	sdelay $0x3  }
0x4c: {  	s17 =	simm.s32 $0x5100;
	v3 =	vperm.xlane v3, v2  }
0x4d: {  	[tilespmem:s17], [sflag:$0x1] =	stream.indirect_vreg.gather [hbm4b:s3+s2], $0x80, v4, vm0, $0xb8;
	[tilespmem:$0x14100] =	vst v63  }
0x4e: {  	s18 =	simm.s32 $0x5900;
	v3 =	vadd.s32 v1, v3  }
0x4f: {  	[tilespmem:s18], [sflag:$0x1] =	stream.indirect_vreg.gather [hbm4b:s5+s2], $0x80, v4, vm0, $0xb8;
	[tilespmem:$0x14100] =	vst v63  }
0x50: {  	s19 =	simm.s32 $0x6100  }
0x51: {  	[tilespmem:s19], [sflag:$0x1] =	stream.indirect_vreg.gather [hbm4b:s6+s2], $0x80, v4, vm1, $0xb8;
	[tilespmem:$0x14100] =	vst v63  }
0x52: {  	s17 =	simm.s32 $0x6500  }
0x53: {  	[tilespmem:s17], [sflag:$0x1] =	stream.indirect_vreg.gather [hbm4b:s3+s2], $0x80, v3, vm0, $0xb8;
	[tilespmem:$0x14100] =	vst v63  }
0x54: {  	s18 =	simm.s32 $0x6D00  }
0x55: {  	[tilespmem:s18], [sflag:$0x1] =	stream.indirect_vreg.gather [hbm4b:s5+s2], $0x80, v3, vm0, $0xb8;
	[tilespmem:$0x14100] =	vst v63  }
0x56: {  	s19 =	simm.s32 $0x7500  }
0x57: {  	[tilespmem:s19], [sflag:$0x1] =	stream.indirect_vreg.gather [hbm4b:s6+s2], $0x80, v3, vm1, $0xb8;
	[tilespmem:$0x14100] =	vst v63  }
0x58: {  	v3 =	vld [tilespmem:$0x30];
	_ =	sdelay $0x4  }
0x59: {  	v63 =	vshrl.u32 v3, $0x3  }
0x5a: {  	v4 =	vmul.u32 $0x28, v63  }
0x5b: {  	v3 =	vand.u32 $0x7, v3  }
0x5c: {  	v3 =	vor.u32 v3, v4  }
0x5d: {  	v4 =	vperm.xlane v3, v0;
	_ =	sdelay $0x1  }
0x5e: {  	v4 =	vadd.s32 v1, v4;
	_ =	sdelay $0x3  }
0x5f: {  	s17 =	simm.s32 $0x7900;
	v3 =	vperm.xlane v3, v2  }
0x60: {  	[tilespmem:s17], [sflag:$0x1] =	stream.indirect_vreg.gather [hbm4b:s3+s2], $0x80, v4, vm0, $0xb8;
	[tilespmem:$0x14100] =	vst v63  }
0x61: {  	s18 =	simm.s32 $0x8100;
	v3 =	vadd.s32 v1, v3  }
0x62: {  	[tilespmem:s18], [sflag:$0x1] =	stream.indirect_vreg.gather [hbm4b:s5+s2], $0x80, v4, vm0, $0xb8;
	[tilespmem:$0x14100] =	vst v63  }
0x63: {  	s19 =	simm.s32 $0x8900  }
0x64: {  	[tilespmem:s19], [sflag:$0x1] =	stream.indirect_vreg.gather [hbm4b:s6+s2], $0x80, v4, vm1, $0xb8;
	[tilespmem:$0x14100] =	vst v63  }
0x65: {  	s17 =	simm.s32 $0x8D00  }
0x66: {  	[tilespmem:s17], [sflag:$0x1] =	stream.indirect_vreg.gather [hbm4b:s3+s2], $0x80, v3, vm0, $0xb8;
	[tilespmem:$0x14100] =	vst v63  }
.Ltmp2:
0x67: {  	_ = 	snop;
	(pc) =	sbr.rel .LBB2_2-.Ltmp2, $4  }
0x68: {  	s16 =	rddreg [dreg:$0x5];
	s18 =	simm.s32 $0x9500  }
0x69: {  	[tilespmem:s18], [sflag:$0x1] =	stream.indirect_vreg.gather [hbm4b:s5+s2], $0x80, v3, vm0, $0xb8;
	[tilespmem:$0x14100] =	vst v63  }
0x6a: {  	s19 =	simm.s32 $0x9D00;
	s17 =	rddreg [dreg:$0x4];
	s18 =	simm.s32 $0x0  }
0x6b: {  	[tilespmem:s19], [sflag:$0x1] =	stream.indirect_vreg.gather [hbm4b:s6+s2], $0x80, v3, vm1, $0xb8;
	[tilespmem:$0x14100] =	vst v63  }
.LBB2_4:
0x6c: {  	_ =	swait.ge [sflag:s15], $0xA000;
	s18 =	sadd.s32 $0x2800, s18  }
0x6d: {  	[sflag:s15] =	ssyncset.done $0x0;
	p0 =	sne.s32 s18, $0xA000  }
.Ltmp3:
0x6e: {  	s19 =	sadd.s32 $0x1400, s19;
	[sflag:s15] =	ssyncadd.s32 $0xFFFF6000;
	(pc) =	sbr.rel @!p0 .LBB2_5-.Ltmp3, $4  }
0x6f: {  	[hbm4b:s19+s2] =	stream.linear.scatter [tilespmem:s13], [sflag:$0x3], $0xA000, $0x38;
	[tilespmem:$0x14100] =	vst v63  }
0x70: {  	_ =	swait.ge [sflag:s11], $0xA000  }
0x71: {  	[sflag:s11] =	ssyncset.done $0x0  }
0x72: {  	s17 =	sadd.s32 $0x10, s17;
	s16 =	sadd.s32 $0x10, s16;
	[sflag:s11] =	ssyncadd.s32 $0xFFFF6000  }
.LBB2_2:
0x73: {  	[tilespmem:s20], [sflag:$0x3] =	stream.linear.gather [hbm4b:s17+s2], $0x40, $0x38;
	[tilespmem:$0x14100] =	vst v63  }
0x74: {  	_ =	swait.ge [sflag:s11], $0x40  }
0x75: {  	[sflag:s11] =	ssyncset.done $0x0  }
0x76: {  	[sflag:s11] =	ssyncadd.s32 $0xFFFFFFC0  }
0x77: {  	v3 =	vld [tilespmem:$0x80];
	_ =	sdelay $0x4  }
0x78: {  	v4 =	vshrl.u32 v3, $0x3  }
0x79: {  	v4 =	vmul.u32 $0x28, v4  }
0x7a: {  	v3 =	vand.u32 $0x7, v3  }
0x7b: {  	v3 =	vor.u32 v3, v4  }
0x7c: {  	v4 =	vperm.xlane v3, v0;
	_ =	sdelay $0x1  }
0x7d: {  	v4 =	vadd.s32 v1, v4;
	_ =	sdelay $0x3  }
0x7e: {  	v3 =	vperm.xlane v3, v2  }
0x7f: {  	[tilespmem:s13], [sflag:$0x2] =	stream.indirect_vreg.gather [hbm4b:s3+s2], $0x80, v4, vm0, $0xb8;
	[tilespmem:$0x14100] =	vst v63  }
0x80: {  	s19 =	simm.s32 $0xA900;
	v3 =	vadd.s32 v1, v3  }
0x81: {  	[tilespmem:s19], [sflag:$0x2] =	stream.indirect_vreg.gather [hbm4b:s5+s2], $0x80, v4, vm0, $0xb8;
	[tilespmem:$0x14100] =	vst v63  }
0x82: {  	s19 =	simm.s32 $0xB100  }
0x83: {  	[tilespmem:s19], [sflag:$0x2] =	stream.indirect_vreg.gather [hbm4b:s6+s2], $0x80, v4, vm1, $0xb8;
	[tilespmem:$0x14100] =	vst v63  }
0x84: {  	s19 =	simm.s32 $0xB500  }
0x85: {  	[tilespmem:s19], [sflag:$0x2] =	stream.indirect_vreg.gather [hbm4b:s3+s2], $0x80, v3, vm0, $0xb8;
	[tilespmem:$0x14100] =	vst v63  }
0x86: {  	s19 =	simm.s32 $0xBD00  }
0x87: {  	[tilespmem:s19], [sflag:$0x2] =	stream.indirect_vreg.gather [hbm4b:s5+s2], $0x80, v3, vm0, $0xb8;
	[tilespmem:$0x14100] =	vst v63  }
0x88: {  	s19 =	simm.s32 $0xC500  }
0x89: {  	[tilespmem:s19], [sflag:$0x2] =	stream.indirect_vreg.gather [hbm4b:s6+s2], $0x80, v3, vm1, $0xb8;
	[tilespmem:$0x14100] =	vst v63  }
0x8a: {  	v3 =	vld [tilespmem:$0x90];
	_ =	sdelay $0x4  }
0x8b: {  	v61 =	vshrl.u32 v3, $0x3  }
0x8c: {  	v4 =	vmul.u32 $0x28, v61  }
0x8d: {  	v3 =	vand.u32 $0x7, v3  }
0x8e: {  	v3 =	vor.u32 v3, v4  }
0x8f: {  	v4 =	vperm.xlane v3, v0;
	_ =	sdelay $0x1  }
0x90: {  	v4 =	vadd.s32 v1, v4;
	_ =	sdelay $0x3  }
0x91: {  	s19 =	simm.s32 $0xC900;
	v3 =	vperm.xlane v3, v2  }
0x92: {  	[tilespmem:s19], [sflag:$0x2] =	stream.indirect_vreg.gather [hbm4b:s3+s2], $0x80, v4, vm0, $0xb8;
	[tilespmem:$0x14100] =	vst v63  }
0x93: {  	v3 =	vadd.s32 v1, v3;
	s19 =	simm.s32 $0xD100  }
0x94: {  	[tilespmem:s19], [sflag:$0x2] =	stream.indirect_vreg.gather [hbm4b:s5+s2], $0x80, v4, vm0, $0xb8;
	[tilespmem:$0x14100] =	vst v63  }
0x95: {  	_ = 	snop  }
0x96: {  	[tilespmem:s21], [sflag:$0x2] =	stream.indirect_vreg.gather [hbm4b:s6+s2], $0x80, v4, vm1, $0xb8;
	[tilespmem:$0x14100] =	vst v63  }
0x97: {  	_ = 	snop  }
0x98: {  	[tilespmem:s22], [sflag:$0x2] =	stream.indirect_vreg.gather [hbm4b:s3+s2], $0x80, v3, vm0, $0xb8;
	[tilespmem:$0x14100] =	vst v63  }
0x99: {  	_ = 	snop  }
0x9a: {  	[tilespmem:s23], [sflag:$0x2] =	stream.indirect_vreg.gather [hbm4b:s5+s2], $0x80, v3, vm0, $0xb8;
	[tilespmem:$0x14100] =	vst v63  }
0x9b: {  	_ = 	snop  }
0x9c: {  	[tilespmem:s24], [sflag:$0x2] =	stream.indirect_vreg.gather [hbm4b:s6+s2], $0x80, v3, vm1, $0xb8;
	[tilespmem:$0x14100] =	vst v63  }
0x9d: {  	v3 =	vld [tilespmem:$0xA0];
	_ =	sdelay $0x4  }
0x9e: {  	v62 =	vshrl.u32 v3, $0x3  }
0x9f: {  	v4 =	vmul.u32 $0x28, v62  }
0xa0: {  	v3 =	vand.u32 $0x7, v3  }
0xa1: {  	v3 =	vor.u32 v3, v4  }
0xa2: {  	v4 =	vperm.xlane v3, v0;
	_ =	sdelay $0x1  }
0xa3: {  	v4 =	vadd.s32 v1, v4;
	_ =	sdelay $0x3  }
0xa4: {  	v3 =	vperm.xlane v3, v2  }
0xa5: {  	[tilespmem:s25], [sflag:$0x2] =	stream.indirect_vreg.gather [hbm4b:s3+s2], $0x80, v4, vm0, $0xb8;
	[tilespmem:$0x14100] =	vst v63  }
0xa6: {  	v3 =	vadd.s32 v1, v3  }
0xa7: {  	[tilespmem:s26], [sflag:$0x2] =	stream.indirect_vreg.gather [hbm4b:s5+s2], $0x80, v4, vm0, $0xb8;
	[tilespmem:$0x14100] =	vst v63  }
0xa8: {  	_ = 	snop  }
0xa9: {  	[tilespmem:s28], [sflag:$0x2] =	stream.indirect_vreg.gather [hbm4b:s6+s2], $0x80, v4, vm1, $0xb8;
	[tilespmem:$0x14100] =	vst v63  }
0xaa: {  	_ = 	snop  }
0xab: {  	[tilespmem:s29], [sflag:$0x2] =	stream.indirect_vreg.gather [hbm4b:s3+s2], $0x80, v3, vm0, $0xb8;
	[tilespmem:$0x14100] =	vst v63  }
0xac: {  	_ = 	snop  }
0xad: {  	[tilespmem:s30], [sflag:$0x2] =	stream.indirect_vreg.gather [hbm4b:s5+s2], $0x80, v3, vm0, $0xb8;
	[tilespmem:$0x14100] =	vst v63  }
0xae: {  	_ = 	snop  }
0xaf: {  	[tilespmem:s31], [sflag:$0x2] =	stream.indirect_vreg.gather [hbm4b:s6+s2], $0x80, v3, vm1, $0xb8;
	[tilespmem:$0x14100] =	vst v63  }
0xb0: {  	v3 =	vld [tilespmem:$0xB0];
	_ =	sdelay $0x4  }
0xb1: {  	v63 =	vshrl.u32 v3, $0x3  }
0xb2: {  	v4 =	vmul.u32 $0x28, v63  }
0xb3: {  	v3 =	vand.u32 $0x7, v3  }
0xb4: {  	v3 =	vor.u32 v3, v4  }
0xb5: {  	v4 =	vperm.xlane v3, v0;
	_ =	sdelay $0x1  }
0xb6: {  	v4 =	vadd.s32 v1, v4;
	_ =	sdelay $0x3  }
0xb7: {  	v3 =	vperm.xlane v3, v2  }
0xb8: {  	[tilespmem:s1], [sflag:$0x2] =	stream.indirect_vreg.gather [hbm4b:s3+s2], $0x80, v4, vm0, $0xb8;
	[tilespmem:$0x14100] =	vst v63  }
0xb9: {  	v3 =	vadd.s32 v1, v3  }
0xba: {  	[tilespmem:s0], [sflag:$0x2] =	stream.indirect_vreg.gather [hbm4b:s5+s2], $0x80, v4, vm0, $0xb8;
	[tilespmem:$0x14100] =	vst v63  }
0xbb: {  	_ = 	snop  }
0xbc: {  	[tilespmem:s7], [sflag:$0x2] =	stream.indirect_vreg.gather [hbm4b:s6+s2], $0x80, v4, vm1, $0xb8;
	[tilespmem:$0x14100] =	vst v63  }
0xbd: {  	_ = 	snop  }
0xbe: {  	[tilespmem:s9], [sflag:$0x2] =	stream.indirect_vreg.gather [hbm4b:s3+s2], $0x80, v3, vm0, $0xb8;
	[tilespmem:$0x14100] =	vst v63  }
0xbf: {  	_ = 	snop  }
0xc0: {  	[tilespmem:s4], [sflag:$0x2] =	stream.indirect_vreg.gather [hbm4b:s5+s2], $0x80, v3, vm0, $0xb8;
	[tilespmem:$0x14100] =	vst v63  }
0xc1: {  	_ = 	snop  }
0xc2: {  	[tilespmem:s10], [sflag:$0x2] =	stream.indirect_vreg.gather [hbm4b:s6+s2], $0x80, v3, vm1, $0xb8;
	[tilespmem:$0x14100] =	vst v63  }
0xc3: {  	_ =	swait.ge [sflag:s14], $0xA000  }
0xc4: {  	p0 =	seq.s32 s18, $0x7800;
	[sflag:s14] =	ssyncset.done $0x0  }
.Ltmp4:
0xc5: {  	s19 =	sadd.s32 s18, s8;
	[sflag:s14] =	ssyncadd.s32 $0xFFFF6000;
	(pc) =	sbr.rel @p0 .LBB2_4-.Ltmp4, $4  }
0xc6: {  	[hbm4b:s19+s2] =	stream.linear.scatter [tilespmem:s12], [sflag:$0x3], $0xA000, $0x38;
	[tilespmem:$0x14100] =	vst v63  }
0xc7: {  	_ =	swait.ge [sflag:s11], $0xA000  }
0xc8: {  	[sflag:s11] =	ssyncset.done $0x0  }
0xc9: {  	[sflag:s11] =	ssyncadd.s32 $0xFFFF6000  }
0xca: {  	[tilespmem:s2], [sflag:$0x3] =	stream.linear.gather [hbm4b:s16+s2], $0x40, $0x38;
	[tilespmem:$0x14100] =	vst v63  }
0xcb: {  	_ =	swait.ge [sflag:s11], $0x40  }
0xcc: {  	[sflag:s11] =	ssyncset.done $0x0  }
0xcd: {  	[sflag:s11] =	ssyncadd.s32 $0xFFFFFFC0  }
0xce: {  	v3 =	vld [tilespmem:$0x0];
	_ =	sdelay $0x4  }
0xcf: {  	v4 =	vshrl.u32 v3, $0x3  }
0xd0: {  	v4 =	vmul.u32 $0x28, v4  }
0xd1: {  	v3 =	vand.u32 $0x7, v3  }
0xd2: {  	v3 =	vor.u32 v3, v4  }
0xd3: {  	v4 =	vperm.xlane v3, v0;
	_ =	sdelay $0x1  }
0xd4: {  	v4 =	vadd.s32 v1, v4;
	_ =	sdelay $0x3  }
0xd5: {  	v3 =	vperm.xlane v3, v2  }
0xd6: {  	[tilespmem:s12], [sflag:$0x1] =	stream.indirect_vreg.gather [hbm4b:s3+s2], $0x80, v4, vm0, $0xb8;
	[tilespmem:$0x14100] =	vst v63  }
0xd7: {  	s20 =	simm.s32 $0x900;
	v3 =	vadd.s32 v1, v3  }
0xd8: {  	[tilespmem:s20], [sflag:$0x1] =	stream.indirect_vreg.gather [hbm4b:s5+s2], $0x80, v4, vm0, $0xb8;
	[tilespmem:$0x14100] =	vst v63  }
0xd9: {  	s20 =	simm.s32 $0x1100  }
0xda: {  	[tilespmem:s20], [sflag:$0x1] =	stream.indirect_vreg.gather [hbm4b:s6+s2], $0x80, v4, vm1, $0xb8;
	[tilespmem:$0x14100] =	vst v63  }
0xdb: {  	s20 =	simm.s32 $0x1500  }
0xdc: {  	[tilespmem:s20], [sflag:$0x1] =	stream.indirect_vreg.gather [hbm4b:s3+s2], $0x80, v3, vm0, $0xb8;
	[tilespmem:$0x14100] =	vst v63  }
0xdd: {  	s20 =	simm.s32 $0x1D00  }
0xde: {  	[tilespmem:s20], [sflag:$0x1] =	stream.indirect_vreg.gather [hbm4b:s5+s2], $0x80, v3, vm0, $0xb8;
	[tilespmem:$0x14100] =	vst v63  }
0xdf: {  	s20 =	simm.s32 $0x2500  }
0xe0: {  	[tilespmem:s20], [sflag:$0x1] =	stream.indirect_vreg.gather [hbm4b:s6+s2], $0x80, v3, vm1, $0xb8;
	[tilespmem:$0x14100] =	vst v63  }
0xe1: {  	v3 =	vld [tilespmem:$0x10];
	_ =	sdelay $0x4  }
0xe2: {  	v61 =	vshrl.u32 v3, $0x3  }
0xe3: {  	v4 =	vmul.u32 $0x28, v61  }
0xe4: {  	v3 =	vand.u32 $0x7, v3  }
0xe5: {  	v3 =	vor.u32 v3, v4  }
0xe6: {  	v4 =	vperm.xlane v3, v0;
	_ =	sdelay $0x1  }
0xe7: {  	v4 =	vadd.s32 v1, v4;
	_ =	sdelay $0x3  }
0xe8: {  	s20 =	simm.s32 $0x2900;
	v3 =	vperm.xlane v3, v2  }
0xe9: {  	[tilespmem:s20], [sflag:$0x1] =	stream.indirect_vreg.gather [hbm4b:s3+s2], $0x80, v4, vm0, $0xb8;
	[tilespmem:$0x14100] =	vst v63  }
0xea: {  	v3 =	vadd.s32 v1, v3;
	s20 =	simm.s32 $0x3100  }
0xeb: {  	[tilespmem:s20], [sflag:$0x1] =	stream.indirect_vreg.gather [hbm4b:s5+s2], $0x80, v4, vm0, $0xb8;
	[tilespmem:$0x14100] =	vst v63  }
0xec: {  	s20 =	simm.s32 $0x3900  }
0xed: {  	[tilespmem:s20], [sflag:$0x1] =	stream.indirect_vreg.gather [hbm4b:s6+s2], $0x80, v4, vm1, $0xb8;
	[tilespmem:$0x14100] =	vst v63  }
0xee: {  	s20 =	simm.s32 $0x3D00  }
0xef: {  	[tilespmem:s20], [sflag:$0x1] =	stream.indirect_vreg.gather [hbm4b:s3+s2], $0x80, v3, vm0, $0xb8;
	[tilespmem:$0x14100] =	vst v63  }
0xf0: {  	s20 =	simm.s32 $0x4500  }
0xf1: {  	[tilespmem:s20], [sflag:$0x1] =	stream.indirect_vreg.gather [hbm4b:s5+s2], $0x80, v3, vm0, $0xb8;
	[tilespmem:$0x14100] =	vst v63  }
0xf2: {  	s20 =	simm.s32 $0x4D00  }
0xf3: {  	[tilespmem:s20], [sflag:$0x1] =	stream.indirect_vreg.gather [hbm4b:s6+s2], $0x80, v3, vm1, $0xb8;
	[tilespmem:$0x14100] =	vst v63  }
0xf4: {  	v3 =	vld [tilespmem:$0x20];
	_ =	sdelay $0x4  }
0xf5: {  	v62 =	vshrl.u32 v3, $0x3  }
0xf6: {  	v4 =	vmul.u32 $0x28, v62  }
0xf7: {  	v3 =	vand.u32 $0x7, v3  }
0xf8: {  	v3 =	vor.u32 v3, v4  }
0xf9: {  	v4 =	vperm.xlane v3, v0;
	_ =	sdelay $0x1  }
0xfa: {  	v4 =	vadd.s32 v1, v4;
	_ =	sdelay $0x3  }
0xfb: {  	s20 =	simm.s32 $0x5100;
	v3 =	vperm.xlane v3, v2  }
0xfc: {  	[tilespmem:s20], [sflag:$0x1] =	stream.indirect_vreg.gather [hbm4b:s3+s2], $0x80, v4, vm0, $0xb8;
	[tilespmem:$0x14100] =	vst v63  }
0xfd: {  	v3 =	vadd.s32 v1, v3;
	s20 =	simm.s32 $0x5900  }
0xfe: {  	[tilespmem:s20], [sflag:$0x1] =	stream.indirect_vreg.gather [hbm4b:s5+s2], $0x80, v4, vm0, $0xb8;
	[tilespmem:$0x14100] =	vst v63  }
0xff: {  	s20 =	simm.s32 $0x6100  }
0x100: {  	[tilespmem:s20], [sflag:$0x1] =	stream.indirect_vreg.gather [hbm4b:s6+s2], $0x80, v4, vm1, $0xb8;
	[tilespmem:$0x14100] =	vst v63  }
0x101: {  	s20 =	simm.s32 $0x6500  }
0x102: {  	[tilespmem:s20], [sflag:$0x1] =	stream.indirect_vreg.gather [hbm4b:s3+s2], $0x80, v3, vm0, $0xb8;
	[tilespmem:$0x14100] =	vst v63  }
0x103: {  	s20 =	simm.s32 $0x6D00  }
0x104: {  	[tilespmem:s20], [sflag:$0x1] =	stream.indirect_vreg.gather [hbm4b:s5+s2], $0x80, v3, vm0, $0xb8;
	[tilespmem:$0x14100] =	vst v63  }
0x105: {  	s20 =	simm.s32 $0x7500  }
0x106: {  	[tilespmem:s20], [sflag:$0x1] =	stream.indirect_vreg.gather [hbm4b:s6+s2], $0x80, v3, vm1, $0xb8;
	[tilespmem:$0x14100] =	vst v63  }
0x107: {  	v3 =	vld [tilespmem:$0x30];
	_ =	sdelay $0x4  }
0x108: {  	v63 =	vshrl.u32 v3, $0x3  }
0x109: {  	v4 =	vmul.u32 $0x28, v63  }
0x10a: {  	v3 =	vand.u32 $0x7, v3  }
0x10b: {  	v3 =	vor.u32 v3, v4  }
0x10c: {  	v4 =	vperm.xlane v3, v0;
	_ =	sdelay $0x1  }
0x10d: {  	v4 =	vadd.s32 v1, v4;
	_ =	sdelay $0x3  }
0x10e: {  	s20 =	simm.s32 $0x7900;
	v3 =	vperm.xlane v3, v2  }
0x10f: {  	[tilespmem:s20], [sflag:$0x1] =	stream.indirect_vreg.gather [hbm4b:s3+s2], $0x80, v4, vm0, $0xb8;
	[tilespmem:$0x14100] =	vst v63  }
0x110: {  	v3 =	vadd.s32 v1, v3;
	s20 =	simm.s32 $0x8100  }
0x111: {  	[tilespmem:s20], [sflag:$0x1] =	stream.indirect_vreg.gather [hbm4b:s5+s2], $0x80, v4, vm0, $0xb8;
	[tilespmem:$0x14100] =	vst v63  }
0x112: {  	s20 =	simm.s32 $0x8900  }
0x113: {  	[tilespmem:s20], [sflag:$0x1] =	stream.indirect_vreg.gather [hbm4b:s6+s2], $0x80, v4, vm1, $0xb8;
	[tilespmem:$0x14100] =	vst v63  }
0x114: {  	s20 =	simm.s32 $0x8D00  }
0x115: {  	[tilespmem:s20], [sflag:$0x1] =	stream.indirect_vreg.gather [hbm4b:s3+s2], $0x80, v3, vm0, $0xb8;
	[tilespmem:$0x14100] =	vst v63  }
.Ltmp5:
0x116: {  	s20 =	simm.s32 $0x9500;
	(pc) =	sbr.rel .LBB2_4-.Ltmp5, $4  }
0x117: {  	[tilespmem:s20], [sflag:$0x1] =	stream.indirect_vreg.gather [hbm4b:s5+s2], $0x80, v3, vm0, $0xb8;
	[tilespmem:$0x14100] =	vst v63  }
0x118: {  	s20 =	simm.s32 $0x9D00  }
0x119: {  	[tilespmem:s20], [sflag:$0x1] =	stream.indirect_vreg.gather [hbm4b:s6+s2], $0x80, v3, vm1, $0xb8;
	[tilespmem:$0x14100] =	vst v63  }
0x11a: {  	s20 =	simm.s32 $0x80  }
.LBB2_6:
0x11b: {  	_ =	sfence.sel $0x180000  }
0x11c: {  	[bflag:$0x0] =	sbarrier.arrive $0xFFFF  }
0x11d: {  	_ =	strace $0x9000004D  }
0x11e: {  	s0 =	stileid.u32;
	[bflag:$0x2] =	sbarrier.arrive $0xFFFF  }
0x11f: {  	p0 =	sne.s32 s0, $0x0;
	s0 =	rddreg [dreg:$0x1]  }
0x120: {  	s0 =	sadd.s32 @!p0 $0x100000, s0  }
0x121: {  	[sflag:s0] =	ssyncadd.tile.s32 @!p0 $0x1;
	_ =	shalt  }
.Lfunc_end2:
_tile_overlayer_lowered:
.L_overlay_start_2:
0x122: {  	(tag) =	ssettag $0x2  }
0x123: {  	s0 =	rddreg [dreg:$0x0];
	s2 =	stileid.u32  }
0x124: {  	s1 =	rddreg [dreg:$0x1];
	p0 =	sne.s32 s2, $0x0  }
0x125: {  	s3 =	rddreg [dreg:$0x2];
	[bflag:$0x3] =	sbarrier.arrive $0xFFFF;
	s2 =	simm.s32 @!p0 $0x1C03  }
0x126: {  	[timem:s3], [sflag:s2] =	dma.local @!p0 [hbm:s0], s1  }
0x127: {  	s0 =	simm.s32 @!p0 $0x3  }
0x128: {  	_ =	swait.ge @!p0 [sflag:s0], s1  }
0x129: {  	s1 =	ssub.s32 @!p0 $0x0, s1;
	[sflag:s0] =	ssyncset.done @!p0 $0x0  }
0x12a: {  	[sflag:s0] =	ssyncadd.s32 @!p0 s1  }
0x12b: {  	[bflag:$0x3] =	sbarrier.arrive $0xFFFF  }
0x12c: {  	_ =	shalt  }

// kernel: kernel.22.cloned.1.call-start
scs
__scs_entry_jumppad:
0x0: {  	(pc) =	sbr.rel $0x88, $3  }
0x1: {  	(tag) =	ssettag $0x0;
	lr =	simm.s32 $0x1  }
0x2: {  	[smem:$0x3F91] =	sst lr;
	_ =	strace $0xD0000000  }
0x3: {  	_ = 	snop  }
0x4: {  	_ = 	snop  }
0x5: {  	_ = 	snop  }
0x6: {  	_ = 	snop  }
0x7: {  	_ = 	snop  }
__scs_overlays_trampoline_lowered:
0x8: {  	[smem:$0x3FA0] =	sst s0  }
0x9: {  	[smem:$0x3FA1] =	sst s1  }
0xa: {  	[smem:$0x3FA2] =	sst s2  }
0xb: {  	[smem:$0x3FA3] =	sst s3  }
0xc: {  	[smem:$0x3FA4] =	sst s4  }
0xd: {  	[smem:$0x3FA5] =	sst s5  }
0xe: {  	[smem:$0x3FA6] =	sst s6  }
0xf: {  	[smem:$0x3FA7] =	sst s7  }
0x10: {  	[smem:$0x3FA8] =	sst s8  }
0x11: {  	[smem:$0x3FA9] =	sst s9;
	s0 =	simm.s32 @!p0 $0x0  }
0x12: {  	s1 =	sld [smem:$0x3F8F];
	s0 =	simm.s32 @p0 $0x1  }
0x13: {  	[smem:$0x3FAA] =	sst s0;
	s0 =	simm.s32 @!p1 $0x0  }
0x14: {  	s2 =	sld [smem:$0x3F8E];
	s0 =	simm.s32 @p1 $0x1  }
0x15: {  	[smem:$0x3FAB] =	sst s0;
	s0 =	simm.s32 @!p2 $0x0  }
0x16: {  	s3 =	sld [smem:$0x3FDB];
	s0 =	simm.s32 @p2 $0x1  }
0x17: {  	s4 =	simm.s32 $0x1BF5;
	[smem:$0x3FAD] =	sst s0  }
0x18: {  	s0 =	sld [smem:$0x3F90];
	_ =	swait.ge [sflag:s4], $0x0  }
0x19: {  	s7 =	sld [smem:$0x3F91]  }
0x1a: {  	s8 =	sadd.s32 $0xFFFFE003, lr  }
0x1b: {  	s9 =	sadd.s32 $0xFFFFFEF7, lr;
	s5 =	simm.s32 $0xFFFFFFFF;
	p2 =	slt.u32 s8, $0xFFFFF086  }
0x1c: {  	p1 =	slt.u32 s9, $0xF7A;
	s5 =	simm.s32 @!p2 $0x0  }
0x1d: {  	s5 =	simm.s32 @p1 $0x1;
	p0 =	seq.s32 s7, s2  }
0x1e: {  	s7 =	smul.u32 @!p0 $0xF7A, s2;
	p2 =	seq.s32 @!p0 s5, $0x0  }
0x1f: {  	s9 =	smul.u32 $0xF7A, s1;
	s8 =	simm.s32 @!p0 $0x1BF5;
	p2 =	por !p2, p0  }
0x20: {  	[sflag:s8] =	ssyncset.s32 @!p0 $0xFFFFF086;
	s6 =	sadd.s32 @!p0 s3, s7;
	s7 =	simm.s32 @!p0 $0x108  }
0x21: {  	s3 =	sadd.s32 s3, s9;
	s6 =	sadd.s32 @!p0 $0x88, s6;
	s7 =	simm.s32 @p2 $0x1082  }
0x22: {  	[simem:s7], [sflag:s8] =	dma.local @!p0 [hbm:s6], $0xF7A  }
0x23: {  	s9 =	sor.u32 $0xD0000000, s2;
	s6 =	simm.s32 $0x108;
	_ =	swait.ge @!p0 [sflag:s8], $0x0  }
0x24: {  	s3 =	sadd.s32 $0x88, s3;
	s6 =	simm.s32 @!p1 $0x1082;
	[sflag:s4] =	ssyncset.s32 $0xFFFFF086  }
0x25: {  	[simem:s6], [sflag:s4] =	dma.local [hbm:s3], $0xF7A  }
0x26: {  	[smem:$0x3F91] =	sst s1;
	(tag) =	ssettag s2;
	_ =	strace s9  }
0x27: {  	s1 =	sld [smem:$0x3FA1]  }
0x28: {  	s2 =	sld [smem:$0x3FA2]  }
0x29: {  	s4 =	sld [smem:$0x3FA4]  }
0x2a: {  	p0 =	seq.s32 s5, $0x0;
	s5 =	sld [smem:$0x3FA5]  }
0x2b: {  	s6 =	sld [smem:$0x3FA6]  }
0x2c: {  	s7 =	sld [smem:$0x3FA7]  }
0x2d: {  	s3 =	simm.s32 $0x108;
	s8 =	sld [smem:$0x3FA8]  }
0x2e: {  	s3 =	simm.s32 @!p0 $0x1082;
	s9 =	sld [smem:$0x3FA9]  }
0x2f: {  	lr =	sadd.s32 s0, s3;
	s0 =	sld [smem:$0x3FA0]  }
0x30: {  	s3 =	sld [smem:$0x3FA3]  }
0x31: {  	[smem:$0x3FAC] =	sst s10  }
0x32: {  	s10 =	sld [smem:$0x3FAA];
	_ =	sdelay $0x3  }
0x33: {  	p0 =	seq.s32 s10, $0x1;
	s10 =	sld [smem:$0x3FAC];
	_ =	sdelay $0x3  }
0x34: {  	[smem:$0x3FAC] =	sst s10  }
0x35: {  	s10 =	sld [smem:$0x3FAB];
	_ =	sdelay $0x3  }
0x36: {  	p1 =	seq.s32 s10, $0x1;
	s10 =	sld [smem:$0x3FAC];
	_ =	sdelay $0x3  }
0x37: {  	[smem:$0x3FAC] =	sst s10  }
0x38: {  	s10 =	sld [smem:$0x3FAD]  }
0x39: {  	_ = 	snop;
	(pc) =	sbr.ind lr, $3  }
0x3a: {  	_ = 	snop  }
0x3b: {  	_ = 	snop  }
0x3c: {  	p2 =	seq.s32 s10, $0x1;
	s10 =	sld [smem:$0x3FAC]  }
0x3d: {  	_ =	shalt  }
0x3e: {  	_ =	shalt  }
0x3f: {  	_ =	shalt  }
0x40: {  	_ =	shalt  }
0x41: {  	_ =	shalt  }
0x42: {  	_ =	shalt  }
0x43: {  	_ =	shalt  }
0x44: {  	_ =	shalt  }
0x45: {  	_ =	shalt  }
0x46: {  	_ =	shalt  }
0x47: {  	_ =	shalt  }
0x48: {  	_ =	shalt  }
0x49: {  	_ =	shalt  }
0x4a: {  	_ =	shalt  }
0x4b: {  	_ =	shalt  }
0x4c: {  	_ =	shalt  }
0x4d: {  	_ =	shalt  }
0x4e: {  	_ =	shalt  }
0x4f: {  	_ =	shalt  }
0x50: {  	_ =	shalt  }
0x51: {  	_ =	shalt  }
0x52: {  	_ =	shalt  }
0x53: {  	_ =	shalt  }
0x54: {  	_ =	shalt  }
0x55: {  	_ =	shalt  }
0x56: {  	_ =	shalt  }
0x57: {  	_ =	shalt  }
0x58: {  	_ =	shalt  }
0x59: {  	_ =	shalt  }
0x5a: {  	_ =	shalt  }
0x5b: {  	_ =	shalt  }
0x5c: {  	_ =	shalt  }
0x5d: {  	_ =	shalt  }
0x5e: {  	_ =	shalt  }
0x5f: {  	_ =	shalt  }
0x60: {  	_ =	shalt  }
0x61: {  	_ =	shalt  }
0x62: {  	_ =	shalt  }
0x63: {  	_ =	shalt  }
0x64: {  	_ =	shalt  }
0x65: {  	_ =	shalt  }
0x66: {  	_ =	shalt  }
0x67: {  	_ =	shalt  }
0x68: {  	_ =	shalt  }
0x69: {  	_ =	shalt  }
0x6a: {  	_ =	shalt  }
0x6b: {  	_ =	shalt  }
0x6c: {  	_ =	shalt  }
0x6d: {  	_ =	shalt  }
0x6e: {  	_ =	shalt  }
0x6f: {  	_ =	shalt  }
0x70: {  	_ =	shalt  }
0x71: {  	_ =	shalt  }
0x72: {  	_ =	shalt  }
0x73: {  	_ =	shalt  }
0x74: {  	_ =	shalt  }
0x75: {  	_ =	shalt  }
0x76: {  	_ =	shalt  }
0x77: {  	_ =	shalt  }
0x78: {  	_ =	shalt  }
0x79: {  	_ =	shalt  }
0x7a: {  	_ =	shalt  }
0x7b: {  	_ =	shalt  }
0x7c: {  	_ =	shalt  }
0x7d: {  	_ =	shalt  }
0x7e: {  	_ =	shalt  }
0x7f: {  	_ =	shalt  }
0x80: {  	_ =	shalt  }
0x81: {  	_ =	shalt  }
0x82: {  	_ =	shalt  }
0x83: {  	_ =	shalt  }
0x84: {  	_ =	shalt  }
0x85: {  	_ =	shalt  }
0x86: {  	_ =	shalt  }
0x87: {  	_ =	shalt  }
.Lfunc_end0:
.L_simem_size_0:
called_computation.2_lowered:
.L_overlay_start_0:
0x88: {  	s2 =	sld [smem:$0x3FD9]  }
0x89: {  	s3 =	sld [smem:$0x3FFE];
	_ =	sdelay $0x1  }
0x8a: {  	s1 =	srdreg.scid  }
0x8b: {  	s0 =	sand.u32 $0x1, s1  }
0x8c: {  	s17 =	sshll.u32 s0, $0xA;
	s2 =	sadd.s32 s3, s2  }
0x8d: {  	s2 =	sadd.s32 s2, s17  }
0x8e: {  	[smem:$0x3FB8] =	sst s2  }
0x8f: {  	_ = 	snop  }
0x90: {  	(tm) =	ssettm $0x1  }
0x91: {  	s18 =	sld [smem:$0x3FFB];
	_ =	sdelay $0x3  }
0x92: {  	_ =	strace s18  }
0x93: {  	s2 =	sld [smem:$0x3FFC];
	_ =	sdelay $0x3  }
0x94: {  	_ =	strace s2  }
0x95: {  	s2 =	sld [smem:$0x3FFD];
	_ =	sdelay $0x3  }
0x96: {  	_ =	strace s2  }
0x97: {  	_ =	strace $0x8FFFFFFF  }
0x98: {  	s19 =	sld [smem:$0x3FDB];
	_ =	sdelay $0x1  }
0x99: {  	s20 =	simm.s32 $_scs_section_size  }
0x9a: {  	s4 =	simm.s32 $_size__tile_overlayer_lowered;
	s5 =	simm.s32 $_tile_overlayer_lowered  }
0x9b: {  	s6 =	simm.s32 $0x1BFF;
	s21 =	sshll.u32 s5, $0x1;
	s3 =	sadd.s32 s20, s19  }
0x9c: {  	s22 =	simm.s32 $0x0;
	s4 =	sshll.u32 s4, $0x1;
	s5 =	sadd.s32 s21, s3  }
0x9d: {  	[timem:s22], [sflag:s6] =	dma.local [hbm:s5], s4  }
0x9e: {  	_ =	swait.ge [sflag:s6], s4  }
0x9f: {  	s4 =	ssub.s32 $0x0, s4;
	[sflag:s6] =	ssyncset.done $0x0  }
0xa0: {  	[sflag:s6] =	ssyncadd.s32 s4;
	_ =	sdelay $0x1  }
0xa1: {  	s23 =	simm.s32 $0x1B8B  }
0xa2: {  	_ =	swait.ge [sflag:s23], $0x1  }
0xa3: {  	[sflag:s23] =	ssyncset.done $0x0  }
0xa4: {  	[sflag:s23] =	ssyncadd.s32 $0xFFFFFFFF  }
0xa5: {  	s4 =	sld [smem:$0x0]  }
0xa6: {  	s5 =	sand.u32 $0xFFFFFFFE, s1  }
0xa7: {  	p0 =	sne.s32 s1, s5  }
0xa8: {  	s5 =	sshll.u32 @p0 s5, $0xE  }
0xa9: {  	s5 =	sadd.s32 @p0 $0x11B8D, s5;
	s6 =	sshll.u32 @p0 s4, $0x11  }
0xaa: {  	s5 =	sor.u32 @p0 s6, s5  }
0xab: {  	[sflag:s5] =	ssyncadd.remote.s32 @p0 $0x1;
	_ =	sdelay $0x1  }
0xac: {  	s5 =	simm.s32 @p0 $0x1B8D  }
0xad: {  	_ =	swait.eq @p0 [sflag:s5], $0x1  }
0xae: {  	[sflag:s5] =	ssyncadd.s32 @p0 $0xFFFFFFFF  }
0xaf: {  	s6 =	sshll.u32 @!p0 s1, $0xE  }
0xb0: {  	s6 =	sor.u32 @!p0 $0x4000, s6;
	s5 =	simm.s32 @!p0 $0x1B8D  }
0xb1: {  	s4 =	sshll.u32 @!p0 s4, $0x11;
	s6 =	sadd.s32 @!p0 $0x11B8D, s6;
	_ =	swait.eq @!p0 [sflag:s5], $0x1  }
0xb2: {  	s4 =	sor.u32 @!p0 s4, s6;
	[sflag:s5] =	ssyncadd.s32 @!p0 $0xFFFFFFFF  }
0xb3: {  	s25 =	simm.s32 $0x1B8E;
	s24 =	sld [smem:$0x3FFE];
	[sflag:s4] =	ssyncadd.remote.s32 @!p0 $0x1  }
0xb4: {  	s26 =	simm.s32 $execute0_lowered;
	[smem:$0x3FD2] =	sst s25  }
0xb5: {  	s5 =	sshll.u32 s26, $0x1;
	_ =	strace $0x80000049;
	[dreg:$0x1] =	wrdreg $0xFFFFFFFF  }
0xb6: {  	s28 =	simm.s32 $_size_execute0_lowered;
	s3 =	sadd.s32 s3, s5;
	[dreg:$0x0] =	wrdreg $0x0  }
0xb7: {  	s5 =	sshll.u32 s28, $0x1;
	[dreg:$0x2] =	wrdreg s3  }
0xb8: {  	[dreg:$0x3] =	wrdreg s5  }
0xb9: {  	[dreg:$0x4] =	wrdreg $0xC0  }
0xba: {  	_ =	task [dreg:s22], $0x5FFFF  }
0xbb: {  	[dreg:$0x1] =	wrdreg $0xFFFFFFFF  }
0xbc: {  	[dreg:$0x0] =	wrdreg $0x60  }
0xbd: {  	[dreg:$0x2] =	wrdreg s24  }
0xbe: {  	[dreg:$0x3] =	wrdreg $0xB  }
0xbf: {  	_ =	task.clear_ibuf [dreg:s22], $0x4FFFF;
	_ =	strace $0x90000049  }
0xc0: {  	s29 =	simm.s32 $0xB;
	_ =	strace $0x8000004B  }
0xc1: {  	_ =	swait.ge [sflag:s29], $0x1  }
0xc2: {  	[sflag:s29] =	ssyncadd.s32 $0xFFFFFFFF  }
0xc3: {  	_ =	strace $0x9000004B  }
0xc4: {  	_ =	sfence  }
0xc5: {  	s30 =	sld [smem:$0x0];
	_ =	sdelay $0x2  }
0xc6: {  	s31 =	sshll.u32 s1, $0xD;
	s1 =	sshrl.u32 s1, $0x2  }
0xc7: {  	s4 =	sand.u32 $0x4000, s31;
	s1 =	sadd.s32 s1, s30  }
0xc8: {  	s0 =	sor.u32 s4, s0;
	s1 =	sshll.u32 s1, $0x11  }
0xc9: {  	s0 =	sor.u32 s1, s0  }
0xca: {  	s0 =	sadd.s32 $0x8F2B, s0  }
0xcb: {  	[sflag:s0] =	ssyncadd.remote.s32 $0x1  }
0xcc: {  	_ =	sfence.sel $0xFFFF  }
0xcd: {  	[dreg:$0x0] =	wrdreg $0xFFFFFFFF;
	(pc) =	sbr.abs _section_cstart, $3  }
0xce: {  	[dreg:$0x1] =	wrdreg $0xFFFFFFFF  }
0xcf: {  	_ =	task.clear_ibuf [dreg:s22], $0x2FFFF;
	_ =	strace $0x9FFFFFFF  }
0xd0: {  	(tm) =	ssettm $0x7FFFFFFF  }
0xd1: {  	_ =	shalt  }
tec
execute0_lowered:
.L_overlay_start_1:
0x0: {  	(tag) =	ssettag $0x1  }
0x1: {  	s0 =	srdreg.scid  }
0x2: {  	s1 =	stileid.u32;
	s4 =	rddreg [dreg:$0x0];
	s11 =	simm.s32 $0x3  }
0x3: {  	s12 =	simm.s32 $0x100;
	s20 =	simm.s32 $0x80;
	s13 =	simm.s32 $0xA100  }
0x4: {  	s21 =	simm.s32 $0xD900;
	s22 =	simm.s32 $0xDD00;
	s23 =	simm.s32 $0xE500  }
0x5: {  	s28 =	simm.s32 $0x10100;
	s29 =	simm.s32 $0x10500;
	s30 =	simm.s32 $0x10D00  }
0x6: {  	s31 =	simm.s32 $0x11500;
	s10 =	simm.s32 $0x13D00;
	s14 =	simm.s32 $0x1  }
0x7: {  	s15 =	simm.s32 $0x2;
	s17 =	simm.s32 $0x0;
	s0 =	sand.u32 $0x1, s0  }
0x8: {  	s1 =	sshll.u32 s1, $0xA;
	s3 =	sadd.s32 $0x3AC00, s4;
	s2 =	sshll.u32 s0, $0x9  }
0x9: {  	s7 =	sadd.s32 $0x25AC00, s4;
	s0 =	ssub.s32 $0x2, s0;
	s1 =	sor.u32 s2, s1  }
0xa: {  	s2 =	simm.s32 $0x0;
	s24 =	sshrl.u32 s0, $0x1;
	s5 =	sshrl.u32 s1, $0x3  }
0xb: {  	[smem:$0x7FF] =	sst s2;
	s0 =	ssub.s32 s0, s24;
	s25 =	sor.u32 $0x80, s1  }
0xc: {  	s24 =	simm.s32 $0xED00;
	s1 =	simm.s32 $0x11900;
	s0 =	smax.u32 s0, $0x1  }
0xd: {  	_ =	strace $0x8000004A;
	s9 =	sadd.s32 s5, s7;
	[dreg:$0x3] =	wrdreg s0  }
0xe: {  	s6 =	smul.u32 $0x280, s5;
	s5 =	sadd.s32 $0x3AD00, s4;
	[dreg:$0x2] =	wrdreg s9  }
.Ltmp0:
0xf: {  	s26 =	sadd.s32 $0x8, s9;
	s0 =	sshrl.u32 s25, $0x3;
	(pc) =	sbr.rel .LBB2_1-.Ltmp0, $4  }
0x10: {  	s25 =	simm.s32 $0xF100;
	s9 =	simm.s32 $0x12D00;
	s8 =	sadd.s32 s6, s4  }
0x11: {  	v2 =	vlaneseq.u32;
	s6 =	sadd.s32 $0x3AE00, s4;
	[dreg:$0x4] =	wrdreg s26;
	s0 =	sadd.s32 s0, s7  }
0x12: {  	vm0 =	vmmov $0xffff;
	vm1 =	vmmov $0xff;
	v1 =	vshrl.u32 v2, $0x3;
	s26 =	simm.s32 $0xF900;
	s7 =	simm.s32 $0x12900;
	s4 =	simm.s32 $0x13500  }
0x13: {  	v0 =	vand.u32 $0x7, v2;
	v2 =	vor.u32 $0x8, v2;
	v1 =	vmul.u32 $0x8, v1;
	s8 =	sadd.s32 $0x25B400, s8;
	[dreg:$0x5] =	wrdreg s0;
	s0 =	simm.s32 $0x12100  }
.LBB2_5:
0x14: {  	s17 =	rddreg [dreg:$0x6]  }
0x15: {  	s16 =	rddreg [dreg:$0x3];
	s17 =	sadd.s32 $0x1, s17  }
0x16: {  	p0 =	sne.s32 s17, s16  }
.Ltmp1:
0x17: {  	_ = 	snop;
	(pc) =	sbr.rel @!p0 .LBB2_6-.Ltmp1, $1  }
0x18: {  	_ =	sdelay $0x3  }
.LBB2_1:
0x19: {  	[dreg:$0x6] =	wrdreg s17  }
0x1a: {  	s16 =	rddreg [dreg:$0x2]  }
0x1b: {  	[tilespmem:s2], [sflag:$0x3] =	stream.linear.gather [hbm4b:s16+s2], $0x40, $0x38;
	[tilespmem:$0x14100] =	vst v63  }
0x1c: {  	_ =	swait.ge [sflag:s11], $0x40  }
0x1d: {  	[sflag:s11] =	ssyncset.done $0x0  }
0x1e: {  	[sflag:s11] =	ssyncadd.s32 $0xFFFFFFC0  }
0x1f: {  	v3 =	vld [tilespmem:$0x0];
	_ =	sdelay $0x4  }
0x20: {  	v4 =	vshrl.u32 v3, $0x3  }
0x21: {  	v4 =	vmul.u32 $0x28, v4  }
0x22: {  	v3 =	vand.u32 $0x7, v3  }
0x23: {  	v3 =	vor.u32 v3, v4  }
0x24: {  	v4 =	vperm.xlane v3, v0;
	_ =	sdelay $0x1  }
0x25: {  	v4 =	vadd.s32 v1, v4;
	_ =	sdelay $0x3  }
0x26: {  	v3 =	vperm.xlane v3, v2  }
0x27: {  	[tilespmem:s12], [sflag:$0x1] =	stream.indirect_vreg.gather [hbm4b:s3+s2], $0x80, v4, vm0, $0xb8;
	[tilespmem:$0x14100] =	vst v63  }
0x28: {  	s18 =	simm.s32 $0x900;
	v3 =	vadd.s32 v1, v3  }
0x29: {  	[tilespmem:s18], [sflag:$0x1] =	stream.indirect_vreg.gather [hbm4b:s5+s2], $0x80, v4, vm0, $0xb8;
	[tilespmem:$0x14100] =	vst v63  }
0x2a: {  	s19 =	simm.s32 $0x1100  }
0x2b: {  	[tilespmem:s19], [sflag:$0x1] =	stream.indirect_vreg.gather [hbm4b:s6+s2], $0x80, v4, vm1, $0xb8;
	[tilespmem:$0x14100] =	vst v63  }
0x2c: {  	s17 =	simm.s32 $0x1500  }
0x2d: {  	[tilespmem:s17], [sflag:$0x1] =	stream.indirect_vreg.gather [hbm4b:s3+s2], $0x80, v3, vm0, $0xb8;
	[tilespmem:$0x14100] =	vst v63  }
0x2e: {  	s18 =	simm.s32 $0x1D00  }
0x2f: {  	[tilespmem:s18], [sflag:$0x1] =	stream.indirect_vreg.gather [hbm4b:s5+s2], $0x80, v3, vm0, $0xb8;
	[tilespmem:$0x14100] =	vst v63  }
0x30: {  	s19 =	simm.s32 $0x2500  }
0x31: {  	[tilespmem:s19], [sflag:$0x1] =	stream.indirect_vreg.gather [hbm4b:s6+s2], $0x80, v3, vm1, $0xb8;
	[tilespmem:$0x14100] =	vst v63  }
0x32: {  	v3 =	vld [tilespmem:$0x10];
	_ =	sdelay $0x4  }
0x33: {  	v61 =	vshrl.u32 v3, $0x3  }
0x34: {  	v4 =	vmul.u32 $0x28, v61  }
0x35: {  	v3 =	vand.u32 $0x7, v3  }
0x36: {  	v3 =	vor.u32 v3, v4  }
0x37: {  	v4 =	vperm.xlane v3, v0;
	_ =	sdelay $0x1  }
0x38: {  	v4 =	vadd.s32 v1, v4;
	_ =	sdelay $0x3  }
0x39: {  	s17 =	simm.s32 $0x2900;
	v3 =	vperm.xlane v3, v2  }
0x3a: {  	[tilespmem:s17], [sflag:$0x1] =	stream.indirect_vreg.gather [hbm4b:s3+s2], $0x80, v4, vm0, $0xb8;
	[tilespmem:$0x14100] =	vst v63  }
0x3b: {  	s18 =	simm.s32 $0x3100;
	v3 =	vadd.s32 v1, v3  }
0x3c: {  	[tilespmem:s18], [sflag:$0x1] =	stream.indirect_vreg.gather [hbm4b:s5+s2], $0x80, v4, vm0, $0xb8;
	[tilespmem:$0x14100] =	vst v63  }
0x3d: {  	s19 =	simm.s32 $0x3900  }
0x3e: {  	[tilespmem:s19], [sflag:$0x1] =	stream.indirect_vreg.gather [hbm4b:s6+s2], $0x80, v4, vm1, $0xb8;
	[tilespmem:$0x14100] =	vst v63  }
0x3f: {  	s17 =	simm.s32 $0x3D00  }
0x40: {  	[tilespmem:s17], [sflag:$0x1] =	stream.indirect_vreg.gather [hbm4b:s3+s2], $0x80, v3, vm0, $0xb8;
	[tilespmem:$0x14100] =	vst v63  }
0x41: {  	s18 =	simm.s32 $0x4500  }
0x42: {  	[tilespmem:s18], [sflag:$0x1] =	stream.indirect_vreg.gather [hbm4b:s5+s2], $0x80, v3, vm0, $0xb8;
	[tilespmem:$0x14100] =	vst v63  }
0x43: {  	s19 =	simm.s32 $0x4D00  }
0x44: {  	[tilespmem:s19], [sflag:$0x1] =	stream.indirect_vreg.gather [hbm4b:s6+s2], $0x80, v3, vm1, $0xb8;
	[tilespmem:$0x14100] =	vst v63  }
0x45: {  	v3 =	vld [tilespmem:$0x20];
	_ =	sdelay $0x4  }
0x46: {  	v62 =	vshrl.u32 v3, $0x3  }
0x47: {  	v4 =	vmul.u32 $0x28, v62  }
0x48: {  	v3 =	vand.u32 $0x7, v3  }
0x49: {  	v3 =	vor.u32 v3, v4  }
0x4a: {  	v4 =	vperm.xlane v3, v0;
	_ =	sdelay $0x1  }
0x4b: {  	v4 =	vadd.s32 v1, v4;
	_ =	sdelay $0x3  }
0x4c: {  	s17 =	simm.s32 $0x5100;
	v3 =	vperm.xlane v3, v2  }
0x4d: {  	[tilespmem:s17], [sflag:$0x1] =	stream.indirect_vreg.gather [hbm4b:s3+s2], $0x80, v4, vm0, $0xb8;
	[tilespmem:$0x14100] =	vst v63  }
0x4e: {  	s18 =	simm.s32 $0x5900;
	v3 =	vadd.s32 v1, v3  }
0x4f: {  	[tilespmem:s18], [sflag:$0x1] =	stream.indirect_vreg.gather [hbm4b:s5+s2], $0x80, v4, vm0, $0xb8;
	[tilespmem:$0x14100] =	vst v63  }
0x50: {  	s19 =	simm.s32 $0x6100  }
0x51: {  	[tilespmem:s19], [sflag:$0x1] =	stream.indirect_vreg.gather [hbm4b:s6+s2], $0x80, v4, vm1, $0xb8;
	[tilespmem:$0x14100] =	vst v63  }
0x52: {  	s17 =	simm.s32 $0x6500  }
0x53: {  	[tilespmem:s17], [sflag:$0x1] =	stream.indirect_vreg.gather [hbm4b:s3+s2], $0x80, v3, vm0, $0xb8;
	[tilespmem:$0x14100] =	vst v63  }
0x54: {  	s18 =	simm.s32 $0x6D00  }
0x55: {  	[tilespmem:s18], [sflag:$0x1] =	stream.indirect_vreg.gather [hbm4b:s5+s2], $0x80, v3, vm0, $0xb8;
	[tilespmem:$0x14100] =	vst v63  }
0x56: {  	s19 =	simm.s32 $0x7500  }
0x57: {  	[tilespmem:s19], [sflag:$0x1] =	stream.indirect_vreg.gather [hbm4b:s6+s2], $0x80, v3, vm1, $0xb8;
	[tilespmem:$0x14100] =	vst v63  }
0x58: {  	v3 =	vld [tilespmem:$0x30];
	_ =	sdelay $0x4  }
0x59: {  	v63 =	vshrl.u32 v3, $0x3  }
0x5a: {  	v4 =	vmul.u32 $0x28, v63  }
0x5b: {  	v3 =	vand.u32 $0x7, v3  }
0x5c: {  	v3 =	vor.u32 v3, v4  }
0x5d: {  	v4 =	vperm.xlane v3, v0;
	_ =	sdelay $0x1  }
0x5e: {  	v4 =	vadd.s32 v1, v4;
	_ =	sdelay $0x3  }
0x5f: {  	s17 =	simm.s32 $0x7900;
	v3 =	vperm.xlane v3, v2  }
0x60: {  	[tilespmem:s17], [sflag:$0x1] =	stream.indirect_vreg.gather [hbm4b:s3+s2], $0x80, v4, vm0, $0xb8;
	[tilespmem:$0x14100] =	vst v63  }
0x61: {  	s18 =	simm.s32 $0x8100;
	v3 =	vadd.s32 v1, v3  }
0x62: {  	[tilespmem:s18], [sflag:$0x1] =	stream.indirect_vreg.gather [hbm4b:s5+s2], $0x80, v4, vm0, $0xb8;
	[tilespmem:$0x14100] =	vst v63  }
0x63: {  	s19 =	simm.s32 $0x8900  }
0x64: {  	[tilespmem:s19], [sflag:$0x1] =	stream.indirect_vreg.gather [hbm4b:s6+s2], $0x80, v4, vm1, $0xb8;
	[tilespmem:$0x14100] =	vst v63  }
0x65: {  	s17 =	simm.s32 $0x8D00  }
0x66: {  	[tilespmem:s17], [sflag:$0x1] =	stream.indirect_vreg.gather [hbm4b:s3+s2], $0x80, v3, vm0, $0xb8;
	[tilespmem:$0x14100] =	vst v63  }
.Ltmp2:
0x67: {  	_ = 	snop;
	(pc) =	sbr.rel .LBB2_2-.Ltmp2, $4  }
0x68: {  	s16 =	rddreg [dreg:$0x5];
	s18 =	simm.s32 $0x9500  }
0x69: {  	[tilespmem:s18], [sflag:$0x1] =	stream.indirect_vreg.gather [hbm4b:s5+s2], $0x80, v3, vm0, $0xb8;
	[tilespmem:$0x14100] =	vst v63  }
0x6a: {  	s19 =	simm.s32 $0x9D00;
	s17 =	rddreg [dreg:$0x4];
	s18 =	simm.s32 $0x0  }
0x6b: {  	[tilespmem:s19], [sflag:$0x1] =	stream.indirect_vreg.gather [hbm4b:s6+s2], $0x80, v3, vm1, $0xb8;
	[tilespmem:$0x14100] =	vst v63  }
.LBB2_4:
0x6c: {  	_ =	swait.ge [sflag:s15], $0xA000;
	s18 =	sadd.s32 $0x2800, s18  }
0x6d: {  	[sflag:s15] =	ssyncset.done $0x0;
	p0 =	sne.s32 s18, $0xA000  }
.Ltmp3:
0x6e: {  	s19 =	sadd.s32 $0x1400, s19;
	[sflag:s15] =	ssyncadd.s32 $0xFFFF6000;
	(pc) =	sbr.rel @!p0 .LBB2_5-.Ltmp3, $4  }
0x6f: {  	[hbm4b:s19+s2] =	stream.linear.scatter [tilespmem:s13], [sflag:$0x3], $0xA000, $0x38;
	[tilespmem:$0x14100] =	vst v63  }
0x70: {  	_ =	swait.ge [sflag:s11], $0xA000  }
0x71: {  	[sflag:s11] =	ssyncset.done $0x0  }
0x72: {  	s17 =	sadd.s32 $0x10, s17;
	s16 =	sadd.s32 $0x10, s16;
	[sflag:s11] =	ssyncadd.s32 $0xFFFF6000  }
.LBB2_2:
0x73: {  	[tilespmem:s20], [sflag:$0x3] =	stream.linear.gather [hbm4b:s17+s2], $0x40, $0x38;
	[tilespmem:$0x14100] =	vst v63  }
0x74: {  	_ =	swait.ge [sflag:s11], $0x40  }
0x75: {  	[sflag:s11] =	ssyncset.done $0x0  }
0x76: {  	[sflag:s11] =	ssyncadd.s32 $0xFFFFFFC0  }
0x77: {  	v3 =	vld [tilespmem:$0x80];
	_ =	sdelay $0x4  }
0x78: {  	v4 =	vshrl.u32 v3, $0x3  }
0x79: {  	v4 =	vmul.u32 $0x28, v4  }
0x7a: {  	v3 =	vand.u32 $0x7, v3  }
0x7b: {  	v3 =	vor.u32 v3, v4  }
0x7c: {  	v4 =	vperm.xlane v3, v0;
	_ =	sdelay $0x1  }
0x7d: {  	v4 =	vadd.s32 v1, v4;
	_ =	sdelay $0x3  }
0x7e: {  	v3 =	vperm.xlane v3, v2  }
0x7f: {  	[tilespmem:s13], [sflag:$0x2] =	stream.indirect_vreg.gather [hbm4b:s3+s2], $0x80, v4, vm0, $0xb8;
	[tilespmem:$0x14100] =	vst v63  }
0x80: {  	s19 =	simm.s32 $0xA900;
	v3 =	vadd.s32 v1, v3  }
0x81: {  	[tilespmem:s19], [sflag:$0x2] =	stream.indirect_vreg.gather [hbm4b:s5+s2], $0x80, v4, vm0, $0xb8;
	[tilespmem:$0x14100] =	vst v63  }
0x82: {  	s19 =	simm.s32 $0xB100  }
0x83: {  	[tilespmem:s19], [sflag:$0x2] =	stream.indirect_vreg.gather [hbm4b:s6+s2], $0x80, v4, vm1, $0xb8;
	[tilespmem:$0x14100] =	vst v63  }
0x84: {  	s19 =	simm.s32 $0xB500  }
0x85: {  	[tilespmem:s19], [sflag:$0x2] =	stream.indirect_vreg.gather [hbm4b:s3+s2], $0x80, v3, vm0, $0xb8;
	[tilespmem:$0x14100] =	vst v63  }
0x86: {  	s19 =	simm.s32 $0xBD00  }
0x87: {  	[tilespmem:s19], [sflag:$0x2] =	stream.indirect_vreg.gather [hbm4b:s5+s2], $0x80, v3, vm0, $0xb8;
	[tilespmem:$0x14100] =	vst v63  }
0x88: {  	s19 =	simm.s32 $0xC500  }
0x89: {  	[tilespmem:s19], [sflag:$0x2] =	stream.indirect_vreg.gather [hbm4b:s6+s2], $0x80, v3, vm1, $0xb8;
	[tilespmem:$0x14100] =	vst v63  }
0x8a: {  	v3 =	vld [tilespmem:$0x90];
	_ =	sdelay $0x4  }
0x8b: {  	v61 =	vshrl.u32 v3, $0x3  }
0x8c: {  	v4 =	vmul.u32 $0x28, v61  }
0x8d: {  	v3 =	vand.u32 $0x7, v3  }
0x8e: {  	v3 =	vor.u32 v3, v4  }
0x8f: {  	v4 =	vperm.xlane v3, v0;
	_ =	sdelay $0x1  }
0x90: {  	v4 =	vadd.s32 v1, v4;
	_ =	sdelay $0x3  }
0x91: {  	s19 =	simm.s32 $0xC900;
	v3 =	vperm.xlane v3, v2  }
0x92: {  	[tilespmem:s19], [sflag:$0x2] =	stream.indirect_vreg.gather [hbm4b:s3+s2], $0x80, v4, vm0, $0xb8;
	[tilespmem:$0x14100] =	vst v63  }
0x93: {  	v3 =	vadd.s32 v1, v3;
	s19 =	simm.s32 $0xD100  }
0x94: {  	[tilespmem:s19], [sflag:$0x2] =	stream.indirect_vreg.gather [hbm4b:s5+s2], $0x80, v4, vm0, $0xb8;
	[tilespmem:$0x14100] =	vst v63  }
0x95: {  	_ = 	snop  }
0x96: {  	[tilespmem:s21], [sflag:$0x2] =	stream.indirect_vreg.gather [hbm4b:s6+s2], $0x80, v4, vm1, $0xb8;
	[tilespmem:$0x14100] =	vst v63  }
0x97: {  	_ = 	snop  }
0x98: {  	[tilespmem:s22], [sflag:$0x2] =	stream.indirect_vreg.gather [hbm4b:s3+s2], $0x80, v3, vm0, $0xb8;
	[tilespmem:$0x14100] =	vst v63  }
0x99: {  	_ = 	snop  }
0x9a: {  	[tilespmem:s23], [sflag:$0x2] =	stream.indirect_vreg.gather [hbm4b:s5+s2], $0x80, v3, vm0, $0xb8;
	[tilespmem:$0x14100] =	vst v63  }
0x9b: {  	_ = 	snop  }
0x9c: {  	[tilespmem:s24], [sflag:$0x2] =	stream.indirect_vreg.gather [hbm4b:s6+s2], $0x80, v3, vm1, $0xb8;
	[tilespmem:$0x14100] =	vst v63  }
0x9d: {  	v3 =	vld [tilespmem:$0xA0];
	_ =	sdelay $0x4  }
0x9e: {  	v62 =	vshrl.u32 v3, $0x3  }
0x9f: {  	v4 =	vmul.u32 $0x28, v62  }
0xa0: {  	v3 =	vand.u32 $0x7, v3  }
0xa1: {  	v3 =	vor.u32 v3, v4  }
0xa2: {  	v4 =	vperm.xlane v3, v0;
	_ =	sdelay $0x1  }
0xa3: {  	v4 =	vadd.s32 v1, v4;
	_ =	sdelay $0x3  }
0xa4: {  	v3 =	vperm.xlane v3, v2  }
0xa5: {  	[tilespmem:s25], [sflag:$0x2] =	stream.indirect_vreg.gather [hbm4b:s3+s2], $0x80, v4, vm0, $0xb8;
	[tilespmem:$0x14100] =	vst v63  }
0xa6: {  	v3 =	vadd.s32 v1, v3  }
0xa7: {  	[tilespmem:s26], [sflag:$0x2] =	stream.indirect_vreg.gather [hbm4b:s5+s2], $0x80, v4, vm0, $0xb8;
	[tilespmem:$0x14100] =	vst v63  }
0xa8: {  	_ = 	snop  }
0xa9: {  	[tilespmem:s28], [sflag:$0x2] =	stream.indirect_vreg.gather [hbm4b:s6+s2], $0x80, v4, vm1, $0xb8;
	[tilespmem:$0x14100] =	vst v63  }
0xaa: {  	_ = 	snop  }
0xab: {  	[tilespmem:s29], [sflag:$0x2] =	stream.indirect_vreg.gather [hbm4b:s3+s2], $0x80, v3, vm0, $0xb8;
	[tilespmem:$0x14100] =	vst v63  }
0xac: {  	_ = 	snop  }
0xad: {  	[tilespmem:s30], [sflag:$0x2] =	stream.indirect_vreg.gather [hbm4b:s5+s2], $0x80, v3, vm0, $0xb8;
	[tilespmem:$0x14100] =	vst v63  }
0xae: {  	_ = 	snop  }
0xaf: {  	[tilespmem:s31], [sflag:$0x2] =	stream.indirect_vreg.gather [hbm4b:s6+s2], $0x80, v3, vm1, $0xb8;
	[tilespmem:$0x14100] =	vst v63  }
0xb0: {  	v3 =	vld [tilespmem:$0xB0];
	_ =	sdelay $0x4  }
0xb1: {  	v63 =	vshrl.u32 v3, $0x3  }
0xb2: {  	v4 =	vmul.u32 $0x28, v63  }
0xb3: {  	v3 =	vand.u32 $0x7, v3  }
0xb4: {  	v3 =	vor.u32 v3, v4  }
0xb5: {  	v4 =	vperm.xlane v3, v0;
	_ =	sdelay $0x1  }
0xb6: {  	v4 =	vadd.s32 v1, v4;
	_ =	sdelay $0x3  }
0xb7: {  	v3 =	vperm.xlane v3, v2  }
0xb8: {  	[tilespmem:s1], [sflag:$0x2] =	stream.indirect_vreg.gather [hbm4b:s3+s2], $0x80, v4, vm0, $0xb8;
	[tilespmem:$0x14100] =	vst v63  }
0xb9: {  	v3 =	vadd.s32 v1, v3  }
0xba: {  	[tilespmem:s0], [sflag:$0x2] =	stream.indirect_vreg.gather [hbm4b:s5+s2], $0x80, v4, vm0, $0xb8;
	[tilespmem:$0x14100] =	vst v63  }
0xbb: {  	_ = 	snop  }
0xbc: {  	[tilespmem:s7], [sflag:$0x2] =	stream.indirect_vreg.gather [hbm4b:s6+s2], $0x80, v4, vm1, $0xb8;
	[tilespmem:$0x14100] =	vst v63  }
0xbd: {  	_ = 	snop  }
0xbe: {  	[tilespmem:s9], [sflag:$0x2] =	stream.indirect_vreg.gather [hbm4b:s3+s2], $0x80, v3, vm0, $0xb8;
	[tilespmem:$0x14100] =	vst v63  }
0xbf: {  	_ = 	snop  }
0xc0: {  	[tilespmem:s4], [sflag:$0x2] =	stream.indirect_vreg.gather [hbm4b:s5+s2], $0x80, v3, vm0, $0xb8;
	[tilespmem:$0x14100] =	vst v63  }
0xc1: {  	_ = 	snop  }
0xc2: {  	[tilespmem:s10], [sflag:$0x2] =	stream.indirect_vreg.gather [hbm4b:s6+s2], $0x80, v3, vm1, $0xb8;
	[tilespmem:$0x14100] =	vst v63  }
0xc3: {  	_ =	swait.ge [sflag:s14], $0xA000  }
0xc4: {  	p0 =	seq.s32 s18, $0x7800;
	[sflag:s14] =	ssyncset.done $0x0  }
.Ltmp4:
0xc5: {  	s19 =	sadd.s32 s18, s8;
	[sflag:s14] =	ssyncadd.s32 $0xFFFF6000;
	(pc) =	sbr.rel @p0 .LBB2_4-.Ltmp4, $4  }
0xc6: {  	[hbm4b:s19+s2] =	stream.linear.scatter [tilespmem:s12], [sflag:$0x3], $0xA000, $0x38;
	[tilespmem:$0x14100] =	vst v63  }
0xc7: {  	_ =	swait.ge [sflag:s11], $0xA000  }
0xc8: {  	[sflag:s11] =	ssyncset.done $0x0  }
0xc9: {  	[sflag:s11] =	ssyncadd.s32 $0xFFFF6000  }
0xca: {  	[tilespmem:s2], [sflag:$0x3] =	stream.linear.gather [hbm4b:s16+s2], $0x40, $0x38;
	[tilespmem:$0x14100] =	vst v63  }
0xcb: {  	_ =	swait.ge [sflag:s11], $0x40  }
0xcc: {  	[sflag:s11] =	ssyncset.done $0x0  }
0xcd: {  	[sflag:s11] =	ssyncadd.s32 $0xFFFFFFC0  }
0xce: {  	v3 =	vld [tilespmem:$0x0];
	_ =	sdelay $0x4  }
0xcf: {  	v4 =	vshrl.u32 v3, $0x3  }
0xd0: {  	v4 =	vmul.u32 $0x28, v4  }
0xd1: {  	v3 =	vand.u32 $0x7, v3  }
0xd2: {  	v3 =	vor.u32 v3, v4  }
0xd3: {  	v4 =	vperm.xlane v3, v0;
	_ =	sdelay $0x1  }
0xd4: {  	v4 =	vadd.s32 v1, v4;
	_ =	sdelay $0x3  }
0xd5: {  	v3 =	vperm.xlane v3, v2  }
0xd6: {  	[tilespmem:s12], [sflag:$0x1] =	stream.indirect_vreg.gather [hbm4b:s3+s2], $0x80, v4, vm0, $0xb8;
	[tilespmem:$0x14100] =	vst v63  }
0xd7: {  	s20 =	simm.s32 $0x900;
	v3 =	vadd.s32 v1, v3  }
0xd8: {  	[tilespmem:s20], [sflag:$0x1] =	stream.indirect_vreg.gather [hbm4b:s5+s2], $0x80, v4, vm0, $0xb8;
	[tilespmem:$0x14100] =	vst v63  }
0xd9: {  	s20 =	simm.s32 $0x1100  }
0xda: {  	[tilespmem:s20], [sflag:$0x1] =	stream.indirect_vreg.gather [hbm4b:s6+s2], $0x80, v4, vm1, $0xb8;
	[tilespmem:$0x14100] =	vst v63  }
0xdb: {  	s20 =	simm.s32 $0x1500  }
0xdc: {  	[tilespmem:s20], [sflag:$0x1] =	stream.indirect_vreg.gather [hbm4b:s3+s2], $0x80, v3, vm0, $0xb8;
	[tilespmem:$0x14100] =	vst v63  }
0xdd: {  	s20 =	simm.s32 $0x1D00  }
0xde: {  	[tilespmem:s20], [sflag:$0x1] =	stream.indirect_vreg.gather [hbm4b:s5+s2], $0x80, v3, vm0, $0xb8;
	[tilespmem:$0x14100] =	vst v63  }
0xdf: {  	s20 =	simm.s32 $0x2500  }
0xe0: {  	[tilespmem:s20], [sflag:$0x1] =	stream.indirect_vreg.gather [hbm4b:s6+s2], $0x80, v3, vm1, $0xb8;
	[tilespmem:$0x14100] =	vst v63  }
0xe1: {  	v3 =	vld [tilespmem:$0x10];
	_ =	sdelay $0x4  }
0xe2: {  	v61 =	vshrl.u32 v3, $0x3  }
0xe3: {  	v4 =	vmul.u32 $0x28, v61  }
0xe4: {  	v3 =	vand.u32 $0x7, v3  }
0xe5: {  	v3 =	vor.u32 v3, v4  }
0xe6: {  	v4 =	vperm.xlane v3, v0;
	_ =	sdelay $0x1  }
0xe7: {  	v4 =	vadd.s32 v1, v4;
	_ =	sdelay $0x3  }
0xe8: {  	s20 =	simm.s32 $0x2900;
	v3 =	vperm.xlane v3, v2  }
0xe9: {  	[tilespmem:s20], [sflag:$0x1] =	stream.indirect_vreg.gather [hbm4b:s3+s2], $0x80, v4, vm0, $0xb8;
	[tilespmem:$0x14100] =	vst v63  }
0xea: {  	v3 =	vadd.s32 v1, v3;
	s20 =	simm.s32 $0x3100  }
0xeb: {  	[tilespmem:s20], [sflag:$0x1] =	stream.indirect_vreg.gather [hbm4b:s5+s2], $0x80, v4, vm0, $0xb8;
	[tilespmem:$0x14100] =	vst v63  }
0xec: {  	s20 =	simm.s32 $0x3900  }
0xed: {  	[tilespmem:s20], [sflag:$0x1] =	stream.indirect_vreg.gather [hbm4b:s6+s2], $0x80, v4, vm1, $0xb8;
	[tilespmem:$0x14100] =	vst v63  }
0xee: {  	s20 =	simm.s32 $0x3D00  }
0xef: {  	[tilespmem:s20], [sflag:$0x1] =	stream.indirect_vreg.gather [hbm4b:s3+s2], $0x80, v3, vm0, $0xb8;
	[tilespmem:$0x14100] =	vst v63  }
0xf0: {  	s20 =	simm.s32 $0x4500  }
0xf1: {  	[tilespmem:s20], [sflag:$0x1] =	stream.indirect_vreg.gather [hbm4b:s5+s2], $0x80, v3, vm0, $0xb8;
	[tilespmem:$0x14100] =	vst v63  }
0xf2: {  	s20 =	simm.s32 $0x4D00  }
0xf3: {  	[tilespmem:s20], [sflag:$0x1] =	stream.indirect_vreg.gather [hbm4b:s6+s2], $0x80, v3, vm1, $0xb8;
	[tilespmem:$0x14100] =	vst v63  }
0xf4: {  	v3 =	vld [tilespmem:$0x20];
	_ =	sdelay $0x4  }
0xf5: {  	v62 =	vshrl.u32 v3, $0x3  }
0xf6: {  	v4 =	vmul.u32 $0x28, v62  }
0xf7: {  	v3 =	vand.u32 $0x7, v3  }
0xf8: {  	v3 =	vor.u32 v3, v4  }
0xf9: {  	v4 =	vperm.xlane v3, v0;
	_ =	sdelay $0x1  }
0xfa: {  	v4 =	vadd.s32 v1, v4;
	_ =	sdelay $0x3  }
0xfb: {  	s20 =	simm.s32 $0x5100;
	v3 =	vperm.xlane v3, v2  }
0xfc: {  	[tilespmem:s20], [sflag:$0x1] =	stream.indirect_vreg.gather [hbm4b:s3+s2], $0x80, v4, vm0, $0xb8;
	[tilespmem:$0x14100] =	vst v63  }
0xfd: {  	v3 =	vadd.s32 v1, v3;
	s20 =	simm.s32 $0x5900  }
0xfe: {  	[tilespmem:s20], [sflag:$0x1] =	stream.indirect_vreg.gather [hbm4b:s5+s2], $0x80, v4, vm0, $0xb8;
	[tilespmem:$0x14100] =	vst v63  }
0xff: {  	s20 =	simm.s32 $0x6100  }
0x100: {  	[tilespmem:s20], [sflag:$0x1] =	stream.indirect_vreg.gather [hbm4b:s6+s2], $0x80, v4, vm1, $0xb8;
	[tilespmem:$0x14100] =	vst v63  }
0x101: {  	s20 =	simm.s32 $0x6500  }
0x102: {  	[tilespmem:s20], [sflag:$0x1] =	stream.indirect_vreg.gather [hbm4b:s3+s2], $0x80, v3, vm0, $0xb8;
	[tilespmem:$0x14100] =	vst v63  }
0x103: {  	s20 =	simm.s32 $0x6D00  }
0x104: {  	[tilespmem:s20], [sflag:$0x1] =	stream.indirect_vreg.gather [hbm4b:s5+s2], $0x80, v3, vm0, $0xb8;
	[tilespmem:$0x14100] =	vst v63  }
0x105: {  	s20 =	simm.s32 $0x7500  }
0x106: {  	[tilespmem:s20], [sflag:$0x1] =	stream.indirect_vreg.gather [hbm4b:s6+s2], $0x80, v3, vm1, $0xb8;
	[tilespmem:$0x14100] =	vst v63  }
0x107: {  	v3 =	vld [tilespmem:$0x30];
	_ =	sdelay $0x4  }
0x108: {  	v63 =	vshrl.u32 v3, $0x3  }
0x109: {  	v4 =	vmul.u32 $0x28, v63  }
0x10a: {  	v3 =	vand.u32 $0x7, v3  }
0x10b: {  	v3 =	vor.u32 v3, v4  }
0x10c: {  	v4 =	vperm.xlane v3, v0;
	_ =	sdelay $0x1  }
0x10d: {  	v4 =	vadd.s32 v1, v4;
	_ =	sdelay $0x3  }
0x10e: {  	s20 =	simm.s32 $0x7900;
	v3 =	vperm.xlane v3, v2  }
0x10f: {  	[tilespmem:s20], [sflag:$0x1] =	stream.indirect_vreg.gather [hbm4b:s3+s2], $0x80, v4, vm0, $0xb8;
	[tilespmem:$0x14100] =	vst v63  }
0x110: {  	v3 =	vadd.s32 v1, v3;
	s20 =	simm.s32 $0x8100  }
0x111: {  	[tilespmem:s20], [sflag:$0x1] =	stream.indirect_vreg.gather [hbm4b:s5+s2], $0x80, v4, vm0, $0xb8;
	[tilespmem:$0x14100] =	vst v63  }
0x112: {  	s20 =	simm.s32 $0x8900  }
0x113: {  	[tilespmem:s20], [sflag:$0x1] =	stream.indirect_vreg.gather [hbm4b:s6+s2], $0x80, v4, vm1, $0xb8;
	[tilespmem:$0x14100] =	vst v63  }
0x114: {  	s20 =	simm.s32 $0x8D00  }
0x115: {  	[tilespmem:s20], [sflag:$0x1] =	stream.indirect_vreg.gather [hbm4b:s3+s2], $0x80, v3, vm0, $0xb8;
	[tilespmem:$0x14100] =	vst v63  }
.Ltmp5:
0x116: {  	s20 =	simm.s32 $0x9500;
	(pc) =	sbr.rel .LBB2_4-.Ltmp5, $4  }
0x117: {  	[tilespmem:s20], [sflag:$0x1] =	stream.indirect_vreg.gather [hbm4b:s5+s2], $0x80, v3, vm0, $0xb8;
	[tilespmem:$0x14100] =	vst v63  }
0x118: {  	s20 =	simm.s32 $0x9D00  }
0x119: {  	[tilespmem:s20], [sflag:$0x1] =	stream.indirect_vreg.gather [hbm4b:s6+s2], $0x80, v3, vm1, $0xb8;
	[tilespmem:$0x14100] =	vst v63  }
0x11a: {  	s20 =	simm.s32 $0x80  }
.LBB2_6:
0x11b: {  	_ =	sfence.sel $0x180000  }
0x11c: {  	[bflag:$0x0] =	sbarrier.arrive $0xFFFF  }
0x11d: {  	_ =	strace $0x9000004A  }
0x11e: {  	s0 =	stileid.u32;
	[bflag:$0x2] =	sbarrier.arrive $0xFFFF  }
0x11f: {  	p0 =	sne.s32 s0, $0x0;
	s0 =	rddreg [dreg:$0x1]  }
0x120: {  	s0 =	sadd.s32 @!p0 $0x100000, s0  }
0x121: {  	[sflag:s0] =	ssyncadd.tile.s32 @!p0 $0x1;
	_ =	shalt  }
.Lfunc_end2:
_tile_overlayer_lowered:
.L_overlay_start_2:
0x122: {  	(tag) =	ssettag $0x2  }
0x123: {  	s0 =	rddreg [dreg:$0x0];
	s2 =	stileid.u32  }
0x124: {  	s1 =	rddreg [dreg:$0x1];
	p0 =	sne.s32 s2, $0x0  }
0x125: {  	s3 =	rddreg [dreg:$0x2];
	[bflag:$0x3] =	sbarrier.arrive $0xFFFF;
	s2 =	simm.s32 @!p0 $0x1C03  }
0x126: {  	[timem:s3], [sflag:s2] =	dma.local @!p0 [hbm:s0], s1  }
0x127: {  	s0 =	simm.s32 @!p0 $0x3  }
0x128: {  	_ =	swait.ge @!p0 [sflag:s0], s1  }
0x129: {  	s1 =	ssub.s32 @!p0 $0x0, s1;
	[sflag:s0] =	ssyncset.done @!p0 $0x0  }
0x12a: {  	[sflag:s0] =	ssyncadd.s32 @!p0 s1  }
0x12b: {  	[bflag:$0x3] =	sbarrier.arrive $0xFFFF  }
0x12c: {  	_ =	shalt  }

// kernel: kernel.25.cloned.1.call-start
scs
__scs_entry_jumppad:
0x0: {  	(pc) =	sbr.rel $0x88, $3  }
0x1: {  	(tag) =	ssettag $0x0;
	lr =	simm.s32 $0x1  }
0x2: {  	[smem:$0x3F91] =	sst lr;
	_ =	strace $0xD0000000  }
0x3: {  	_ = 	snop  }
0x4: {  	_ = 	snop  }
0x5: {  	_ = 	snop  }
0x6: {  	_ = 	snop  }
0x7: {  	_ = 	snop  }
__scs_overlays_trampoline_lowered:
0x8: {  	[smem:$0x3FA0] =	sst s0  }
0x9: {  	[smem:$0x3FA1] =	sst s1  }
0xa: {  	[smem:$0x3FA2] =	sst s2  }
0xb: {  	[smem:$0x3FA3] =	sst s3  }
0xc: {  	[smem:$0x3FA4] =	sst s4  }
0xd: {  	[smem:$0x3FA5] =	sst s5  }
0xe: {  	[smem:$0x3FA6] =	sst s6  }
0xf: {  	[smem:$0x3FA7] =	sst s7  }
0x10: {  	[smem:$0x3FA8] =	sst s8  }
0x11: {  	[smem:$0x3FA9] =	sst s9;
	s0 =	simm.s32 @!p0 $0x0  }
0x12: {  	s1 =	sld [smem:$0x3F8F];
	s0 =	simm.s32 @p0 $0x1  }
0x13: {  	[smem:$0x3FAA] =	sst s0;
	s0 =	simm.s32 @!p1 $0x0  }
0x14: {  	s2 =	sld [smem:$0x3F8E];
	s0 =	simm.s32 @p1 $0x1  }
0x15: {  	[smem:$0x3FAB] =	sst s0;
	s0 =	simm.s32 @!p2 $0x0  }
0x16: {  	s3 =	sld [smem:$0x3FDB];
	s0 =	simm.s32 @p2 $0x1  }
0x17: {  	s4 =	simm.s32 $0x1BF5;
	[smem:$0x3FAD] =	sst s0  }
0x18: {  	s0 =	sld [smem:$0x3F90];
	_ =	swait.ge [sflag:s4], $0x0  }
0x19: {  	s7 =	sld [smem:$0x3F91]  }
0x1a: {  	s8 =	sadd.s32 $0xFFFFE003, lr  }
0x1b: {  	s9 =	sadd.s32 $0xFFFFFEF7, lr;
	s5 =	simm.s32 $0xFFFFFFFF;
	p2 =	slt.u32 s8, $0xFFFFF086  }
0x1c: {  	p1 =	slt.u32 s9, $0xF7A;
	s5 =	simm.s32 @!p2 $0x0  }
0x1d: {  	s5 =	simm.s32 @p1 $0x1;
	p0 =	seq.s32 s7, s2  }
0x1e: {  	s7 =	smul.u32 @!p0 $0xF7A, s2;
	p2 =	seq.s32 @!p0 s5, $0x0  }
0x1f: {  	s9 =	smul.u32 $0xF7A, s1;
	s8 =	simm.s32 @!p0 $0x1BF5;
	p2 =	por !p2, p0  }
0x20: {  	[sflag:s8] =	ssyncset.s32 @!p0 $0xFFFFF086;
	s6 =	sadd.s32 @!p0 s3, s7;
	s7 =	simm.s32 @!p0 $0x108  }
0x21: {  	s3 =	sadd.s32 s3, s9;
	s6 =	sadd.s32 @!p0 $0x88, s6;
	s7 =	simm.s32 @p2 $0x1082  }
0x22: {  	[simem:s7], [sflag:s8] =	dma.local @!p0 [hbm:s6], $0xF7A  }
0x23: {  	s9 =	sor.u32 $0xD0000000, s2;
	s6 =	simm.s32 $0x108;
	_ =	swait.ge @!p0 [sflag:s8], $0x0  }
0x24: {  	s3 =	sadd.s32 $0x88, s3;
	s6 =	simm.s32 @!p1 $0x1082;
	[sflag:s4] =	ssyncset.s32 $0xFFFFF086  }
0x25: {  	[simem:s6], [sflag:s4] =	dma.local [hbm:s3], $0xF7A  }
0x26: {  	[smem:$0x3F91] =	sst s1;
	(tag) =	ssettag s2;
	_ =	strace s9  }
0x27: {  	s1 =	sld [smem:$0x3FA1]  }
0x28: {  	s2 =	sld [smem:$0x3FA2]  }
0x29: {  	s4 =	sld [smem:$0x3FA4]  }
0x2a: {  	p0 =	seq.s32 s5, $0x0;
	s5 =	sld [smem:$0x3FA5]  }
0x2b: {  	s6 =	sld [smem:$0x3FA6]  }
0x2c: {  	s7 =	sld [smem:$0x3FA7]  }
0x2d: {  	s3 =	simm.s32 $0x108;
	s8 =	sld [smem:$0x3FA8]  }
0x2e: {  	s3 =	simm.s32 @!p0 $0x1082;
	s9 =	sld [smem:$0x3FA9]  }
0x2f: {  	lr =	sadd.s32 s0, s3;
	s0 =	sld [smem:$0x3FA0]  }
0x30: {  	s3 =	sld [smem:$0x3FA3]  }
0x31: {  	[smem:$0x3FAC] =	sst s10  }
0x32: {  	s10 =	sld [smem:$0x3FAA];
	_ =	sdelay $0x3  }
0x33: {  	p0 =	seq.s32 s10, $0x1;
	s10 =	sld [smem:$0x3FAC];
	_ =	sdelay $0x3  }
0x34: {  	[smem:$0x3FAC] =	sst s10  }
0x35: {  	s10 =	sld [smem:$0x3FAB];
	_ =	sdelay $0x3  }
0x36: {  	p1 =	seq.s32 s10, $0x1;
	s10 =	sld [smem:$0x3FAC];
	_ =	sdelay $0x3  }
0x37: {  	[smem:$0x3FAC] =	sst s10  }
0x38: {  	s10 =	sld [smem:$0x3FAD]  }
0x39: {  	_ = 	snop;
	(pc) =	sbr.ind lr, $3  }
0x3a: {  	_ = 	snop  }
0x3b: {  	_ = 	snop  }
0x3c: {  	p2 =	seq.s32 s10, $0x1;
	s10 =	sld [smem:$0x3FAC]  }
0x3d: {  	_ =	shalt  }
0x3e: {  	_ =	shalt  }
0x3f: {  	_ =	shalt  }
0x40: {  	_ =	shalt  }
0x41: {  	_ =	shalt  }
0x42: {  	_ =	shalt  }
0x43: {  	_ =	shalt  }
0x44: {  	_ =	shalt  }
0x45: {  	_ =	shalt  }
0x46: {  	_ =	shalt  }
0x47: {  	_ =	shalt  }
0x48: {  	_ =	shalt  }
0x49: {  	_ =	shalt  }
0x4a: {  	_ =	shalt  }
0x4b: {  	_ =	shalt  }
0x4c: {  	_ =	shalt  }
0x4d: {  	_ =	shalt  }
0x4e: {  	_ =	shalt  }
0x4f: {  	_ =	shalt  }
0x50: {  	_ =	shalt  }
0x51: {  	_ =	shalt  }
0x52: {  	_ =	shalt  }
0x53: {  	_ =	shalt  }
0x54: {  	_ =	shalt  }
0x55: {  	_ =	shalt  }
0x56: {  	_ =	shalt  }
0x57: {  	_ =	shalt  }
0x58: {  	_ =	shalt  }
0x59: {  	_ =	shalt  }
0x5a: {  	_ =	shalt  }
0x5b: {  	_ =	shalt  }
0x5c: {  	_ =	shalt  }
0x5d: {  	_ =	shalt  }
0x5e: {  	_ =	shalt  }
0x5f: {  	_ =	shalt  }
0x60: {  	_ =	shalt  }
0x61: {  	_ =	shalt  }
0x62: {  	_ =	shalt  }
0x63: {  	_ =	shalt  }
0x64: {  	_ =	shalt  }
0x65: {  	_ =	shalt  }
0x66: {  	_ =	shalt  }
0x67: {  	_ =	shalt  }
0x68: {  	_ =	shalt  }
0x69: {  	_ =	shalt  }
0x6a: {  	_ =	shalt  }
0x6b: {  	_ =	shalt  }
0x6c: {  	_ =	shalt  }
0x6d: {  	_ =	shalt  }
0x6e: {  	_ =	shalt  }
0x6f: {  	_ =	shalt  }
0x70: {  	_ =	shalt  }
0x71: {  	_ =	shalt  }
0x72: {  	_ =	shalt  }
0x73: {  	_ =	shalt  }
0x74: {  	_ =	shalt  }
0x75: {  	_ =	shalt  }
0x76: {  	_ =	shalt  }
0x77: {  	_ =	shalt  }
0x78: {  	_ =	shalt  }
0x79: {  	_ =	shalt  }
0x7a: {  	_ =	shalt  }
0x7b: {  	_ =	shalt  }
0x7c: {  	_ =	shalt  }
0x7d: {  	_ =	shalt  }
0x7e: {  	_ =	shalt  }
0x7f: {  	_ =	shalt  }
0x80: {  	_ =	shalt  }
0x81: {  	_ =	shalt  }
0x82: {  	_ =	shalt  }
0x83: {  	_ =	shalt  }
0x84: {  	_ =	shalt  }
0x85: {  	_ =	shalt  }
0x86: {  	_ =	shalt  }
0x87: {  	_ =	shalt  }
.Lfunc_end0:
.L_simem_size_0:
called_computation.3_lowered:
.L_overlay_start_0:
0x88: {  	s2 =	sld [smem:$0x3FD9]  }
0x89: {  	s3 =	sld [smem:$0x3FFE];
	_ =	sdelay $0x1  }
0x8a: {  	s1 =	srdreg.scid  }
0x8b: {  	s0 =	sand.u32 $0x1, s1  }
0x8c: {  	s16 =	sshll.u32 s0, $0xA;
	s2 =	sadd.s32 s3, s2  }
0x8d: {  	s2 =	sadd.s32 s2, s16  }
0x8e: {  	[smem:$0x3FB8] =	sst s2  }
0x8f: {  	_ = 	snop  }
0x90: {  	(tm) =	ssettm $0x1  }
0x91: {  	s17 =	sld [smem:$0x3FFB];
	_ =	sdelay $0x3  }
0x92: {  	_ =	strace s17  }
0x93: {  	s2 =	sld [smem:$0x3FFC];
	_ =	sdelay $0x3  }
0x94: {  	_ =	strace s2  }
0x95: {  	s2 =	sld [smem:$0x3FFD];
	_ =	sdelay $0x3  }
0x96: {  	_ =	strace s2  }
0x97: {  	_ =	strace $0x8FFFFFFF  }
0x98: {  	s18 =	sld [smem:$0x3FDB];
	_ =	sdelay $0x1  }
0x99: {  	s19 =	simm.s32 $_scs_section_size  }
0x9a: {  	s4 =	simm.s32 $_size__tile_overlayer_lowered;
	s5 =	simm.s32 $_tile_overlayer_lowered  }
0x9b: {  	s22 =	simm.s32 $0x1BFF;
	s21 =	sshll.u32 s5, $0x1;
	s2 =	sadd.s32 s19, s18  }
0x9c: {  	s6 =	simm.s32 $0x0;
	s20 =	sshll.u32 s4, $0x1;
	s4 =	sadd.s32 s21, s2  }
0x9d: {  	[timem:s6], [sflag:s22] =	dma.local [hbm:s4], s20  }
0x9e: {  	_ =	swait.ge [sflag:s22], s20  }
0x9f: {  	s3 =	ssub.s32 $0x0, s20;
	[sflag:s22] =	ssyncset.done $0x0  }
0xa0: {  	[sflag:s22] =	ssyncadd.s32 s3;
	_ =	sdelay $0x1  }
0xa1: {  	s23 =	simm.s32 $0x1B8B  }
0xa2: {  	_ =	swait.ge [sflag:s23], $0x1  }
0xa3: {  	[sflag:s23] =	ssyncset.done $0x0  }
0xa4: {  	s25 =	simm.s32 $0x1B8E;
	s24 =	sld [smem:$0x3FFE];
	[sflag:s23] =	ssyncadd.s32 $0xFFFFFFFF  }
0xa5: {  	s26 =	simm.s32 $execute0_lowered;
	[smem:$0x3FD2] =	sst s25  }
0xa6: {  	s4 =	sshll.u32 s26, $0x1;
	_ =	strace $0x80000046;
	[dreg:$0x1] =	wrdreg $0xFFFFFFFF  }
0xa7: {  	s28 =	simm.s32 $_size_execute0_lowered;
	s2 =	sadd.s32 s2, s4;
	[dreg:$0x0] =	wrdreg $0x0  }
0xa8: {  	s4 =	sshll.u32 s28, $0x1;
	[dreg:$0x2] =	wrdreg s2  }
0xa9: {  	[dreg:$0x3] =	wrdreg s4  }
0xaa: {  	[dreg:$0x4] =	wrdreg $0xC0  }
0xab: {  	_ =	task [dreg:s6], $0x5FFFF  }
0xac: {  	[dreg:$0x1] =	wrdreg $0xFFFFFFFF  }
0xad: {  	[dreg:$0x0] =	wrdreg $0x60  }
0xae: {  	[dreg:$0x2] =	wrdreg s24  }
0xaf: {  	[dreg:$0x3] =	wrdreg $0xC  }
0xb0: {  	_ =	task.clear_ibuf [dreg:s6], $0x4FFFF;
	_ =	strace $0x90000046  }
0xb1: {  	s29 =	simm.s32 $0xC;
	_ =	strace $0x80000048  }
0xb2: {  	_ =	swait.ge [sflag:s29], $0x1  }
0xb3: {  	[sflag:s29] =	ssyncadd.s32 $0xFFFFFFFF  }
0xb4: {  	_ =	strace $0x90000048  }
0xb5: {  	_ =	sfence  }
0xb6: {  	s30 =	sld [smem:$0x0];
	_ =	sdelay $0x2  }
0xb7: {  	s31 =	sshll.u32 s1, $0xD;
	s1 =	sshrl.u32 s1, $0x2  }
0xb8: {  	s3 =	sand.u32 $0x4000, s31;
	s1 =	sadd.s32 s1, s30  }
0xb9: {  	s0 =	sor.u32 s3, s0;
	s1 =	sshll.u32 s1, $0x11  }
0xba: {  	s0 =	sor.u32 s1, s0  }
0xbb: {  	s0 =	sadd.s32 $0x8F2B, s0  }
0xbc: {  	[sflag:s0] =	ssyncadd.remote.s32 $0x1  }
0xbd: {  	_ =	sfence.sel $0xFFFF  }
0xbe: {  	[dreg:$0x0] =	wrdreg $0xFFFFFFFF;
	(pc) =	sbr.abs _section_cstart, $3  }
0xbf: {  	[dreg:$0x1] =	wrdreg $0xFFFFFFFF  }
0xc0: {  	_ =	task.clear_ibuf [dreg:s6], $0x2FFFF;
	_ =	strace $0x9FFFFFFF  }
0xc1: {  	(tm) =	ssettm $0x7FFFFFFF  }
tec
execute0_lowered:
.L_overlay_start_1:
0x0: {  	(tag) =	ssettag $0x1  }
0x1: {  	s0 =	srdreg.scid  }
0x2: {  	s1 =	stileid.u32;
	s4 =	rddreg [dreg:$0x0];
	s11 =	simm.s32 $0x3  }
0x3: {  	s12 =	simm.s32 $0x100;
	s20 =	simm.s32 $0x80;
	s13 =	simm.s32 $0xA100  }
0x4: {  	s21 =	simm.s32 $0xD900;
	s22 =	simm.s32 $0xDD00;
	s23 =	simm.s32 $0xE500  }
0x5: {  	s28 =	simm.s32 $0x10100;
	s29 =	simm.s32 $0x10500;
	s30 =	simm.s32 $0x10D00  }
0x6: {  	s31 =	simm.s32 $0x11500;
	s10 =	simm.s32 $0x13D00;
	s14 =	simm.s32 $0x1  }
0x7: {  	s15 =	simm.s32 $0x2;
	s17 =	simm.s32 $0x0;
	s0 =	sand.u32 $0x1, s0  }
0x8: {  	s1 =	sshll.u32 s1, $0xA;
	s3 =	sadd.s32 $0x3AC00, s4;
	s2 =	sshll.u32 s0, $0x9  }
0x9: {  	s7 =	sadd.s32 $0x36200, s4;
	s0 =	ssub.s32 $0x2, s0;
	s1 =	sor.u32 s2, s1  }
0xa: {  	s2 =	simm.s32 $0x0;
	s24 =	sshrl.u32 s0, $0x1;
	s5 =	sshrl.u32 s1, $0x3  }
0xb: {  	[smem:$0x7FF] =	sst s2;
	s0 =	ssub.s32 s0, s24;
	s25 =	sor.u32 $0x80, s1  }
0xc: {  	s24 =	simm.s32 $0xED00;
	s1 =	simm.s32 $0x11900;
	s0 =	smax.u32 s0, $0x1  }
0xd: {  	_ =	strace $0x80000047;
	s9 =	sadd.s32 s5, s7;
	[dreg:$0x3] =	wrdreg s0  }
0xe: {  	s6 =	smul.u32 $0x280, s5;
	s5 =	sadd.s32 $0x3AD00, s4;
	[dreg:$0x2] =	wrdreg s9  }
.Ltmp0:
0xf: {  	s26 =	sadd.s32 $0x8, s9;
	s0 =	sshrl.u32 s25, $0x3;
	(pc) =	sbr.rel .LBB2_1-.Ltmp0, $4  }
0x10: {  	s25 =	simm.s32 $0xF100;
	s9 =	simm.s32 $0x12D00;
	s8 =	sadd.s32 s6, s4  }
0x11: {  	v2 =	vlaneseq.u32;
	s6 =	sadd.s32 $0x3AE00, s4;
	[dreg:$0x4] =	wrdreg s26;
	s0 =	sadd.s32 s0, s7  }
0x12: {  	vm0 =	vmmov $0xffff;
	vm1 =	vmmov $0xff;
	v1 =	vshrl.u32 v2, $0x3;
	s26 =	simm.s32 $0xF900;
	s7 =	simm.s32 $0x12900;
	s4 =	simm.s32 $0x13500  }
0x13: {  	v0 =	vand.u32 $0x7, v2;
	v2 =	vor.u32 $0x8, v2;
	v1 =	vmul.u32 $0x8, v1;
	s8 =	sadd.s32 $0x11AC00, s8;
	[dreg:$0x5] =	wrdreg s0;
	s0 =	simm.s32 $0x12100  }
.LBB2_5:
0x14: {  	s17 =	rddreg [dreg:$0x6]  }
0x15: {  	s16 =	rddreg [dreg:$0x3];
	s17 =	sadd.s32 $0x1, s17  }
0x16: {  	p0 =	sne.s32 s17, s16  }
.Ltmp1:
0x17: {  	_ = 	snop;
	(pc) =	sbr.rel @!p0 .LBB2_6-.Ltmp1, $1  }
0x18: {  	_ =	sdelay $0x3  }
.LBB2_1:
0x19: {  	[dreg:$0x6] =	wrdreg s17  }
0x1a: {  	s16 =	rddreg [dreg:$0x2]  }
0x1b: {  	[tilespmem:s2], [sflag:$0x3] =	stream.linear.gather [hbm4b:s16+s2], $0x40, $0x38;
	[tilespmem:$0x14100] =	vst v63  }
0x1c: {  	_ =	swait.ge [sflag:s11], $0x40  }
0x1d: {  	[sflag:s11] =	ssyncset.done $0x0  }
0x1e: {  	[sflag:s11] =	ssyncadd.s32 $0xFFFFFFC0  }
0x1f: {  	v3 =	vld [tilespmem:$0x0];
	_ =	sdelay $0x4  }
0x20: {  	v4 =	vshrl.u32 v3, $0x3  }
0x21: {  	v4 =	vmul.u32 $0x28, v4  }
0x22: {  	v3 =	vand.u32 $0x7, v3  }
0x23: {  	v3 =	vor.u32 v3, v4  }
0x24: {  	v4 =	vperm.xlane v3, v0;
	_ =	sdelay $0x1  }
0x25: {  	v4 =	vadd.s32 v1, v4;
	_ =	sdelay $0x3  }
0x26: {  	v3 =	vperm.xlane v3, v2  }
0x27: {  	[tilespmem:s12], [sflag:$0x1] =	stream.indirect_vreg.gather [hbm4b:s3+s2], $0x80, v4, vm0, $0xb8;
	[tilespmem:$0x14100] =	vst v63  }
0x28: {  	s18 =	simm.s32 $0x900;
	v3 =	vadd.s32 v1, v3  }
0x29: {  	[tilespmem:s18], [sflag:$0x1] =	stream.indirect_vreg.gather [hbm4b:s5+s2], $0x80, v4, vm0, $0xb8;
	[tilespmem:$0x14100] =	vst v63  }
0x2a: {  	s19 =	simm.s32 $0x1100  }
0x2b: {  	[tilespmem:s19], [sflag:$0x1] =	stream.indirect_vreg.gather [hbm4b:s6+s2], $0x80, v4, vm1, $0xb8;
	[tilespmem:$0x14100] =	vst v63  }
0x2c: {  	s17 =	simm.s32 $0x1500  }
0x2d: {  	[tilespmem:s17], [sflag:$0x1] =	stream.indirect_vreg.gather [hbm4b:s3+s2], $0x80, v3, vm0, $0xb8;
	[tilespmem:$0x14100] =	vst v63  }
0x2e: {  	s18 =	simm.s32 $0x1D00  }
0x2f: {  	[tilespmem:s18], [sflag:$0x1] =	stream.indirect_vreg.gather [hbm4b:s5+s2], $0x80, v3, vm0, $0xb8;
	[tilespmem:$0x14100] =	vst v63  }
0x30: {  	s19 =	simm.s32 $0x2500  }
0x31: {  	[tilespmem:s19], [sflag:$0x1] =	stream.indirect_vreg.gather [hbm4b:s6+s2], $0x80, v3, vm1, $0xb8;
	[tilespmem:$0x14100] =	vst v63  }
0x32: {  	v3 =	vld [tilespmem:$0x10];
	_ =	sdelay $0x4  }
0x33: {  	v61 =	vshrl.u32 v3, $0x3  }
0x34: {  	v4 =	vmul.u32 $0x28, v61  }
0x35: {  	v3 =	vand.u32 $0x7, v3  }
0x36: {  	v3 =	vor.u32 v3, v4  }
0x37: {  	v4 =	vperm.xlane v3, v0;
	_ =	sdelay $0x1  }
0x38: {  	v4 =	vadd.s32 v1, v4;
	_ =	sdelay $0x3  }
0x39: {  	s17 =	simm.s32 $0x2900;
	v3 =	vperm.xlane v3, v2  }
0x3a: {  	[tilespmem:s17], [sflag:$0x1] =	stream.indirect_vreg.gather [hbm4b:s3+s2], $0x80, v4, vm0, $0xb8;
	[tilespmem:$0x14100] =	vst v63  }
0x3b: {  	s18 =	simm.s32 $0x3100;
	v3 =	vadd.s32 v1, v3  }
0x3c: {  	[tilespmem:s18], [sflag:$0x1] =	stream.indirect_vreg.gather [hbm4b:s5+s2], $0x80, v4, vm0, $0xb8;
	[tilespmem:$0x14100] =	vst v63  }
0x3d: {  	s19 =	simm.s32 $0x3900  }
0x3e: {  	[tilespmem:s19], [sflag:$0x1] =	stream.indirect_vreg.gather [hbm4b:s6+s2], $0x80, v4, vm1, $0xb8;
	[tilespmem:$0x14100] =	vst v63  }
0x3f: {  	s17 =	simm.s32 $0x3D00  }
0x40: {  	[tilespmem:s17], [sflag:$0x1] =	stream.indirect_vreg.gather [hbm4b:s3+s2], $0x80, v3, vm0, $0xb8;
	[tilespmem:$0x14100] =	vst v63  }
0x41: {  	s18 =	simm.s32 $0x4500  }
0x42: {  	[tilespmem:s18], [sflag:$0x1] =	stream.indirect_vreg.gather [hbm4b:s5+s2], $0x80, v3, vm0, $0xb8;
	[tilespmem:$0x14100] =	vst v63  }
0x43: {  	s19 =	simm.s32 $0x4D00  }
0x44: {  	[tilespmem:s19], [sflag:$0x1] =	stream.indirect_vreg.gather [hbm4b:s6+s2], $0x80, v3, vm1, $0xb8;
	[tilespmem:$0x14100] =	vst v63  }
0x45: {  	v3 =	vld [tilespmem:$0x20];
	_ =	sdelay $0x4  }
0x46: {  	v62 =	vshrl.u32 v3, $0x3  }
0x47: {  	v4 =	vmul.u32 $0x28, v62  }
0x48: {  	v3 =	vand.u32 $0x7, v3  }
0x49: {  	v3 =	vor.u32 v3, v4  }
0x4a: {  	v4 =	vperm.xlane v3, v0;
	_ =	sdelay $0x1  }
0x4b: {  	v4 =	vadd.s32 v1, v4;
	_ =	sdelay $0x3  }
0x4c: {  	s17 =	simm.s32 $0x5100;
	v3 =	vperm.xlane v3, v2  }
0x4d: {  	[tilespmem:s17], [sflag:$0x1] =	stream.indirect_vreg.gather [hbm4b:s3+s2], $0x80, v4, vm0, $0xb8;
	[tilespmem:$0x14100] =	vst v63  }
0x4e: {  	s18 =	simm.s32 $0x5900;
	v3 =	vadd.s32 v1, v3  }
0x4f: {  	[tilespmem:s18], [sflag:$0x1] =	stream.indirect_vreg.gather [hbm4b:s5+s2], $0x80, v4, vm0, $0xb8;
	[tilespmem:$0x14100] =	vst v63  }
0x50: {  	s19 =	simm.s32 $0x6100  }
0x51: {  	[tilespmem:s19], [sflag:$0x1] =	stream.indirect_vreg.gather [hbm4b:s6+s2], $0x80, v4, vm1, $0xb8;
	[tilespmem:$0x14100] =	vst v63  }
0x52: {  	s17 =	simm.s32 $0x6500  }
0x53: {  	[tilespmem:s17], [sflag:$0x1] =	stream.indirect_vreg.gather [hbm4b:s3+s2], $0x80, v3, vm0, $0xb8;
	[tilespmem:$0x14100] =	vst v63  }
0x54: {  	s18 =	simm.s32 $0x6D00  }
0x55: {  	[tilespmem:s18], [sflag:$0x1] =	stream.indirect_vreg.gather [hbm4b:s5+s2], $0x80, v3, vm0, $0xb8;
	[tilespmem:$0x14100] =	vst v63  }
0x56: {  	s19 =	simm.s32 $0x7500  }
0x57: {  	[tilespmem:s19], [sflag:$0x1] =	stream.indirect_vreg.gather [hbm4b:s6+s2], $0x80, v3, vm1, $0xb8;
	[tilespmem:$0x14100] =	vst v63  }
0x58: {  	v3 =	vld [tilespmem:$0x30];
	_ =	sdelay $0x4  }
0x59: {  	v63 =	vshrl.u32 v3, $0x3  }
0x5a: {  	v4 =	vmul.u32 $0x28, v63  }
0x5b: {  	v3 =	vand.u32 $0x7, v3  }
0x5c: {  	v3 =	vor.u32 v3, v4  }
0x5d: {  	v4 =	vperm.xlane v3, v0;
	_ =	sdelay $0x1  }
0x5e: {  	v4 =	vadd.s32 v1, v4;
	_ =	sdelay $0x3  }
0x5f: {  	s17 =	simm.s32 $0x7900;
	v3 =	vperm.xlane v3, v2  }
0x60: {  	[tilespmem:s17], [sflag:$0x1] =	stream.indirect_vreg.gather [hbm4b:s3+s2], $0x80, v4, vm0, $0xb8;
	[tilespmem:$0x14100] =	vst v63  }
0x61: {  	s18 =	simm.s32 $0x8100;
	v3 =	vadd.s32 v1, v3  }
0x62: {  	[tilespmem:s18], [sflag:$0x1] =	stream.indirect_vreg.gather [hbm4b:s5+s2], $0x80, v4, vm0, $0xb8;
	[tilespmem:$0x14100] =	vst v63  }
0x63: {  	s19 =	simm.s32 $0x8900  }
0x64: {  	[tilespmem:s19], [sflag:$0x1] =	stream.indirect_vreg.gather [hbm4b:s6+s2], $0x80, v4, vm1, $0xb8;
	[tilespmem:$0x14100] =	vst v63  }
0x65: {  	s17 =	simm.s32 $0x8D00  }
0x66: {  	[tilespmem:s17], [sflag:$0x1] =	stream.indirect_vreg.gather [hbm4b:s3+s2], $0x80, v3, vm0, $0xb8;
	[tilespmem:$0x14100] =	vst v63  }
.Ltmp2:
0x67: {  	_ = 	snop;
	(pc) =	sbr.rel .LBB2_2-.Ltmp2, $4  }
0x68: {  	s16 =	rddreg [dreg:$0x5];
	s18 =	simm.s32 $0x9500  }
0x69: {  	[tilespmem:s18], [sflag:$0x1] =	stream.indirect_vreg.gather [hbm4b:s5+s2], $0x80, v3, vm0, $0xb8;
	[tilespmem:$0x14100] =	vst v63  }
0x6a: {  	s19 =	simm.s32 $0x9D00;
	s17 =	rddreg [dreg:$0x4];
	s18 =	simm.s32 $0x0  }
0x6b: {  	[tilespmem:s19], [sflag:$0x1] =	stream.indirect_vreg.gather [hbm4b:s6+s2], $0x80, v3, vm1, $0xb8;
	[tilespmem:$0x14100] =	vst v63  }
.LBB2_4:
0x6c: {  	_ =	swait.ge [sflag:s15], $0xA000;
	s18 =	sadd.s32 $0x2800, s18  }
0x6d: {  	[sflag:s15] =	ssyncset.done $0x0;
	p0 =	sne.s32 s18, $0xA000  }
.Ltmp3:
0x6e: {  	s19 =	sadd.s32 $0x1400, s19;
	[sflag:s15] =	ssyncadd.s32 $0xFFFF6000;
	(pc) =	sbr.rel @!p0 .LBB2_5-.Ltmp3, $4  }
0x6f: {  	[hbm4b:s19+s2] =	stream.linear.scatter [tilespmem:s13], [sflag:$0x3], $0xA000, $0x38;
	[tilespmem:$0x14100] =	vst v63  }
0x70: {  	_ =	swait.ge [sflag:s11], $0xA000  }
0x71: {  	[sflag:s11] =	ssyncset.done $0x0  }
0x72: {  	s17 =	sadd.s32 $0x10, s17;
	s16 =	sadd.s32 $0x10, s16;
	[sflag:s11] =	ssyncadd.s32 $0xFFFF6000  }
.LBB2_2:
0x73: {  	[tilespmem:s20], [sflag:$0x3] =	stream.linear.gather [hbm4b:s17+s2], $0x40, $0x38;
	[tilespmem:$0x14100] =	vst v63  }
0x74: {  	_ =	swait.ge [sflag:s11], $0x40  }
0x75: {  	[sflag:s11] =	ssyncset.done $0x0  }
0x76: {  	[sflag:s11] =	ssyncadd.s32 $0xFFFFFFC0  }
0x77: {  	v3 =	vld [tilespmem:$0x80];
	_ =	sdelay $0x4  }
0x78: {  	v4 =	vshrl.u32 v3, $0x3  }
0x79: {  	v4 =	vmul.u32 $0x28, v4  }
0x7a: {  	v3 =	vand.u32 $0x7, v3  }
0x7b: {  	v3 =	vor.u32 v3, v4  }
0x7c: {  	v4 =	vperm.xlane v3, v0;
	_ =	sdelay $0x1  }
0x7d: {  	v4 =	vadd.s32 v1, v4;
	_ =	sdelay $0x3  }
0x7e: {  	v3 =	vperm.xlane v3, v2  }
0x7f: {  	[tilespmem:s13], [sflag:$0x2] =	stream.indirect_vreg.gather [hbm4b:s3+s2], $0x80, v4, vm0, $0xb8;
	[tilespmem:$0x14100] =	vst v63  }
0x80: {  	s19 =	simm.s32 $0xA900;
	v3 =	vadd.s32 v1, v3  }
0x81: {  	[tilespmem:s19], [sflag:$0x2] =	stream.indirect_vreg.gather [hbm4b:s5+s2], $0x80, v4, vm0, $0xb8;
	[tilespmem:$0x14100] =	vst v63  }
0x82: {  	s19 =	simm.s32 $0xB100  }
0x83: {  	[tilespmem:s19], [sflag:$0x2] =	stream.indirect_vreg.gather [hbm4b:s6+s2], $0x80, v4, vm1, $0xb8;
	[tilespmem:$0x14100] =	vst v63  }
0x84: {  	s19 =	simm.s32 $0xB500  }
0x85: {  	[tilespmem:s19], [sflag:$0x2] =	stream.indirect_vreg.gather [hbm4b:s3+s2], $0x80, v3, vm0, $0xb8;
	[tilespmem:$0x14100] =	vst v63  }
0x86: {  	s19 =	simm.s32 $0xBD00  }
0x87: {  	[tilespmem:s19], [sflag:$0x2] =	stream.indirect_vreg.gather [hbm4b:s5+s2], $0x80, v3, vm0, $0xb8;
	[tilespmem:$0x14100] =	vst v63  }
0x88: {  	s19 =	simm.s32 $0xC500  }
0x89: {  	[tilespmem:s19], [sflag:$0x2] =	stream.indirect_vreg.gather [hbm4b:s6+s2], $0x80, v3, vm1, $0xb8;
	[tilespmem:$0x14100] =	vst v63  }
0x8a: {  	v3 =	vld [tilespmem:$0x90];
	_ =	sdelay $0x4  }
0x8b: {  	v61 =	vshrl.u32 v3, $0x3  }
0x8c: {  	v4 =	vmul.u32 $0x28, v61  }
0x8d: {  	v3 =	vand.u32 $0x7, v3  }
0x8e: {  	v3 =	vor.u32 v3, v4  }
0x8f: {  	v4 =	vperm.xlane v3, v0;
	_ =	sdelay $0x1  }
0x90: {  	v4 =	vadd.s32 v1, v4;
	_ =	sdelay $0x3  }
0x91: {  	s19 =	simm.s32 $0xC900;
	v3 =	vperm.xlane v3, v2  }
0x92: {  	[tilespmem:s19], [sflag:$0x2] =	stream.indirect_vreg.gather [hbm4b:s3+s2], $0x80, v4, vm0, $0xb8;
	[tilespmem:$0x14100] =	vst v63  }
0x93: {  	v3 =	vadd.s32 v1, v3;
	s19 =	simm.s32 $0xD100  }
0x94: {  	[tilespmem:s19], [sflag:$0x2] =	stream.indirect_vreg.gather [hbm4b:s5+s2], $0x80, v4, vm0, $0xb8;
	[tilespmem:$0x14100] =	vst v63  }
0x95: {  	_ = 	snop  }
0x96: {  	[tilespmem:s21], [sflag:$0x2] =	stream.indirect_vreg.gather [hbm4b:s6+s2], $0x80, v4, vm1, $0xb8;
	[tilespmem:$0x14100] =	vst v63  }
0x97: {  	_ = 	snop  }
0x98: {  	[tilespmem:s22], [sflag:$0x2] =	stream.indirect_vreg.gather [hbm4b:s3+s2], $0x80, v3, vm0, $0xb8;
	[tilespmem:$0x14100] =	vst v63  }
0x99: {  	_ = 	snop  }
0x9a: {  	[tilespmem:s23], [sflag:$0x2] =	stream.indirect_vreg.gather [hbm4b:s5+s2], $0x80, v3, vm0, $0xb8;
	[tilespmem:$0x14100] =	vst v63  }
0x9b: {  	_ = 	snop  }
0x9c: {  	[tilespmem:s24], [sflag:$0x2] =	stream.indirect_vreg.gather [hbm4b:s6+s2], $0x80, v3, vm1, $0xb8;
	[tilespmem:$0x14100] =	vst v63  }
0x9d: {  	v3 =	vld [tilespmem:$0xA0];
	_ =	sdelay $0x4  }
0x9e: {  	v62 =	vshrl.u32 v3, $0x3  }
0x9f: {  	v4 =	vmul.u32 $0x28, v62  }
0xa0: {  	v3 =	vand.u32 $0x7, v3  }
0xa1: {  	v3 =	vor.u32 v3, v4  }
0xa2: {  	v4 =	vperm.xlane v3, v0;
	_ =	sdelay $0x1  }
0xa3: {  	v4 =	vadd.s32 v1, v4;
	_ =	sdelay $0x3  }
0xa4: {  	v3 =	vperm.xlane v3, v2  }
0xa5: {  	[tilespmem:s25], [sflag:$0x2] =	stream.indirect_vreg.gather [hbm4b:s3+s2], $0x80, v4, vm0, $0xb8;
	[tilespmem:$0x14100] =	vst v63  }
0xa6: {  	v3 =	vadd.s32 v1, v3  }
0xa7: {  	[tilespmem:s26], [sflag:$0x2] =	stream.indirect_vreg.gather [hbm4b:s5+s2], $0x80, v4, vm0, $0xb8;
	[tilespmem:$0x14100] =	vst v63  }
0xa8: {  	_ = 	snop  }
0xa9: {  	[tilespmem:s28], [sflag:$0x2] =	stream.indirect_vreg.gather [hbm4b:s6+s2], $0x80, v4, vm1, $0xb8;
	[tilespmem:$0x14100] =	vst v63  }
0xaa: {  	_ = 	snop  }
0xab: {  	[tilespmem:s29], [sflag:$0x2] =	stream.indirect_vreg.gather [hbm4b:s3+s2], $0x80, v3, vm0, $0xb8;
	[tilespmem:$0x14100] =	vst v63  }
0xac: {  	_ = 	snop  }
0xad: {  	[tilespmem:s30], [sflag:$0x2] =	stream.indirect_vreg.gather [hbm4b:s5+s2], $0x80, v3, vm0, $0xb8;
	[tilespmem:$0x14100] =	vst v63  }
0xae: {  	_ = 	snop  }
0xaf: {  	[tilespmem:s31], [sflag:$0x2] =	stream.indirect_vreg.gather [hbm4b:s6+s2], $0x80, v3, vm1, $0xb8;
	[tilespmem:$0x14100] =	vst v63  }
0xb0: {  	v3 =	vld [tilespmem:$0xB0];
	_ =	sdelay $0x4  }
0xb1: {  	v63 =	vshrl.u32 v3, $0x3  }
0xb2: {  	v4 =	vmul.u32 $0x28, v63  }
0xb3: {  	v3 =	vand.u32 $0x7, v3  }
0xb4: {  	v3 =	vor.u32 v3, v4  }
0xb5: {  	v4 =	vperm.xlane v3, v0;
	_ =	sdelay $0x1  }
0xb6: {  	v4 =	vadd.s32 v1, v4;
	_ =	sdelay $0x3  }
0xb7: {  	v3 =	vperm.xlane v3, v2  }
0xb8: {  	[tilespmem:s1], [sflag:$0x2] =	stream.indirect_vreg.gather [hbm4b:s3+s2], $0x80, v4, vm0, $0xb8;
	[tilespmem:$0x14100] =	vst v63  }
0xb9: {  	v3 =	vadd.s32 v1, v3  }
0xba: {  	[tilespmem:s0], [sflag:$0x2] =	stream.indirect_vreg.gather [hbm4b:s5+s2], $0x80, v4, vm0, $0xb8;
	[tilespmem:$0x14100] =	vst v63  }
0xbb: {  	_ = 	snop  }
0xbc: {  	[tilespmem:s7], [sflag:$0x2] =	stream.indirect_vreg.gather [hbm4b:s6+s2], $0x80, v4, vm1, $0xb8;
	[tilespmem:$0x14100] =	vst v63  }
0xbd: {  	_ = 	snop  }
0xbe: {  	[tilespmem:s9], [sflag:$0x2] =	stream.indirect_vreg.gather [hbm4b:s3+s2], $0x80, v3, vm0, $0xb8;
	[tilespmem:$0x14100] =	vst v63  }
0xbf: {  	_ = 	snop  }
0xc0: {  	[tilespmem:s4], [sflag:$0x2] =	stream.indirect_vreg.gather [hbm4b:s5+s2], $0x80, v3, vm0, $0xb8;
	[tilespmem:$0x14100] =	vst v63  }
0xc1: {  	_ = 	snop  }
0xc2: {  	[tilespmem:s10], [sflag:$0x2] =	stream.indirect_vreg.gather [hbm4b:s6+s2], $0x80, v3, vm1, $0xb8;
	[tilespmem:$0x14100] =	vst v63  }
0xc3: {  	_ =	swait.ge [sflag:s14], $0xA000  }
0xc4: {  	p0 =	seq.s32 s18, $0x7800;
	[sflag:s14] =	ssyncset.done $0x0  }
.Ltmp4:
0xc5: {  	s19 =	sadd.s32 s18, s8;
	[sflag:s14] =	ssyncadd.s32 $0xFFFF6000;
	(pc) =	sbr.rel @p0 .LBB2_4-.Ltmp4, $4  }
0xc6: {  	[hbm4b:s19+s2] =	stream.linear.scatter [tilespmem:s12], [sflag:$0x3], $0xA000, $0x38;
	[tilespmem:$0x14100] =	vst v63  }
0xc7: {  	_ =	swait.ge [sflag:s11], $0xA000  }
0xc8: {  	[sflag:s11] =	ssyncset.done $0x0  }
0xc9: {  	[sflag:s11] =	ssyncadd.s32 $0xFFFF6000  }
0xca: {  	[tilespmem:s2], [sflag:$0x3] =	stream.linear.gather [hbm4b:s16+s2], $0x40, $0x38;
	[tilespmem:$0x14100] =	vst v63  }
0xcb: {  	_ =	swait.ge [sflag:s11], $0x40  }
0xcc: {  	[sflag:s11] =	ssyncset.done $0x0  }
0xcd: {  	[sflag:s11] =	ssyncadd.s32 $0xFFFFFFC0  }
0xce: {  	v3 =	vld [tilespmem:$0x0];
	_ =	sdelay $0x4  }
0xcf: {  	v4 =	vshrl.u32 v3, $0x3  }
0xd0: {  	v4 =	vmul.u32 $0x28, v4  }
0xd1: {  	v3 =	vand.u32 $0x7, v3  }
0xd2: {  	v3 =	vor.u32 v3, v4  }
0xd3: {  	v4 =	vperm.xlane v3, v0;
	_ =	sdelay $0x1  }
0xd4: {  	v4 =	vadd.s32 v1, v4;
	_ =	sdelay $0x3  }
0xd5: {  	v3 =	vperm.xlane v3, v2  }
0xd6: {  	[tilespmem:s12], [sflag:$0x1] =	stream.indirect_vreg.gather [hbm4b:s3+s2], $0x80, v4, vm0, $0xb8;
	[tilespmem:$0x14100] =	vst v63  }
0xd7: {  	s20 =	simm.s32 $0x900;
	v3 =	vadd.s32 v1, v3  }
0xd8: {  	[tilespmem:s20], [sflag:$0x1] =	stream.indirect_vreg.gather [hbm4b:s5+s2], $0x80, v4, vm0, $0xb8;
	[tilespmem:$0x14100] =	vst v63  }
0xd9: {  	s20 =	simm.s32 $0x1100  }
0xda: {  	[tilespmem:s20], [sflag:$0x1] =	stream.indirect_vreg.gather [hbm4b:s6+s2], $0x80, v4, vm1, $0xb8;
	[tilespmem:$0x14100] =	vst v63  }
0xdb: {  	s20 =	simm.s32 $0x1500  }
0xdc: {  	[tilespmem:s20], [sflag:$0x1] =	stream.indirect_vreg.gather [hbm4b:s3+s2], $0x80, v3, vm0, $0xb8;
	[tilespmem:$0x14100] =	vst v63  }
0xdd: {  	s20 =	simm.s32 $0x1D00  }
0xde: {  	[tilespmem:s20], [sflag:$0x1] =	stream.indirect_vreg.gather [hbm4b:s5+s2], $0x80, v3, vm0, $0xb8;
	[tilespmem:$0x14100] =	vst v63  }
0xdf: {  	s20 =	simm.s32 $0x2500  }
0xe0: {  	[tilespmem:s20], [sflag:$0x1] =	stream.indirect_vreg.gather [hbm4b:s6+s2], $0x80, v3, vm1, $0xb8;
	[tilespmem:$0x14100] =	vst v63  }
0xe1: {  	v3 =	vld [tilespmem:$0x10];
	_ =	sdelay $0x4  }
0xe2: {  	v61 =	vshrl.u32 v3, $0x3  }
0xe3: {  	v4 =	vmul.u32 $0x28, v61  }
0xe4: {  	v3 =	vand.u32 $0x7, v3  }
0xe5: {  	v3 =	vor.u32 v3, v4  }
0xe6: {  	v4 =	vperm.xlane v3, v0;
	_ =	sdelay $0x1  }
0xe7: {  	v4 =	vadd.s32 v1, v4;
	_ =	sdelay $0x3  }
0xe8: {  	s20 =	simm.s32 $0x2900;
	v3 =	vperm.xlane v3, v2  }
0xe9: {  	[tilespmem:s20], [sflag:$0x1] =	stream.indirect_vreg.gather [hbm4b:s3+s2], $0x80, v4, vm0, $0xb8;
	[tilespmem:$0x14100] =	vst v63  }
0xea: {  	v3 =	vadd.s32 v1, v3;
	s20 =	simm.s32 $0x3100  }
0xeb: {  	[tilespmem:s20], [sflag:$0x1] =	stream.indirect_vreg.gather [hbm4b:s5+s2], $0x80, v4, vm0, $0xb8;
	[tilespmem:$0x14100] =	vst v63  }
0xec: {  	s20 =	simm.s32 $0x3900  }
0xed: {  	[tilespmem:s20], [sflag:$0x1] =	stream.indirect_vreg.gather [hbm4b:s6+s2], $0x80, v4, vm1, $0xb8;
	[tilespmem:$0x14100] =	vst v63  }
0xee: {  	s20 =	simm.s32 $0x3D00  }
0xef: {  	[tilespmem:s20], [sflag:$0x1] =	stream.indirect_vreg.gather [hbm4b:s3+s2], $0x80, v3, vm0, $0xb8;
	[tilespmem:$0x14100] =	vst v63  }
0xf0: {  	s20 =	simm.s32 $0x4500  }
0xf1: {  	[tilespmem:s20], [sflag:$0x1] =	stream.indirect_vreg.gather [hbm4b:s5+s2], $0x80, v3, vm0, $0xb8;
	[tilespmem:$0x14100] =	vst v63  }
0xf2: {  	s20 =	simm.s32 $0x4D00  }
0xf3: {  	[tilespmem:s20], [sflag:$0x1] =	stream.indirect_vreg.gather [hbm4b:s6+s2], $0x80, v3, vm1, $0xb8;
	[tilespmem:$0x14100] =	vst v63  }
0xf4: {  	v3 =	vld [tilespmem:$0x20];
	_ =	sdelay $0x4  }
0xf5: {  	v62 =	vshrl.u32 v3, $0x3  }
0xf6: {  	v4 =	vmul.u32 $0x28, v62  }
0xf7: {  	v3 =	vand.u32 $0x7, v3  }
0xf8: {  	v3 =	vor.u32 v3, v4  }
0xf9: {  	v4 =	vperm.xlane v3, v0;
	_ =	sdelay $0x1  }
0xfa: {  	v4 =	vadd.s32 v1, v4;
	_ =	sdelay $0x3  }
0xfb: {  	s20 =	simm.s32 $0x5100;
	v3 =	vperm.xlane v3, v2  }
0xfc: {  	[tilespmem:s20], [sflag:$0x1] =	stream.indirect_vreg.gather [hbm4b:s3+s2], $0x80, v4, vm0, $0xb8;
	[tilespmem:$0x14100] =	vst v63  }
0xfd: {  	v3 =	vadd.s32 v1, v3;
	s20 =	simm.s32 $0x5900  }
0xfe: {  	[tilespmem:s20], [sflag:$0x1] =	stream.indirect_vreg.gather [hbm4b:s5+s2], $0x80, v4, vm0, $0xb8;
	[tilespmem:$0x14100] =	vst v63  }
0xff: {  	s20 =	simm.s32 $0x6100  }
0x100: {  	[tilespmem:s20], [sflag:$0x1] =	stream.indirect_vreg.gather [hbm4b:s6+s2], $0x80, v4, vm1, $0xb8;
	[tilespmem:$0x14100] =	vst v63  }
0x101: {  	s20 =	simm.s32 $0x6500  }
0x102: {  	[tilespmem:s20], [sflag:$0x1] =	stream.indirect_vreg.gather [hbm4b:s3+s2], $0x80, v3, vm0, $0xb8;
	[tilespmem:$0x14100] =	vst v63  }
0x103: {  	s20 =	simm.s32 $0x6D00  }
0x104: {  	[tilespmem:s20], [sflag:$0x1] =	stream.indirect_vreg.gather [hbm4b:s5+s2], $0x80, v3, vm0, $0xb8;
	[tilespmem:$0x14100] =	vst v63  }
0x105: {  	s20 =	simm.s32 $0x7500  }
0x106: {  	[tilespmem:s20], [sflag:$0x1] =	stream.indirect_vreg.gather [hbm4b:s6+s2], $0x80, v3, vm1, $0xb8;
	[tilespmem:$0x14100] =	vst v63  }
0x107: {  	v3 =	vld [tilespmem:$0x30];
	_ =	sdelay $0x4  }
0x108: {  	v63 =	vshrl.u32 v3, $0x3  }
0x109: {  	v4 =	vmul.u32 $0x28, v63  }
0x10a: {  	v3 =	vand.u32 $0x7, v3  }
0x10b: {  	v3 =	vor.u32 v3, v4  }
0x10c: {  	v4 =	vperm.xlane v3, v0;
	_ =	sdelay $0x1  }
0x10d: {  	v4 =	vadd.s32 v1, v4;
	_ =	sdelay $0x3  }
0x10e: {  	s20 =	simm.s32 $0x7900;
	v3 =	vperm.xlane v3, v2  }
0x10f: {  	[tilespmem:s20], [sflag:$0x1] =	stream.indirect_vreg.gather [hbm4b:s3+s2], $0x80, v4, vm0, $0xb8;
	[tilespmem:$0x14100] =	vst v63  }
0x110: {  	v3 =	vadd.s32 v1, v3;
	s20 =	simm.s32 $0x8100  }
0x111: {  	[tilespmem:s20], [sflag:$0x1] =	stream.indirect_vreg.gather [hbm4b:s5+s2], $0x80, v4, vm0, $0xb8;
	[tilespmem:$0x14100] =	vst v63  }
0x112: {  	s20 =	simm.s32 $0x8900  }
0x113: {  	[tilespmem:s20], [sflag:$0x1] =	stream.indirect_vreg.gather [hbm4b:s6+s2], $0x80, v4, vm1, $0xb8;
	[tilespmem:$0x14100] =	vst v63  }
0x114: {  	s20 =	simm.s32 $0x8D00  }
0x115: {  	[tilespmem:s20], [sflag:$0x1] =	stream.indirect_vreg.gather [hbm4b:s3+s2], $0x80, v3, vm0, $0xb8;
	[tilespmem:$0x14100] =	vst v63  }
.Ltmp5:
0x116: {  	s20 =	simm.s32 $0x9500;
	(pc) =	sbr.rel .LBB2_4-.Ltmp5, $4  }
0x117: {  	[tilespmem:s20], [sflag:$0x1] =	stream.indirect_vreg.gather [hbm4b:s5+s2], $0x80, v3, vm0, $0xb8;
	[tilespmem:$0x14100] =	vst v63  }
0x118: {  	s20 =	simm.s32 $0x9D00  }
0x119: {  	[tilespmem:s20], [sflag:$0x1] =	stream.indirect_vreg.gather [hbm4b:s6+s2], $0x80, v3, vm1, $0xb8;
	[tilespmem:$0x14100] =	vst v63  }
0x11a: {  	s20 =	simm.s32 $0x80  }
.LBB2_6:
0x11b: {  	_ =	sfence.sel $0x180000  }
0x11c: {  	[bflag:$0x0] =	sbarrier.arrive $0xFFFF  }
0x11d: {  	_ =	strace $0x90000047  }
0x11e: {  	s0 =	stileid.u32;
	[bflag:$0x2] =	sbarrier.arrive $0xFFFF  }
0x11f: {  	p0 =	sne.s32 s0, $0x0;
	s0 =	rddreg [dreg:$0x1]  }
0x120: {  	s0 =	sadd.s32 @!p0 $0x100000, s0  }
0x121: {  	[sflag:s0] =	ssyncadd.tile.s32 @!p0 $0x1;
	_ =	shalt  }
.Lfunc_end2:
_tile_overlayer_lowered:
.L_overlay_start_2:
0x122: {  	(tag) =	ssettag $0x2  }
0x123: {  	s0 =	rddreg [dreg:$0x0];
	s2 =	stileid.u32  }
0x124: {  	s1 =	rddreg [dreg:$0x1];
	p0 =	sne.s32 s2, $0x0  }
0x125: {  	s3 =	rddreg [dreg:$0x2];
	[bflag:$0x3] =	sbarrier.arrive $0xFFFF;
	s2 =	simm.s32 @!p0 $0x1C03  }
0x126: {  	[timem:s3], [sflag:s2] =	dma.local @!p0 [hbm:s0], s1  }
0x127: {  	s0 =	simm.s32 @!p0 $0x3  }
0x128: {  	_ =	swait.ge @!p0 [sflag:s0], s1  }
0x129: {  	s1 =	ssub.s32 @!p0 $0x0, s1;
	[sflag:s0] =	ssyncset.done @!p0 $0x0  }
0x12a: {  	[sflag:s0] =	ssyncadd.s32 @!p0 s1  }
0x12b: {  	[bflag:$0x3] =	sbarrier.arrive $0xFFFF  }
0x12c: {  	_ =	shalt  }

</sc_bundles>
